<compile_context>
chip_gen: v7x
topology: tpu7x:2x2x1
jax: 0.10.2.dev20260603
libtpu: 0.0.44.dev20260713+nightly
codegen_flags: <defaults>
</compile_context>

<pallas_src>
import functools

import jax
import jax.numpy as jnp
from jax import lax
from jax.experimental import pallas as pl
from jax.experimental.pallas import tpu as pltpu
from jax.experimental.pallas import tpu_sc as plsc

N = 10000
E = 160000
C = 256
H = 256
NCLS = 40
EPS = 1e-5

NSUB = 16
NCORE = 2
RS = 640
RS_LAST = N - (NSUB - 1) * RS

SEG_EPW = E // NSUB
SEG_CH = 125
SEG_NCH = SEG_EPW // SEG_CH
SEG_HN = SEG_NCH // 2

DEG_EPW = E // (NCORE * NSUB)
DEG_CH = 125
DEG_NCH = DEG_EPW // DEG_CH

BN = 1000
NBLK = N // BN

_mesh = plsc.VectorSubcoreMesh(core_axis_name="c", subcore_axis_name="s")


def _zero_rows(zbuf, acc, rbase, s):
    for rr in range(16):
        for q in range(8):
            zbuf[rr, pl.ds(q * 16, 16)] = jnp.zeros((16,), jnp.float32)
    nt = jnp.where(s == NSUB - 1, RS_LAST // 16, RS // 16)

    def zb(t, carry):
        pltpu.sync_copy(zbuf, acc.at[pl.ds(rbase + t * 16, 16)])
        return carry

    lax.fori_loop(0, nt, zb, 0)


def _rows_copy(src_ref, soff, dst_ref, doff, s):
    @pl.when(s < NSUB - 1)
    def _():
        pltpu.sync_copy(src_ref.at[pl.ds(soff, RS)],
                        dst_ref.at[pl.ds(doff, RS)])

    @pl.when(s == NSUB - 1)
    def _():
        pltpu.sync_copy(src_ref.at[pl.ds(soff, RS_LAST)],
                        dst_ref.at[pl.ds(doff, RS_LAST)])



@functools.partial(
    pl.kernel,
    out_type=jax.ShapeDtypeStruct((NCORE * N, 128), jnp.float32),
    mesh=_mesh,
    scratch_types=[
        pltpu.VMEM((DEG_NCH, DEG_CH), jnp.int32),
        pltpu.VMEM((DEG_CH, 128), jnp.float32),
        pltpu.VMEM((16, 128), jnp.float32),
        pltpu.VMEM_SHARED((N, 128), jnp.float32),
    ],
)
def _sc_degree(dst_hbm, ones_hbm, out_hbm, idx_d, ones_v, zbuf, acc):
    c = lax.axis_index("c")
    s = lax.axis_index("s")
    wid = c * NSUB + s
    pltpu.sync_copy(ones_hbm, ones_v)
    pltpu.sync_copy(dst_hbm.at[wid], idx_d)
    rbase = pl.multiple_of(s * RS, 8)
    _zero_rows(zbuf, acc, rbase, s)
    plsc.subcore_barrier()

    def body(j, carry):
        pltpu.sync_copy(ones_v, acc.at[idx_d.at[j]], add=True)
        return carry

    lax.fori_loop(0, DEG_NCH, body, 0)
    plsc.subcore_barrier()
    obase = pl.multiple_of(c * N + s * RS, 8)
    _rows_copy(acc, rbase, out_hbm, obase, s)


def _seg_body(src2_hbm, dst_hbm, table_hbm, out_hbm,
              idx_s, idx_d, rows, acc, sem0, sem1, *, init_fn):
    c = lax.axis_index("c")
    s = lax.axis_index("s")
    wid = c * NSUB + s
    rbase = pl.multiple_of(s * RS, 8)
    hbase = pl.multiple_of(c * N + s * RS, 8)
    init_fn(acc, rbase, hbase, s)
    plsc.subcore_barrier()

    sems = (sem0, sem1)
    for h in range(2):
        pltpu.sync_copy(src2_hbm.at[wid, h], idx_s)
        pltpu.sync_copy(dst_hbm.at[s, h], idx_d)
        pltpu.async_copy(table_hbm.at[idx_s.at[0]], rows.at[0], sem0)

        def body(it, carry):
            j0 = it * 2
            for b in range(2):
                j = j0 + b
                nxt = j + 1
                @pl.when(nxt < SEG_HN)
                def _():
                    pltpu.async_copy(table_hbm.at[idx_s.at[nxt]],
                                     rows.at[1 - b], sems[1 - b])

                pltpu.make_async_copy(table_hbm.at[idx_s.at[j]],
                                      rows.at[b], sems[b]).wait()
                pltpu.sync_copy(rows.at[b], acc.at[idx_d.at[j]], add=True)
            return carry

        lax.fori_loop(0, SEG_HN // 2, body, 0)
    plsc.subcore_barrier()
    _rows_copy(acc, rbase, out_hbm, hbase, s)


_seg_scratch = [
    pltpu.VMEM((SEG_HN, SEG_CH), jnp.int32),
    pltpu.VMEM((SEG_HN, SEG_CH), jnp.int32),
    pltpu.VMEM((2, SEG_CH, 128), jnp.float32),
    pltpu.VMEM_SHARED((N, 128), jnp.float32),
    pltpu.SemaphoreType.DMA,
    pltpu.SemaphoreType.DMA,
]

@functools.partial(
    pl.kernel,
    out_type=jax.ShapeDtypeStruct((NCORE * N, 128), jnp.float32),
    mesh=_mesh,
    scratch_types=_seg_scratch,
)
def _sc_seg_selfinit(src2_hbm, dst_hbm, table_hbm, out_hbm,
                     idx_s, idx_d, rows, acc, sem0, sem1):
    def init_fn(acc_, rbase, hbase, s):
        _rows_copy(table_hbm, hbase, acc_, rbase, s)

    _seg_body(src2_hbm, dst_hbm, table_hbm, out_hbm,
              idx_s, idx_d, rows, acc, sem0, sem1, init_fn=init_fn)


@functools.partial(
    pl.kernel,
    out_type=jax.ShapeDtypeStruct((NCORE * N, 128), jnp.float32),
    mesh=_mesh,
    scratch_types=_seg_scratch + [pltpu.VMEM((16, 128), jnp.float32)],
)
def _sc_seg_zeroinit(src2_hbm, dst_hbm, table_hbm, out_hbm,
                     idx_s, idx_d, rows, acc, sem0, sem1, zbuf):
    def init_fn(acc_, rbase, hbase, s):
        _zero_rows(zbuf, acc_, rbase, s)

    _seg_body(src2_hbm, dst_hbm, table_hbm, out_hbm,
              idx_s, idx_d, rows, acc, sem0, sem1, init_fn=init_fn)



def _stats_blk(v):
    return jnp.stack([jnp.sum(v, axis=0), jnp.sum(v * v, axis=0)])


def _affine(st, g, b):
    mean = st[0, :] / N
    var = st[1, :] / N - mean * mean
    sc = g * lax.rsqrt(var + EPS)
    return sc, b - mean * sc


def _dinv_of(dga, dgb):
    return lax.rsqrt(dga[:, 0].astype(jnp.float32)
                     + dgb[:, 0].astype(jnp.float32) + 1.0)


def _ka_body(x_ref, g_ref, b_ref, w_ref, dga_ref, dgb_ref,
             y_ref, st_out, st_sc):
    k = pl.program_id(0)

    @pl.when(k < NBLK)
    def _():
        blk = _stats_blk(x_ref[...])

        @pl.when(k == 0)
        def _():
            st_sc[...] = blk

        @pl.when(k > 0)
        def _():
            st_sc[...] = st_sc[...] + blk

        @pl.when(k == NBLK - 1)
        def _():
            st_out[...] = st_sc[...]

    @pl.when(k >= NBLK)
    def _():
        sc, sh = _affine(st_sc[...], g_ref[0, :], b_ref[0, :])
        xn = x_ref[...] * sc + sh
        xw = jnp.dot(xn, w_ref[...], preferred_element_type=jnp.float32)
        y_ref[...] = xw * _dinv_of(dga_ref, dgb_ref)[:, None]


_tc_ka = pl.pallas_call(
    _ka_body,
    grid=(NBLK + NCORE * NBLK,),
    in_specs=[
        pl.BlockSpec((BN, C),
                     lambda k: (jnp.where(k < NBLK, k, (k - NBLK) // 2), 0)),
        pl.BlockSpec((1, C), lambda k: (0, 0)),
        pl.BlockSpec((1, C), lambda k: (0, 0)),
        pl.BlockSpec((C, 128),
                     lambda k: (0, jnp.where(k < NBLK, 0, (k - NBLK) % 2))),
        pl.BlockSpec((BN, 128),
                     lambda k: (jnp.where(k < NBLK, 0, (k - NBLK) // 2), 0)),
        pl.BlockSpec((BN, 128),
                     lambda k: (NBLK + jnp.where(k < NBLK, 0, (k - NBLK) // 2), 0)),
    ],
    out_specs=[
        pl.BlockSpec(
            (BN, 128),
            lambda k: (jnp.where(k < NBLK, 0,
                                 ((k - NBLK) % 2) * NBLK + (k - NBLK) // 2), 0)),
        pl.BlockSpec((2, C), lambda k: (0, 0)),
    ],
    out_shape=[
        jax.ShapeDtypeStruct((NCORE * N, 128), jnp.float32),
        jax.ShapeDtypeStruct((2, C), jnp.float32),
    ],
    scratch_shapes=[pltpu.VMEM((2, C), jnp.float32)],
)


def _kb_body(s1a_ref, s1b_ref, dga_ref, dgb_ref, b1_ref, g_ref, b_ref,
             wroot_ref, h2_ref, hr_ref, st_sc):
    k = pl.program_id(0)

    def t_full():
        dinv = _dinv_of(dga_ref, dgb_ref)[:, None]
        tl = jnp.maximum(s1a_ref[...] * dinv + b1_ref[0, :128], 0.0)
        tr = jnp.maximum(s1b_ref[...] * dinv + b1_ref[0, 128:], 0.0)
        return tl, tr

    @pl.when(k < NBLK)
    def _():
        tl, tr = t_full()
        blk = jnp.concatenate([_stats_blk(tl), _stats_blk(tr)], axis=1)

        @pl.when(k == 0)
        def _():
            st_sc[...] = blk

        @pl.when(k > 0)
        def _():
            st_sc[...] = st_sc[...] + blk

    @pl.when(k >= NBLK)
    def _():
        c = (k - NBLK) % 2
        tl, tr = t_full()
        sc, sh = _affine(st_sc[...], g_ref[0, :], b_ref[0, :])
        hl = tl * sc[:128] + sh[:128]
        hr_half = tr * sc[128:] + sh[128:]
        h = jnp.concatenate([hl, hr_half], axis=1)
        hr_ref[...] = jnp.dot(h, wroot_ref[...],
                              preferred_element_type=jnp.float32)

        @pl.when(c == 0)
        def _():
            h2_ref[...] = hl

        @pl.when(c == 1)
        def _():
            h2_ref[...] = hr_half


_tc_kb = pl.pallas_call(
    _kb_body,
    grid=(NBLK + NCORE * NBLK,),
    in_specs=[
        pl.BlockSpec((BN, 128),
                     lambda k: (jnp.where(k < NBLK, k, (k - NBLK) // 2), 0)),
        pl.BlockSpec((BN, 128),
                     lambda k: (NBLK + jnp.where(k < NBLK, k, (k - NBLK) // 2), 0)),
        pl.BlockSpec((BN, 128),
                     lambda k: (jnp.where(k < NBLK, k, (k - NBLK) // 2), 0)),
        pl.BlockSpec((BN, 128),
                     lambda k: (NBLK + jnp.where(k < NBLK, k, (k - NBLK) // 2), 0)),
        pl.BlockSpec((1, H), lambda k: (0, 0)),
        pl.BlockSpec((1, H), lambda k: (0, 0)),
        pl.BlockSpec((1, H), lambda k: (0, 0)),
        pl.BlockSpec((H, 128),
                     lambda k: (0, jnp.where(k < NBLK, 0, (k - NBLK) % 2))),
    ],
    out_specs=[
        pl.BlockSpec(
            (BN, 128),
            lambda k: (jnp.where(k < NBLK, 0,
                                 ((k - NBLK) % 2) * NBLK + (k - NBLK) // 2), 0)),
        pl.BlockSpec(
            (BN, 128),
            lambda k: (jnp.where(k < NBLK, 0, (k - NBLK) // 2),
                       jnp.where(k < NBLK, 0, (k - NBLK) % 2))),
    ],
    out_shape=[
        jax.ShapeDtypeStruct((NCORE * N, 128), jnp.float32),
        jax.ShapeDtypeStruct((N, H), jnp.float32),
    ],
    scratch_shapes=[pltpu.VMEM((2, H), jnp.float32)],
)


def _kc_body(s2a_ref, s2b_ref, wrel_ref, br_ref, hr_ref, x_ref, st0_ref,
             g0_ref, b0_ref, g2_ref, b2_ref, w1_ref, cb1_ref, w2_ref,
             cb2_ref, o_ref, st_sc):
    k = pl.program_id(0)

    def u_full():
        s2 = jnp.concatenate([s2a_ref[...], s2b_ref[...]], axis=1)
        u = (jnp.dot(s2, wrel_ref[...], preferred_element_type=jnp.float32)
             + hr_ref[...] + br_ref[0, :])
        return jnp.maximum(u, 0.0)

    @pl.when(k < NBLK)
    def _():
        blk = _stats_blk(u_full())

        @pl.when(k == 0)
        def _():
            st_sc[...] = blk

        @pl.when(k > 0)
        def _():
            st_sc[...] = st_sc[...] + blk

    @pl.when(k >= NBLK)
    def _():
        sc2, sh2 = _affine(st_sc[...], g2_ref[0, :], b2_ref[0, :])
        sc0, sh0 = _affine(st0_ref[...], g0_ref[0, :], b0_ref[0, :])
        z = (u_full() * sc2 + sh2) + (x_ref[...] * sc0 + sh0)
        c1 = jnp.maximum(
            jnp.dot(z, w1_ref[...], preferred_element_type=jnp.float32)
            + cb1_ref[0, :], 0.0)
        o_ref[...] = (jnp.dot(c1, w2_ref[...],
                              preferred_element_type=jnp.float32)
                      + cb2_ref[0, :])


_tc_kc = pl.pallas_call(
    _kc_body,
    grid=(2 * NBLK,),
    in_specs=[
        pl.BlockSpec((BN, 128),
                     lambda k: (jnp.where(k < NBLK, k, k - NBLK), 0)),
        pl.BlockSpec((BN, 128),
                     lambda k: (NBLK + jnp.where(k < NBLK, k, k - NBLK), 0)),
        pl.BlockSpec((H, H), lambda k: (0, 0)),
        pl.BlockSpec((1, H), lambda k: (0, 0)),
        pl.BlockSpec((BN, H),
                     lambda k: (jnp.where(k < NBLK, k, k - NBLK), 0)),
        pl.BlockSpec((BN, C),
                     lambda k: (jnp.where(k < NBLK, 0, k - NBLK), 0)),
        pl.BlockSpec((2, C), lambda k: (0, 0)),
        pl.BlockSpec((1, C), lambda k: (0, 0)),
        pl.BlockSpec((1, C), lambda k: (0, 0)),
        pl.BlockSpec((1, H), lambda k: (0, 0)),
        pl.BlockSpec((1, H), lambda k: (0, 0)),
        pl.BlockSpec((H, H // 2), lambda k: (0, 0)),
        pl.BlockSpec((1, H // 2), lambda k: (0, 0)),
        pl.BlockSpec((H // 2, NCLS), lambda k: (0, 0)),
        pl.BlockSpec((1, NCLS), lambda k: (0, 0)),
    ],
    out_specs=pl.BlockSpec((BN, NCLS),
                           lambda k: (jnp.where(k < NBLK, 0, k - NBLK), 0)),
    out_shape=jax.ShapeDtypeStruct((N, NCLS), jnp.float32),
    scratch_shapes=[pltpu.VMEM((2, H), jnp.float32)],
)



def kernel(x, edge_index, bn0_g, bn0_b, gcn1_W, gcn1_b, bn1_g, bn1_b,
           gcn2_Wrel, gcn2_brel, gcn2_Wroot, bn2_g, bn2_b,
           cls_W1, cls_b1, cls_W2, cls_b2):
    src = edge_index[0]
    dst = edge_index[1]
    src2 = jnp.concatenate([src, src + N]).reshape(
        NCORE * NSUB, 2, SEG_HN, SEG_CH)
    dst_seg = dst.reshape(NSUB, 2, SEG_HN, SEG_CH)
    dst_deg = dst.reshape(NCORE * NSUB, DEG_NCH, DEG_CH)

    ones_deg = jnp.ones((DEG_CH, 128), jnp.float32)

    r = lambda v: v.reshape(1, -1)

    degp = _sc_degree(dst_deg, ones_deg)
    y2, stats0 = _tc_ka(x, r(bn0_g), r(bn0_b), gcn1_W, degp, degp)
    s1y = _sc_seg_selfinit(src2, dst_seg, y2)
    h2, hr = _tc_kb(s1y, s1y, degp, degp, r(gcn1_b), r(bn1_g), r(bn1_b),
                    gcn2_Wroot)
    s2 = _sc_seg_zeroinit(src2, dst_seg, h2)
    logits = _tc_kc(s2, s2, gcn2_Wrel, r(gcn2_brel), hr, x, stats0,
                    r(bn0_g), r(bn0_b), r(bn2_g), r(bn2_b), cls_W1,
                    r(cls_b1), cls_W2, r(cls_b2))
    return logits

# --- scband reference (transcript-rebuilt; emitter-appended) ---
"""Pipeline reference for scband-graph-net-25202868093227 (READ-ONLY COPY).

The authoritative reference and input builder live on the scoring server;
editing this copy changes nothing except your own understanding.
"""

import jax, jax.numpy as jnp
import numpy as np

N = 10000
E = 160000
C = 256
H = 256
NC = 40
EPS = 1e-5


def setup_inputs(seed: int = 0) -> dict:
    key = jax.random.key(seed)
    ks = jax.random.split(key, 20)
    inp = {}
    inp["x"] = jax.random.normal(ks[0], (N, C), dtype=jnp.float32)
    inp["edge_index"] = jax.random.randint(ks[1], (2, E), 0, N, dtype=jnp.int32)
    # BatchNorm 0 (over c_in)
    inp["bn0_g"] = jnp.ones((C,), jnp.float32)
    inp["bn0_b"] = jnp.zeros((C,), jnp.float32)
    # GCNConv(c_in -> hidden)
    inp["gcn1_W"] = jax.random.normal(ks[2], (C, H), jnp.float32) / np.sqrt(C)
    inp["gcn1_b"] = jnp.zeros((H,), jnp.float32)
    inp["bn1_g"] = jnp.ones((H,), jnp.float32)
    inp["bn1_b"] = jnp.zeros((H,), jnp.float32)
    # GraphConv(hidden -> hidden): lin_rel (with bias) on aggregated neighbors, lin_root (no bias) on x
    inp["gcn2_Wrel"] = jax.random.normal(ks[3], (H, H), jnp.float32) / np.sqrt(H)
    inp["gcn2_brel"] = jnp.zeros((H,), jnp.float32)
    inp["gcn2_Wroot"] = jax.random.normal(ks[4], (H, H), jnp.float32) / np.sqrt(H)
    inp["bn2_g"] = jnp.ones((H,), jnp.float32)
    inp["bn2_b"] = jnp.zeros((H,), jnp.float32)
    # classifier: Linear(H, H//2) -> ReLU -> Linear(H//2, NC); Dropout is identity in eval
    inp["cls_W1"] = jax.random.normal(ks[5], (H, H // 2), jnp.float32) / np.sqrt(H)
    inp["cls_b1"] = jnp.zeros((H // 2,), jnp.float32)
    inp["cls_W2"] = jax.random.normal(ks[6], (H // 2, NC), jnp.float32) / np.sqrt(H // 2)
    inp["cls_b2"] = jnp.zeros((NC,), jnp.float32)
    return inp


def _batchnorm(x, g, b):
    mean = jnp.mean(x, axis=0)
    var = jnp.var(x, axis=0)
    return (x - mean) * jax.lax.rsqrt(var + EPS) * g + b


def _gcn_conv(x, src, dst, W, b):
    # PyG GCNConv: add self loops, symmetric normalization D^-1/2 (A+I) D^-1/2
    xw = x @ W
    sl = jnp.arange(N, dtype=src.dtype)
    src2 = jnp.concatenate([src, sl])
    dst2 = jnp.concatenate([dst, sl])
    deg = jax.ops.segment_sum(jnp.ones((src2.shape[0],), jnp.float32), dst2, num_segments=N)
    dinv = jnp.where(deg > 0, jax.lax.rsqrt(deg), 0.0)
    norm = dinv[src2] * dinv[dst2]
    agg = jax.ops.segment_sum(xw[src2] * norm[:, None], dst2, num_segments=N)
    return agg + b


def _graph_conv(x, src, dst, Wrel, brel, Wroot):
    # PyG GraphConv with aggr='add': lin_rel(sum_j x_j) + lin_root(x)
    agg = jax.ops.segment_sum(x[src], dst, num_segments=N)
    return agg @ Wrel + brel + x @ Wroot


def reference(x, edge_index, bn0_g, bn0_b, gcn1_W, gcn1_b, bn1_g, bn1_b,
              gcn2_Wrel, gcn2_brel, gcn2_Wroot, bn2_g, bn2_b,
              cls_W1, cls_b1, cls_W2, cls_b2):
    src = edge_index[0]
    dst = edge_index[1]
    x_norm = _batchnorm(x, bn0_g, bn0_b)
    h = _batchnorm(jax.nn.relu(_gcn_conv(x_norm, src, dst, gcn1_W, gcn1_b)), bn1_g, bn1_b)
    h = _batchnorm(jax.nn.relu(_graph_conv(h, src, dst, gcn2_Wrel, gcn2_brel, gcn2_Wroot)), bn2_g, bn2_b)
    z = h + x_norm
    z = jax.nn.relu(z @ cls_W1 + cls_b1)
    logits = z @ cls_W2 + cls_b2
    return logits

if __name__ == "__main__":
    import jax
    _d = setup_inputs()
    print(jax.jit(kernel)(*tuple(_d.values())))

</pallas_src>

<mosaic_0001>
#map = affine_map<(d0, d1) -> (0, 0, 0)>
#map1 = affine_map<(d0, d1) -> (0, 0)>
module attributes {stable_mosaic.version = 14 : i64} {
  func.func @_sc_degree(%arg0: i32, %arg1: i32, %arg2: memref<32x40x125xi32, #tpu.memory_space<hbm>>, %arg3: memref<125x128xf32, #tpu.memory_space<hbm>>, %arg4: memref<20000x128xf32, #tpu.memory_space<hbm>>, %arg5: memref<40x125xi32, #tpu.memory_space<vmem>>, %arg6: memref<125x128xf32, #tpu.memory_space<vmem>>, %arg7: memref<16x128xf32, #tpu.memory_space<vmem>>, %arg8: memref<10000x128xf32, #tpu.memory_space<vmem_shared>>) attributes {dimension_semantics = [#tpu.dimension_semantics<core_parallel>, #tpu.dimension_semantics<subcore_parallel>], iteration_bounds = array<i64: 2, 16>, scalar_prefetch = 0 : i64, scratch_operands = 4 : i64, tpu.core_type = #tpu.core_type<sc_vector_subcore>, window_params = [{transform_indices = #map}, {transform_indices = #map1}, {transform_indices = #map1}]} {
    %mul3A = arith.constant 16 : i32
    %mul3A_0 = arith.muli %arg0, %mul3A : i32
    %add3A = arith.addi %mul3A_0, %arg1 : i32
    "tpu.region"() ({
      %run_scoped3A = tpu.sem_alloc : memref<!tpu.dma_semaphore, #tpu.memory_space<semaphore_mem>>
      tpu.enqueue_dma source(%arg3 : memref<125x128xf32, #tpu.memory_space<hbm>>) target(%arg6 : memref<125x128xf32, #tpu.memory_space<vmem>>) target_semaphore(%run_scoped3A : memref<!tpu.dma_semaphore, #tpu.memory_space<semaphore_mem>>)
      tpu.wait_dma2 semaphore(%run_scoped3A : memref<!tpu.dma_semaphore, #tpu.memory_space<semaphore_mem>>) src(%arg3 : memref<125x128xf32, #tpu.memory_space<hbm>>) dst(%arg6 : memref<125x128xf32, #tpu.memory_space<vmem>>)
      tpu.yield
    }) : () -> ()
    "tpu.region"() ({
      %run_scoped3A = tpu.sem_alloc : memref<!tpu.dma_semaphore, #tpu.memory_space<semaphore_mem>>
      %dma_start3A = arith.constant 0 : i32
      %dma_start3A_1055 = arith.constant 0 : i32
      %dma_start3A_1056 = tpu.memref_slice %arg2[%add3A, %dma_start3A, %dma_start3A_1055] : memref<32x40x125xi32, #tpu.memory_space<hbm>> -> memref<1x40x125xi32, #tpu.memory_space<hbm>>
      %dma_start3A_1057 = tpu.memref_squeeze %dma_start3A_1056 : memref<1x40x125xi32, #tpu.memory_space<hbm>> -> memref<40x125xi32, #tpu.memory_space<hbm>>
      %dma_start3A_1058 = arith.constant 0 : i32
      %dma_start3A_1059 = arith.constant 0 : i32
      %dma_start3A_1060 = tpu.memref_slice %arg2[%add3A, %dma_start3A_1058, %dma_start3A_1059] : memref<32x40x125xi32, #tpu.memory_space<hbm>> -> memref<1x40x125xi32, #tpu.memory_space<hbm>>
      %dma_start3A_1061 = tpu.memref_squeeze %dma_start3A_1060 : memref<1x40x125xi32, #tpu.memory_space<hbm>> -> memref<40x125xi32, #tpu.memory_space<hbm>>
      tpu.enqueue_dma source(%dma_start3A_1061 : memref<40x125xi32, #tpu.memory_space<hbm>>) target(%arg5 : memref<40x125xi32, #tpu.memory_space<vmem>>) target_semaphore(%run_scoped3A : memref<!tpu.dma_semaphore, #tpu.memory_space<semaphore_mem>>)
      %dma_wait3A = arith.constant 0 : i32
      %dma_wait3A_1062 = arith.constant 0 : i32
      %dma_wait3A_1063 = tpu.memref_slice %arg2[%add3A, %dma_wait3A, %dma_wait3A_1062] : memref<32x40x125xi32, #tpu.memory_space<hbm>> -> memref<1x40x125xi32, #tpu.memory_space<hbm>>
      %dma_wait3A_1064 = tpu.memref_squeeze %dma_wait3A_1063 : memref<1x40x125xi32, #tpu.memory_space<hbm>> -> memref<40x125xi32, #tpu.memory_space<hbm>>
      %dma_wait3A_1065 = arith.constant 0 : i32
      %dma_wait3A_1066 = arith.constant 0 : i32
      %dma_wait3A_1067 = tpu.memref_slice %arg2[%add3A, %dma_wait3A_1065, %dma_wait3A_1066] : memref<32x40x125xi32, #tpu.memory_space<hbm>> -> memref<1x40x125xi32, #tpu.memory_space<hbm>>
      %dma_wait3A_1068 = tpu.memref_squeeze %dma_wait3A_1067 : memref<1x40x125xi32, #tpu.memory_space<hbm>> -> memref<40x125xi32, #tpu.memory_space<hbm>>
      tpu.wait_dma2 semaphore(%run_scoped3A : memref<!tpu.dma_semaphore, #tpu.memory_space<semaphore_mem>>) src(%dma_wait3A_1068 : memref<40x125xi32, #tpu.memory_space<hbm>>) dst(%arg5 : memref<40x125xi32, #tpu.memory_space<vmem>>)
      tpu.yield
    }) : () -> ()
    %mul3A_1 = arith.constant 640 : i32
    %mul3A_2 = arith.muli %arg1, %mul3A_1 : i32
    %multiple_of3A = tpu.assume_multiple %mul3A_2, 8 : i32
    %broadcast_in_dim3A = arith.constant 0.000000e+00 : f32
    %broadcast_in_dim3A_3 = vector.broadcast %broadcast_in_dim3A : f32 to vector<16xf32>
    %swap3A = arith.constant 0 : i32
    %swap3A_4 = arith.index_cast %swap3A : i32 to index
    %swap3A_5 = arith.constant 0 : index
    %swap3A_6 = tpu.vector_load %arg7[%swap3A_4, %swap3A_5] {strides = array<i32>} : memref<16x128xf32, #tpu.memory_space<vmem>>, vector<1x16xf32>,
    %swap3A_7 = vector.shape_cast %swap3A_6 : vector<1x16xf32> to vector<16xf32>
    %swap3A_8 = vector.shape_cast %broadcast_in_dim3A_3 : vector<16xf32> to vector<1x16xf32>
    tpu.vector_store %arg7[%swap3A_4, %swap3A_5], %swap3A_8 {strides = array<i32>} : memref<16x128xf32, #tpu.memory_space<vmem>>, vector<1x16xf32>,
    %broadcast_in_dim3A_9 = arith.constant 0.000000e+00 : f32
    %broadcast_in_dim3A_10 = vector.broadcast %broadcast_in_dim3A_9 : f32 to vector<16xf32>
    %swap3A_11 = arith.constant 0 : i32
    %swap3A_12 = arith.index_cast %swap3A_11 : i32 to index
    %swap3A_13 = arith.constant 16 : index
    %swap3A_14 = tpu.vector_load %arg7[%swap3A_12, %swap3A_13] {strides = array<i32>} : memref<16x128xf32, #tpu.memory_space<vmem>>, vector<1x16xf32>,
    %swap3A_15 = vector.shape_cast %swap3A_14 : vector<1x16xf32> to vector<16xf32>
    %swap3A_16 = vector.shape_cast %broadcast_in_dim3A_10 : vector<16xf32> to vector<1x16xf32>
    tpu.vector_store %arg7[%swap3A_12, %swap3A_13], %swap3A_16 {strides = array<i32>} : memref<16x128xf32, #tpu.memory_space<vmem>>, vector<1x16xf32>,
    %broadcast_in_dim3A_17 = arith.constant 0.000000e+00 : f32
    %broadcast_in_dim3A_18 = vector.broadcast %broadcast_in_dim3A_17 : f32 to vector<16xf32>
    %swap3A_19 = arith.constant 0 : i32
    %swap3A_20 = arith.index_cast %swap3A_19 : i32 to index
    %swap3A_21 = arith.constant 32 : index
    %swap3A_22 = tpu.vector_load %arg7[%swap3A_20, %swap3A_21] {strides = array<i32>} : memref<16x128xf32, #tpu.memory_space<vmem>>, vector<1x16xf32>,
    %swap3A_23 = vector.shape_cast %swap3A_22 : vector<1x16xf32> to vector<16xf32>
    %swap3A_24 = vector.shape_cast %broadcast_in_dim3A_18 : vector<16xf32> to vector<1x16xf32>
    tpu.vector_store %arg7[%swap3A_20, %swap3A_21], %swap3A_24 {strides = array<i32>} : memref<16x128xf32, #tpu.memory_space<vmem>>, vector<1x16xf32>,
    %broadcast_in_dim3A_25 = arith.constant 0.000000e+00 : f32
    %broadcast_in_dim3A_26 = vector.broadcast %broadcast_in_dim3A_25 : f32 to vector<16xf32>
    %swap3A_27 = arith.constant 0 : i32
    %swap3A_28 = arith.index_cast %swap3A_27 : i32 to index
    %swap3A_29 = arith.constant 48 : index
    %swap3A_30 = tpu.vector_load %arg7[%swap3A_28, %swap3A_29] {strides = array<i32>} : memref<16x128xf32, #tpu.memory_space<vmem>>, vector<1x16xf32>,
    %swap3A_31 = vector.shape_cast %swap3A_30 : vector<1x16xf32> to vector<16xf32>
    %swap3A_32 = vector.shape_cast %broadcast_in_dim3A_26 : vector<16xf32> to vector<1x16xf32>
    tpu.vector_store %arg7[%swap3A_28, %swap3A_29], %swap3A_32 {strides = array<i32>} : memref<16x128xf32, #tpu.memory_space<vmem>>, vector<1x16xf32>,
    %broadcast_in_dim3A_33 = arith.constant 0.000000e+00 : f32
    %broadcast_in_dim3A_34 = vector.broadcast %broadcast_in_dim3A_33 : f32 to vector<16xf32>
    %swap3A_35 = arith.constant 0 : i32
    %swap3A_36 = arith.index_cast %swap3A_35 : i32 to index
    %swap3A_37 = arith.constant 64 : index
    %swap3A_38 = tpu.vector_load %arg7[%swap3A_36, %swap3A_37] {strides = array<i32>} : memref<16x128xf32, #tpu.memory_space<vmem>>, vector<1x16xf32>,
    %swap3A_39 = vector.shape_cast %swap3A_38 : vector<1x16xf32> to vector<16xf32>
    %swap3A_40 = vector.shape_cast %broadcast_in_dim3A_34 : vector<16xf32> to vector<1x16xf32>
    tpu.vector_store %arg7[%swap3A_36, %swap3A_37], %swap3A_40 {strides = array<i32>} : memref<16x128xf32, #tpu.memory_space<vmem>>, vector<1x16xf32>,
    %broadcast_in_dim3A_41 = arith.constant 0.000000e+00 : f32
    %broadcast_in_dim3A_42 = vector.broadcast %broadcast_in_dim3A_41 : f32 to vector<16xf32>
    %swap3A_43 = arith.constant 0 : i32
    %swap3A_44 = arith.index_cast %swap3A_43 : i32 to index
    %swap3A_45 = arith.constant 80 : index
    %swap3A_46 = tpu.vector_load %arg7[%swap3A_44, %swap3A_45] {strides = array<i32>} : memref<16x128xf32, #tpu.memory_space<vmem>>, vector<1x16xf32>,
    %swap3A_47 = vector.shape_cast %swap3A_46 : vector<1x16xf32> to vector<16xf32>
    %swap3A_48 = vector.shape_cast %broadcast_in_dim3A_42 : vector<16xf32> to vector<1x16xf32>
    tpu.vector_store %arg7[%swap3A_44, %swap3A_45], %swap3A_48 {strides = array<i32>} : memref<16x128xf32, #tpu.memory_space<vmem>>, vector<1x16xf32>,
    %broadcast_in_dim3A_49 = arith.constant 0.000000e+00 : f32
    %broadcast_in_dim3A_50 = vector.broadcast %broadcast_in_dim3A_49 : f32 to vector<16xf32>
    %swap3A_51 = arith.constant 0 : i32
    %swap3A_52 = arith.index_cast %swap3A_51 : i32 to index
    %swap3A_53 = arith.constant 96 : index
    %swap3A_54 = tpu.vector_load %arg7[%swap3A_52, %swap3A_53] {strides = array<i32>} : memref<16x128xf32, #tpu.memory_space<vmem>>, vector<1x16xf32>,
    %swap3A_55 = vector.shape_cast %swap3A_54 : vector<1x16xf32> to vector<16xf32>
    %swap3A_56 = vector.shape_cast %broadcast_in_dim3A_50 : vector<16xf32> to vector<1x16xf32>
    tpu.vector_store %arg7[%swap3A_52, %swap3A_53], %swap3A_56 {strides = array<i32>} : memref<16x128xf32, #tpu.memory_space<vmem>>, vector<1x16xf32>,
    %broadcast_in_dim3A_57 = arith.constant 0.000000e+00 : f32
    %broadcast_in_dim3A_58 = vector.broadcast %broadcast_in_dim3A_57 : f32 to vector<16xf32>
    %swap3A_59 = arith.constant 0 : i32
    %swap3A_60 = arith.index_cast %swap3A_59 : i32 to index
    %swap3A_61 = arith.constant 112 : index
    %swap3A_62 = tpu.vector_load %arg7[%swap3A_60, %swap3A_61] {strides = array<i32>} : memref<16x128xf32, #tpu.memory_space<vmem>>, vector<1x16xf32>,
    %swap3A_63 = vector.shape_cast %swap3A_62 : vector<1x16xf32> to vector<16xf32>
    %swap3A_64 = vector.shape_cast %broadcast_in_dim3A_58 : vector<16xf32> to vector<1x16xf32>
    tpu.vector_store %arg7[%swap3A_60, %swap3A_61], %swap3A_64 {strides = array<i32>} : memref<16x128xf32, #tpu.memory_space<vmem>>, vector<1x16xf32>,
    %broadcast_in_dim3A_65 = arith.constant 0.000000e+00 : f32
    %broadcast_in_dim3A_66 = vector.broadcast %broadcast_in_dim3A_65 : f32 to vector<16xf32>
    %swap3A_67 = arith.constant 1 : i32
    %swap3A_68 = arith.index_cast %swap3A_67 : i32 to index
    %swap3A_69 = arith.constant 0 : index
    %swap3A_70 = tpu.vector_load %arg7[%swap3A_68, %swap3A_69] {strides = array<i32>} : memref<16x128xf32, #tpu.memory_space<vmem>>, vector<1x16xf32>,
    %swap3A_71 = vector.shape_cast %swap3A_70 : vector<1x16xf32> to vector<16xf32>
    %swap3A_72 = vector.shape_cast %broadcast_in_dim3A_66 : vector<16xf32> to vector<1x16xf32>
    tpu.vector_store %arg7[%swap3A_68, %swap3A_69], %swap3A_72 {strides = array<i32>} : memref<16x128xf32, #tpu.memory_space<vmem>>, vector<1x16xf32>,
    %broadcast_in_dim3A_73 = arith.constant 0.000000e+00 : f32
    %broadcast_in_dim3A_74 = vector.broadcast %broadcast_in_dim3A_73 : f32 to vector<16xf32>
    %swap3A_75 = arith.constant 1 : i32
    %swap3A_76 = arith.index_cast %swap3A_75 : i32 to index
    %swap3A_77 = arith.constant 16 : index
    %swap3A_78 = tpu.vector_load %arg7[%swap3A_76, %swap3A_77] {strides = array<i32>} : memref<16x128xf32, #tpu.memory_space<vmem>>, vector<1x16xf32>,
    %swap3A_79 = vector.shape_cast %swap3A_78 : vector<1x16xf32> to vector<16xf32>
    %swap3A_80 = vector.shape_cast %broadcast_in_dim3A_74 : vector<16xf32> to vector<1x16xf32>
    tpu.vector_store %arg7[%swap3A_76, %swap3A_77], %swap3A_80 {strides = array<i32>} : memref<16x128xf32, #tpu.memory_space<vmem>>, vector<1x16xf32>,
    %broadcast_in_dim3A_81 = arith.constant 0.000000e+00 : f32
    %broadcast_in_dim3A_82 = vector.broadcast %broadcast_in_dim3A_81 : f32 to vector<16xf32>
    %swap3A_83 = arith.constant 1 : i32
    %swap3A_84 = arith.index_cast %swap3A_83 : i32 to index
    %swap3A_85 = arith.constant 32 : index
    %swap3A_86 = tpu.vector_load %arg7[%swap3A_84, %swap3A_85] {strides = array<i32>} : memref<16x128xf32, #tpu.memory_space<vmem>>, vector<1x16xf32>,
    %swap3A_87 = vector.shape_cast %swap3A_86 : vector<1x16xf32> to vector<16xf32>
    %swap3A_88 = vector.shape_cast %broadcast_in_dim3A_82 : vector<16xf32> to vector<1x16xf32>
    tpu.vector_store %arg7[%swap3A_84, %swap3A_85], %swap3A_88 {strides = array<i32>} : memref<16x128xf32, #tpu.memory_space<vmem>>, vector<1x16xf32>,
    %broadcast_in_dim3A_89 = arith.constant 0.000000e+00 : f32
    %broadcast_in_dim3A_90 = vector.broadcast %broadcast_in_dim3A_89 : f32 to vector<16xf32>
    %swap3A_91 = arith.constant 1 : i32
    %swap3A_92 = arith.index_cast %swap3A_91 : i32 to index
    %swap3A_93 = arith.constant 48 : index
    %swap3A_94 = tpu.vector_load %arg7[%swap3A_92, %swap3A_93] {strides = array<i32>} : memref<16x128xf32, #tpu.memory_space<vmem>>, vector<1x16xf32>,
    %swap3A_95 = vector.shape_cast %swap3A_94 : vector<1x16xf32> to vector<16xf32>
    %swap3A_96 = vector.shape_cast %broadcast_in_dim3A_90 : vector<16xf32> to vector<1x16xf32>
    tpu.vector_store %arg7[%swap3A_92, %swap3A_93], %swap3A_96 {strides = array<i32>} : memref<16x128xf32, #tpu.memory_space<vmem>>, vector<1x16xf32>,
    %broadcast_in_dim3A_97 = arith.constant 0.000000e+00 : f32
    %broadcast_in_dim3A_98 = vector.broadcast %broadcast_in_dim3A_97 : f32 to vector<16xf32>
    %swap3A_99 = arith.constant 1 : i32
    %swap3A_100 = arith.index_cast %swap3A_99 : i32 to index
    %swap3A_101 = arith.constant 64 : index
    %swap3A_102 = tpu.vector_load %arg7[%swap3A_100, %swap3A_101] {strides = array<i32>} : memref<16x128xf32, #tpu.memory_space<vmem>>, vector<1x16xf32>,
    %swap3A_103 = vector.shape_cast %swap3A_102 : vector<1x16xf32> to vector<16xf32>
    %swap3A_104 = vector.shape_cast %broadcast_in_dim3A_98 : vector<16xf32> to vector<1x16xf32>
    tpu.vector_store %arg7[%swap3A_100, %swap3A_101], %swap3A_104 {strides = array<i32>} : memref<16x128xf32, #tpu.memory_space<vmem>>, vector<1x16xf32>,
    %broadcast_in_dim3A_105 = arith.constant 0.000000e+00 : f32
    %broadcast_in_dim3A_106 = vector.broadcast %broadcast_in_dim3A_105 : f32 to vector<16xf32>
    %swap3A_107 = arith.constant 1 : i32
    %swap3A_108 = arith.index_cast %swap3A_107 : i32 to index
    %swap3A_109 = arith.constant 80 : index
    %swap3A_110 = tpu.vector_load %arg7[%swap3A_108, %swap3A_109] {strides = array<i32>} : memref<16x128xf32, #tpu.memory_space<vmem>>, vector<1x16xf32>,
    %swap3A_111 = vector.shape_cast %swap3A_110 : vector<1x16xf32> to vector<16xf32>
    %swap3A_112 = vector.shape_cast %broadcast_in_dim3A_106 : vector<16xf32> to vector<1x16xf32>
    tpu.vector_store %arg7[%swap3A_108, %swap3A_109], %swap3A_112 {strides = array<i32>} : memref<16x128xf32, #tpu.memory_space<vmem>>, vector<1x16xf32>,
    %broadcast_in_dim3A_113 = arith.constant 0.000000e+00 : f32
    %broadcast_in_dim3A_114 = vector.broadcast %broadcast_in_dim3A_113 : f32 to vector<16xf32>
    %swap3A_115 = arith.constant 1 : i32
    %swap3A_116 = arith.index_cast %swap3A_115 : i32 to index
    %swap3A_117 = arith.constant 96 : index
    %swap3A_118 = tpu.vector_load %arg7[%swap3A_116, %swap3A_117] {strides = array<i32>} : memref<16x128xf32, #tpu.memory_space<vmem>>, vector<1x16xf32>,
    %swap3A_119 = vector.shape_cast %swap3A_118 : vector<1x16xf32> to vector<16xf32>
    %swap3A_120 = vector.shape_cast %broadcast_in_dim3A_114 : vector<16xf32> to vector<1x16xf32>
    tpu.vector_store %arg7[%swap3A_116, %swap3A_117], %swap3A_120 {strides = array<i32>} : memref<16x128xf32, #tpu.memory_space<vmem>>, vector<1x16xf32>,
    %broadcast_in_dim3A_121 = arith.constant 0.000000e+00 : f32
    %broadcast_in_dim3A_122 = vector.broadcast %broadcast_in_dim3A_121 : f32 to vector<16xf32>
    %swap3A_123 = arith.constant 1 : i32
    %swap3A_124 = arith.index_cast %swap3A_123 : i32 to index
    %swap3A_125 = arith.constant 112 : index
    %swap3A_126 = tpu.vector_load %arg7[%swap3A_124, %swap3A_125] {strides = array<i32>} : memref<16x128xf32, #tpu.memory_space<vmem>>, vector<1x16xf32>,
    %swap3A_127 = vector.shape_cast %swap3A_126 : vector<1x16xf32> to vector<16xf32>
    %swap3A_128 = vector.shape_cast %broadcast_in_dim3A_122 : vector<16xf32> to vector<1x16xf32>
    tpu.vector_store %arg7[%swap3A_124, %swap3A_125], %swap3A_128 {strides = array<i32>} : memref<16x128xf32, #tpu.memory_space<vmem>>, vector<1x16xf32>,
    %broadcast_in_dim3A_129 = arith.constant 0.000000e+00 : f32
    %broadcast_in_dim3A_130 = vector.broadcast %broadcast_in_dim3A_129 : f32 to vector<16xf32>
    %swap3A_131 = arith.constant 2 : i32
    %swap3A_132 = arith.index_cast %swap3A_131 : i32 to index
    %swap3A_133 = arith.constant 0 : index
    %swap3A_134 = tpu.vector_load %arg7[%swap3A_132, %swap3A_133] {strides = array<i32>} : memref<16x128xf32, #tpu.memory_space<vmem>>, vector<1x16xf32>,
    %swap3A_135 = vector.shape_cast %swap3A_134 : vector<1x16xf32> to vector<16xf32>
    %swap3A_136 = vector.shape_cast %broadcast_in_dim3A_130 : vector<16xf32> to vector<1x16xf32>
    tpu.vector_store %arg7[%swap3A_132, %swap3A_133], %swap3A_136 {strides = array<i32>} : memref<16x128xf32, #tpu.memory_space<vmem>>, vector<1x16xf32>,
    %broadcast_in_dim3A_137 = arith.constant 0.000000e+00 : f32
    %broadcast_in_dim3A_138 = vector.broadcast %broadcast_in_dim3A_137 : f32 to vector<16xf32>
    %swap3A_139 = arith.constant 2 : i32
    %swap3A_140 = arith.index_cast %swap3A_139 : i32 to index
    %swap3A_141 = arith.constant 16 : index
    %swap3A_142 = tpu.vector_load %arg7[%swap3A_140, %swap3A_141] {strides = array<i32>} : memref<16x128xf32, #tpu.memory_space<vmem>>, vector<1x16xf32>,
    %swap3A_143 = vector.shape_cast %swap3A_142 : vector<1x16xf32> to vector<16xf32>
    %swap3A_144 = vector.shape_cast %broadcast_in_dim3A_138 : vector<16xf32> to vector<1x16xf32>
    tpu.vector_store %arg7[%swap3A_140, %swap3A_141], %swap3A_144 {strides = array<i32>} : memref<16x128xf32, #tpu.memory_space<vmem>>, vector<1x16xf32>,
    %broadcast_in_dim3A_145 = arith.constant 0.000000e+00 : f32
    %broadcast_in_dim3A_146 = vector.broadcast %broadcast_in_dim3A_145 : f32 to vector<16xf32>
    %swap3A_147 = arith.constant 2 : i32
    %swap3A_148 = arith.index_cast %swap3A_147 : i32 to index
    %swap3A_149 = arith.constant 32 : index
    %swap3A_150 = tpu.vector_load %arg7[%swap3A_148, %swap3A_149] {strides = array<i32>} : memref<16x128xf32, #tpu.memory_space<vmem>>, vector<1x16xf32>,
    %swap3A_151 = vector.shape_cast %swap3A_150 : vector<1x16xf32> to vector<16xf32>
    %swap3A_152 = vector.shape_cast %broadcast_in_dim3A_146 : vector<16xf32> to vector<1x16xf32>
    tpu.vector_store %arg7[%swap3A_148, %swap3A_149], %swap3A_152 {strides = array<i32>} : memref<16x128xf32, #tpu.memory_space<vmem>>, vector<1x16xf32>,
    %broadcast_in_dim3A_153 = arith.constant 0.000000e+00 : f32
    %broadcast_in_dim3A_154 = vector.broadcast %broadcast_in_dim3A_153 : f32 to vector<16xf32>
    %swap3A_155 = arith.constant 2 : i32
    %swap3A_156 = arith.index_cast %swap3A_155 : i32 to index
    %swap3A_157 = arith.constant 48 : index
    %swap3A_158 = tpu.vector_load %arg7[%swap3A_156, %swap3A_157] {strides = array<i32>} : memref<16x128xf32, #tpu.memory_space<vmem>>, vector<1x16xf32>,
    %swap3A_159 = vector.shape_cast %swap3A_158 : vector<1x16xf32> to vector<16xf32>
    %swap3A_160 = vector.shape_cast %broadcast_in_dim3A_154 : vector<16xf32> to vector<1x16xf32>
    tpu.vector_store %arg7[%swap3A_156, %swap3A_157], %swap3A_160 {strides = array<i32>} : memref<16x128xf32, #tpu.memory_space<vmem>>, vector<1x16xf32>,
    %broadcast_in_dim3A_161 = arith.constant 0.000000e+00 : f32
    %broadcast_in_dim3A_162 = vector.broadcast %broadcast_in_dim3A_161 : f32 to vector<16xf32>
    %swap3A_163 = arith.constant 2 : i32
    %swap3A_164 = arith.index_cast %swap3A_163 : i32 to index
    %swap3A_165 = arith.constant 64 : index
    %swap3A_166 = tpu.vector_load %arg7[%swap3A_164, %swap3A_165] {strides = array<i32>} : memref<16x128xf32, #tpu.memory_space<vmem>>, vector<1x16xf32>,
    %swap3A_167 = vector.shape_cast %swap3A_166 : vector<1x16xf32> to vector<16xf32>
    %swap3A_168 = vector.shape_cast %broadcast_in_dim3A_162 : vector<16xf32> to vector<1x16xf32>
    tpu.vector_store %arg7[%swap3A_164, %swap3A_165], %swap3A_168 {strides = array<i32>} : memref<16x128xf32, #tpu.memory_space<vmem>>, vector<1x16xf32>,
    %broadcast_in_dim3A_169 = arith.constant 0.000000e+00 : f32
    %broadcast_in_dim3A_170 = vector.broadcast %broadcast_in_dim3A_169 : f32 to vector<16xf32>
    %swap3A_171 = arith.constant 2 : i32
    %swap3A_172 = arith.index_cast %swap3A_171 : i32 to index
    %swap3A_173 = arith.constant 80 : index
    %swap3A_174 = tpu.vector_load %arg7[%swap3A_172, %swap3A_173] {strides = array<i32>} : memref<16x128xf32, #tpu.memory_space<vmem>>, vector<1x16xf32>,
    %swap3A_175 = vector.shape_cast %swap3A_174 : vector<1x16xf32> to vector<16xf32>
    %swap3A_176 = vector.shape_cast %broadcast_in_dim3A_170 : vector<16xf32> to vector<1x16xf32>
    tpu.vector_store %arg7[%swap3A_172, %swap3A_173], %swap3A_176 {strides = array<i32>} : memref<16x128xf32, #tpu.memory_space<vmem>>, vector<1x16xf32>,
    %broadcast_in_dim3A_177 = arith.constant 0.000000e+00 : f32
    %broadcast_in_dim3A_178 = vector.broadcast %broadcast_in_dim3A_177 : f32 to vector<16xf32>
    %swap3A_179 = arith.constant 2 : i32
    %swap3A_180 = arith.index_cast %swap3A_179 : i32 to index
    %swap3A_181 = arith.constant 96 : index
    %swap3A_182 = tpu.vector_load %arg7[%swap3A_180, %swap3A_181] {strides = array<i32>} : memref<16x128xf32, #tpu.memory_space<vmem>>, vector<1x16xf32>,
    %swap3A_183 = vector.shape_cast %swap3A_182 : vector<1x16xf32> to vector<16xf32>
    %swap3A_184 = vector.shape_cast %broadcast_in_dim3A_178 : vector<16xf32> to vector<1x16xf32>
    tpu.vector_store %arg7[%swap3A_180, %swap3A_181], %swap3A_184 {strides = array<i32>} : memref<16x128xf32, #tpu.memory_space<vmem>>, vector<1x16xf32>,
    %broadcast_in_dim3A_185 = arith.constant 0.000000e+00 : f32
    %broadcast_in_dim3A_186 = vector.broadcast %broadcast_in_dim3A_185 : f32 to vector<16xf32>
    %swap3A_187 = arith.constant 2 : i32
    %swap3A_188 = arith.index_cast %swap3A_187 : i32 to index
    %swap3A_189 = arith.constant 112 : index
    %swap3A_190 = tpu.vector_load %arg7[%swap3A_188, %swap3A_189] {strides = array<i32>} : memref<16x128xf32, #tpu.memory_space<vmem>>, vector<1x16xf32>,
    %swap3A_191 = vector.shape_cast %swap3A_190 : vector<1x16xf32> to vector<16xf32>
    %swap3A_192 = vector.shape_cast %broadcast_in_dim3A_186 : vector<16xf32> to vector<1x16xf32>
    tpu.vector_store %arg7[%swap3A_188, %swap3A_189], %swap3A_192 {strides = array<i32>} : memref<16x128xf32, #tpu.memory_space<vmem>>, vector<1x16xf32>,
    %broadcast_in_dim3A_193 = arith.constant 0.000000e+00 : f32
    %broadcast_in_dim3A_194 = vector.broadcast %broadcast_in_dim3A_193 : f32 to vector<16xf32>
    %swap3A_195 = arith.constant 3 : i32
    %swap3A_196 = arith.index_cast %swap3A_195 : i32 to index
    %swap3A_197 = arith.constant 0 : index
    %swap3A_198 = tpu.vector_load %arg7[%swap3A_196, %swap3A_197] {strides = array<i32>} : memref<16x128xf32, #tpu.memory_space<vmem>>, vector<1x16xf32>,
    %swap3A_199 = vector.shape_cast %swap3A_198 : vector<1x16xf32> to vector<16xf32>
    %swap3A_200 = vector.shape_cast %broadcast_in_dim3A_194 : vector<16xf32> to vector<1x16xf32>
    tpu.vector_store %arg7[%swap3A_196, %swap3A_197], %swap3A_200 {strides = array<i32>} : memref<16x128xf32, #tpu.memory_space<vmem>>, vector<1x16xf32>,
    %broadcast_in_dim3A_201 = arith.constant 0.000000e+00 : f32
    %broadcast_in_dim3A_202 = vector.broadcast %broadcast_in_dim3A_201 : f32 to vector<16xf32>
    %swap3A_203 = arith.constant 3 : i32
    %swap3A_204 = arith.index_cast %swap3A_203 : i32 to index
    %swap3A_205 = arith.constant 16 : index
    %swap3A_206 = tpu.vector_load %arg7[%swap3A_204, %swap3A_205] {strides = array<i32>} : memref<16x128xf32, #tpu.memory_space<vmem>>, vector<1x16xf32>,
    %swap3A_207 = vector.shape_cast %swap3A_206 : vector<1x16xf32> to vector<16xf32>
    %swap3A_208 = vector.shape_cast %broadcast_in_dim3A_202 : vector<16xf32> to vector<1x16xf32>
    tpu.vector_store %arg7[%swap3A_204, %swap3A_205], %swap3A_208 {strides = array<i32>} : memref<16x128xf32, #tpu.memory_space<vmem>>, vector<1x16xf32>,
    %broadcast_in_dim3A_209 = arith.constant 0.000000e+00 : f32
    %broadcast_in_dim3A_210 = vector.broadcast %broadcast_in_dim3A_209 : f32 to vector<16xf32>
    %swap3A_211 = arith.constant 3 : i32
    %swap3A_212 = arith.index_cast %swap3A_211 : i32 to index
    %swap3A_213 = arith.constant 32 : index
    %swap3A_214 = tpu.vector_load %arg7[%swap3A_212, %swap3A_213] {strides = array<i32>} : memref<16x128xf32, #tpu.memory_space<vmem>>, vector<1x16xf32>,
    %swap3A_215 = vector.shape_cast %swap3A_214 : vector<1x16xf32> to vector<16xf32>
    %swap3A_216 = vector.shape_cast %broadcast_in_dim3A_210 : vector<16xf32> to vector<1x16xf32>
    tpu.vector_store %arg7[%swap3A_212, %swap3A_213], %swap3A_216 {strides = array<i32>} : memref<16x128xf32, #tpu.memory_space<vmem>>, vector<1x16xf32>,
    %broadcast_in_dim3A_217 = arith.constant 0.000000e+00 : f32
    %broadcast_in_dim3A_218 = vector.broadcast %broadcast_in_dim3A_217 : f32 to vector<16xf32>
    %swap3A_219 = arith.constant 3 : i32
    %swap3A_220 = arith.index_cast %swap3A_219 : i32 to index
    %swap3A_221 = arith.constant 48 : index
    %swap3A_222 = tpu.vector_load %arg7[%swap3A_220, %swap3A_221] {strides = array<i32>} : memref<16x128xf32, #tpu.memory_space<vmem>>, vector<1x16xf32>,
    %swap3A_223 = vector.shape_cast %swap3A_222 : vector<1x16xf32> to vector<16xf32>
    %swap3A_224 = vector.shape_cast %broadcast_in_dim3A_218 : vector<16xf32> to vector<1x16xf32>
    tpu.vector_store %arg7[%swap3A_220, %swap3A_221], %swap3A_224 {strides = array<i32>} : memref<16x128xf32, #tpu.memory_space<vmem>>, vector<1x16xf32>,
    %broadcast_in_dim3A_225 = arith.constant 0.000000e+00 : f32
    %broadcast_in_dim3A_226 = vector.broadcast %broadcast_in_dim3A_225 : f32 to vector<16xf32>
    %swap3A_227 = arith.constant 3 : i32
    %swap3A_228 = arith.index_cast %swap3A_227 : i32 to index
    %swap3A_229 = arith.constant 64 : index
    %swap3A_230 = tpu.vector_load %arg7[%swap3A_228, %swap3A_229] {strides = array<i32>} : memref<16x128xf32, #tpu.memory_space<vmem>>, vector<1x16xf32>,
    %swap3A_231 = vector.shape_cast %swap3A_230 : vector<1x16xf32> to vector<16xf32>
    %swap3A_232 = vector.shape_cast %broadcast_in_dim3A_226 : vector<16xf32> to vector<1x16xf32>
    tpu.vector_store %arg7[%swap3A_228, %swap3A_229], %swap3A_232 {strides = array<i32>} : memref<16x128xf32, #tpu.memory_space<vmem>>, vector<1x16xf32>,
    %broadcast_in_dim3A_233 = arith.constant 0.000000e+00 : f32
    %broadcast_in_dim3A_234 = vector.broadcast %broadcast_in_dim3A_233 : f32 to vector<16xf32>
    %swap3A_235 = arith.constant 3 : i32
    %swap3A_236 = arith.index_cast %swap3A_235 : i32 to index
    %swap3A_237 = arith.constant 80 : index
    %swap3A_238 = tpu.vector_load %arg7[%swap3A_236, %swap3A_237] {strides = array<i32>} : memref<16x128xf32, #tpu.memory_space<vmem>>, vector<1x16xf32>,
    %swap3A_239 = vector.shape_cast %swap3A_238 : vector<1x16xf32> to vector<16xf32>
    %swap3A_240 = vector.shape_cast %broadcast_in_dim3A_234 : vector<16xf32> to vector<1x16xf32>
    tpu.vector_store %arg7[%swap3A_236, %swap3A_237], %swap3A_240 {strides = array<i32>} : memref<16x128xf32, #tpu.memory_space<vmem>>, vector<1x16xf32>,
    %broadcast_in_dim3A_241 = arith.constant 0.000000e+00 : f32
    %broadcast_in_dim3A_242 = vector.broadcast %broadcast_in_dim3A_241 : f32 to vector<16xf32>
    %swap3A_243 = arith.constant 3 : i32
    %swap3A_244 = arith.index_cast %swap3A_243 : i32 to index
    %swap3A_245 = arith.constant 96 : index
    %swap3A_246 = tpu.vector_load %arg7[%swap3A_244, %swap3A_245] {strides = array<i32>} : memref<16x128xf32, #tpu.memory_space<vmem>>, vector<1x16xf32>,
    %swap3A_247 = vector.shape_cast %swap3A_246 : vector<1x16xf32> to vector<16xf32>
    %swap3A_248 = vector.shape_cast %broadcast_in_dim3A_242 : vector<16xf32> to vector<1x16xf32>
    tpu.vector_store %arg7[%swap3A_244, %swap3A_245], %swap3A_248 {strides = array<i32>} : memref<16x128xf32, #tpu.memory_space<vmem>>, vector<1x16xf32>,
    %broadcast_in_dim3A_249 = arith.constant 0.000000e+00 : f32
    %broadcast_in_dim3A_250 = vector.broadcast %broadcast_in_dim3A_249 : f32 to vector<16xf32>
    %swap3A_251 = arith.constant 3 : i32
    %swap3A_252 = arith.index_cast %swap3A_251 : i32 to index
    %swap3A_253 = arith.constant 112 : index
    %swap3A_254 = tpu.vector_load %arg7[%swap3A_252, %swap3A_253] {strides = array<i32>} : memref<16x128xf32, #tpu.memory_space<vmem>>, vector<1x16xf32>,
    %swap3A_255 = vector.shape_cast %swap3A_254 : vector<1x16xf32> to vector<16xf32>
    %swap3A_256 = vector.shape_cast %broadcast_in_dim3A_250 : vector<16xf32> to vector<1x16xf32>
    tpu.vector_store %arg7[%swap3A_252, %swap3A_253], %swap3A_256 {strides = array<i32>} : memref<16x128xf32, #tpu.memory_space<vmem>>, vector<1x16xf32>,
    %broadcast_in_dim3A_257 = arith.constant 0.000000e+00 : f32
    %broadcast_in_dim3A_258 = vector.broadcast %broadcast_in_dim3A_257 : f32 to vector<16xf32>
    %swap3A_259 = arith.constant 4 : i32
    %swap3A_260 = arith.index_cast %swap3A_259 : i32 to index
    %swap3A_261 = arith.constant 0 : index
    %swap3A_262 = tpu.vector_load %arg7[%swap3A_260, %swap3A_261] {strides = array<i32>} : memref<16x128xf32, #tpu.memory_space<vmem>>, vector<1x16xf32>,
    %swap3A_263 = vector.shape_cast %swap3A_262 : vector<1x16xf32> to vector<16xf32>
    %swap3A_264 = vector.shape_cast %broadcast_in_dim3A_258 : vector<16xf32> to vector<1x16xf32>
    tpu.vector_store %arg7[%swap3A_260, %swap3A_261], %swap3A_264 {strides = array<i32>} : memref<16x128xf32, #tpu.memory_space<vmem>>, vector<1x16xf32>,
    %broadcast_in_dim3A_265 = arith.constant 0.000000e+00 : f32
    %broadcast_in_dim3A_266 = vector.broadcast %broadcast_in_dim3A_265 : f32 to vector<16xf32>
    %swap3A_267 = arith.constant 4 : i32
    %swap3A_268 = arith.index_cast %swap3A_267 : i32 to index
    %swap3A_269 = arith.constant 16 : index
    %swap3A_270 = tpu.vector_load %arg7[%swap3A_268, %swap3A_269] {strides = array<i32>} : memref<16x128xf32, #tpu.memory_space<vmem>>, vector<1x16xf32>,
    %swap3A_271 = vector.shape_cast %swap3A_270 : vector<1x16xf32> to vector<16xf32>
    %swap3A_272 = vector.shape_cast %broadcast_in_dim3A_266 : vector<16xf32> to vector<1x16xf32>
    tpu.vector_store %arg7[%swap3A_268, %swap3A_269], %swap3A_272 {strides = array<i32>} : memref<16x128xf32, #tpu.memory_space<vmem>>, vector<1x16xf32>,
    %broadcast_in_dim3A_273 = arith.constant 0.000000e+00 : f32
    %broadcast_in_dim3A_274 = vector.broadcast %broadcast_in_dim3A_273 : f32 to vector<16xf32>
    %swap3A_275 = arith.constant 4 : i32
    %swap3A_276 = arith.index_cast %swap3A_275 : i32 to index
    %swap3A_277 = arith.constant 32 : index
    %swap3A_278 = tpu.vector_load %arg7[%swap3A_276, %swap3A_277] {strides = array<i32>} : memref<16x128xf32, #tpu.memory_space<vmem>>, vector<1x16xf32>,
    %swap3A_279 = vector.shape_cast %swap3A_278 : vector<1x16xf32> to vector<16xf32>
    %swap3A_280 = vector.shape_cast %broadcast_in_dim3A_274 : vector<16xf32> to vector<1x16xf32>
    tpu.vector_store %arg7[%swap3A_276, %swap3A_277], %swap3A_280 {strides = array<i32>} : memref<16x128xf32, #tpu.memory_space<vmem>>, vector<1x16xf32>,
    %broadcast_in_dim3A_281 = arith.constant 0.000000e+00 : f32
    %broadcast_in_dim3A_282 = vector.broadcast %broadcast_in_dim3A_281 : f32 to vector<16xf32>
    %swap3A_283 = arith.constant 4 : i32
    %swap3A_284 = arith.index_cast %swap3A_283 : i32 to index
    %swap3A_285 = arith.constant 48 : index
    %swap3A_286 = tpu.vector_load %arg7[%swap3A_284, %swap3A_285] {strides = array<i32>} : memref<16x128xf32, #tpu.memory_space<vmem>>, vector<1x16xf32>,
    %swap3A_287 = vector.shape_cast %swap3A_286 : vector<1x16xf32> to vector<16xf32>
    %swap3A_288 = vector.shape_cast %broadcast_in_dim3A_282 : vector<16xf32> to vector<1x16xf32>
    tpu.vector_store %arg7[%swap3A_284, %swap3A_285], %swap3A_288 {strides = array<i32>} : memref<16x128xf32, #tpu.memory_space<vmem>>, vector<1x16xf32>,
    %broadcast_in_dim3A_289 = arith.constant 0.000000e+00 : f32
    %broadcast_in_dim3A_290 = vector.broadcast %broadcast_in_dim3A_289 : f32 to vector<16xf32>
    %swap3A_291 = arith.constant 4 : i32
    %swap3A_292 = arith.index_cast %swap3A_291 : i32 to index
    %swap3A_293 = arith.constant 64 : index
    %swap3A_294 = tpu.vector_load %arg7[%swap3A_292, %swap3A_293] {strides = array<i32>} : memref<16x128xf32, #tpu.memory_space<vmem>>, vector<1x16xf32>,
    %swap3A_295 = vector.shape_cast %swap3A_294 : vector<1x16xf32> to vector<16xf32>
    %swap3A_296 = vector.shape_cast %broadcast_in_dim3A_290 : vector<16xf32> to vector<1x16xf32>
    tpu.vector_store %arg7[%swap3A_292, %swap3A_293], %swap3A_296 {strides = array<i32>} : memref<16x128xf32, #tpu.memory_space<vmem>>, vector<1x16xf32>,
    %broadcast_in_dim3A_297 = arith.constant 0.000000e+00 : f32
    %broadcast_in_dim3A_298 = vector.broadcast %broadcast_in_dim3A_297 : f32 to vector<16xf32>
    %swap3A_299 = arith.constant 4 : i32
    %swap3A_300 = arith.index_cast %swap3A_299 : i32 to index
    %swap3A_301 = arith.constant 80 : index
    %swap3A_302 = tpu.vector_load %arg7[%swap3A_300, %swap3A_301] {strides = array<i32>} : memref<16x128xf32, #tpu.memory_space<vmem>>, vector<1x16xf32>,
    %swap3A_303 = vector.shape_cast %swap3A_302 : vector<1x16xf32> to vector<16xf32>
    %swap3A_304 = vector.shape_cast %broadcast_in_dim3A_298 : vector<16xf32> to vector<1x16xf32>
    tpu.vector_store %arg7[%swap3A_300, %swap3A_301], %swap3A_304 {strides = array<i32>} : memref<16x128xf32, #tpu.memory_space<vmem>>, vector<1x16xf32>,
    %broadcast_in_dim3A_305 = arith.constant 0.000000e+00 : f32
    %broadcast_in_dim3A_306 = vector.broadcast %broadcast_in_dim3A_305 : f32 to vector<16xf32>
    %swap3A_307 = arith.constant 4 : i32
    %swap3A_308 = arith.index_cast %swap3A_307 : i32 to index
    %swap3A_309 = arith.constant 96 : index
    %swap3A_310 = tpu.vector_load %arg7[%swap3A_308, %swap3A_309] {strides = array<i32>} : memref<16x128xf32, #tpu.memory_space<vmem>>, vector<1x16xf32>,
    %swap3A_311 = vector.shape_cast %swap3A_310 : vector<1x16xf32> to vector<16xf32>
    %swap3A_312 = vector.shape_cast %broadcast_in_dim3A_306 : vector<16xf32> to vector<1x16xf32>
    tpu.vector_store %arg7[%swap3A_308, %swap3A_309], %swap3A_312 {strides = array<i32>} : memref<16x128xf32, #tpu.memory_space<vmem>>, vector<1x16xf32>,
    %broadcast_in_dim3A_313 = arith.constant 0.000000e+00 : f32
    %broadcast_in_dim3A_314 = vector.broadcast %broadcast_in_dim3A_313 : f32 to vector<16xf32>
    %swap3A_315 = arith.constant 4 : i32
    %swap3A_316 = arith.index_cast %swap3A_315 : i32 to index
    %swap3A_317 = arith.constant 112 : index
    %swap3A_318 = tpu.vector_load %arg7[%swap3A_316, %swap3A_317] {strides = array<i32>} : memref<16x128xf32, #tpu.memory_space<vmem>>, vector<1x16xf32>,
    %swap3A_319 = vector.shape_cast %swap3A_318 : vector<1x16xf32> to vector<16xf32>
    %swap3A_320 = vector.shape_cast %broadcast_in_dim3A_314 : vector<16xf32> to vector<1x16xf32>
    tpu.vector_store %arg7[%swap3A_316, %swap3A_317], %swap3A_320 {strides = array<i32>} : memref<16x128xf32, #tpu.memory_space<vmem>>, vector<1x16xf32>,
    %broadcast_in_dim3A_321 = arith.constant 0.000000e+00 : f32
    %broadcast_in_dim3A_322 = vector.broadcast %broadcast_in_dim3A_321 : f32 to vector<16xf32>
    %swap3A_323 = arith.constant 5 : i32
    %swap3A_324 = arith.index_cast %swap3A_323 : i32 to index
    %swap3A_325 = arith.constant 0 : index
    %swap3A_326 = tpu.vector_load %arg7[%swap3A_324, %swap3A_325] {strides = array<i32>} : memref<16x128xf32, #tpu.memory_space<vmem>>, vector<1x16xf32>,
    %swap3A_327 = vector.shape_cast %swap3A_326 : vector<1x16xf32> to vector<16xf32>
    %swap3A_328 = vector.shape_cast %broadcast_in_dim3A_322 : vector<16xf32> to vector<1x16xf32>
    tpu.vector_store %arg7[%swap3A_324, %swap3A_325], %swap3A_328 {strides = array<i32>} : memref<16x128xf32, #tpu.memory_space<vmem>>, vector<1x16xf32>,
    %broadcast_in_dim3A_329 = arith.constant 0.000000e+00 : f32
    %broadcast_in_dim3A_330 = vector.broadcast %broadcast_in_dim3A_329 : f32 to vector<16xf32>
    %swap3A_331 = arith.constant 5 : i32
    %swap3A_332 = arith.index_cast %swap3A_331 : i32 to index
    %swap3A_333 = arith.constant 16 : index
    %swap3A_334 = tpu.vector_load %arg7[%swap3A_332, %swap3A_333] {strides = array<i32>} : memref<16x128xf32, #tpu.memory_space<vmem>>, vector<1x16xf32>,
    %swap3A_335 = vector.shape_cast %swap3A_334 : vector<1x16xf32> to vector<16xf32>
    %swap3A_336 = vector.shape_cast %broadcast_in_dim3A_330 : vector<16xf32> to vector<1x16xf32>
    tpu.vector_store %arg7[%swap3A_332, %swap3A_333], %swap3A_336 {strides = array<i32>} : memref<16x128xf32, #tpu.memory_space<vmem>>, vector<1x16xf32>,
    %broadcast_in_dim3A_337 = arith.constant 0.000000e+00 : f32
    %broadcast_in_dim3A_338 = vector.broadcast %broadcast_in_dim3A_337 : f32 to vector<16xf32>
    %swap3A_339 = arith.constant 5 : i32
    %swap3A_340 = arith.index_cast %swap3A_339 : i32 to index
    %swap3A_341 = arith.constant 32 : index
    %swap3A_342 = tpu.vector_load %arg7[%swap3A_340, %swap3A_341] {strides = array<i32>} : memref<16x128xf32, #tpu.memory_space<vmem>>, vector<1x16xf32>,
    %swap3A_343 = vector.shape_cast %swap3A_342 : vector<1x16xf32> to vector<16xf32>
    %swap3A_344 = vector.shape_cast %broadcast_in_dim3A_338 : vector<16xf32> to vector<1x16xf32>
    tpu.vector_store %arg7[%swap3A_340, %swap3A_341], %swap3A_344 {strides = array<i32>} : memref<16x128xf32, #tpu.memory_space<vmem>>, vector<1x16xf32>,
    %broadcast_in_dim3A_345 = arith.constant 0.000000e+00 : f32
    %broadcast_in_dim3A_346 = vector.broadcast %broadcast_in_dim3A_345 : f32 to vector<16xf32>
    %swap3A_347 = arith.constant 5 : i32
    %swap3A_348 = arith.index_cast %swap3A_347 : i32 to index
    %swap3A_349 = arith.constant 48 : index
    %swap3A_350 = tpu.vector_load %arg7[%swap3A_348, %swap3A_349] {strides = array<i32>} : memref<16x128xf32, #tpu.memory_space<vmem>>, vector<1x16xf32>,
    %swap3A_351 = vector.shape_cast %swap3A_350 : vector<1x16xf32> to vector<16xf32>
    %swap3A_352 = vector.shape_cast %broadcast_in_dim3A_346 : vector<16xf32> to vector<1x16xf32>
    tpu.vector_store %arg7[%swap3A_348, %swap3A_349], %swap3A_352 {strides = array<i32>} : memref<16x128xf32, #tpu.memory_space<vmem>>, vector<1x16xf32>,
    %broadcast_in_dim3A_353 = arith.constant 0.000000e+00 : f32
    %broadcast_in_dim3A_354 = vector.broadcast %broadcast_in_dim3A_353 : f32 to vector<16xf32>
    %swap3A_355 = arith.constant 5 : i32
    %swap3A_356 = arith.index_cast %swap3A_355 : i32 to index
    %swap3A_357 = arith.constant 64 : index
    %swap3A_358 = tpu.vector_load %arg7[%swap3A_356, %swap3A_357] {strides = array<i32>} : memref<16x128xf32, #tpu.memory_space<vmem>>, vector<1x16xf32>,
    %swap3A_359 = vector.shape_cast %swap3A_358 : vector<1x16xf32> to vector<16xf32>
    %swap3A_360 = vector.shape_cast %broadcast_in_dim3A_354 : vector<16xf32> to vector<1x16xf32>
    tpu.vector_store %arg7[%swap3A_356, %swap3A_357], %swap3A_360 {strides = array<i32>} : memref<16x128xf32, #tpu.memory_space<vmem>>, vector<1x16xf32>,
    %broadcast_in_dim3A_361 = arith.constant 0.000000e+00 : f32
    %broadcast_in_dim3A_362 = vector.broadcast %broadcast_in_dim3A_361 : f32 to vector<16xf32>
    %swap3A_363 = arith.constant 5 : i32
    %swap3A_364 = arith.index_cast %swap3A_363 : i32 to index
    %swap3A_365 = arith.constant 80 : index
    %swap3A_366 = tpu.vector_load %arg7[%swap3A_364, %swap3A_365] {strides = array<i32>} : memref<16x128xf32, #tpu.memory_space<vmem>>, vector<1x16xf32>,
    %swap3A_367 = vector.shape_cast %swap3A_366 : vector<1x16xf32> to vector<16xf32>
    %swap3A_368 = vector.shape_cast %broadcast_in_dim3A_362 : vector<16xf32> to vector<1x16xf32>
    tpu.vector_store %arg7[%swap3A_364, %swap3A_365], %swap3A_368 {strides = array<i32>} : memref<16x128xf32, #tpu.memory_space<vmem>>, vector<1x16xf32>,
    %broadcast_in_dim3A_369 = arith.constant 0.000000e+00 : f32
    %broadcast_in_dim3A_370 = vector.broadcast %broadcast_in_dim3A_369 : f32 to vector<16xf32>
    %swap3A_371 = arith.constant 5 : i32
    %swap3A_372 = arith.index_cast %swap3A_371 : i32 to index
    %swap3A_373 = arith.constant 96 : index
    %swap3A_374 = tpu.vector_load %arg7[%swap3A_372, %swap3A_373] {strides = array<i32>} : memref<16x128xf32, #tpu.memory_space<vmem>>, vector<1x16xf32>,
    %swap3A_375 = vector.shape_cast %swap3A_374 : vector<1x16xf32> to vector<16xf32>
    %swap3A_376 = vector.shape_cast %broadcast_in_dim3A_370 : vector<16xf32> to vector<1x16xf32>
    tpu.vector_store %arg7[%swap3A_372, %swap3A_373], %swap3A_376 {strides = array<i32>} : memref<16x128xf32, #tpu.memory_space<vmem>>, vector<1x16xf32>,
    %broadcast_in_dim3A_377 = arith.constant 0.000000e+00 : f32
    %broadcast_in_dim3A_378 = vector.broadcast %broadcast_in_dim3A_377 : f32 to vector<16xf32>
    %swap3A_379 = arith.constant 5 : i32
    %swap3A_380 = arith.index_cast %swap3A_379 : i32 to index
    %swap3A_381 = arith.constant 112 : index
    %swap3A_382 = tpu.vector_load %arg7[%swap3A_380, %swap3A_381] {strides = array<i32>} : memref<16x128xf32, #tpu.memory_space<vmem>>, vector<1x16xf32>,
    %swap3A_383 = vector.shape_cast %swap3A_382 : vector<1x16xf32> to vector<16xf32>
    %swap3A_384 = vector.shape_cast %broadcast_in_dim3A_378 : vector<16xf32> to vector<1x16xf32>
    tpu.vector_store %arg7[%swap3A_380, %swap3A_381], %swap3A_384 {strides = array<i32>} : memref<16x128xf32, #tpu.memory_space<vmem>>, vector<1x16xf32>,
    %broadcast_in_dim3A_385 = arith.constant 0.000000e+00 : f32
    %broadcast_in_dim3A_386 = vector.broadcast %broadcast_in_dim3A_385 : f32 to vector<16xf32>
    %swap3A_387 = arith.constant 6 : i32
    %swap3A_388 = arith.index_cast %swap3A_387 : i32 to index
    %swap3A_389 = arith.constant 0 : index
    %swap3A_390 = tpu.vector_load %arg7[%swap3A_388, %swap3A_389] {strides = array<i32>} : memref<16x128xf32, #tpu.memory_space<vmem>>, vector<1x16xf32>,
    %swap3A_391 = vector.shape_cast %swap3A_390 : vector<1x16xf32> to vector<16xf32>
    %swap3A_392 = vector.shape_cast %broadcast_in_dim3A_386 : vector<16xf32> to vector<1x16xf32>
    tpu.vector_store %arg7[%swap3A_388, %swap3A_389], %swap3A_392 {strides = array<i32>} : memref<16x128xf32, #tpu.memory_space<vmem>>, vector<1x16xf32>,
    %broadcast_in_dim3A_393 = arith.constant 0.000000e+00 : f32
    %broadcast_in_dim3A_394 = vector.broadcast %broadcast_in_dim3A_393 : f32 to vector<16xf32>
    %swap3A_395 = arith.constant 6 : i32
    %swap3A_396 = arith.index_cast %swap3A_395 : i32 to index
    %swap3A_397 = arith.constant 16 : index
    %swap3A_398 = tpu.vector_load %arg7[%swap3A_396, %swap3A_397] {strides = array<i32>} : memref<16x128xf32, #tpu.memory_space<vmem>>, vector<1x16xf32>,
    %swap3A_399 = vector.shape_cast %swap3A_398 : vector<1x16xf32> to vector<16xf32>
    %swap3A_400 = vector.shape_cast %broadcast_in_dim3A_394 : vector<16xf32> to vector<1x16xf32>
    tpu.vector_store %arg7[%swap3A_396, %swap3A_397], %swap3A_400 {strides = array<i32>} : memref<16x128xf32, #tpu.memory_space<vmem>>, vector<1x16xf32>,
    %broadcast_in_dim3A_401 = arith.constant 0.000000e+00 : f32
    %broadcast_in_dim3A_402 = vector.broadcast %broadcast_in_dim3A_401 : f32 to vector<16xf32>
    %swap3A_403 = arith.constant 6 : i32
    %swap3A_404 = arith.index_cast %swap3A_403 : i32 to index
    %swap3A_405 = arith.constant 32 : index
    %swap3A_406 = tpu.vector_load %arg7[%swap3A_404, %swap3A_405] {strides = array<i32>} : memref<16x128xf32, #tpu.memory_space<vmem>>, vector<1x16xf32>,
    %swap3A_407 = vector.shape_cast %swap3A_406 : vector<1x16xf32> to vector<16xf32>
    %swap3A_408 = vector.shape_cast %broadcast_in_dim3A_402 : vector<16xf32> to vector<1x16xf32>
    tpu.vector_store %arg7[%swap3A_404, %swap3A_405], %swap3A_408 {strides = array<i32>} : memref<16x128xf32, #tpu.memory_space<vmem>>, vector<1x16xf32>,
    %broadcast_in_dim3A_409 = arith.constant 0.000000e+00 : f32
    %broadcast_in_dim3A_410 = vector.broadcast %broadcast_in_dim3A_409 : f32 to vector<16xf32>
    %swap3A_411 = arith.constant 6 : i32
    %swap3A_412 = arith.index_cast %swap3A_411 : i32 to index
    %swap3A_413 = arith.constant 48 : index
    %swap3A_414 = tpu.vector_load %arg7[%swap3A_412, %swap3A_413] {strides = array<i32>} : memref<16x128xf32, #tpu.memory_space<vmem>>, vector<1x16xf32>,
    %swap3A_415 = vector.shape_cast %swap3A_414 : vector<1x16xf32> to vector<16xf32>
    %swap3A_416 = vector.shape_cast %broadcast_in_dim3A_410 : vector<16xf32> to vector<1x16xf32>
    tpu.vector_store %arg7[%swap3A_412, %swap3A_413], %swap3A_416 {strides = array<i32>} : memref<16x128xf32, #tpu.memory_space<vmem>>, vector<1x16xf32>,
    %broadcast_in_dim3A_417 = arith.constant 0.000000e+00 : f32
    %broadcast_in_dim3A_418 = vector.broadcast %broadcast_in_dim3A_417 : f32 to vector<16xf32>
    %swap3A_419 = arith.constant 6 : i32
    %swap3A_420 = arith.index_cast %swap3A_419 : i32 to index
    %swap3A_421 = arith.constant 64 : index
    %swap3A_422 = tpu.vector_load %arg7[%swap3A_420, %swap3A_421] {strides = array<i32>} : memref<16x128xf32, #tpu.memory_space<vmem>>, vector<1x16xf32>,
    %swap3A_423 = vector.shape_cast %swap3A_422 : vector<1x16xf32> to vector<16xf32>
    %swap3A_424 = vector.shape_cast %broadcast_in_dim3A_418 : vector<16xf32> to vector<1x16xf32>
    tpu.vector_store %arg7[%swap3A_420, %swap3A_421], %swap3A_424 {strides = array<i32>} : memref<16x128xf32, #tpu.memory_space<vmem>>, vector<1x16xf32>,
    %broadcast_in_dim3A_425 = arith.constant 0.000000e+00 : f32
    %broadcast_in_dim3A_426 = vector.broadcast %broadcast_in_dim3A_425 : f32 to vector<16xf32>
    %swap3A_427 = arith.constant 6 : i32
    %swap3A_428 = arith.index_cast %swap3A_427 : i32 to index
    %swap3A_429 = arith.constant 80 : index
    %swap3A_430 = tpu.vector_load %arg7[%swap3A_428, %swap3A_429] {strides = array<i32>} : memref<16x128xf32, #tpu.memory_space<vmem>>, vector<1x16xf32>,
    %swap3A_431 = vector.shape_cast %swap3A_430 : vector<1x16xf32> to vector<16xf32>
    %swap3A_432 = vector.shape_cast %broadcast_in_dim3A_426 : vector<16xf32> to vector<1x16xf32>
    tpu.vector_store %arg7[%swap3A_428, %swap3A_429], %swap3A_432 {strides = array<i32>} : memref<16x128xf32, #tpu.memory_space<vmem>>, vector<1x16xf32>,
    %broadcast_in_dim3A_433 = arith.constant 0.000000e+00 : f32
    %broadcast_in_dim3A_434 = vector.broadcast %broadcast_in_dim3A_433 : f32 to vector<16xf32>
    %swap3A_435 = arith.constant 6 : i32
    %swap3A_436 = arith.index_cast %swap3A_435 : i32 to index
    %swap3A_437 = arith.constant 96 : index
    %swap3A_438 = tpu.vector_load %arg7[%swap3A_436, %swap3A_437] {strides = array<i32>} : memref<16x128xf32, #tpu.memory_space<vmem>>, vector<1x16xf32>,
    %swap3A_439 = vector.shape_cast %swap3A_438 : vector<1x16xf32> to vector<16xf32>
    %swap3A_440 = vector.shape_cast %broadcast_in_dim3A_434 : vector<16xf32> to vector<1x16xf32>
    tpu.vector_store %arg7[%swap3A_436, %swap3A_437], %swap3A_440 {strides = array<i32>} : memref<16x128xf32, #tpu.memory_space<vmem>>, vector<1x16xf32>,
    %broadcast_in_dim3A_441 = arith.constant 0.000000e+00 : f32
    %broadcast_in_dim3A_442 = vector.broadcast %broadcast_in_dim3A_441 : f32 to vector<16xf32>
    %swap3A_443 = arith.constant 6 : i32
    %swap3A_444 = arith.index_cast %swap3A_443 : i32 to index
    %swap3A_445 = arith.constant 112 : index
    %swap3A_446 = tpu.vector_load %arg7[%swap3A_444, %swap3A_445] {strides = array<i32>} : memref<16x128xf32, #tpu.memory_space<vmem>>, vector<1x16xf32>,
    %swap3A_447 = vector.shape_cast %swap3A_446 : vector<1x16xf32> to vector<16xf32>
    %swap3A_448 = vector.shape_cast %broadcast_in_dim3A_442 : vector<16xf32> to vector<1x16xf32>
    tpu.vector_store %arg7[%swap3A_444, %swap3A_445], %swap3A_448 {strides = array<i32>} : memref<16x128xf32, #tpu.memory_space<vmem>>, vector<1x16xf32>,
    %broadcast_in_dim3A_449 = arith.constant 0.000000e+00 : f32
    %broadcast_in_dim3A_450 = vector.broadcast %broadcast_in_dim3A_449 : f32 to vector<16xf32>
    %swap3A_451 = arith.constant 7 : i32
    %swap3A_452 = arith.index_cast %swap3A_451 : i32 to index
    %swap3A_453 = arith.constant 0 : index
    %swap3A_454 = tpu.vector_load %arg7[%swap3A_452, %swap3A_453] {strides = array<i32>} : memref<16x128xf32, #tpu.memory_space<vmem>>, vector<1x16xf32>,
    %swap3A_455 = vector.shape_cast %swap3A_454 : vector<1x16xf32> to vector<16xf32>
    %swap3A_456 = vector.shape_cast %broadcast_in_dim3A_450 : vector<16xf32> to vector<1x16xf32>
    tpu.vector_store %arg7[%swap3A_452, %swap3A_453], %swap3A_456 {strides = array<i32>} : memref<16x128xf32, #tpu.memory_space<vmem>>, vector<1x16xf32>,
    %broadcast_in_dim3A_457 = arith.constant 0.000000e+00 : f32
    %broadcast_in_dim3A_458 = vector.broadcast %broadcast_in_dim3A_457 : f32 to vector<16xf32>
    %swap3A_459 = arith.constant 7 : i32
    %swap3A_460 = arith.index_cast %swap3A_459 : i32 to index
    %swap3A_461 = arith.constant 16 : index
    %swap3A_462 = tpu.vector_load %arg7[%swap3A_460, %swap3A_461] {strides = array<i32>} : memref<16x128xf32, #tpu.memory_space<vmem>>, vector<1x16xf32>,
    %swap3A_463 = vector.shape_cast %swap3A_462 : vector<1x16xf32> to vector<16xf32>
    %swap3A_464 = vector.shape_cast %broadcast_in_dim3A_458 : vector<16xf32> to vector<1x16xf32>
    tpu.vector_store %arg7[%swap3A_460, %swap3A_461], %swap3A_464 {strides = array<i32>} : memref<16x128xf32, #tpu.memory_space<vmem>>, vector<1x16xf32>,
    %broadcast_in_dim3A_465 = arith.constant 0.000000e+00 : f32
    %broadcast_in_dim3A_466 = vector.broadcast %broadcast_in_dim3A_465 : f32 to vector<16xf32>
    %swap3A_467 = arith.constant 7 : i32
    %swap3A_468 = arith.index_cast %swap3A_467 : i32 to index
    %swap3A_469 = arith.constant 32 : index
    %swap3A_470 = tpu.vector_load %arg7[%swap3A_468, %swap3A_469] {strides = array<i32>} : memref<16x128xf32, #tpu.memory_space<vmem>>, vector<1x16xf32>,
    %swap3A_471 = vector.shape_cast %swap3A_470 : vector<1x16xf32> to vector<16xf32>
    %swap3A_472 = vector.shape_cast %broadcast_in_dim3A_466 : vector<16xf32> to vector<1x16xf32>
    tpu.vector_store %arg7[%swap3A_468, %swap3A_469], %swap3A_472 {strides = array<i32>} : memref<16x128xf32, #tpu.memory_space<vmem>>, vector<1x16xf32>,
    %broadcast_in_dim3A_473 = arith.constant 0.000000e+00 : f32
    %broadcast_in_dim3A_474 = vector.broadcast %broadcast_in_dim3A_473 : f32 to vector<16xf32>
    %swap3A_475 = arith.constant 7 : i32
    %swap3A_476 = arith.index_cast %swap3A_475 : i32 to index
    %swap3A_477 = arith.constant 48 : index
    %swap3A_478 = tpu.vector_load %arg7[%swap3A_476, %swap3A_477] {strides = array<i32>} : memref<16x128xf32, #tpu.memory_space<vmem>>, vector<1x16xf32>,
    %swap3A_479 = vector.shape_cast %swap3A_478 : vector<1x16xf32> to vector<16xf32>
    %swap3A_480 = vector.shape_cast %broadcast_in_dim3A_474 : vector<16xf32> to vector<1x16xf32>
    tpu.vector_store %arg7[%swap3A_476, %swap3A_477], %swap3A_480 {strides = array<i32>} : memref<16x128xf32, #tpu.memory_space<vmem>>, vector<1x16xf32>,
    %broadcast_in_dim3A_481 = arith.constant 0.000000e+00 : f32
    %broadcast_in_dim3A_482 = vector.broadcast %broadcast_in_dim3A_481 : f32 to vector<16xf32>
    %swap3A_483 = arith.constant 7 : i32
    %swap3A_484 = arith.index_cast %swap3A_483 : i32 to index
    %swap3A_485 = arith.constant 64 : index
    %swap3A_486 = tpu.vector_load %arg7[%swap3A_484, %swap3A_485] {strides = array<i32>} : memref<16x128xf32, #tpu.memory_space<vmem>>, vector<1x16xf32>,
    %swap3A_487 = vector.shape_cast %swap3A_486 : vector<1x16xf32> to vector<16xf32>
    %swap3A_488 = vector.shape_cast %broadcast_in_dim3A_482 : vector<16xf32> to vector<1x16xf32>
    tpu.vector_store %arg7[%swap3A_484, %swap3A_485], %swap3A_488 {strides = array<i32>} : memref<16x128xf32, #tpu.memory_space<vmem>>, vector<1x16xf32>,
    %broadcast_in_dim3A_489 = arith.constant 0.000000e+00 : f32
    %broadcast_in_dim3A_490 = vector.broadcast %broadcast_in_dim3A_489 : f32 to vector<16xf32>
    %swap3A_491 = arith.constant 7 : i32
    %swap3A_492 = arith.index_cast %swap3A_491 : i32 to index
    %swap3A_493 = arith.constant 80 : index
    %swap3A_494 = tpu.vector_load %arg7[%swap3A_492, %swap3A_493] {strides = array<i32>} : memref<16x128xf32, #tpu.memory_space<vmem>>, vector<1x16xf32>,
    %swap3A_495 = vector.shape_cast %swap3A_494 : vector<1x16xf32> to vector<16xf32>
    %swap3A_496 = vector.shape_cast %broadcast_in_dim3A_490 : vector<16xf32> to vector<1x16xf32>
    tpu.vector_store %arg7[%swap3A_492, %swap3A_493], %swap3A_496 {strides = array<i32>} : memref<16x128xf32, #tpu.memory_space<vmem>>, vector<1x16xf32>,
    %broadcast_in_dim3A_497 = arith.constant 0.000000e+00 : f32
    %broadcast_in_dim3A_498 = vector.broadcast %broadcast_in_dim3A_497 : f32 to vector<16xf32>
    %swap3A_499 = arith.constant 7 : i32
    %swap3A_500 = arith.index_cast %swap3A_499 : i32 to index
    %swap3A_501 = arith.constant 96 : index
    %swap3A_502 = tpu.vector_load %arg7[%swap3A_500, %swap3A_501] {strides = array<i32>} : memref<16x128xf32, #tpu.memory_space<vmem>>, vector<1x16xf32>,
    %swap3A_503 = vector.shape_cast %swap3A_502 : vector<1x16xf32> to vector<16xf32>
    %swap3A_504 = vector.shape_cast %broadcast_in_dim3A_498 : vector<16xf32> to vector<1x16xf32>
    tpu.vector_store %arg7[%swap3A_500, %swap3A_501], %swap3A_504 {strides = array<i32>} : memref<16x128xf32, #tpu.memory_space<vmem>>, vector<1x16xf32>,
    %broadcast_in_dim3A_505 = arith.constant 0.000000e+00 : f32
    %broadcast_in_dim3A_506 = vector.broadcast %broadcast_in_dim3A_505 : f32 to vector<16xf32>
    %swap3A_507 = arith.constant 7 : i32
    %swap3A_508 = arith.index_cast %swap3A_507 : i32 to index
    %swap3A_509 = arith.constant 112 : index
    %swap3A_510 = tpu.vector_load %arg7[%swap3A_508, %swap3A_509] {strides = array<i32>} : memref<16x128xf32, #tpu.memory_space<vmem>>, vector<1x16xf32>,
    %swap3A_511 = vector.shape_cast %swap3A_510 : vector<1x16xf32> to vector<16xf32>
    %swap3A_512 = vector.shape_cast %broadcast_in_dim3A_506 : vector<16xf32> to vector<1x16xf32>
    tpu.vector_store %arg7[%swap3A_508, %swap3A_509], %swap3A_512 {strides = array<i32>} : memref<16x128xf32, #tpu.memory_space<vmem>>, vector<1x16xf32>,
    %broadcast_in_dim3A_513 = arith.constant 0.000000e+00 : f32
    %broadcast_in_dim3A_514 = vector.broadcast %broadcast_in_dim3A_513 : f32 to vector<16xf32>
    %swap3A_515 = arith.constant 8 : i32
    %swap3A_516 = arith.index_cast %swap3A_515 : i32 to index
    %swap3A_517 = arith.constant 0 : index
    %swap3A_518 = tpu.vector_load %arg7[%swap3A_516, %swap3A_517] {strides = array<i32>} : memref<16x128xf32, #tpu.memory_space<vmem>>, vector<1x16xf32>,
    %swap3A_519 = vector.shape_cast %swap3A_518 : vector<1x16xf32> to vector<16xf32>
    %swap3A_520 = vector.shape_cast %broadcast_in_dim3A_514 : vector<16xf32> to vector<1x16xf32>
    tpu.vector_store %arg7[%swap3A_516, %swap3A_517], %swap3A_520 {strides = array<i32>} : memref<16x128xf32, #tpu.memory_space<vmem>>, vector<1x16xf32>,
    %broadcast_in_dim3A_521 = arith.constant 0.000000e+00 : f32
    %broadcast_in_dim3A_522 = vector.broadcast %broadcast_in_dim3A_521 : f32 to vector<16xf32>
    %swap3A_523 = arith.constant 8 : i32
    %swap3A_524 = arith.index_cast %swap3A_523 : i32 to index
    %swap3A_525 = arith.constant 16 : index
    %swap3A_526 = tpu.vector_load %arg7[%swap3A_524, %swap3A_525] {strides = array<i32>} : memref<16x128xf32, #tpu.memory_space<vmem>>, vector<1x16xf32>,
    %swap3A_527 = vector.shape_cast %swap3A_526 : vector<1x16xf32> to vector<16xf32>
    %swap3A_528 = vector.shape_cast %broadcast_in_dim3A_522 : vector<16xf32> to vector<1x16xf32>
    tpu.vector_store %arg7[%swap3A_524, %swap3A_525], %swap3A_528 {strides = array<i32>} : memref<16x128xf32, #tpu.memory_space<vmem>>, vector<1x16xf32>,
    %broadcast_in_dim3A_529 = arith.constant 0.000000e+00 : f32
    %broadcast_in_dim3A_530 = vector.broadcast %broadcast_in_dim3A_529 : f32 to vector<16xf32>
    %swap3A_531 = arith.constant 8 : i32
    %swap3A_532 = arith.index_cast %swap3A_531 : i32 to index
    %swap3A_533 = arith.constant 32 : index
    %swap3A_534 = tpu.vector_load %arg7[%swap3A_532, %swap3A_533] {strides = array<i32>} : memref<16x128xf32, #tpu.memory_space<vmem>>, vector<1x16xf32>,
    %swap3A_535 = vector.shape_cast %swap3A_534 : vector<1x16xf32> to vector<16xf32>
    %swap3A_536 = vector.shape_cast %broadcast_in_dim3A_530 : vector<16xf32> to vector<1x16xf32>
    tpu.vector_store %arg7[%swap3A_532, %swap3A_533], %swap3A_536 {strides = array<i32>} : memref<16x128xf32, #tpu.memory_space<vmem>>, vector<1x16xf32>,
    %broadcast_in_dim3A_537 = arith.constant 0.000000e+00 : f32
    %broadcast_in_dim3A_538 = vector.broadcast %broadcast_in_dim3A_537 : f32 to vector<16xf32>
    %swap3A_539 = arith.constant 8 : i32
    %swap3A_540 = arith.index_cast %swap3A_539 : i32 to index
    %swap3A_541 = arith.constant 48 : index
    %swap3A_542 = tpu.vector_load %arg7[%swap3A_540, %swap3A_541] {strides = array<i32>} : memref<16x128xf32, #tpu.memory_space<vmem>>, vector<1x16xf32>,
    %swap3A_543 = vector.shape_cast %swap3A_542 : vector<1x16xf32> to vector<16xf32>
    %swap3A_544 = vector.shape_cast %broadcast_in_dim3A_538 : vector<16xf32> to vector<1x16xf32>
    tpu.vector_store %arg7[%swap3A_540, %swap3A_541], %swap3A_544 {strides = array<i32>} : memref<16x128xf32, #tpu.memory_space<vmem>>, vector<1x16xf32>,
    %broadcast_in_dim3A_545 = arith.constant 0.000000e+00 : f32
    %broadcast_in_dim3A_546 = vector.broadcast %broadcast_in_dim3A_545 : f32 to vector<16xf32>
    %swap3A_547 = arith.constant 8 : i32
    %swap3A_548 = arith.index_cast %swap3A_547 : i32 to index
    %swap3A_549 = arith.constant 64 : index
    %swap3A_550 = tpu.vector_load %arg7[%swap3A_548, %swap3A_549] {strides = array<i32>} : memref<16x128xf32, #tpu.memory_space<vmem>>, vector<1x16xf32>,
    %swap3A_551 = vector.shape_cast %swap3A_550 : vector<1x16xf32> to vector<16xf32>
    %swap3A_552 = vector.shape_cast %broadcast_in_dim3A_546 : vector<16xf32> to vector<1x16xf32>
    tpu.vector_store %arg7[%swap3A_548, %swap3A_549], %swap3A_552 {strides = array<i32>} : memref<16x128xf32, #tpu.memory_space<vmem>>, vector<1x16xf32>,
    %broadcast_in_dim3A_553 = arith.constant 0.000000e+00 : f32
    %broadcast_in_dim3A_554 = vector.broadcast %broadcast_in_dim3A_553 : f32 to vector<16xf32>
    %swap3A_555 = arith.constant 8 : i32
    %swap3A_556 = arith.index_cast %swap3A_555 : i32 to index
    %swap3A_557 = arith.constant 80 : index
    %swap3A_558 = tpu.vector_load %arg7[%swap3A_556, %swap3A_557] {strides = array<i32>} : memref<16x128xf32, #tpu.memory_space<vmem>>, vector<1x16xf32>,
    %swap3A_559 = vector.shape_cast %swap3A_558 : vector<1x16xf32> to vector<16xf32>
    %swap3A_560 = vector.shape_cast %broadcast_in_dim3A_554 : vector<16xf32> to vector<1x16xf32>
    tpu.vector_store %arg7[%swap3A_556, %swap3A_557], %swap3A_560 {strides = array<i32>} : memref<16x128xf32, #tpu.memory_space<vmem>>, vector<1x16xf32>,
    %broadcast_in_dim3A_561 = arith.constant 0.000000e+00 : f32
    %broadcast_in_dim3A_562 = vector.broadcast %broadcast_in_dim3A_561 : f32 to vector<16xf32>
    %swap3A_563 = arith.constant 8 : i32
    %swap3A_564 = arith.index_cast %swap3A_563 : i32 to index
    %swap3A_565 = arith.constant 96 : index
    %swap3A_566 = tpu.vector_load %arg7[%swap3A_564, %swap3A_565] {strides = array<i32>} : memref<16x128xf32, #tpu.memory_space<vmem>>, vector<1x16xf32>,
    %swap3A_567 = vector.shape_cast %swap3A_566 : vector<1x16xf32> to vector<16xf32>
    %swap3A_568 = vector.shape_cast %broadcast_in_dim3A_562 : vector<16xf32> to vector<1x16xf32>
    tpu.vector_store %arg7[%swap3A_564, %swap3A_565], %swap3A_568 {strides = array<i32>} : memref<16x128xf32, #tpu.memory_space<vmem>>, vector<1x16xf32>,
    %broadcast_in_dim3A_569 = arith.constant 0.000000e+00 : f32
    %broadcast_in_dim3A_570 = vector.broadcast %broadcast_in_dim3A_569 : f32 to vector<16xf32>
    %swap3A_571 = arith.constant 8 : i32
    %swap3A_572 = arith.index_cast %swap3A_571 : i32 to index
    %swap3A_573 = arith.constant 112 : index
    %swap3A_574 = tpu.vector_load %arg7[%swap3A_572, %swap3A_573] {strides = array<i32>} : memref<16x128xf32, #tpu.memory_space<vmem>>, vector<1x16xf32>,
    %swap3A_575 = vector.shape_cast %swap3A_574 : vector<1x16xf32> to vector<16xf32>
    %swap3A_576 = vector.shape_cast %broadcast_in_dim3A_570 : vector<16xf32> to vector<1x16xf32>
    tpu.vector_store %arg7[%swap3A_572, %swap3A_573], %swap3A_576 {strides = array<i32>} : memref<16x128xf32, #tpu.memory_space<vmem>>, vector<1x16xf32>,
    %broadcast_in_dim3A_577 = arith.constant 0.000000e+00 : f32
    %broadcast_in_dim3A_578 = vector.broadcast %broadcast_in_dim3A_577 : f32 to vector<16xf32>
    %swap3A_579 = arith.constant 9 : i32
    %swap3A_580 = arith.index_cast %swap3A_579 : i32 to index
    %swap3A_581 = arith.constant 0 : index
    %swap3A_582 = tpu.vector_load %arg7[%swap3A_580, %swap3A_581] {strides = array<i32>} : memref<16x128xf32, #tpu.memory_space<vmem>>, vector<1x16xf32>,
    %swap3A_583 = vector.shape_cast %swap3A_582 : vector<1x16xf32> to vector<16xf32>
    %swap3A_584 = vector.shape_cast %broadcast_in_dim3A_578 : vector<16xf32> to vector<1x16xf32>
    tpu.vector_store %arg7[%swap3A_580, %swap3A_581], %swap3A_584 {strides = array<i32>} : memref<16x128xf32, #tpu.memory_space<vmem>>, vector<1x16xf32>,
    %broadcast_in_dim3A_585 = arith.constant 0.000000e+00 : f32
    %broadcast_in_dim3A_586 = vector.broadcast %broadcast_in_dim3A_585 : f32 to vector<16xf32>
    %swap3A_587 = arith.constant 9 : i32
    %swap3A_588 = arith.index_cast %swap3A_587 : i32 to index
    %swap3A_589 = arith.constant 16 : index
    %swap3A_590 = tpu.vector_load %arg7[%swap3A_588, %swap3A_589] {strides = array<i32>} : memref<16x128xf32, #tpu.memory_space<vmem>>, vector<1x16xf32>,
    %swap3A_591 = vector.shape_cast %swap3A_590 : vector<1x16xf32> to vector<16xf32>
    %swap3A_592 = vector.shape_cast %broadcast_in_dim3A_586 : vector<16xf32> to vector<1x16xf32>
    tpu.vector_store %arg7[%swap3A_588, %swap3A_589], %swap3A_592 {strides = array<i32>} : memref<16x128xf32, #tpu.memory_space<vmem>>, vector<1x16xf32>,
    %broadcast_in_dim3A_593 = arith.constant 0.000000e+00 : f32
    %broadcast_in_dim3A_594 = vector.broadcast %broadcast_in_dim3A_593 : f32 to vector<16xf32>
    %swap3A_595 = arith.constant 9 : i32
    %swap3A_596 = arith.index_cast %swap3A_595 : i32 to index
    %swap3A_597 = arith.constant 32 : index
    %swap3A_598 = tpu.vector_load %arg7[%swap3A_596, %swap3A_597] {strides = array<i32>} : memref<16x128xf32, #tpu.memory_space<vmem>>, vector<1x16xf32>,
    %swap3A_599 = vector.shape_cast %swap3A_598 : vector<1x16xf32> to vector<16xf32>
    %swap3A_600 = vector.shape_cast %broadcast_in_dim3A_594 : vector<16xf32> to vector<1x16xf32>
    tpu.vector_store %arg7[%swap3A_596, %swap3A_597], %swap3A_600 {strides = array<i32>} : memref<16x128xf32, #tpu.memory_space<vmem>>, vector<1x16xf32>,
    %broadcast_in_dim3A_601 = arith.constant 0.000000e+00 : f32
    %broadcast_in_dim3A_602 = vector.broadcast %broadcast_in_dim3A_601 : f32 to vector<16xf32>
    %swap3A_603 = arith.constant 9 : i32
    %swap3A_604 = arith.index_cast %swap3A_603 : i32 to index
    %swap3A_605 = arith.constant 48 : index
    %swap3A_606 = tpu.vector_load %arg7[%swap3A_604, %swap3A_605] {strides = array<i32>} : memref<16x128xf32, #tpu.memory_space<vmem>>, vector<1x16xf32>,
    %swap3A_607 = vector.shape_cast %swap3A_606 : vector<1x16xf32> to vector<16xf32>
    %swap3A_608 = vector.shape_cast %broadcast_in_dim3A_602 : vector<16xf32> to vector<1x16xf32>
    tpu.vector_store %arg7[%swap3A_604, %swap3A_605], %swap3A_608 {strides = array<i32>} : memref<16x128xf32, #tpu.memory_space<vmem>>, vector<1x16xf32>,
    %broadcast_in_dim3A_609 = arith.constant 0.000000e+00 : f32
    %broadcast_in_dim3A_610 = vector.broadcast %broadcast_in_dim3A_609 : f32 to vector<16xf32>
    %swap3A_611 = arith.constant 9 : i32
    %swap3A_612 = arith.index_cast %swap3A_611 : i32 to index
    %swap3A_613 = arith.constant 64 : index
    %swap3A_614 = tpu.vector_load %arg7[%swap3A_612, %swap3A_613] {strides = array<i32>} : memref<16x128xf32, #tpu.memory_space<vmem>>, vector<1x16xf32>,
    %swap3A_615 = vector.shape_cast %swap3A_614 : vector<1x16xf32> to vector<16xf32>
    %swap3A_616 = vector.shape_cast %broadcast_in_dim3A_610 : vector<16xf32> to vector<1x16xf32>
    tpu.vector_store %arg7[%swap3A_612, %swap3A_613], %swap3A_616 {strides = array<i32>} : memref<16x128xf32, #tpu.memory_space<vmem>>, vector<1x16xf32>,
    %broadcast_in_dim3A_617 = arith.constant 0.000000e+00 : f32
    %broadcast_in_dim3A_618 = vector.broadcast %broadcast_in_dim3A_617 : f32 to vector<16xf32>
    %swap3A_619 = arith.constant 9 : i32
    %swap3A_620 = arith.index_cast %swap3A_619 : i32 to index
    %swap3A_621 = arith.constant 80 : index
    %swap3A_622 = tpu.vector_load %arg7[%swap3A_620, %swap3A_621] {strides = array<i32>} : memref<16x128xf32, #tpu.memory_space<vmem>>, vector<1x16xf32>,
    %swap3A_623 = vector.shape_cast %swap3A_622 : vector<1x16xf32> to vector<16xf32>
    %swap3A_624 = vector.shape_cast %broadcast_in_dim3A_618 : vector<16xf32> to vector<1x16xf32>
    tpu.vector_store %arg7[%swap3A_620, %swap3A_621], %swap3A_624 {strides = array<i32>} : memref<16x128xf32, #tpu.memory_space<vmem>>, vector<1x16xf32>,
    %broadcast_in_dim3A_625 = arith.constant 0.000000e+00 : f32
    %broadcast_in_dim3A_626 = vector.broadcast %broadcast_in_dim3A_625 : f32 to vector<16xf32>
    %swap3A_627 = arith.constant 9 : i32
    %swap3A_628 = arith.index_cast %swap3A_627 : i32 to index
    %swap3A_629 = arith.constant 96 : index
    %swap3A_630 = tpu.vector_load %arg7[%swap3A_628, %swap3A_629] {strides = array<i32>} : memref<16x128xf32, #tpu.memory_space<vmem>>, vector<1x16xf32>,
    %swap3A_631 = vector.shape_cast %swap3A_630 : vector<1x16xf32> to vector<16xf32>
    %swap3A_632 = vector.shape_cast %broadcast_in_dim3A_626 : vector<16xf32> to vector<1x16xf32>
    tpu.vector_store %arg7[%swap3A_628, %swap3A_629], %swap3A_632 {strides = array<i32>} : memref<16x128xf32, #tpu.memory_space<vmem>>, vector<1x16xf32>,
    %broadcast_in_dim3A_633 = arith.constant 0.000000e+00 : f32
    %broadcast_in_dim3A_634 = vector.broadcast %broadcast_in_dim3A_633 : f32 to vector<16xf32>
    %swap3A_635 = arith.constant 9 : i32
    %swap3A_636 = arith.index_cast %swap3A_635 : i32 to index
    %swap3A_637 = arith.constant 112 : index
    %swap3A_638 = tpu.vector_load %arg7[%swap3A_636, %swap3A_637] {strides = array<i32>} : memref<16x128xf32, #tpu.memory_space<vmem>>, vector<1x16xf32>,
    %swap3A_639 = vector.shape_cast %swap3A_638 : vector<1x16xf32> to vector<16xf32>
    %swap3A_640 = vector.shape_cast %broadcast_in_dim3A_634 : vector<16xf32> to vector<1x16xf32>
    tpu.vector_store %arg7[%swap3A_636, %swap3A_637], %swap3A_640 {strides = array<i32>} : memref<16x128xf32, #tpu.memory_space<vmem>>, vector<1x16xf32>,
    %broadcast_in_dim3A_641 = arith.constant 0.000000e+00 : f32
    %broadcast_in_dim3A_642 = vector.broadcast %broadcast_in_dim3A_641 : f32 to vector<16xf32>
    %swap3A_643 = arith.constant 10 : i32
    %swap3A_644 = arith.index_cast %swap3A_643 : i32 to index
    %swap3A_645 = arith.constant 0 : index
    %swap3A_646 = tpu.vector_load %arg7[%swap3A_644, %swap3A_645] {strides = array<i32>} : memref<16x128xf32, #tpu.memory_space<vmem>>, vector<1x16xf32>,
    %swap3A_647 = vector.shape_cast %swap3A_646 : vector<1x16xf32> to vector<16xf32>
    %swap3A_648 = vector.shape_cast %broadcast_in_dim3A_642 : vector<16xf32> to vector<1x16xf32>
    tpu.vector_store %arg7[%swap3A_644, %swap3A_645], %swap3A_648 {strides = array<i32>} : memref<16x128xf32, #tpu.memory_space<vmem>>, vector<1x16xf32>,
    %broadcast_in_dim3A_649 = arith.constant 0.000000e+00 : f32
    %broadcast_in_dim3A_650 = vector.broadcast %broadcast_in_dim3A_649 : f32 to vector<16xf32>
    %swap3A_651 = arith.constant 10 : i32
    %swap3A_652 = arith.index_cast %swap3A_651 : i32 to index
    %swap3A_653 = arith.constant 16 : index
    %swap3A_654 = tpu.vector_load %arg7[%swap3A_652, %swap3A_653] {strides = array<i32>} : memref<16x128xf32, #tpu.memory_space<vmem>>, vector<1x16xf32>,
    %swap3A_655 = vector.shape_cast %swap3A_654 : vector<1x16xf32> to vector<16xf32>
    %swap3A_656 = vector.shape_cast %broadcast_in_dim3A_650 : vector<16xf32> to vector<1x16xf32>
    tpu.vector_store %arg7[%swap3A_652, %swap3A_653], %swap3A_656 {strides = array<i32>} : memref<16x128xf32, #tpu.memory_space<vmem>>, vector<1x16xf32>,
    %broadcast_in_dim3A_657 = arith.constant 0.000000e+00 : f32
    %broadcast_in_dim3A_658 = vector.broadcast %broadcast_in_dim3A_657 : f32 to vector<16xf32>
    %swap3A_659 = arith.constant 10 : i32
    %swap3A_660 = arith.index_cast %swap3A_659 : i32 to index
    %swap3A_661 = arith.constant 32 : index
    %swap3A_662 = tpu.vector_load %arg7[%swap3A_660, %swap3A_661] {strides = array<i32>} : memref<16x128xf32, #tpu.memory_space<vmem>>, vector<1x16xf32>,
    %swap3A_663 = vector.shape_cast %swap3A_662 : vector<1x16xf32> to vector<16xf32>
    %swap3A_664 = vector.shape_cast %broadcast_in_dim3A_658 : vector<16xf32> to vector<1x16xf32>
    tpu.vector_store %arg7[%swap3A_660, %swap3A_661], %swap3A_664 {strides = array<i32>} : memref<16x128xf32, #tpu.memory_space<vmem>>, vector<1x16xf32>,
    %broadcast_in_dim3A_665 = arith.constant 0.000000e+00 : f32
    %broadcast_in_dim3A_666 = vector.broadcast %broadcast_in_dim3A_665 : f32 to vector<16xf32>
    %swap3A_667 = arith.constant 10 : i32
    %swap3A_668 = arith.index_cast %swap3A_667 : i32 to index
    %swap3A_669 = arith.constant 48 : index
    %swap3A_670 = tpu.vector_load %arg7[%swap3A_668, %swap3A_669] {strides = array<i32>} : memref<16x128xf32, #tpu.memory_space<vmem>>, vector<1x16xf32>,
    %swap3A_671 = vector.shape_cast %swap3A_670 : vector<1x16xf32> to vector<16xf32>
    %swap3A_672 = vector.shape_cast %broadcast_in_dim3A_666 : vector<16xf32> to vector<1x16xf32>
    tpu.vector_store %arg7[%swap3A_668, %swap3A_669], %swap3A_672 {strides = array<i32>} : memref<16x128xf32, #tpu.memory_space<vmem>>, vector<1x16xf32>,
    %broadcast_in_dim3A_673 = arith.constant 0.000000e+00 : f32
    %broadcast_in_dim3A_674 = vector.broadcast %broadcast_in_dim3A_673 : f32 to vector<16xf32>
    %swap3A_675 = arith.constant 10 : i32
    %swap3A_676 = arith.index_cast %swap3A_675 : i32 to index
    %swap3A_677 = arith.constant 64 : index
    %swap3A_678 = tpu.vector_load %arg7[%swap3A_676, %swap3A_677] {strides = array<i32>} : memref<16x128xf32, #tpu.memory_space<vmem>>, vector<1x16xf32>,
    %swap3A_679 = vector.shape_cast %swap3A_678 : vector<1x16xf32> to vector<16xf32>
    %swap3A_680 = vector.shape_cast %broadcast_in_dim3A_674 : vector<16xf32> to vector<1x16xf32>
    tpu.vector_store %arg7[%swap3A_676, %swap3A_677], %swap3A_680 {strides = array<i32>} : memref<16x128xf32, #tpu.memory_space<vmem>>, vector<1x16xf32>,
    %broadcast_in_dim3A_681 = arith.constant 0.000000e+00 : f32
    %broadcast_in_dim3A_682 = vector.broadcast %broadcast_in_dim3A_681 : f32 to vector<16xf32>
    %swap3A_683 = arith.constant 10 : i32
    %swap3A_684 = arith.index_cast %swap3A_683 : i32 to index
    %swap3A_685 = arith.constant 80 : index
    %swap3A_686 = tpu.vector_load %arg7[%swap3A_684, %swap3A_685] {strides = array<i32>} : memref<16x128xf32, #tpu.memory_space<vmem>>, vector<1x16xf32>,
    %swap3A_687 = vector.shape_cast %swap3A_686 : vector<1x16xf32> to vector<16xf32>
    %swap3A_688 = vector.shape_cast %broadcast_in_dim3A_682 : vector<16xf32> to vector<1x16xf32>
    tpu.vector_store %arg7[%swap3A_684, %swap3A_685], %swap3A_688 {strides = array<i32>} : memref<16x128xf32, #tpu.memory_space<vmem>>, vector<1x16xf32>,
    %broadcast_in_dim3A_689 = arith.constant 0.000000e+00 : f32
    %broadcast_in_dim3A_690 = vector.broadcast %broadcast_in_dim3A_689 : f32 to vector<16xf32>
    %swap3A_691 = arith.constant 10 : i32
    %swap3A_692 = arith.index_cast %swap3A_691 : i32 to index
    %swap3A_693 = arith.constant 96 : index
    %swap3A_694 = tpu.vector_load %arg7[%swap3A_692, %swap3A_693] {strides = array<i32>} : memref<16x128xf32, #tpu.memory_space<vmem>>, vector<1x16xf32>,
    %swap3A_695 = vector.shape_cast %swap3A_694 : vector<1x16xf32> to vector<16xf32>
    %swap3A_696 = vector.shape_cast %broadcast_in_dim3A_690 : vector<16xf32> to vector<1x16xf32>
    tpu.vector_store %arg7[%swap3A_692, %swap3A_693], %swap3A_696 {strides = array<i32>} : memref<16x128xf32, #tpu.memory_space<vmem>>, vector<1x16xf32>,
    %broadcast_in_dim3A_697 = arith.constant 0.000000e+00 : f32
    %broadcast_in_dim3A_698 = vector.broadcast %broadcast_in_dim3A_697 : f32 to vector<16xf32>
    %swap3A_699 = arith.constant 10 : i32
    %swap3A_700 = arith.index_cast %swap3A_699 : i32 to index
    %swap3A_701 = arith.constant 112 : index
    %swap3A_702 = tpu.vector_load %arg7[%swap3A_700, %swap3A_701] {strides = array<i32>} : memref<16x128xf32, #tpu.memory_space<vmem>>, vector<1x16xf32>,
    %swap3A_703 = vector.shape_cast %swap3A_702 : vector<1x16xf32> to vector<16xf32>
    %swap3A_704 = vector.shape_cast %broadcast_in_dim3A_698 : vector<16xf32> to vector<1x16xf32>
    tpu.vector_store %arg7[%swap3A_700, %swap3A_701], %swap3A_704 {strides = array<i32>} : memref<16x128xf32, #tpu.memory_space<vmem>>, vector<1x16xf32>,
    %broadcast_in_dim3A_705 = arith.constant 0.000000e+00 : f32
    %broadcast_in_dim3A_706 = vector.broadcast %broadcast_in_dim3A_705 : f32 to vector<16xf32>
    %swap3A_707 = arith.constant 11 : i32
    %swap3A_708 = arith.index_cast %swap3A_707 : i32 to index
    %swap3A_709 = arith.constant 0 : index
    %swap3A_710 = tpu.vector_load %arg7[%swap3A_708, %swap3A_709] {strides = array<i32>} : memref<16x128xf32, #tpu.memory_space<vmem>>, vector<1x16xf32>,
    %swap3A_711 = vector.shape_cast %swap3A_710 : vector<1x16xf32> to vector<16xf32>
    %swap3A_712 = vector.shape_cast %broadcast_in_dim3A_706 : vector<16xf32> to vector<1x16xf32>
    tpu.vector_store %arg7[%swap3A_708, %swap3A_709], %swap3A_712 {strides = array<i32>} : memref<16x128xf32, #tpu.memory_space<vmem>>, vector<1x16xf32>,
    %broadcast_in_dim3A_713 = arith.constant 0.000000e+00 : f32
    %broadcast_in_dim3A_714 = vector.broadcast %broadcast_in_dim3A_713 : f32 to vector<16xf32>
    %swap3A_715 = arith.constant 11 : i32
    %swap3A_716 = arith.index_cast %swap3A_715 : i32 to index
    %swap3A_717 = arith.constant 16 : index
    %swap3A_718 = tpu.vector_load %arg7[%swap3A_716, %swap3A_717] {strides = array<i32>} : memref<16x128xf32, #tpu.memory_space<vmem>>, vector<1x16xf32>,
    %swap3A_719 = vector.shape_cast %swap3A_718 : vector<1x16xf32> to vector<16xf32>
    %swap3A_720 = vector.shape_cast %broadcast_in_dim3A_714 : vector<16xf32> to vector<1x16xf32>
    tpu.vector_store %arg7[%swap3A_716, %swap3A_717], %swap3A_720 {strides = array<i32>} : memref<16x128xf32, #tpu.memory_space<vmem>>, vector<1x16xf32>,
    %broadcast_in_dim3A_721 = arith.constant 0.000000e+00 : f32
    %broadcast_in_dim3A_722 = vector.broadcast %broadcast_in_dim3A_721 : f32 to vector<16xf32>
    %swap3A_723 = arith.constant 11 : i32
    %swap3A_724 = arith.index_cast %swap3A_723 : i32 to index
    %swap3A_725 = arith.constant 32 : index
    %swap3A_726 = tpu.vector_load %arg7[%swap3A_724, %swap3A_725] {strides = array<i32>} : memref<16x128xf32, #tpu.memory_space<vmem>>, vector<1x16xf32>,
    %swap3A_727 = vector.shape_cast %swap3A_726 : vector<1x16xf32> to vector<16xf32>
    %swap3A_728 = vector.shape_cast %broadcast_in_dim3A_722 : vector<16xf32> to vector<1x16xf32>
    tpu.vector_store %arg7[%swap3A_724, %swap3A_725], %swap3A_728 {strides = array<i32>} : memref<16x128xf32, #tpu.memory_space<vmem>>, vector<1x16xf32>,
    %broadcast_in_dim3A_729 = arith.constant 0.000000e+00 : f32
    %broadcast_in_dim3A_730 = vector.broadcast %broadcast_in_dim3A_729 : f32 to vector<16xf32>
    %swap3A_731 = arith.constant 11 : i32
    %swap3A_732 = arith.index_cast %swap3A_731 : i32 to index
    %swap3A_733 = arith.constant 48 : index
    %swap3A_734 = tpu.vector_load %arg7[%swap3A_732, %swap3A_733] {strides = array<i32>} : memref<16x128xf32, #tpu.memory_space<vmem>>, vector<1x16xf32>,
    %swap3A_735 = vector.shape_cast %swap3A_734 : vector<1x16xf32> to vector<16xf32>
    %swap3A_736 = vector.shape_cast %broadcast_in_dim3A_730 : vector<16xf32> to vector<1x16xf32>
    tpu.vector_store %arg7[%swap3A_732, %swap3A_733], %swap3A_736 {strides = array<i32>} : memref<16x128xf32, #tpu.memory_space<vmem>>, vector<1x16xf32>,
    %broadcast_in_dim3A_737 = arith.constant 0.000000e+00 : f32
    %broadcast_in_dim3A_738 = vector.broadcast %broadcast_in_dim3A_737 : f32 to vector<16xf32>
    %swap3A_739 = arith.constant 11 : i32
    %swap3A_740 = arith.index_cast %swap3A_739 : i32 to index
    %swap3A_741 = arith.constant 64 : index
    %swap3A_742 = tpu.vector_load %arg7[%swap3A_740, %swap3A_741] {strides = array<i32>} : memref<16x128xf32, #tpu.memory_space<vmem>>, vector<1x16xf32>,
    %swap3A_743 = vector.shape_cast %swap3A_742 : vector<1x16xf32> to vector<16xf32>
    %swap3A_744 = vector.shape_cast %broadcast_in_dim3A_738 : vector<16xf32> to vector<1x16xf32>
    tpu.vector_store %arg7[%swap3A_740, %swap3A_741], %swap3A_744 {strides = array<i32>} : memref<16x128xf32, #tpu.memory_space<vmem>>, vector<1x16xf32>,
    %broadcast_in_dim3A_745 = arith.constant 0.000000e+00 : f32
    %broadcast_in_dim3A_746 = vector.broadcast %broadcast_in_dim3A_745 : f32 to vector<16xf32>
    %swap3A_747 = arith.constant 11 : i32
    %swap3A_748 = arith.index_cast %swap3A_747 : i32 to index
    %swap3A_749 = arith.constant 80 : index
    %swap3A_750 = tpu.vector_load %arg7[%swap3A_748, %swap3A_749] {strides = array<i32>} : memref<16x128xf32, #tpu.memory_space<vmem>>, vector<1x16xf32>,
    %swap3A_751 = vector.shape_cast %swap3A_750 : vector<1x16xf32> to vector<16xf32>
    %swap3A_752 = vector.shape_cast %broadcast_in_dim3A_746 : vector<16xf32> to vector<1x16xf32>
    tpu.vector_store %arg7[%swap3A_748, %swap3A_749], %swap3A_752 {strides = array<i32>} : memref<16x128xf32, #tpu.memory_space<vmem>>, vector<1x16xf32>,
    %broadcast_in_dim3A_753 = arith.constant 0.000000e+00 : f32
    %broadcast_in_dim3A_754 = vector.broadcast %broadcast_in_dim3A_753 : f32 to vector<16xf32>
    %swap3A_755 = arith.constant 11 : i32
    %swap3A_756 = arith.index_cast %swap3A_755 : i32 to index
    %swap3A_757 = arith.constant 96 : index
    %swap3A_758 = tpu.vector_load %arg7[%swap3A_756, %swap3A_757] {strides = array<i32>} : memref<16x128xf32, #tpu.memory_space<vmem>>, vector<1x16xf32>,
    %swap3A_759 = vector.shape_cast %swap3A_758 : vector<1x16xf32> to vector<16xf32>
    %swap3A_760 = vector.shape_cast %broadcast_in_dim3A_754 : vector<16xf32> to vector<1x16xf32>
    tpu.vector_store %arg7[%swap3A_756, %swap3A_757], %swap3A_760 {strides = array<i32>} : memref<16x128xf32, #tpu.memory_space<vmem>>, vector<1x16xf32>,
    %broadcast_in_dim3A_761 = arith.constant 0.000000e+00 : f32
    %broadcast_in_dim3A_762 = vector.broadcast %broadcast_in_dim3A_761 : f32 to vector<16xf32>
    %swap3A_763 = arith.constant 11 : i32
    %swap3A_764 = arith.index_cast %swap3A_763 : i32 to index
    %swap3A_765 = arith.constant 112 : index
    %swap3A_766 = tpu.vector_load %arg7[%swap3A_764, %swap3A_765] {strides = array<i32>} : memref<16x128xf32, #tpu.memory_space<vmem>>, vector<1x16xf32>,
    %swap3A_767 = vector.shape_cast %swap3A_766 : vector<1x16xf32> to vector<16xf32>
    %swap3A_768 = vector.shape_cast %broadcast_in_dim3A_762 : vector<16xf32> to vector<1x16xf32>
    tpu.vector_store %arg7[%swap3A_764, %swap3A_765], %swap3A_768 {strides = array<i32>} : memref<16x128xf32, #tpu.memory_space<vmem>>, vector<1x16xf32>,
    %broadcast_in_dim3A_769 = arith.constant 0.000000e+00 : f32
    %broadcast_in_dim3A_770 = vector.broadcast %broadcast_in_dim3A_769 : f32 to vector<16xf32>
    %swap3A_771 = arith.constant 12 : i32
    %swap3A_772 = arith.index_cast %swap3A_771 : i32 to index
    %swap3A_773 = arith.constant 0 : index
    %swap3A_774 = tpu.vector_load %arg7[%swap3A_772, %swap3A_773] {strides = array<i32>} : memref<16x128xf32, #tpu.memory_space<vmem>>, vector<1x16xf32>,
    %swap3A_775 = vector.shape_cast %swap3A_774 : vector<1x16xf32> to vector<16xf32>
    %swap3A_776 = vector.shape_cast %broadcast_in_dim3A_770 : vector<16xf32> to vector<1x16xf32>
    tpu.vector_store %arg7[%swap3A_772, %swap3A_773], %swap3A_776 {strides = array<i32>} : memref<16x128xf32, #tpu.memory_space<vmem>>, vector<1x16xf32>,
    %broadcast_in_dim3A_777 = arith.constant 0.000000e+00 : f32
    %broadcast_in_dim3A_778 = vector.broadcast %broadcast_in_dim3A_777 : f32 to vector<16xf32>
    %swap3A_779 = arith.constant 12 : i32
    %swap3A_780 = arith.index_cast %swap3A_779 : i32 to index
    %swap3A_781 = arith.constant 16 : index
    %swap3A_782 = tpu.vector_load %arg7[%swap3A_780, %swap3A_781] {strides = array<i32>} : memref<16x128xf32, #tpu.memory_space<vmem>>, vector<1x16xf32>,
    %swap3A_783 = vector.shape_cast %swap3A_782 : vector<1x16xf32> to vector<16xf32>
    %swap3A_784 = vector.shape_cast %broadcast_in_dim3A_778 : vector<16xf32> to vector<1x16xf32>
    tpu.vector_store %arg7[%swap3A_780, %swap3A_781], %swap3A_784 {strides = array<i32>} : memref<16x128xf32, #tpu.memory_space<vmem>>, vector<1x16xf32>,
    %broadcast_in_dim3A_785 = arith.constant 0.000000e+00 : f32
    %broadcast_in_dim3A_786 = vector.broadcast %broadcast_in_dim3A_785 : f32 to vector<16xf32>
    %swap3A_787 = arith.constant 12 : i32
    %swap3A_788 = arith.index_cast %swap3A_787 : i32 to index
    %swap3A_789 = arith.constant 32 : index
    %swap3A_790 = tpu.vector_load %arg7[%swap3A_788, %swap3A_789] {strides = array<i32>} : memref<16x128xf32, #tpu.memory_space<vmem>>, vector<1x16xf32>,
    %swap3A_791 = vector.shape_cast %swap3A_790 : vector<1x16xf32> to vector<16xf32>
    %swap3A_792 = vector.shape_cast %broadcast_in_dim3A_786 : vector<16xf32> to vector<1x16xf32>
    tpu.vector_store %arg7[%swap3A_788, %swap3A_789], %swap3A_792 {strides = array<i32>} : memref<16x128xf32, #tpu.memory_space<vmem>>, vector<1x16xf32>,
    %broadcast_in_dim3A_793 = arith.constant 0.000000e+00 : f32
    %broadcast_in_dim3A_794 = vector.broadcast %broadcast_in_dim3A_793 : f32 to vector<16xf32>
    %swap3A_795 = arith.constant 12 : i32
    %swap3A_796 = arith.index_cast %swap3A_795 : i32 to index
    %swap3A_797 = arith.constant 48 : index
    %swap3A_798 = tpu.vector_load %arg7[%swap3A_796, %swap3A_797] {strides = array<i32>} : memref<16x128xf32, #tpu.memory_space<vmem>>, vector<1x16xf32>,
    %swap3A_799 = vector.shape_cast %swap3A_798 : vector<1x16xf32> to vector<16xf32>
    %swap3A_800 = vector.shape_cast %broadcast_in_dim3A_794 : vector<16xf32> to vector<1x16xf32>
    tpu.vector_store %arg7[%swap3A_796, %swap3A_797], %swap3A_800 {strides = array<i32>} : memref<16x128xf32, #tpu.memory_space<vmem>>, vector<1x16xf32>,
    %broadcast_in_dim3A_801 = arith.constant 0.000000e+00 : f32
    %broadcast_in_dim3A_802 = vector.broadcast %broadcast_in_dim3A_801 : f32 to vector<16xf32>
    %swap3A_803 = arith.constant 12 : i32
    %swap3A_804 = arith.index_cast %swap3A_803 : i32 to index
    %swap3A_805 = arith.constant 64 : index
    %swap3A_806 = tpu.vector_load %arg7[%swap3A_804, %swap3A_805] {strides = array<i32>} : memref<16x128xf32, #tpu.memory_space<vmem>>, vector<1x16xf32>,
    %swap3A_807 = vector.shape_cast %swap3A_806 : vector<1x16xf32> to vector<16xf32>
    %swap3A_808 = vector.shape_cast %broadcast_in_dim3A_802 : vector<16xf32> to vector<1x16xf32>
    tpu.vector_store %arg7[%swap3A_804, %swap3A_805], %swap3A_808 {strides = array<i32>} : memref<16x128xf32, #tpu.memory_space<vmem>>, vector<1x16xf32>,
    %broadcast_in_dim3A_809 = arith.constant 0.000000e+00 : f32
    %broadcast_in_dim3A_810 = vector.broadcast %broadcast_in_dim3A_809 : f32 to vector<16xf32>
    %swap3A_811 = arith.constant 12 : i32
    %swap3A_812 = arith.index_cast %swap3A_811 : i32 to index
    %swap3A_813 = arith.constant 80 : index
    %swap3A_814 = tpu.vector_load %arg7[%swap3A_812, %swap3A_813] {strides = array<i32>} : memref<16x128xf32, #tpu.memory_space<vmem>>, vector<1x16xf32>,
    %swap3A_815 = vector.shape_cast %swap3A_814 : vector<1x16xf32> to vector<16xf32>
    %swap3A_816 = vector.shape_cast %broadcast_in_dim3A_810 : vector<16xf32> to vector<1x16xf32>
    tpu.vector_store %arg7[%swap3A_812, %swap3A_813], %swap3A_816 {strides = array<i32>} : memref<16x128xf32, #tpu.memory_space<vmem>>, vector<1x16xf32>,
    %broadcast_in_dim3A_817 = arith.constant 0.000000e+00 : f32
    %broadcast_in_dim3A_818 = vector.broadcast %broadcast_in_dim3A_817 : f32 to vector<16xf32>
    %swap3A_819 = arith.constant 12 : i32
    %swap3A_820 = arith.index_cast %swap3A_819 : i32 to index
    %swap3A_821 = arith.constant 96 : index
    %swap3A_822 = tpu.vector_load %arg7[%swap3A_820, %swap3A_821] {strides = array<i32>} : memref<16x128xf32, #tpu.memory_space<vmem>>, vector<1x16xf32>,
    %swap3A_823 = vector.shape_cast %swap3A_822 : vector<1x16xf32> to vector<16xf32>
    %swap3A_824 = vector.shape_cast %broadcast_in_dim3A_818 : vector<16xf32> to vector<1x16xf32>
    tpu.vector_store %arg7[%swap3A_820, %swap3A_821], %swap3A_824 {strides = array<i32>} : memref<16x128xf32, #tpu.memory_space<vmem>>, vector<1x16xf32>,
    %broadcast_in_dim3A_825 = arith.constant 0.000000e+00 : f32
    %broadcast_in_dim3A_826 = vector.broadcast %broadcast_in_dim3A_825 : f32 to vector<16xf32>
    %swap3A_827 = arith.constant 12 : i32
    %swap3A_828 = arith.index_cast %swap3A_827 : i32 to index
    %swap3A_829 = arith.constant 112 : index
    %swap3A_830 = tpu.vector_load %arg7[%swap3A_828, %swap3A_829] {strides = array<i32>} : memref<16x128xf32, #tpu.memory_space<vmem>>, vector<1x16xf32>,
    %swap3A_831 = vector.shape_cast %swap3A_830 : vector<1x16xf32> to vector<16xf32>
    %swap3A_832 = vector.shape_cast %broadcast_in_dim3A_826 : vector<16xf32> to vector<1x16xf32>
    tpu.vector_store %arg7[%swap3A_828, %swap3A_829], %swap3A_832 {strides = array<i32>} : memref<16x128xf32, #tpu.memory_space<vmem>>, vector<1x16xf32>,
    %broadcast_in_dim3A_833 = arith.constant 0.000000e+00 : f32
    %broadcast_in_dim3A_834 = vector.broadcast %broadcast_in_dim3A_833 : f32 to vector<16xf32>
    %swap3A_835 = arith.constant 13 : i32
    %swap3A_836 = arith.index_cast %swap3A_835 : i32 to index
    %swap3A_837 = arith.constant 0 : index
    %swap3A_838 = tpu.vector_load %arg7[%swap3A_836, %swap3A_837] {strides = array<i32>} : memref<16x128xf32, #tpu.memory_space<vmem>>, vector<1x16xf32>,
    %swap3A_839 = vector.shape_cast %swap3A_838 : vector<1x16xf32> to vector<16xf32>
    %swap3A_840 = vector.shape_cast %broadcast_in_dim3A_834 : vector<16xf32> to vector<1x16xf32>
    tpu.vector_store %arg7[%swap3A_836, %swap3A_837], %swap3A_840 {strides = array<i32>} : memref<16x128xf32, #tpu.memory_space<vmem>>, vector<1x16xf32>,
    %broadcast_in_dim3A_841 = arith.constant 0.000000e+00 : f32
    %broadcast_in_dim3A_842 = vector.broadcast %broadcast_in_dim3A_841 : f32 to vector<16xf32>
    %swap3A_843 = arith.constant 13 : i32
    %swap3A_844 = arith.index_cast %swap3A_843 : i32 to index
    %swap3A_845 = arith.constant 16 : index
    %swap3A_846 = tpu.vector_load %arg7[%swap3A_844, %swap3A_845] {strides = array<i32>} : memref<16x128xf32, #tpu.memory_space<vmem>>, vector<1x16xf32>,
    %swap3A_847 = vector.shape_cast %swap3A_846 : vector<1x16xf32> to vector<16xf32>
    %swap3A_848 = vector.shape_cast %broadcast_in_dim3A_842 : vector<16xf32> to vector<1x16xf32>
    tpu.vector_store %arg7[%swap3A_844, %swap3A_845], %swap3A_848 {strides = array<i32>} : memref<16x128xf32, #tpu.memory_space<vmem>>, vector<1x16xf32>,
    %broadcast_in_dim3A_849 = arith.constant 0.000000e+00 : f32
    %broadcast_in_dim3A_850 = vector.broadcast %broadcast_in_dim3A_849 : f32 to vector<16xf32>
    %swap3A_851 = arith.constant 13 : i32
    %swap3A_852 = arith.index_cast %swap3A_851 : i32 to index
    %swap3A_853 = arith.constant 32 : index
    %swap3A_854 = tpu.vector_load %arg7[%swap3A_852, %swap3A_853] {strides = array<i32>} : memref<16x128xf32, #tpu.memory_space<vmem>>, vector<1x16xf32>,
    %swap3A_855 = vector.shape_cast %swap3A_854 : vector<1x16xf32> to vector<16xf32>
    %swap3A_856 = vector.shape_cast %broadcast_in_dim3A_850 : vector<16xf32> to vector<1x16xf32>
    tpu.vector_store %arg7[%swap3A_852, %swap3A_853], %swap3A_856 {strides = array<i32>} : memref<16x128xf32, #tpu.memory_space<vmem>>, vector<1x16xf32>,
    %broadcast_in_dim3A_857 = arith.constant 0.000000e+00 : f32
    %broadcast_in_dim3A_858 = vector.broadcast %broadcast_in_dim3A_857 : f32 to vector<16xf32>
    %swap3A_859 = arith.constant 13 : i32
    %swap3A_860 = arith.index_cast %swap3A_859 : i32 to index
    %swap3A_861 = arith.constant 48 : index
    %swap3A_862 = tpu.vector_load %arg7[%swap3A_860, %swap3A_861] {strides = array<i32>} : memref<16x128xf32, #tpu.memory_space<vmem>>, vector<1x16xf32>,
    %swap3A_863 = vector.shape_cast %swap3A_862 : vector<1x16xf32> to vector<16xf32>
    %swap3A_864 = vector.shape_cast %broadcast_in_dim3A_858 : vector<16xf32> to vector<1x16xf32>
    tpu.vector_store %arg7[%swap3A_860, %swap3A_861], %swap3A_864 {strides = array<i32>} : memref<16x128xf32, #tpu.memory_space<vmem>>, vector<1x16xf32>,
    %broadcast_in_dim3A_865 = arith.constant 0.000000e+00 : f32
    %broadcast_in_dim3A_866 = vector.broadcast %broadcast_in_dim3A_865 : f32 to vector<16xf32>
    %swap3A_867 = arith.constant 13 : i32
    %swap3A_868 = arith.index_cast %swap3A_867 : i32 to index
    %swap3A_869 = arith.constant 64 : index
    %swap3A_870 = tpu.vector_load %arg7[%swap3A_868, %swap3A_869] {strides = array<i32>} : memref<16x128xf32, #tpu.memory_space<vmem>>, vector<1x16xf32>,
    %swap3A_871 = vector.shape_cast %swap3A_870 : vector<1x16xf32> to vector<16xf32>
    %swap3A_872 = vector.shape_cast %broadcast_in_dim3A_866 : vector<16xf32> to vector<1x16xf32>
    tpu.vector_store %arg7[%swap3A_868, %swap3A_869], %swap3A_872 {strides = array<i32>} : memref<16x128xf32, #tpu.memory_space<vmem>>, vector<1x16xf32>,
    %broadcast_in_dim3A_873 = arith.constant 0.000000e+00 : f32
    %broadcast_in_dim3A_874 = vector.broadcast %broadcast_in_dim3A_873 : f32 to vector<16xf32>
    %swap3A_875 = arith.constant 13 : i32
    %swap3A_876 = arith.index_cast %swap3A_875 : i32 to index
    %swap3A_877 = arith.constant 80 : index
    %swap3A_878 = tpu.vector_load %arg7[%swap3A_876, %swap3A_877] {strides = array<i32>} : memref<16x128xf32, #tpu.memory_space<vmem>>, vector<1x16xf32>,
    %swap3A_879 = vector.shape_cast %swap3A_878 : vector<1x16xf32> to vector<16xf32>
    %swap3A_880 = vector.shape_cast %broadcast_in_dim3A_874 : vector<16xf32> to vector<1x16xf32>
    tpu.vector_store %arg7[%swap3A_876, %swap3A_877], %swap3A_880 {strides = array<i32>} : memref<16x128xf32, #tpu.memory_space<vmem>>, vector<1x16xf32>,
    %broadcast_in_dim3A_881 = arith.constant 0.000000e+00 : f32
    %broadcast_in_dim3A_882 = vector.broadcast %broadcast_in_dim3A_881 : f32 to vector<16xf32>
    %swap3A_883 = arith.constant 13 : i32
    %swap3A_884 = arith.index_cast %swap3A_883 : i32 to index
    %swap3A_885 = arith.constant 96 : index
    %swap3A_886 = tpu.vector_load %arg7[%swap3A_884, %swap3A_885] {strides = array<i32>} : memref<16x128xf32, #tpu.memory_space<vmem>>, vector<1x16xf32>,
    %swap3A_887 = vector.shape_cast %swap3A_886 : vector<1x16xf32> to vector<16xf32>
    %swap3A_888 = vector.shape_cast %broadcast_in_dim3A_882 : vector<16xf32> to vector<1x16xf32>
    tpu.vector_store %arg7[%swap3A_884, %swap3A_885], %swap3A_888 {strides = array<i32>} : memref<16x128xf32, #tpu.memory_space<vmem>>, vector<1x16xf32>,
    %broadcast_in_dim3A_889 = arith.constant 0.000000e+00 : f32
    %broadcast_in_dim3A_890 = vector.broadcast %broadcast_in_dim3A_889 : f32 to vector<16xf32>
    %swap3A_891 = arith.constant 13 : i32
    %swap3A_892 = arith.index_cast %swap3A_891 : i32 to index
    %swap3A_893 = arith.constant 112 : index
    %swap3A_894 = tpu.vector_load %arg7[%swap3A_892, %swap3A_893] {strides = array<i32>} : memref<16x128xf32, #tpu.memory_space<vmem>>, vector<1x16xf32>,
    %swap3A_895 = vector.shape_cast %swap3A_894 : vector<1x16xf32> to vector<16xf32>
    %swap3A_896 = vector.shape_cast %broadcast_in_dim3A_890 : vector<16xf32> to vector<1x16xf32>
    tpu.vector_store %arg7[%swap3A_892, %swap3A_893], %swap3A_896 {strides = array<i32>} : memref<16x128xf32, #tpu.memory_space<vmem>>, vector<1x16xf32>,
    %broadcast_in_dim3A_897 = arith.constant 0.000000e+00 : f32
    %broadcast_in_dim3A_898 = vector.broadcast %broadcast_in_dim3A_897 : f32 to vector<16xf32>
    %swap3A_899 = arith.constant 14 : i32
    %swap3A_900 = arith.index_cast %swap3A_899 : i32 to index
    %swap3A_901 = arith.constant 0 : index
    %swap3A_902 = tpu.vector_load %arg7[%swap3A_900, %swap3A_901] {strides = array<i32>} : memref<16x128xf32, #tpu.memory_space<vmem>>, vector<1x16xf32>,
    %swap3A_903 = vector.shape_cast %swap3A_902 : vector<1x16xf32> to vector<16xf32>
    %swap3A_904 = vector.shape_cast %broadcast_in_dim3A_898 : vector<16xf32> to vector<1x16xf32>
    tpu.vector_store %arg7[%swap3A_900, %swap3A_901], %swap3A_904 {strides = array<i32>} : memref<16x128xf32, #tpu.memory_space<vmem>>, vector<1x16xf32>,
    %broadcast_in_dim3A_905 = arith.constant 0.000000e+00 : f32
    %broadcast_in_dim3A_906 = vector.broadcast %broadcast_in_dim3A_905 : f32 to vector<16xf32>
    %swap3A_907 = arith.constant 14 : i32
    %swap3A_908 = arith.index_cast %swap3A_907 : i32 to index
    %swap3A_909 = arith.constant 16 : index
    %swap3A_910 = tpu.vector_load %arg7[%swap3A_908, %swap3A_909] {strides = array<i32>} : memref<16x128xf32, #tpu.memory_space<vmem>>, vector<1x16xf32>,
    %swap3A_911 = vector.shape_cast %swap3A_910 : vector<1x16xf32> to vector<16xf32>
    %swap3A_912 = vector.shape_cast %broadcast_in_dim3A_906 : vector<16xf32> to vector<1x16xf32>
    tpu.vector_store %arg7[%swap3A_908, %swap3A_909], %swap3A_912 {strides = array<i32>} : memref<16x128xf32, #tpu.memory_space<vmem>>, vector<1x16xf32>,
    %broadcast_in_dim3A_913 = arith.constant 0.000000e+00 : f32
    %broadcast_in_dim3A_914 = vector.broadcast %broadcast_in_dim3A_913 : f32 to vector<16xf32>
    %swap3A_915 = arith.constant 14 : i32
    %swap3A_916 = arith.index_cast %swap3A_915 : i32 to index
    %swap3A_917 = arith.constant 32 : index
    %swap3A_918 = tpu.vector_load %arg7[%swap3A_916, %swap3A_917] {strides = array<i32>} : memref<16x128xf32, #tpu.memory_space<vmem>>, vector<1x16xf32>,
    %swap3A_919 = vector.shape_cast %swap3A_918 : vector<1x16xf32> to vector<16xf32>
    %swap3A_920 = vector.shape_cast %broadcast_in_dim3A_914 : vector<16xf32> to vector<1x16xf32>
    tpu.vector_store %arg7[%swap3A_916, %swap3A_917], %swap3A_920 {strides = array<i32>} : memref<16x128xf32, #tpu.memory_space<vmem>>, vector<1x16xf32>,
    %broadcast_in_dim3A_921 = arith.constant 0.000000e+00 : f32
    %broadcast_in_dim3A_922 = vector.broadcast %broadcast_in_dim3A_921 : f32 to vector<16xf32>
    %swap3A_923 = arith.constant 14 : i32
    %swap3A_924 = arith.index_cast %swap3A_923 : i32 to index
    %swap3A_925 = arith.constant 48 : index
    %swap3A_926 = tpu.vector_load %arg7[%swap3A_924, %swap3A_925] {strides = array<i32>} : memref<16x128xf32, #tpu.memory_space<vmem>>, vector<1x16xf32>,
    %swap3A_927 = vector.shape_cast %swap3A_926 : vector<1x16xf32> to vector<16xf32>
    %swap3A_928 = vector.shape_cast %broadcast_in_dim3A_922 : vector<16xf32> to vector<1x16xf32>
    tpu.vector_store %arg7[%swap3A_924, %swap3A_925], %swap3A_928 {strides = array<i32>} : memref<16x128xf32, #tpu.memory_space<vmem>>, vector<1x16xf32>,
    %broadcast_in_dim3A_929 = arith.constant 0.000000e+00 : f32
    %broadcast_in_dim3A_930 = vector.broadcast %broadcast_in_dim3A_929 : f32 to vector<16xf32>
    %swap3A_931 = arith.constant 14 : i32
    %swap3A_932 = arith.index_cast %swap3A_931 : i32 to index
    %swap3A_933 = arith.constant 64 : index
    %swap3A_934 = tpu.vector_load %arg7[%swap3A_932, %swap3A_933] {strides = array<i32>} : memref<16x128xf32, #tpu.memory_space<vmem>>, vector<1x16xf32>,
    %swap3A_935 = vector.shape_cast %swap3A_934 : vector<1x16xf32> to vector<16xf32>
    %swap3A_936 = vector.shape_cast %broadcast_in_dim3A_930 : vector<16xf32> to vector<1x16xf32>
    tpu.vector_store %arg7[%swap3A_932, %swap3A_933], %swap3A_936 {strides = array<i32>} : memref<16x128xf32, #tpu.memory_space<vmem>>, vector<1x16xf32>,
    %broadcast_in_dim3A_937 = arith.constant 0.000000e+00 : f32
    %broadcast_in_dim3A_938 = vector.broadcast %broadcast_in_dim3A_937 : f32 to vector<16xf32>
    %swap3A_939 = arith.constant 14 : i32
    %swap3A_940 = arith.index_cast %swap3A_939 : i32 to index
    %swap3A_941 = arith.constant 80 : index
    %swap3A_942 = tpu.vector_load %arg7[%swap3A_940, %swap3A_941] {strides = array<i32>} : memref<16x128xf32, #tpu.memory_space<vmem>>, vector<1x16xf32>,
    %swap3A_943 = vector.shape_cast %swap3A_942 : vector<1x16xf32> to vector<16xf32>
    %swap3A_944 = vector.shape_cast %broadcast_in_dim3A_938 : vector<16xf32> to vector<1x16xf32>
    tpu.vector_store %arg7[%swap3A_940, %swap3A_941], %swap3A_944 {strides = array<i32>} : memref<16x128xf32, #tpu.memory_space<vmem>>, vector<1x16xf32>,
    %broadcast_in_dim3A_945 = arith.constant 0.000000e+00 : f32
    %broadcast_in_dim3A_946 = vector.broadcast %broadcast_in_dim3A_945 : f32 to vector<16xf32>
    %swap3A_947 = arith.constant 14 : i32
    %swap3A_948 = arith.index_cast %swap3A_947 : i32 to index
    %swap3A_949 = arith.constant 96 : index
    %swap3A_950 = tpu.vector_load %arg7[%swap3A_948, %swap3A_949] {strides = array<i32>} : memref<16x128xf32, #tpu.memory_space<vmem>>, vector<1x16xf32>,
    %swap3A_951 = vector.shape_cast %swap3A_950 : vector<1x16xf32> to vector<16xf32>
    %swap3A_952 = vector.shape_cast %broadcast_in_dim3A_946 : vector<16xf32> to vector<1x16xf32>
    tpu.vector_store %arg7[%swap3A_948, %swap3A_949], %swap3A_952 {strides = array<i32>} : memref<16x128xf32, #tpu.memory_space<vmem>>, vector<1x16xf32>,
    %broadcast_in_dim3A_953 = arith.constant 0.000000e+00 : f32
    %broadcast_in_dim3A_954 = vector.broadcast %broadcast_in_dim3A_953 : f32 to vector<16xf32>
    %swap3A_955 = arith.constant 14 : i32
    %swap3A_956 = arith.index_cast %swap3A_955 : i32 to index
    %swap3A_957 = arith.constant 112 : index
    %swap3A_958 = tpu.vector_load %arg7[%swap3A_956, %swap3A_957] {strides = array<i32>} : memref<16x128xf32, #tpu.memory_space<vmem>>, vector<1x16xf32>,
    %swap3A_959 = vector.shape_cast %swap3A_958 : vector<1x16xf32> to vector<16xf32>
    %swap3A_960 = vector.shape_cast %broadcast_in_dim3A_954 : vector<16xf32> to vector<1x16xf32>
    tpu.vector_store %arg7[%swap3A_956, %swap3A_957], %swap3A_960 {strides = array<i32>} : memref<16x128xf32, #tpu.memory_space<vmem>>, vector<1x16xf32>,
    %broadcast_in_dim3A_961 = arith.constant 0.000000e+00 : f32
    %broadcast_in_dim3A_962 = vector.broadcast %broadcast_in_dim3A_961 : f32 to vector<16xf32>
    %swap3A_963 = arith.constant 15 : i32
    %swap3A_964 = arith.index_cast %swap3A_963 : i32 to index
    %swap3A_965 = arith.constant 0 : index
    %swap3A_966 = tpu.vector_load %arg7[%swap3A_964, %swap3A_965] {strides = array<i32>} : memref<16x128xf32, #tpu.memory_space<vmem>>, vector<1x16xf32>,
    %swap3A_967 = vector.shape_cast %swap3A_966 : vector<1x16xf32> to vector<16xf32>
    %swap3A_968 = vector.shape_cast %broadcast_in_dim3A_962 : vector<16xf32> to vector<1x16xf32>
    tpu.vector_store %arg7[%swap3A_964, %swap3A_965], %swap3A_968 {strides = array<i32>} : memref<16x128xf32, #tpu.memory_space<vmem>>, vector<1x16xf32>,
    %broadcast_in_dim3A_969 = arith.constant 0.000000e+00 : f32
    %broadcast_in_dim3A_970 = vector.broadcast %broadcast_in_dim3A_969 : f32 to vector<16xf32>
    %swap3A_971 = arith.constant 15 : i32
    %swap3A_972 = arith.index_cast %swap3A_971 : i32 to index
    %swap3A_973 = arith.constant 16 : index
    %swap3A_974 = tpu.vector_load %arg7[%swap3A_972, %swap3A_973] {strides = array<i32>} : memref<16x128xf32, #tpu.memory_space<vmem>>, vector<1x16xf32>,
    %swap3A_975 = vector.shape_cast %swap3A_974 : vector<1x16xf32> to vector<16xf32>
    %swap3A_976 = vector.shape_cast %broadcast_in_dim3A_970 : vector<16xf32> to vector<1x16xf32>
    tpu.vector_store %arg7[%swap3A_972, %swap3A_973], %swap3A_976 {strides = array<i32>} : memref<16x128xf32, #tpu.memory_space<vmem>>, vector<1x16xf32>,
    %broadcast_in_dim3A_977 = arith.constant 0.000000e+00 : f32
    %broadcast_in_dim3A_978 = vector.broadcast %broadcast_in_dim3A_977 : f32 to vector<16xf32>
    %swap3A_979 = arith.constant 15 : i32
    %swap3A_980 = arith.index_cast %swap3A_979 : i32 to index
    %swap3A_981 = arith.constant 32 : index
    %swap3A_982 = tpu.vector_load %arg7[%swap3A_980, %swap3A_981] {strides = array<i32>} : memref<16x128xf32, #tpu.memory_space<vmem>>, vector<1x16xf32>,
    %swap3A_983 = vector.shape_cast %swap3A_982 : vector<1x16xf32> to vector<16xf32>
    %swap3A_984 = vector.shape_cast %broadcast_in_dim3A_978 : vector<16xf32> to vector<1x16xf32>
    tpu.vector_store %arg7[%swap3A_980, %swap3A_981], %swap3A_984 {strides = array<i32>} : memref<16x128xf32, #tpu.memory_space<vmem>>, vector<1x16xf32>,
    %broadcast_in_dim3A_985 = arith.constant 0.000000e+00 : f32
    %broadcast_in_dim3A_986 = vector.broadcast %broadcast_in_dim3A_985 : f32 to vector<16xf32>
    %swap3A_987 = arith.constant 15 : i32
    %swap3A_988 = arith.index_cast %swap3A_987 : i32 to index
    %swap3A_989 = arith.constant 48 : index
    %swap3A_990 = tpu.vector_load %arg7[%swap3A_988, %swap3A_989] {strides = array<i32>} : memref<16x128xf32, #tpu.memory_space<vmem>>, vector<1x16xf32>,
    %swap3A_991 = vector.shape_cast %swap3A_990 : vector<1x16xf32> to vector<16xf32>
    %swap3A_992 = vector.shape_cast %broadcast_in_dim3A_986 : vector<16xf32> to vector<1x16xf32>
    tpu.vector_store %arg7[%swap3A_988, %swap3A_989], %swap3A_992 {strides = array<i32>} : memref<16x128xf32, #tpu.memory_space<vmem>>, vector<1x16xf32>,
    %broadcast_in_dim3A_993 = arith.constant 0.000000e+00 : f32
    %broadcast_in_dim3A_994 = vector.broadcast %broadcast_in_dim3A_993 : f32 to vector<16xf32>
    %swap3A_995 = arith.constant 15 : i32
    %swap3A_996 = arith.index_cast %swap3A_995 : i32 to index
    %swap3A_997 = arith.constant 64 : index
    %swap3A_998 = tpu.vector_load %arg7[%swap3A_996, %swap3A_997] {strides = array<i32>} : memref<16x128xf32, #tpu.memory_space<vmem>>, vector<1x16xf32>,
    %swap3A_999 = vector.shape_cast %swap3A_998 : vector<1x16xf32> to vector<16xf32>
    %swap3A_1000 = vector.shape_cast %broadcast_in_dim3A_994 : vector<16xf32> to vector<1x16xf32>
    tpu.vector_store %arg7[%swap3A_996, %swap3A_997], %swap3A_1000 {strides = array<i32>} : memref<16x128xf32, #tpu.memory_space<vmem>>, vector<1x16xf32>,
    %broadcast_in_dim3A_1001 = arith.constant 0.000000e+00 : f32
    %broadcast_in_dim3A_1002 = vector.broadcast %broadcast_in_dim3A_1001 : f32 to vector<16xf32>
    %swap3A_1003 = arith.constant 15 : i32
    %swap3A_1004 = arith.index_cast %swap3A_1003 : i32 to index
    %swap3A_1005 = arith.constant 80 : index
    %swap3A_1006 = tpu.vector_load %arg7[%swap3A_1004, %swap3A_1005] {strides = array<i32>} : memref<16x128xf32, #tpu.memory_space<vmem>>, vector<1x16xf32>,
    %swap3A_1007 = vector.shape_cast %swap3A_1006 : vector<1x16xf32> to vector<16xf32>
    %swap3A_1008 = vector.shape_cast %broadcast_in_dim3A_1002 : vector<16xf32> to vector<1x16xf32>
    tpu.vector_store %arg7[%swap3A_1004, %swap3A_1005], %swap3A_1008 {strides = array<i32>} : memref<16x128xf32, #tpu.memory_space<vmem>>, vector<1x16xf32>,
    %broadcast_in_dim3A_1009 = arith.constant 0.000000e+00 : f32
    %broadcast_in_dim3A_1010 = vector.broadcast %broadcast_in_dim3A_1009 : f32 to vector<16xf32>
    %swap3A_1011 = arith.constant 15 : i32
    %swap3A_1012 = arith.index_cast %swap3A_1011 : i32 to index
    %swap3A_1013 = arith.constant 96 : index
    %swap3A_1014 = tpu.vector_load %arg7[%swap3A_1012, %swap3A_1013] {strides = array<i32>} : memref<16x128xf32, #tpu.memory_space<vmem>>, vector<1x16xf32>,
    %swap3A_1015 = vector.shape_cast %swap3A_1014 : vector<1x16xf32> to vector<16xf32>
    %swap3A_1016 = vector.shape_cast %broadcast_in_dim3A_1010 : vector<16xf32> to vector<1x16xf32>
    tpu.vector_store %arg7[%swap3A_1012, %swap3A_1013], %swap3A_1016 {strides = array<i32>} : memref<16x128xf32, #tpu.memory_space<vmem>>, vector<1x16xf32>,
    %broadcast_in_dim3A_1017 = arith.constant 0.000000e+00 : f32
    %broadcast_in_dim3A_1018 = vector.broadcast %broadcast_in_dim3A_1017 : f32 to vector<16xf32>
    %swap3A_1019 = arith.constant 15 : i32
    %swap3A_1020 = arith.index_cast %swap3A_1019 : i32 to index
    %swap3A_1021 = arith.constant 112 : index
    %swap3A_1022 = tpu.vector_load %arg7[%swap3A_1020, %swap3A_1021] {strides = array<i32>} : memref<16x128xf32, #tpu.memory_space<vmem>>, vector<1x16xf32>,
    %swap3A_1023 = vector.shape_cast %swap3A_1022 : vector<1x16xf32> to vector<16xf32>
    %swap3A_1024 = vector.shape_cast %broadcast_in_dim3A_1018 : vector<16xf32> to vector<1x16xf32>
    tpu.vector_store %arg7[%swap3A_1020, %swap3A_1021], %swap3A_1024 {strides = array<i32>} : memref<16x128xf32, #tpu.memory_space<vmem>>, vector<1x16xf32>,
    %eq3A = arith.constant 15 : i32
    %eq3A_1025 = arith.cmpi eq, %arg1, %eq3A : i32
    %jit3A = arith.constant 25 : i32
    %jit3A_1026 = arith.constant 40 : i32
    %select_n3A = arith.select %eq3A_1025, %jit3A, %jit3A_1026 : i32
    %while3A = arith.constant 0 : i32
    %while3A_1027 = arith.constant 0 : i32
    %while3A_1028 = arith.subi %select_n3A, %while3A_1027 : i32
    %while3A_1029 = arith.addi %while3A_1027, %while3A_1028 : i32
    %while3A_1030 = arith.constant 1 : i32
    %while3A_1031 = arith.divsi %while3A_1028, %while3A_1030 : i32
    %while3A_1032 = arith.muli %while3A_1031, %while3A_1030 : i32
    %while3A_1033 = arith.addi %while3A_1027, %while3A_1032 : i32
    %while3A_1034 = arith.constant 1 : i32
    scf.for %while3A_1055 = %while3A_1027 to %while3A_1033 step %while3A_1034  : i32 {
      %mul3A_1056 = arith.constant 16 : i32
      %mul3A_1057 = arith.muli %while3A_1055, %mul3A_1056 : i32
      %add3A_1058 = arith.addi %multiple_of3A, %mul3A_1057 : i32
      "tpu.region"() ({
        %run_scoped3A = tpu.sem_alloc : memref<!tpu.dma_semaphore, #tpu.memory_space<semaphore_mem>>
        %dma_start3A = arith.constant 0 : i32
        %dma_start3A_1059 = tpu.memref_slice %arg8[%add3A_1058, %dma_start3A] : memref<10000x128xf32, #tpu.memory_space<vmem_shared>> -> memref<16x128xf32, #tpu.memory_space<vmem_shared>>
        %dma_start3A_1060 = arith.constant 0 : i32
        %dma_start3A_1061 = tpu.memref_slice %arg8[%add3A_1058, %dma_start3A_1060] : memref<10000x128xf32, #tpu.memory_space<vmem_shared>> -> memref<16x128xf32, #tpu.memory_space<vmem_shared>>
        tpu.enqueue_dma source(%arg7 : memref<16x128xf32, #tpu.memory_space<vmem>>) target(%dma_start3A_1061 : memref<16x128xf32, #tpu.memory_space<vmem_shared>>) target_semaphore(%run_scoped3A : memref<!tpu.dma_semaphore, #tpu.memory_space<semaphore_mem>>)
        %dma_wait3A = arith.constant 0 : i32
        %dma_wait3A_1062 = tpu.memref_slice %arg8[%add3A_1058, %dma_wait3A] : memref<10000x128xf32, #tpu.memory_space<vmem_shared>> -> memref<16x128xf32, #tpu.memory_space<vmem_shared>>
        %dma_wait3A_1063 = arith.constant 0 : i32
        %dma_wait3A_1064 = tpu.memref_slice %arg8[%add3A_1058, %dma_wait3A_1063] : memref<10000x128xf32, #tpu.memory_space<vmem_shared>> -> memref<16x128xf32, #tpu.memory_space<vmem_shared>>
        tpu.wait_dma2 semaphore(%run_scoped3A : memref<!tpu.dma_semaphore, #tpu.memory_space<semaphore_mem>>) src(%arg7 : memref<16x128xf32, #tpu.memory_space<vmem>>) dst(%dma_wait3A_1064 : memref<16x128xf32, #tpu.memory_space<vmem_shared>>)
        tpu.yield
      }) : () -> ()
    }
    %while3A_1035 = arith.constant 1 : i32
    scf.for %while3A_1055 = %while3A_1033 to %while3A_1029 step %while3A_1035  : i32 {
      %mul3A_1056 = arith.constant 16 : i32
      %mul3A_1057 = arith.muli %while3A_1055, %mul3A_1056 : i32
      %add3A_1058 = arith.addi %multiple_of3A, %mul3A_1057 : i32
      "tpu.region"() ({
        %run_scoped3A = tpu.sem_alloc : memref<!tpu.dma_semaphore, #tpu.memory_space<semaphore_mem>>
        %dma_start3A = arith.constant 0 : i32
        %dma_start3A_1059 = tpu.memref_slice %arg8[%add3A_1058, %dma_start3A] : memref<10000x128xf32, #tpu.memory_space<vmem_shared>> -> memref<16x128xf32, #tpu.memory_space<vmem_shared>>
        %dma_start3A_1060 = arith.constant 0 : i32
        %dma_start3A_1061 = tpu.memref_slice %arg8[%add3A_1058, %dma_start3A_1060] : memref<10000x128xf32, #tpu.memory_space<vmem_shared>> -> memref<16x128xf32, #tpu.memory_space<vmem_shared>>
        tpu.enqueue_dma source(%arg7 : memref<16x128xf32, #tpu.memory_space<vmem>>) target(%dma_start3A_1061 : memref<16x128xf32, #tpu.memory_space<vmem_shared>>) target_semaphore(%run_scoped3A : memref<!tpu.dma_semaphore, #tpu.memory_space<semaphore_mem>>)
        %dma_wait3A = arith.constant 0 : i32
        %dma_wait3A_1062 = tpu.memref_slice %arg8[%add3A_1058, %dma_wait3A] : memref<10000x128xf32, #tpu.memory_space<vmem_shared>> -> memref<16x128xf32, #tpu.memory_space<vmem_shared>>
        %dma_wait3A_1063 = arith.constant 0 : i32
        %dma_wait3A_1064 = tpu.memref_slice %arg8[%add3A_1058, %dma_wait3A_1063] : memref<10000x128xf32, #tpu.memory_space<vmem_shared>> -> memref<16x128xf32, #tpu.memory_space<vmem_shared>>
        tpu.wait_dma2 semaphore(%run_scoped3A : memref<!tpu.dma_semaphore, #tpu.memory_space<semaphore_mem>>) src(%arg7 : memref<16x128xf32, #tpu.memory_space<vmem>>) dst(%dma_wait3A_1064 : memref<16x128xf32, #tpu.memory_space<vmem_shared>>)
        tpu.yield
      }) : () -> ()
    }
    %barrier3A = arith.constant 0 : index
    tpu.barrier barrier_id(%barrier3A)
    %scan3A = arith.constant 0 : i32
    %scan3A_1036 = arith.constant 0 : i32
    %scan3A_1037 = arith.constant 40 : i32
    %scan3A_1038 = arith.addi %scan3A_1036, %scan3A_1037 : i32
    %scan3A_1039 = arith.constant 1 : i32
    scf.for %scan3A_1055 = %scan3A_1036 to %scan3A_1038 step %scan3A_1039  : i32 {
      "tpu.region"() ({
        %run_scoped3A = tpu.sem_alloc : memref<!tpu.dma_semaphore, #tpu.memory_space<semaphore_mem>>
        %dma_start3A = arith.constant 0 : i32
        %dma_start3A_1056 = tpu.memref_slice %arg5[%scan3A_1055, %dma_start3A] : memref<40x125xi32, #tpu.memory_space<vmem>> -> memref<1x125xi32, #tpu.memory_space<vmem>>
        %dma_start3A_1057 = tpu.memref_squeeze %dma_start3A_1056 : memref<1x125xi32, #tpu.memory_space<vmem>> -> memref<125xi32, #tpu.memory_space<vmem>>
        %dma_start3A_1058 = arith.constant 0 : i32
        %dma_start3A_1059 = arith.constant 0 : i32
        %dma_start3A_1060 = tpu.memref_slice %arg8[%dma_start3A_1058, %dma_start3A_1059] : memref<10000x128xf32, #tpu.memory_space<vmem_shared>> -> memref<10000x128xf32, #tpu.memory_space<vmem_shared>>
        tpu.enqueue_indirect_dma source(%arg6 : memref<125x128xf32, #tpu.memory_space<vmem>>) target(%dma_start3A_1060 : memref<10000x128xf32, #tpu.memory_space<vmem_shared>>) offsets(%dma_start3A_1057 : memref<125xi32, #tpu.memory_space<vmem>>) semaphore(%run_scoped3A : memref<!tpu.dma_semaphore, #tpu.memory_space<semaphore_mem>>) {add = true}
        %dma_wait3A = arith.constant 0 : i32
        %dma_wait3A_1061 = tpu.memref_slice %arg5[%scan3A_1055, %dma_wait3A] : memref<40x125xi32, #tpu.memory_space<vmem>> -> memref<1x125xi32, #tpu.memory_space<vmem>>
        %dma_wait3A_1062 = tpu.memref_squeeze %dma_wait3A_1061 : memref<1x125xi32, #tpu.memory_space<vmem>> -> memref<125xi32, #tpu.memory_space<vmem>>
        %dma_wait3A_1063 = arith.constant 0 : i32
        %dma_wait3A_1064 = arith.constant 0 : i32
        %dma_wait3A_1065 = tpu.memref_slice %arg8[%dma_wait3A_1063, %dma_wait3A_1064] : memref<10000x128xf32, #tpu.memory_space<vmem_shared>> -> memref<10000x128xf32, #tpu.memory_space<vmem_shared>>
        tpu.wait_indirect_dma semaphore(%run_scoped3A : memref<!tpu.dma_semaphore, #tpu.memory_space<semaphore_mem>>) src(%arg6 : memref<125x128xf32, #tpu.memory_space<vmem>>) dst(%dma_wait3A_1065 : memref<10000x128xf32, #tpu.memory_space<vmem_shared>>)
        tpu.yield
      }) : () -> ()
    }
    %scan3A_1040 = arith.constant 40 : i32
    %barrier3A_1041 = arith.constant 0 : index
    tpu.barrier barrier_id(%barrier3A_1041)
    %mul3A_1042 = arith.constant 10000 : i32
    %mul3A_1043 = arith.muli %arg0, %mul3A_1042 : i32
    %mul3A_1044 = arith.constant 640 : i32
    %mul3A_1045 = arith.muli %arg1, %mul3A_1044 : i32
    %add3A_1046 = arith.addi %mul3A_1043, %mul3A_1045 : i32
    %multiple_of3A_1047 = tpu.assume_multiple %add3A_1046, 8 : i32
    %lt3A = arith.constant 15 : i32
    %lt3A_1048 = arith.cmpi slt, %arg1, %lt3A : i32
    %convert_element_type3A = arith.extui %lt3A_1048 : i1 to i32
    %cond3A = arith.constant 0 : i32
    %cond3A_1049 = arith.cmpi ne, %convert_element_type3A, %cond3A : i32
    scf.if %cond3A_1049 {
      "tpu.region"() ({
        %run_scoped3A = tpu.sem_alloc : memref<!tpu.dma_semaphore, #tpu.memory_space<semaphore_mem>>
        %dma_start3A = arith.constant 0 : i32
        %dma_start3A_1055 = tpu.memref_slice %arg4[%multiple_of3A_1047, %dma_start3A] : memref<20000x128xf32, #tpu.memory_space<hbm>> -> memref<640x128xf32, #tpu.memory_space<hbm>>
        %dma_start3A_1056 = arith.constant 0 : i32
        %dma_start3A_1057 = tpu.memref_slice %arg8[%multiple_of3A, %dma_start3A_1056] : memref<10000x128xf32, #tpu.memory_space<vmem_shared>> -> memref<640x128xf32, #tpu.memory_space<vmem_shared>>
        tpu.enqueue_dma source(%dma_start3A_1057 : memref<640x128xf32, #tpu.memory_space<vmem_shared>>) target(%dma_start3A_1055 : memref<640x128xf32, #tpu.memory_space<hbm>>) target_semaphore(%run_scoped3A : memref<!tpu.dma_semaphore, #tpu.memory_space<semaphore_mem>>)
        %dma_wait3A = arith.constant 0 : i32
        %dma_wait3A_1058 = tpu.memref_slice %arg4[%multiple_of3A_1047, %dma_wait3A] : memref<20000x128xf32, #tpu.memory_space<hbm>> -> memref<640x128xf32, #tpu.memory_space<hbm>>
        %dma_wait3A_1059 = arith.constant 0 : i32
        %dma_wait3A_1060 = tpu.memref_slice %arg8[%multiple_of3A, %dma_wait3A_1059] : memref<10000x128xf32, #tpu.memory_space<vmem_shared>> -> memref<640x128xf32, #tpu.memory_space<vmem_shared>>
        tpu.wait_dma2 semaphore(%run_scoped3A : memref<!tpu.dma_semaphore, #tpu.memory_space<semaphore_mem>>) src(%dma_wait3A_1060 : memref<640x128xf32, #tpu.memory_space<vmem_shared>>) dst(%dma_wait3A_1058 : memref<640x128xf32, #tpu.memory_space<hbm>>)
        tpu.yield
      }) : () -> ()
    } else {
    }
    %eq3A_1050 = arith.constant 15 : i32
    %eq3A_1051 = arith.cmpi eq, %arg1, %eq3A_1050 : i32
    %convert_element_type3A_1052 = arith.extui %eq3A_1051 : i1 to i32
    %cond3A_1053 = arith.constant 0 : i32
    %cond3A_1054 = arith.cmpi ne, %convert_element_type3A_1052, %cond3A_1053 : i32
    scf.if %cond3A_1054 {
      "tpu.region"() ({
        %run_scoped3A = tpu.sem_alloc : memref<!tpu.dma_semaphore, #tpu.memory_space<semaphore_mem>>
        %dma_start3A = arith.constant 0 : i32
        %dma_start3A_1055 = tpu.memref_slice %arg4[%multiple_of3A_1047, %dma_start3A] : memref<20000x128xf32, #tpu.memory_space<hbm>> -> memref<400x128xf32, #tpu.memory_space<hbm>>
        %dma_start3A_1056 = arith.constant 0 : i32
        %dma_start3A_1057 = tpu.memref_slice %arg8[%multiple_of3A, %dma_start3A_1056] : memref<10000x128xf32, #tpu.memory_space<vmem_shared>> -> memref<400x128xf32, #tpu.memory_space<vmem_shared>>
        tpu.enqueue_dma source(%dma_start3A_1057 : memref<400x128xf32, #tpu.memory_space<vmem_shared>>) target(%dma_start3A_1055 : memref<400x128xf32, #tpu.memory_space<hbm>>) target_semaphore(%run_scoped3A : memref<!tpu.dma_semaphore, #tpu.memory_space<semaphore_mem>>)
        %dma_wait3A = arith.constant 0 : i32
        %dma_wait3A_1058 = tpu.memref_slice %arg4[%multiple_of3A_1047, %dma_wait3A] : memref<20000x128xf32, #tpu.memory_space<hbm>> -> memref<400x128xf32, #tpu.memory_space<hbm>>
        %dma_wait3A_1059 = arith.constant 0 : i32
        %dma_wait3A_1060 = tpu.memref_slice %arg8[%multiple_of3A, %dma_wait3A_1059] : memref<10000x128xf32, #tpu.memory_space<vmem_shared>> -> memref<400x128xf32, #tpu.memory_space<vmem_shared>>
        tpu.wait_dma2 semaphore(%run_scoped3A : memref<!tpu.dma_semaphore, #tpu.memory_space<semaphore_mem>>) src(%dma_wait3A_1060 : memref<400x128xf32, #tpu.memory_space<vmem_shared>>) dst(%dma_wait3A_1058 : memref<400x128xf32, #tpu.memory_space<hbm>>)
        tpu.yield
      }) : () -> ()
    } else {
    }
    return
  }
}

#map = affine_map<(d0, d1) -> (0, 0, 0, 0)>
#map1 = affine_map<(d0, d1) -> (0, 0)>
module attributes {stable_mosaic.version = 14 : i64} {
  func.func @_sc_seg_selfinit(%arg0: i32, %arg1: i32, %arg2: memref<32x2x40x125xi32, #tpu.memory_space<hbm>>, %arg3: memref<16x2x40x125xi32, #tpu.memory_space<hbm>>, %arg4: memref<20000x128xf32, #tpu.memory_space<hbm>>, %arg5: memref<20000x128xf32, #tpu.memory_space<hbm>>, %arg6: memref<40x125xi32, #tpu.memory_space<vmem>>, %arg7: memref<40x125xi32, #tpu.memory_space<vmem>>, %arg8: memref<2x125x128xf32, #tpu.memory_space<vmem>>, %arg9: memref<10000x128xf32, #tpu.memory_space<vmem_shared>>, %arg10: memref<!tpu.dma_semaphore, #tpu.memory_space<semaphore_mem>>, %arg11: memref<!tpu.dma_semaphore, #tpu.memory_space<semaphore_mem>>) attributes {dimension_semantics = [#tpu.dimension_semantics<core_parallel>, #tpu.dimension_semantics<subcore_parallel>], iteration_bounds = array<i64: 2, 16>, scalar_prefetch = 0 : i64, scratch_operands = 6 : i64, tpu.core_type = #tpu.core_type<sc_vector_subcore>, window_params = [{transform_indices = #map}, {transform_indices = #map}, {transform_indices = #map1}, {transform_indices = #map1}]} {
    %mul3A = arith.constant 16 : i32
    %mul3A_0 = arith.muli %arg0, %mul3A : i32
    %add3A = arith.addi %mul3A_0, %arg1 : i32
    %mul3A_1 = arith.constant 640 : i32
    %mul3A_2 = arith.muli %arg1, %mul3A_1 : i32
    %multiple_of3A = tpu.assume_multiple %mul3A_2, 8 : i32
    %mul3A_3 = arith.constant 10000 : i32
    %mul3A_4 = arith.muli %arg0, %mul3A_3 : i32
    %mul3A_5 = arith.constant 640 : i32
    %mul3A_6 = arith.muli %arg1, %mul3A_5 : i32
    %add3A_7 = arith.addi %mul3A_4, %mul3A_6 : i32
    %multiple_of3A_8 = tpu.assume_multiple %add3A_7, 8 : i32
    %lt3A = arith.constant 15 : i32
    %lt3A_9 = arith.cmpi slt, %arg1, %lt3A : i32
    %convert_element_type3A = arith.extui %lt3A_9 : i1 to i32
    %cond3A = arith.constant 0 : i32
    %cond3A_10 = arith.cmpi ne, %convert_element_type3A, %cond3A : i32
    scf.if %cond3A_10 {
      "tpu.region"() ({
        %run_scoped3A_63 = tpu.sem_alloc : memref<!tpu.dma_semaphore, #tpu.memory_space<semaphore_mem>>
        %dma_start3A_64 = arith.constant 0 : i32
        %dma_start3A_65 = tpu.memref_slice %arg9[%multiple_of3A, %dma_start3A_64] : memref<10000x128xf32, #tpu.memory_space<vmem_shared>> -> memref<640x128xf32, #tpu.memory_space<vmem_shared>>
        %dma_start3A_66 = arith.constant 0 : i32
        %dma_start3A_67 = tpu.memref_slice %arg4[%multiple_of3A_8, %dma_start3A_66] : memref<20000x128xf32, #tpu.memory_space<hbm>> -> memref<640x128xf32, #tpu.memory_space<hbm>>
        tpu.enqueue_dma source(%dma_start3A_67 : memref<640x128xf32, #tpu.memory_space<hbm>>) target(%dma_start3A_65 : memref<640x128xf32, #tpu.memory_space<vmem_shared>>) target_semaphore(%run_scoped3A_63 : memref<!tpu.dma_semaphore, #tpu.memory_space<semaphore_mem>>)
        %dma_wait3A = arith.constant 0 : i32
        %dma_wait3A_68 = tpu.memref_slice %arg9[%multiple_of3A, %dma_wait3A] : memref<10000x128xf32, #tpu.memory_space<vmem_shared>> -> memref<640x128xf32, #tpu.memory_space<vmem_shared>>
        %dma_wait3A_69 = arith.constant 0 : i32
        %dma_wait3A_70 = tpu.memref_slice %arg4[%multiple_of3A_8, %dma_wait3A_69] : memref<20000x128xf32, #tpu.memory_space<hbm>> -> memref<640x128xf32, #tpu.memory_space<hbm>>
        tpu.wait_dma2 semaphore(%run_scoped3A_63 : memref<!tpu.dma_semaphore, #tpu.memory_space<semaphore_mem>>) src(%dma_wait3A_70 : memref<640x128xf32, #tpu.memory_space<hbm>>) dst(%dma_wait3A_68 : memref<640x128xf32, #tpu.memory_space<vmem_shared>>)
        tpu.yield
      }) : () -> ()
    } else {
    }
    %eq3A = arith.constant 15 : i32
    %eq3A_11 = arith.cmpi eq, %arg1, %eq3A : i32
    %convert_element_type3A_12 = arith.extui %eq3A_11 : i1 to i32
    %cond3A_13 = arith.constant 0 : i32
    %cond3A_14 = arith.cmpi ne, %convert_element_type3A_12, %cond3A_13 : i32
    scf.if %cond3A_14 {
      "tpu.region"() ({
        %run_scoped3A_63 = tpu.sem_alloc : memref<!tpu.dma_semaphore, #tpu.memory_space<semaphore_mem>>
        %dma_start3A_64 = arith.constant 0 : i32
        %dma_start3A_65 = tpu.memref_slice %arg9[%multiple_of3A, %dma_start3A_64] : memref<10000x128xf32, #tpu.memory_space<vmem_shared>> -> memref<400x128xf32, #tpu.memory_space<vmem_shared>>
        %dma_start3A_66 = arith.constant 0 : i32
        %dma_start3A_67 = tpu.memref_slice %arg4[%multiple_of3A_8, %dma_start3A_66] : memref<20000x128xf32, #tpu.memory_space<hbm>> -> memref<400x128xf32, #tpu.memory_space<hbm>>
        tpu.enqueue_dma source(%dma_start3A_67 : memref<400x128xf32, #tpu.memory_space<hbm>>) target(%dma_start3A_65 : memref<400x128xf32, #tpu.memory_space<vmem_shared>>) target_semaphore(%run_scoped3A_63 : memref<!tpu.dma_semaphore, #tpu.memory_space<semaphore_mem>>)
        %dma_wait3A = arith.constant 0 : i32
        %dma_wait3A_68 = tpu.memref_slice %arg9[%multiple_of3A, %dma_wait3A] : memref<10000x128xf32, #tpu.memory_space<vmem_shared>> -> memref<400x128xf32, #tpu.memory_space<vmem_shared>>
        %dma_wait3A_69 = arith.constant 0 : i32
        %dma_wait3A_70 = tpu.memref_slice %arg4[%multiple_of3A_8, %dma_wait3A_69] : memref<20000x128xf32, #tpu.memory_space<hbm>> -> memref<400x128xf32, #tpu.memory_space<hbm>>
        tpu.wait_dma2 semaphore(%run_scoped3A_63 : memref<!tpu.dma_semaphore, #tpu.memory_space<semaphore_mem>>) src(%dma_wait3A_70 : memref<400x128xf32, #tpu.memory_space<hbm>>) dst(%dma_wait3A_68 : memref<400x128xf32, #tpu.memory_space<vmem_shared>>)
        tpu.yield
      }) : () -> ()
    } else {
    }
    %barrier3A = arith.constant 0 : index
    tpu.barrier barrier_id(%barrier3A)
    %run_scoped3A = arith.constant 0 : i32
    "tpu.region"() ({
      %run_scoped3A_63 = tpu.sem_alloc : memref<!tpu.dma_semaphore, #tpu.memory_space<semaphore_mem>>
      %dma_start3A_64 = arith.constant 0 : i32
      %dma_start3A_65 = arith.constant 0 : i32
      %dma_start3A_66 = tpu.memref_slice %arg2[%add3A, %run_scoped3A, %dma_start3A_64, %dma_start3A_65] : memref<32x2x40x125xi32, #tpu.memory_space<hbm>> -> memref<1x1x40x125xi32, #tpu.memory_space<hbm>>
      %dma_start3A_67 = tpu.memref_squeeze %dma_start3A_66 : memref<1x1x40x125xi32, #tpu.memory_space<hbm>> -> memref<40x125xi32, #tpu.memory_space<hbm>>
      %dma_start3A_68 = arith.constant 0 : i32
      %dma_start3A_69 = arith.constant 0 : i32
      %dma_start3A_70 = tpu.memref_slice %arg2[%add3A, %run_scoped3A, %dma_start3A_68, %dma_start3A_69] : memref<32x2x40x125xi32, #tpu.memory_space<hbm>> -> memref<1x1x40x125xi32, #tpu.memory_space<hbm>>
      %dma_start3A_71 = tpu.memref_squeeze %dma_start3A_70 : memref<1x1x40x125xi32, #tpu.memory_space<hbm>> -> memref<40x125xi32, #tpu.memory_space<hbm>>
      tpu.enqueue_dma source(%dma_start3A_71 : memref<40x125xi32, #tpu.memory_space<hbm>>) target(%arg6 : memref<40x125xi32, #tpu.memory_space<vmem>>) target_semaphore(%run_scoped3A_63 : memref<!tpu.dma_semaphore, #tpu.memory_space<semaphore_mem>>)
      %dma_wait3A = arith.constant 0 : i32
      %dma_wait3A_72 = arith.constant 0 : i32
      %dma_wait3A_73 = tpu.memref_slice %arg2[%add3A, %run_scoped3A, %dma_wait3A, %dma_wait3A_72] : memref<32x2x40x125xi32, #tpu.memory_space<hbm>> -> memref<1x1x40x125xi32, #tpu.memory_space<hbm>>
      %dma_wait3A_74 = tpu.memref_squeeze %dma_wait3A_73 : memref<1x1x40x125xi32, #tpu.memory_space<hbm>> -> memref<40x125xi32, #tpu.memory_space<hbm>>
      %dma_wait3A_75 = arith.constant 0 : i32
      %dma_wait3A_76 = arith.constant 0 : i32
      %dma_wait3A_77 = tpu.memref_slice %arg2[%add3A, %run_scoped3A, %dma_wait3A_75, %dma_wait3A_76] : memref<32x2x40x125xi32, #tpu.memory_space<hbm>> -> memref<1x1x40x125xi32, #tpu.memory_space<hbm>>
      %dma_wait3A_78 = tpu.memref_squeeze %dma_wait3A_77 : memref<1x1x40x125xi32, #tpu.memory_space<hbm>> -> memref<40x125xi32, #tpu.memory_space<hbm>>
      tpu.wait_dma2 semaphore(%run_scoped3A_63 : memref<!tpu.dma_semaphore, #tpu.memory_space<semaphore_mem>>) src(%dma_wait3A_78 : memref<40x125xi32, #tpu.memory_space<hbm>>) dst(%arg6 : memref<40x125xi32, #tpu.memory_space<vmem>>)
      tpu.yield
    }) : () -> ()
    %run_scoped3A_15 = arith.constant 0 : i32
    "tpu.region"() ({
      %run_scoped3A_63 = tpu.sem_alloc : memref<!tpu.dma_semaphore, #tpu.memory_space<semaphore_mem>>
      %dma_start3A_64 = arith.constant 0 : i32
      %dma_start3A_65 = arith.constant 0 : i32
      %dma_start3A_66 = tpu.memref_slice %arg3[%arg1, %run_scoped3A_15, %dma_start3A_64, %dma_start3A_65] : memref<16x2x40x125xi32, #tpu.memory_space<hbm>> -> memref<1x1x40x125xi32, #tpu.memory_space<hbm>>
      %dma_start3A_67 = tpu.memref_squeeze %dma_start3A_66 : memref<1x1x40x125xi32, #tpu.memory_space<hbm>> -> memref<40x125xi32, #tpu.memory_space<hbm>>
      %dma_start3A_68 = arith.constant 0 : i32
      %dma_start3A_69 = arith.constant 0 : i32
      %dma_start3A_70 = tpu.memref_slice %arg3[%arg1, %run_scoped3A_15, %dma_start3A_68, %dma_start3A_69] : memref<16x2x40x125xi32, #tpu.memory_space<hbm>> -> memref<1x1x40x125xi32, #tpu.memory_space<hbm>>
      %dma_start3A_71 = tpu.memref_squeeze %dma_start3A_70 : memref<1x1x40x125xi32, #tpu.memory_space<hbm>> -> memref<40x125xi32, #tpu.memory_space<hbm>>
      tpu.enqueue_dma source(%dma_start3A_71 : memref<40x125xi32, #tpu.memory_space<hbm>>) target(%arg7 : memref<40x125xi32, #tpu.memory_space<vmem>>) target_semaphore(%run_scoped3A_63 : memref<!tpu.dma_semaphore, #tpu.memory_space<semaphore_mem>>)
      %dma_wait3A = arith.constant 0 : i32
      %dma_wait3A_72 = arith.constant 0 : i32
      %dma_wait3A_73 = tpu.memref_slice %arg3[%arg1, %run_scoped3A_15, %dma_wait3A, %dma_wait3A_72] : memref<16x2x40x125xi32, #tpu.memory_space<hbm>> -> memref<1x1x40x125xi32, #tpu.memory_space<hbm>>
      %dma_wait3A_74 = tpu.memref_squeeze %dma_wait3A_73 : memref<1x1x40x125xi32, #tpu.memory_space<hbm>> -> memref<40x125xi32, #tpu.memory_space<hbm>>
      %dma_wait3A_75 = arith.constant 0 : i32
      %dma_wait3A_76 = arith.constant 0 : i32
      %dma_wait3A_77 = tpu.memref_slice %arg3[%arg1, %run_scoped3A_15, %dma_wait3A_75, %dma_wait3A_76] : memref<16x2x40x125xi32, #tpu.memory_space<hbm>> -> memref<1x1x40x125xi32, #tpu.memory_space<hbm>>
      %dma_wait3A_78 = tpu.memref_squeeze %dma_wait3A_77 : memref<1x1x40x125xi32, #tpu.memory_space<hbm>> -> memref<40x125xi32, #tpu.memory_space<hbm>>
      tpu.wait_dma2 semaphore(%run_scoped3A_63 : memref<!tpu.dma_semaphore, #tpu.memory_space<semaphore_mem>>) src(%dma_wait3A_78 : memref<40x125xi32, #tpu.memory_space<hbm>>) dst(%arg7 : memref<40x125xi32, #tpu.memory_space<vmem>>)
      tpu.yield
    }) : () -> ()
    %dma_start3A = arith.constant 0 : i32
    %dma_start3A_16 = arith.constant 0 : i32
    %dma_start3A_17 = arith.constant 0 : i32
    %dma_start3A_18 = arith.constant 0 : i32
    %dma_start3A_19 = tpu.memref_slice %arg8[%dma_start3A_16, %dma_start3A_17, %dma_start3A_18] : memref<2x125x128xf32, #tpu.memory_space<vmem>> -> memref<1x125x128xf32, #tpu.memory_space<vmem>>
    %dma_start3A_20 = tpu.memref_squeeze %dma_start3A_19 : memref<1x125x128xf32, #tpu.memory_space<vmem>> -> memref<125x128xf32, #tpu.memory_space<vmem>>
    %dma_start3A_21 = arith.constant 0 : i32
    %dma_start3A_22 = tpu.memref_slice %arg6[%dma_start3A, %dma_start3A_21] : memref<40x125xi32, #tpu.memory_space<vmem>> -> memref<1x125xi32, #tpu.memory_space<vmem>>
    %dma_start3A_23 = tpu.memref_squeeze %dma_start3A_22 : memref<1x125xi32, #tpu.memory_space<vmem>> -> memref<125xi32, #tpu.memory_space<vmem>>
    %dma_start3A_24 = arith.constant 0 : i32
    %dma_start3A_25 = arith.constant 0 : i32
    %dma_start3A_26 = tpu.memref_slice %arg4[%dma_start3A_24, %dma_start3A_25] : memref<20000x128xf32, #tpu.memory_space<hbm>> -> memref<20000x128xf32, #tpu.memory_space<hbm>>
    tpu.enqueue_indirect_dma source(%dma_start3A_26 : memref<20000x128xf32, #tpu.memory_space<hbm>>) target(%dma_start3A_20 : memref<125x128xf32, #tpu.memory_space<vmem>>) offsets(%dma_start3A_23 : memref<125xi32, #tpu.memory_space<vmem>>) semaphore(%arg10 : memref<!tpu.dma_semaphore, #tpu.memory_space<semaphore_mem>>)
    %scan3A = arith.constant 0 : i32
    %scan3A_27 = arith.constant 0 : i32
    %scan3A_28 = arith.constant 20 : i32
    %scan3A_29 = arith.addi %scan3A_27, %scan3A_28 : i32
    %scan3A_30 = arith.constant 1 : i32
    scf.for %scan3A_63 = %scan3A_27 to %scan3A_29 step %scan3A_30  : i32 {
      %mul3A_64 = arith.constant 2 : i32
      %mul3A_65 = arith.muli %scan3A_63, %mul3A_64 : i32
      %add3A_66 = arith.constant 0 : i32
      %add3A_67 = arith.addi %mul3A_65, %add3A_66 : i32
      %add3A_68 = arith.constant 1 : i32
      %add3A_69 = arith.addi %add3A_67, %add3A_68 : i32
      %lt3A_70 = arith.constant 40 : i32
      %lt3A_71 = arith.cmpi slt, %add3A_69, %lt3A_70 : i32
      %convert_element_type3A_72 = arith.extui %lt3A_71 : i1 to i32
      %cond3A_73 = arith.constant 0 : i32
      %cond3A_74 = arith.cmpi ne, %convert_element_type3A_72, %cond3A_73 : i32
      scf.if %cond3A_74 {
        %dma_start3A_107 = arith.constant 1 : i32
        %dma_start3A_108 = arith.constant 0 : i32
        %dma_start3A_109 = arith.constant 0 : i32
        %dma_start3A_110 = tpu.memref_slice %arg8[%dma_start3A_107, %dma_start3A_108, %dma_start3A_109] : memref<2x125x128xf32, #tpu.memory_space<vmem>> -> memref<1x125x128xf32, #tpu.memory_space<vmem>>
        %dma_start3A_111 = tpu.memref_squeeze %dma_start3A_110 : memref<1x125x128xf32, #tpu.memory_space<vmem>> -> memref<125x128xf32, #tpu.memory_space<vmem>>
        %dma_start3A_112 = arith.constant 0 : i32
        %dma_start3A_113 = tpu.memref_slice %arg6[%add3A_69, %dma_start3A_112] : memref<40x125xi32, #tpu.memory_space<vmem>> -> memref<1x125xi32, #tpu.memory_space<vmem>>
        %dma_start3A_114 = tpu.memref_squeeze %dma_start3A_113 : memref<1x125xi32, #tpu.memory_space<vmem>> -> memref<125xi32, #tpu.memory_space<vmem>>
        %dma_start3A_115 = arith.constant 0 : i32
        %dma_start3A_116 = arith.constant 0 : i32
        %dma_start3A_117 = tpu.memref_slice %arg4[%dma_start3A_115, %dma_start3A_116] : memref<20000x128xf32, #tpu.memory_space<hbm>> -> memref<20000x128xf32, #tpu.memory_space<hbm>>
        tpu.enqueue_indirect_dma source(%dma_start3A_117 : memref<20000x128xf32, #tpu.memory_space<hbm>>) target(%dma_start3A_111 : memref<125x128xf32, #tpu.memory_space<vmem>>) offsets(%dma_start3A_114 : memref<125xi32, #tpu.memory_space<vmem>>) semaphore(%arg11 : memref<!tpu.dma_semaphore, #tpu.memory_space<semaphore_mem>>)
      } else {
      }
      %dma_wait3A = arith.constant 0 : i32
      %dma_wait3A_75 = arith.constant 0 : i32
      %dma_wait3A_76 = arith.constant 0 : i32
      %dma_wait3A_77 = tpu.memref_slice %arg8[%dma_wait3A, %dma_wait3A_75, %dma_wait3A_76] : memref<2x125x128xf32, #tpu.memory_space<vmem>> -> memref<1x125x128xf32, #tpu.memory_space<vmem>>
      %dma_wait3A_78 = tpu.memref_squeeze %dma_wait3A_77 : memref<1x125x128xf32, #tpu.memory_space<vmem>> -> memref<125x128xf32, #tpu.memory_space<vmem>>
      %dma_wait3A_79 = arith.constant 0 : i32
      %dma_wait3A_80 = tpu.memref_slice %arg6[%add3A_67, %dma_wait3A_79] : memref<40x125xi32, #tpu.memory_space<vmem>> -> memref<1x125xi32, #tpu.memory_space<vmem>>
      %dma_wait3A_81 = tpu.memref_squeeze %dma_wait3A_80 : memref<1x125xi32, #tpu.memory_space<vmem>> -> memref<125xi32, #tpu.memory_space<vmem>>
      %dma_wait3A_82 = arith.constant 0 : i32
      %dma_wait3A_83 = arith.constant 0 : i32
      %dma_wait3A_84 = tpu.memref_slice %arg4[%dma_wait3A_82, %dma_wait3A_83] : memref<20000x128xf32, #tpu.memory_space<hbm>> -> memref<20000x128xf32, #tpu.memory_space<hbm>>
      tpu.wait_indirect_dma semaphore(%arg10 : memref<!tpu.dma_semaphore, #tpu.memory_space<semaphore_mem>>) src(%dma_wait3A_84 : memref<20000x128xf32, #tpu.memory_space<hbm>>) dst(%dma_wait3A_78 : memref<125x128xf32, #tpu.memory_space<vmem>>)
      %run_scoped3A_85 = arith.constant 0 : i32
      "tpu.region"() ({
        %run_scoped3A_107 = tpu.sem_alloc : memref<!tpu.dma_semaphore, #tpu.memory_space<semaphore_mem>>
        %dma_start3A_108 = arith.constant 0 : i32
        %dma_start3A_109 = arith.constant 0 : i32
        %dma_start3A_110 = tpu.memref_slice %arg8[%run_scoped3A_85, %dma_start3A_108, %dma_start3A_109] : memref<2x125x128xf32, #tpu.memory_space<vmem>> -> memref<1x125x128xf32, #tpu.memory_space<vmem>>
        %dma_start3A_111 = tpu.memref_squeeze %dma_start3A_110 : memref<1x125x128xf32, #tpu.memory_space<vmem>> -> memref<125x128xf32, #tpu.memory_space<vmem>>
        %dma_start3A_112 = arith.constant 0 : i32
        %dma_start3A_113 = tpu.memref_slice %arg7[%add3A_67, %dma_start3A_112] : memref<40x125xi32, #tpu.memory_space<vmem>> -> memref<1x125xi32, #tpu.memory_space<vmem>>
        %dma_start3A_114 = tpu.memref_squeeze %dma_start3A_113 : memref<1x125xi32, #tpu.memory_space<vmem>> -> memref<125xi32, #tpu.memory_space<vmem>>
        %dma_start3A_115 = arith.constant 0 : i32
        %dma_start3A_116 = arith.constant 0 : i32
        %dma_start3A_117 = tpu.memref_slice %arg9[%dma_start3A_115, %dma_start3A_116] : memref<10000x128xf32, #tpu.memory_space<vmem_shared>> -> memref<10000x128xf32, #tpu.memory_space<vmem_shared>>
        tpu.enqueue_indirect_dma source(%dma_start3A_111 : memref<125x128xf32, #tpu.memory_space<vmem>>) target(%dma_start3A_117 : memref<10000x128xf32, #tpu.memory_space<vmem_shared>>) offsets(%dma_start3A_114 : memref<125xi32, #tpu.memory_space<vmem>>) semaphore(%run_scoped3A_107 : memref<!tpu.dma_semaphore, #tpu.memory_space<semaphore_mem>>) {add = true}
        %dma_wait3A_118 = arith.constant 0 : i32
        %dma_wait3A_119 = arith.constant 0 : i32
        %dma_wait3A_120 = tpu.memref_slice %arg8[%run_scoped3A_85, %dma_wait3A_118, %dma_wait3A_119] : memref<2x125x128xf32, #tpu.memory_space<vmem>> -> memref<1x125x128xf32, #tpu.memory_space<vmem>>
        %dma_wait3A_121 = tpu.memref_squeeze %dma_wait3A_120 : memref<1x125x128xf32, #tpu.memory_space<vmem>> -> memref<125x128xf32, #tpu.memory_space<vmem>>
        %dma_wait3A_122 = arith.constant 0 : i32
        %dma_wait3A_123 = tpu.memref_slice %arg7[%add3A_67, %dma_wait3A_122] : memref<40x125xi32, #tpu.memory_space<vmem>> -> memref<1x125xi32, #tpu.memory_space<vmem>>
        %dma_wait3A_124 = tpu.memref_squeeze %dma_wait3A_123 : memref<1x125xi32, #tpu.memory_space<vmem>> -> memref<125xi32, #tpu.memory_space<vmem>>
        %dma_wait3A_125 = arith.constant 0 : i32
        %dma_wait3A_126 = arith.constant 0 : i32
        %dma_wait3A_127 = tpu.memref_slice %arg9[%dma_wait3A_125, %dma_wait3A_126] : memref<10000x128xf32, #tpu.memory_space<vmem_shared>> -> memref<10000x128xf32, #tpu.memory_space<vmem_shared>>
        tpu.wait_indirect_dma semaphore(%run_scoped3A_107 : memref<!tpu.dma_semaphore, #tpu.memory_space<semaphore_mem>>) src(%dma_wait3A_121 : memref<125x128xf32, #tpu.memory_space<vmem>>) dst(%dma_wait3A_127 : memref<10000x128xf32, #tpu.memory_space<vmem_shared>>)
        tpu.yield
      }) : () -> ()
      %add3A_86 = arith.constant 1 : i32
      %add3A_87 = arith.addi %mul3A_65, %add3A_86 : i32
      %add3A_88 = arith.constant 1 : i32
      %add3A_89 = arith.addi %add3A_87, %add3A_88 : i32
      %lt3A_90 = arith.constant 40 : i32
      %lt3A_91 = arith.cmpi slt, %add3A_89, %lt3A_90 : i32
      %convert_element_type3A_92 = arith.extui %lt3A_91 : i1 to i32
      %cond3A_93 = arith.constant 0 : i32
      %cond3A_94 = arith.cmpi ne, %convert_element_type3A_92, %cond3A_93 : i32
      scf.if %cond3A_94 {
        %dma_start3A_107 = arith.constant 0 : i32
        %dma_start3A_108 = arith.constant 0 : i32
        %dma_start3A_109 = arith.constant 0 : i32
        %dma_start3A_110 = tpu.memref_slice %arg8[%dma_start3A_107, %dma_start3A_108, %dma_start3A_109] : memref<2x125x128xf32, #tpu.memory_space<vmem>> -> memref<1x125x128xf32, #tpu.memory_space<vmem>>
        %dma_start3A_111 = tpu.memref_squeeze %dma_start3A_110 : memref<1x125x128xf32, #tpu.memory_space<vmem>> -> memref<125x128xf32, #tpu.memory_space<vmem>>
        %dma_start3A_112 = arith.constant 0 : i32
        %dma_start3A_113 = tpu.memref_slice %arg6[%add3A_89, %dma_start3A_112] : memref<40x125xi32, #tpu.memory_space<vmem>> -> memref<1x125xi32, #tpu.memory_space<vmem>>
        %dma_start3A_114 = tpu.memref_squeeze %dma_start3A_113 : memref<1x125xi32, #tpu.memory_space<vmem>> -> memref<125xi32, #tpu.memory_space<vmem>>
        %dma_start3A_115 = arith.constant 0 : i32
        %dma_start3A_116 = arith.constant 0 : i32
        %dma_start3A_117 = tpu.memref_slice %arg4[%dma_start3A_115, %dma_start3A_116] : memref<20000x128xf32, #tpu.memory_space<hbm>> -> memref<20000x128xf32, #tpu.memory_space<hbm>>
        tpu.enqueue_indirect_dma source(%dma_start3A_117 : memref<20000x128xf32, #tpu.memory_space<hbm>>) target(%dma_start3A_111 : memref<125x128xf32, #tpu.memory_space<vmem>>) offsets(%dma_start3A_114 : memref<125xi32, #tpu.memory_space<vmem>>) semaphore(%arg10 : memref<!tpu.dma_semaphore, #tpu.memory_space<semaphore_mem>>)
      } else {
      }
      %dma_wait3A_95 = arith.constant 1 : i32
      %dma_wait3A_96 = arith.constant 0 : i32
      %dma_wait3A_97 = arith.constant 0 : i32
      %dma_wait3A_98 = tpu.memref_slice %arg8[%dma_wait3A_95, %dma_wait3A_96, %dma_wait3A_97] : memref<2x125x128xf32, #tpu.memory_space<vmem>> -> memref<1x125x128xf32, #tpu.memory_space<vmem>>
      %dma_wait3A_99 = tpu.memref_squeeze %dma_wait3A_98 : memref<1x125x128xf32, #tpu.memory_space<vmem>> -> memref<125x128xf32, #tpu.memory_space<vmem>>
      %dma_wait3A_100 = arith.constant 0 : i32
      %dma_wait3A_101 = tpu.memref_slice %arg6[%add3A_87, %dma_wait3A_100] : memref<40x125xi32, #tpu.memory_space<vmem>> -> memref<1x125xi32, #tpu.memory_space<vmem>>
      %dma_wait3A_102 = tpu.memref_squeeze %dma_wait3A_101 : memref<1x125xi32, #tpu.memory_space<vmem>> -> memref<125xi32, #tpu.memory_space<vmem>>
      %dma_wait3A_103 = arith.constant 0 : i32
      %dma_wait3A_104 = arith.constant 0 : i32
      %dma_wait3A_105 = tpu.memref_slice %arg4[%dma_wait3A_103, %dma_wait3A_104] : memref<20000x128xf32, #tpu.memory_space<hbm>> -> memref<20000x128xf32, #tpu.memory_space<hbm>>
      tpu.wait_indirect_dma semaphore(%arg11 : memref<!tpu.dma_semaphore, #tpu.memory_space<semaphore_mem>>) src(%dma_wait3A_105 : memref<20000x128xf32, #tpu.memory_space<hbm>>) dst(%dma_wait3A_99 : memref<125x128xf32, #tpu.memory_space<vmem>>)
      %run_scoped3A_106 = arith.constant 1 : i32
      "tpu.region"() ({
        %run_scoped3A_107 = tpu.sem_alloc : memref<!tpu.dma_semaphore, #tpu.memory_space<semaphore_mem>>
        %dma_start3A_108 = arith.constant 0 : i32
        %dma_start3A_109 = arith.constant 0 : i32
        %dma_start3A_110 = tpu.memref_slice %arg8[%run_scoped3A_106, %dma_start3A_108, %dma_start3A_109] : memref<2x125x128xf32, #tpu.memory_space<vmem>> -> memref<1x125x128xf32, #tpu.memory_space<vmem>>
        %dma_start3A_111 = tpu.memref_squeeze %dma_start3A_110 : memref<1x125x128xf32, #tpu.memory_space<vmem>> -> memref<125x128xf32, #tpu.memory_space<vmem>>
        %dma_start3A_112 = arith.constant 0 : i32
        %dma_start3A_113 = tpu.memref_slice %arg7[%add3A_87, %dma_start3A_112] : memref<40x125xi32, #tpu.memory_space<vmem>> -> memref<1x125xi32, #tpu.memory_space<vmem>>
        %dma_start3A_114 = tpu.memref_squeeze %dma_start3A_113 : memref<1x125xi32, #tpu.memory_space<vmem>> -> memref<125xi32, #tpu.memory_space<vmem>>
        %dma_start3A_115 = arith.constant 0 : i32
        %dma_start3A_116 = arith.constant 0 : i32
        %dma_start3A_117 = tpu.memref_slice %arg9[%dma_start3A_115, %dma_start3A_116] : memref<10000x128xf32, #tpu.memory_space<vmem_shared>> -> memref<10000x128xf32, #tpu.memory_space<vmem_shared>>
        tpu.enqueue_indirect_dma source(%dma_start3A_111 : memref<125x128xf32, #tpu.memory_space<vmem>>) target(%dma_start3A_117 : memref<10000x128xf32, #tpu.memory_space<vmem_shared>>) offsets(%dma_start3A_114 : memref<125xi32, #tpu.memory_space<vmem>>) semaphore(%run_scoped3A_107 : memref<!tpu.dma_semaphore, #tpu.memory_space<semaphore_mem>>) {add = true}
        %dma_wait3A_118 = arith.constant 0 : i32
        %dma_wait3A_119 = arith.constant 0 : i32
        %dma_wait3A_120 = tpu.memref_slice %arg8[%run_scoped3A_106, %dma_wait3A_118, %dma_wait3A_119] : memref<2x125x128xf32, #tpu.memory_space<vmem>> -> memref<1x125x128xf32, #tpu.memory_space<vmem>>
        %dma_wait3A_121 = tpu.memref_squeeze %dma_wait3A_120 : memref<1x125x128xf32, #tpu.memory_space<vmem>> -> memref<125x128xf32, #tpu.memory_space<vmem>>
        %dma_wait3A_122 = arith.constant 0 : i32
        %dma_wait3A_123 = tpu.memref_slice %arg7[%add3A_87, %dma_wait3A_122] : memref<40x125xi32, #tpu.memory_space<vmem>> -> memref<1x125xi32, #tpu.memory_space<vmem>>
        %dma_wait3A_124 = tpu.memref_squeeze %dma_wait3A_123 : memref<1x125xi32, #tpu.memory_space<vmem>> -> memref<125xi32, #tpu.memory_space<vmem>>
        %dma_wait3A_125 = arith.constant 0 : i32
        %dma_wait3A_126 = arith.constant 0 : i32
        %dma_wait3A_127 = tpu.memref_slice %arg9[%dma_wait3A_125, %dma_wait3A_126] : memref<10000x128xf32, #tpu.memory_space<vmem_shared>> -> memref<10000x128xf32, #tpu.memory_space<vmem_shared>>
        tpu.wait_indirect_dma semaphore(%run_scoped3A_107 : memref<!tpu.dma_semaphore, #tpu.memory_space<semaphore_mem>>) src(%dma_wait3A_121 : memref<125x128xf32, #tpu.memory_space<vmem>>) dst(%dma_wait3A_127 : memref<10000x128xf32, #tpu.memory_space<vmem_shared>>)
        tpu.yield
      }) : () -> ()
    }
    %scan3A_31 = arith.constant 20 : i32
    %run_scoped3A_32 = arith.constant 1 : i32
    "tpu.region"() ({
      %run_scoped3A_63 = tpu.sem_alloc : memref<!tpu.dma_semaphore, #tpu.memory_space<semaphore_mem>>
      %dma_start3A_64 = arith.constant 0 : i32
      %dma_start3A_65 = arith.constant 0 : i32
      %dma_start3A_66 = tpu.memref_slice %arg2[%add3A, %run_scoped3A_32, %dma_start3A_64, %dma_start3A_65] : memref<32x2x40x125xi32, #tpu.memory_space<hbm>> -> memref<1x1x40x125xi32, #tpu.memory_space<hbm>>
      %dma_start3A_67 = tpu.memref_squeeze %dma_start3A_66 : memref<1x1x40x125xi32, #tpu.memory_space<hbm>> -> memref<40x125xi32, #tpu.memory_space<hbm>>
      %dma_start3A_68 = arith.constant 0 : i32
      %dma_start3A_69 = arith.constant 0 : i32
      %dma_start3A_70 = tpu.memref_slice %arg2[%add3A, %run_scoped3A_32, %dma_start3A_68, %dma_start3A_69] : memref<32x2x40x125xi32, #tpu.memory_space<hbm>> -> memref<1x1x40x125xi32, #tpu.memory_space<hbm>>
      %dma_start3A_71 = tpu.memref_squeeze %dma_start3A_70 : memref<1x1x40x125xi32, #tpu.memory_space<hbm>> -> memref<40x125xi32, #tpu.memory_space<hbm>>
      tpu.enqueue_dma source(%dma_start3A_71 : memref<40x125xi32, #tpu.memory_space<hbm>>) target(%arg6 : memref<40x125xi32, #tpu.memory_space<vmem>>) target_semaphore(%run_scoped3A_63 : memref<!tpu.dma_semaphore, #tpu.memory_space<semaphore_mem>>)
      %dma_wait3A = arith.constant 0 : i32
      %dma_wait3A_72 = arith.constant 0 : i32
      %dma_wait3A_73 = tpu.memref_slice %arg2[%add3A, %run_scoped3A_32, %dma_wait3A, %dma_wait3A_72] : memref<32x2x40x125xi32, #tpu.memory_space<hbm>> -> memref<1x1x40x125xi32, #tpu.memory_space<hbm>>
      %dma_wait3A_74 = tpu.memref_squeeze %dma_wait3A_73 : memref<1x1x40x125xi32, #tpu.memory_space<hbm>> -> memref<40x125xi32, #tpu.memory_space<hbm>>
      %dma_wait3A_75 = arith.constant 0 : i32
      %dma_wait3A_76 = arith.constant 0 : i32
      %dma_wait3A_77 = tpu.memref_slice %arg2[%add3A, %run_scoped3A_32, %dma_wait3A_75, %dma_wait3A_76] : memref<32x2x40x125xi32, #tpu.memory_space<hbm>> -> memref<1x1x40x125xi32, #tpu.memory_space<hbm>>
      %dma_wait3A_78 = tpu.memref_squeeze %dma_wait3A_77 : memref<1x1x40x125xi32, #tpu.memory_space<hbm>> -> memref<40x125xi32, #tpu.memory_space<hbm>>
      tpu.wait_dma2 semaphore(%run_scoped3A_63 : memref<!tpu.dma_semaphore, #tpu.memory_space<semaphore_mem>>) src(%dma_wait3A_78 : memref<40x125xi32, #tpu.memory_space<hbm>>) dst(%arg6 : memref<40x125xi32, #tpu.memory_space<vmem>>)
      tpu.yield
    }) : () -> ()
    %run_scoped3A_33 = arith.constant 1 : i32
    "tpu.region"() ({
      %run_scoped3A_63 = tpu.sem_alloc : memref<!tpu.dma_semaphore, #tpu.memory_space<semaphore_mem>>
      %dma_start3A_64 = arith.constant 0 : i32
      %dma_start3A_65 = arith.constant 0 : i32
      %dma_start3A_66 = tpu.memref_slice %arg3[%arg1, %run_scoped3A_33, %dma_start3A_64, %dma_start3A_65] : memref<16x2x40x125xi32, #tpu.memory_space<hbm>> -> memref<1x1x40x125xi32, #tpu.memory_space<hbm>>
      %dma_start3A_67 = tpu.memref_squeeze %dma_start3A_66 : memref<1x1x40x125xi32, #tpu.memory_space<hbm>> -> memref<40x125xi32, #tpu.memory_space<hbm>>
      %dma_start3A_68 = arith.constant 0 : i32
      %dma_start3A_69 = arith.constant 0 : i32
      %dma_start3A_70 = tpu.memref_slice %arg3[%arg1, %run_scoped3A_33, %dma_start3A_68, %dma_start3A_69] : memref<16x2x40x125xi32, #tpu.memory_space<hbm>> -> memref<1x1x40x125xi32, #tpu.memory_space<hbm>>
      %dma_start3A_71 = tpu.memref_squeeze %dma_start3A_70 : memref<1x1x40x125xi32, #tpu.memory_space<hbm>> -> memref<40x125xi32, #tpu.memory_space<hbm>>
      tpu.enqueue_dma source(%dma_start3A_71 : memref<40x125xi32, #tpu.memory_space<hbm>>) target(%arg7 : memref<40x125xi32, #tpu.memory_space<vmem>>) target_semaphore(%run_scoped3A_63 : memref<!tpu.dma_semaphore, #tpu.memory_space<semaphore_mem>>)
      %dma_wait3A = arith.constant 0 : i32
      %dma_wait3A_72 = arith.constant 0 : i32
      %dma_wait3A_73 = tpu.memref_slice %arg3[%arg1, %run_scoped3A_33, %dma_wait3A, %dma_wait3A_72] : memref<16x2x40x125xi32, #tpu.memory_space<hbm>> -> memref<1x1x40x125xi32, #tpu.memory_space<hbm>>
      %dma_wait3A_74 = tpu.memref_squeeze %dma_wait3A_73 : memref<1x1x40x125xi32, #tpu.memory_space<hbm>> -> memref<40x125xi32, #tpu.memory_space<hbm>>
      %dma_wait3A_75 = arith.constant 0 : i32
      %dma_wait3A_76 = arith.constant 0 : i32
      %dma_wait3A_77 = tpu.memref_slice %arg3[%arg1, %run_scoped3A_33, %dma_wait3A_75, %dma_wait3A_76] : memref<16x2x40x125xi32, #tpu.memory_space<hbm>> -> memref<1x1x40x125xi32, #tpu.memory_space<hbm>>
      %dma_wait3A_78 = tpu.memref_squeeze %dma_wait3A_77 : memref<1x1x40x125xi32, #tpu.memory_space<hbm>> -> memref<40x125xi32, #tpu.memory_space<hbm>>
      tpu.wait_dma2 semaphore(%run_scoped3A_63 : memref<!tpu.dma_semaphore, #tpu.memory_space<semaphore_mem>>) src(%dma_wait3A_78 : memref<40x125xi32, #tpu.memory_space<hbm>>) dst(%arg7 : memref<40x125xi32, #tpu.memory_space<vmem>>)
      tpu.yield
    }) : () -> ()
    %dma_start3A_34 = arith.constant 0 : i32
    %dma_start3A_35 = arith.constant 0 : i32
    %dma_start3A_36 = arith.constant 0 : i32
    %dma_start3A_37 = arith.constant 0 : i32
    %dma_start3A_38 = tpu.memref_slice %arg8[%dma_start3A_35, %dma_start3A_36, %dma_start3A_37] : memref<2x125x128xf32, #tpu.memory_space<vmem>> -> memref<1x125x128xf32, #tpu.memory_space<vmem>>
    %dma_start3A_39 = tpu.memref_squeeze %dma_start3A_38 : memref<1x125x128xf32, #tpu.memory_space<vmem>> -> memref<125x128xf32, #tpu.memory_space<vmem>>
    %dma_start3A_40 = arith.constant 0 : i32
    %dma_start3A_41 = tpu.memref_slice %arg6[%dma_start3A_34, %dma_start3A_40] : memref<40x125xi32, #tpu.memory_space<vmem>> -> memref<1x125xi32, #tpu.memory_space<vmem>>
    %dma_start3A_42 = tpu.memref_squeeze %dma_start3A_41 : memref<1x125xi32, #tpu.memory_space<vmem>> -> memref<125xi32, #tpu.memory_space<vmem>>
    %dma_start3A_43 = arith.constant 0 : i32
    %dma_start3A_44 = arith.constant 0 : i32
    %dma_start3A_45 = tpu.memref_slice %arg4[%dma_start3A_43, %dma_start3A_44] : memref<20000x128xf32, #tpu.memory_space<hbm>> -> memref<20000x128xf32, #tpu.memory_space<hbm>>
    tpu.enqueue_indirect_dma source(%dma_start3A_45 : memref<20000x128xf32, #tpu.memory_space<hbm>>) target(%dma_start3A_39 : memref<125x128xf32, #tpu.memory_space<vmem>>) offsets(%dma_start3A_42 : memref<125xi32, #tpu.memory_space<vmem>>) semaphore(%arg10 : memref<!tpu.dma_semaphore, #tpu.memory_space<semaphore_mem>>)
    %scan3A_46 = arith.constant 0 : i32
    %scan3A_47 = arith.constant 0 : i32
    %scan3A_48 = arith.constant 20 : i32
    %scan3A_49 = arith.addi %scan3A_47, %scan3A_48 : i32
    %scan3A_50 = arith.constant 1 : i32
    scf.for %scan3A_63 = %scan3A_47 to %scan3A_49 step %scan3A_50  : i32 {
      %mul3A_64 = arith.constant 2 : i32
      %mul3A_65 = arith.muli %scan3A_63, %mul3A_64 : i32
      %add3A_66 = arith.constant 0 : i32
      %add3A_67 = arith.addi %mul3A_65, %add3A_66 : i32
      %add3A_68 = arith.constant 1 : i32
      %add3A_69 = arith.addi %add3A_67, %add3A_68 : i32
      %lt3A_70 = arith.constant 40 : i32
      %lt3A_71 = arith.cmpi slt, %add3A_69, %lt3A_70 : i32
      %convert_element_type3A_72 = arith.extui %lt3A_71 : i1 to i32
      %cond3A_73 = arith.constant 0 : i32
      %cond3A_74 = arith.cmpi ne, %convert_element_type3A_72, %cond3A_73 : i32
      scf.if %cond3A_74 {
        %dma_start3A_107 = arith.constant 1 : i32
        %dma_start3A_108 = arith.constant 0 : i32
        %dma_start3A_109 = arith.constant 0 : i32
        %dma_start3A_110 = tpu.memref_slice %arg8[%dma_start3A_107, %dma_start3A_108, %dma_start3A_109] : memref<2x125x128xf32, #tpu.memory_space<vmem>> -> memref<1x125x128xf32, #tpu.memory_space<vmem>>
        %dma_start3A_111 = tpu.memref_squeeze %dma_start3A_110 : memref<1x125x128xf32, #tpu.memory_space<vmem>> -> memref<125x128xf32, #tpu.memory_space<vmem>>
        %dma_start3A_112 = arith.constant 0 : i32
        %dma_start3A_113 = tpu.memref_slice %arg6[%add3A_69, %dma_start3A_112] : memref<40x125xi32, #tpu.memory_space<vmem>> -> memref<1x125xi32, #tpu.memory_space<vmem>>
        %dma_start3A_114 = tpu.memref_squeeze %dma_start3A_113 : memref<1x125xi32, #tpu.memory_space<vmem>> -> memref<125xi32, #tpu.memory_space<vmem>>
        %dma_start3A_115 = arith.constant 0 : i32
        %dma_start3A_116 = arith.constant 0 : i32
        %dma_start3A_117 = tpu.memref_slice %arg4[%dma_start3A_115, %dma_start3A_116] : memref<20000x128xf32, #tpu.memory_space<hbm>> -> memref<20000x128xf32, #tpu.memory_space<hbm>>
        tpu.enqueue_indirect_dma source(%dma_start3A_117 : memref<20000x128xf32, #tpu.memory_space<hbm>>) target(%dma_start3A_111 : memref<125x128xf32, #tpu.memory_space<vmem>>) offsets(%dma_start3A_114 : memref<125xi32, #tpu.memory_space<vmem>>) semaphore(%arg11 : memref<!tpu.dma_semaphore, #tpu.memory_space<semaphore_mem>>)
      } else {
      }
      %dma_wait3A = arith.constant 0 : i32
      %dma_wait3A_75 = arith.constant 0 : i32
      %dma_wait3A_76 = arith.constant 0 : i32
      %dma_wait3A_77 = tpu.memref_slice %arg8[%dma_wait3A, %dma_wait3A_75, %dma_wait3A_76] : memref<2x125x128xf32, #tpu.memory_space<vmem>> -> memref<1x125x128xf32, #tpu.memory_space<vmem>>
      %dma_wait3A_78 = tpu.memref_squeeze %dma_wait3A_77 : memref<1x125x128xf32, #tpu.memory_space<vmem>> -> memref<125x128xf32, #tpu.memory_space<vmem>>
      %dma_wait3A_79 = arith.constant 0 : i32
      %dma_wait3A_80 = tpu.memref_slice %arg6[%add3A_67, %dma_wait3A_79] : memref<40x125xi32, #tpu.memory_space<vmem>> -> memref<1x125xi32, #tpu.memory_space<vmem>>
      %dma_wait3A_81 = tpu.memref_squeeze %dma_wait3A_80 : memref<1x125xi32, #tpu.memory_space<vmem>> -> memref<125xi32, #tpu.memory_space<vmem>>
      %dma_wait3A_82 = arith.constant 0 : i32
      %dma_wait3A_83 = arith.constant 0 : i32
      %dma_wait3A_84 = tpu.memref_slice %arg4[%dma_wait3A_82, %dma_wait3A_83] : memref<20000x128xf32, #tpu.memory_space<hbm>> -> memref<20000x128xf32, #tpu.memory_space<hbm>>
      tpu.wait_indirect_dma semaphore(%arg10 : memref<!tpu.dma_semaphore, #tpu.memory_space<semaphore_mem>>) src(%dma_wait3A_84 : memref<20000x128xf32, #tpu.memory_space<hbm>>) dst(%dma_wait3A_78 : memref<125x128xf32, #tpu.memory_space<vmem>>)
      %run_scoped3A_85 = arith.constant 0 : i32
      "tpu.region"() ({
        %run_scoped3A_107 = tpu.sem_alloc : memref<!tpu.dma_semaphore, #tpu.memory_space<semaphore_mem>>
        %dma_start3A_108 = arith.constant 0 : i32
        %dma_start3A_109 = arith.constant 0 : i32
        %dma_start3A_110 = tpu.memref_slice %arg8[%run_scoped3A_85, %dma_start3A_108, %dma_start3A_109] : memref<2x125x128xf32, #tpu.memory_space<vmem>> -> memref<1x125x128xf32, #tpu.memory_space<vmem>>
        %dma_start3A_111 = tpu.memref_squeeze %dma_start3A_110 : memref<1x125x128xf32, #tpu.memory_space<vmem>> -> memref<125x128xf32, #tpu.memory_space<vmem>>
        %dma_start3A_112 = arith.constant 0 : i32
        %dma_start3A_113 = tpu.memref_slice %arg7[%add3A_67, %dma_start3A_112] : memref<40x125xi32, #tpu.memory_space<vmem>> -> memref<1x125xi32, #tpu.memory_space<vmem>>
        %dma_start3A_114 = tpu.memref_squeeze %dma_start3A_113 : memref<1x125xi32, #tpu.memory_space<vmem>> -> memref<125xi32, #tpu.memory_space<vmem>>
        %dma_start3A_115 = arith.constant 0 : i32
        %dma_start3A_116 = arith.constant 0 : i32
        %dma_start3A_117 = tpu.memref_slice %arg9[%dma_start3A_115, %dma_start3A_116] : memref<10000x128xf32, #tpu.memory_space<vmem_shared>> -> memref<10000x128xf32, #tpu.memory_space<vmem_shared>>
        tpu.enqueue_indirect_dma source(%dma_start3A_111 : memref<125x128xf32, #tpu.memory_space<vmem>>) target(%dma_start3A_117 : memref<10000x128xf32, #tpu.memory_space<vmem_shared>>) offsets(%dma_start3A_114 : memref<125xi32, #tpu.memory_space<vmem>>) semaphore(%run_scoped3A_107 : memref<!tpu.dma_semaphore, #tpu.memory_space<semaphore_mem>>) {add = true}
        %dma_wait3A_118 = arith.constant 0 : i32
        %dma_wait3A_119 = arith.constant 0 : i32
        %dma_wait3A_120 = tpu.memref_slice %arg8[%run_scoped3A_85, %dma_wait3A_118, %dma_wait3A_119] : memref<2x125x128xf32, #tpu.memory_space<vmem>> -> memref<1x125x128xf32, #tpu.memory_space<vmem>>
        %dma_wait3A_121 = tpu.memref_squeeze %dma_wait3A_120 : memref<1x125x128xf32, #tpu.memory_space<vmem>> -> memref<125x128xf32, #tpu.memory_space<vmem>>
        %dma_wait3A_122 = arith.constant 0 : i32
        %dma_wait3A_123 = tpu.memref_slice %arg7[%add3A_67, %dma_wait3A_122] : memref<40x125xi32, #tpu.memory_space<vmem>> -> memref<1x125xi32, #tpu.memory_space<vmem>>
        %dma_wait3A_124 = tpu.memref_squeeze %dma_wait3A_123 : memref<1x125xi32, #tpu.memory_space<vmem>> -> memref<125xi32, #tpu.memory_space<vmem>>
        %dma_wait3A_125 = arith.constant 0 : i32
        %dma_wait3A_126 = arith.constant 0 : i32
        %dma_wait3A_127 = tpu.memref_slice %arg9[%dma_wait3A_125, %dma_wait3A_126] : memref<10000x128xf32, #tpu.memory_space<vmem_shared>> -> memref<10000x128xf32, #tpu.memory_space<vmem_shared>>
        tpu.wait_indirect_dma semaphore(%run_scoped3A_107 : memref<!tpu.dma_semaphore, #tpu.memory_space<semaphore_mem>>) src(%dma_wait3A_121 : memref<125x128xf32, #tpu.memory_space<vmem>>) dst(%dma_wait3A_127 : memref<10000x128xf32, #tpu.memory_space<vmem_shared>>)
        tpu.yield
      }) : () -> ()
      %add3A_86 = arith.constant 1 : i32
      %add3A_87 = arith.addi %mul3A_65, %add3A_86 : i32
      %add3A_88 = arith.constant 1 : i32
      %add3A_89 = arith.addi %add3A_87, %add3A_88 : i32
      %lt3A_90 = arith.constant 40 : i32
      %lt3A_91 = arith.cmpi slt, %add3A_89, %lt3A_90 : i32
      %convert_element_type3A_92 = arith.extui %lt3A_91 : i1 to i32
      %cond3A_93 = arith.constant 0 : i32
      %cond3A_94 = arith.cmpi ne, %convert_element_type3A_92, %cond3A_93 : i32
      scf.if %cond3A_94 {
        %dma_start3A_107 = arith.constant 0 : i32
        %dma_start3A_108 = arith.constant 0 : i32
        %dma_start3A_109 = arith.constant 0 : i32
        %dma_start3A_110 = tpu.memref_slice %arg8[%dma_start3A_107, %dma_start3A_108, %dma_start3A_109] : memref<2x125x128xf32, #tpu.memory_space<vmem>> -> memref<1x125x128xf32, #tpu.memory_space<vmem>>
        %dma_start3A_111 = tpu.memref_squeeze %dma_start3A_110 : memref<1x125x128xf32, #tpu.memory_space<vmem>> -> memref<125x128xf32, #tpu.memory_space<vmem>>
        %dma_start3A_112 = arith.constant 0 : i32
        %dma_start3A_113 = tpu.memref_slice %arg6[%add3A_89, %dma_start3A_112] : memref<40x125xi32, #tpu.memory_space<vmem>> -> memref<1x125xi32, #tpu.memory_space<vmem>>
        %dma_start3A_114 = tpu.memref_squeeze %dma_start3A_113 : memref<1x125xi32, #tpu.memory_space<vmem>> -> memref<125xi32, #tpu.memory_space<vmem>>
        %dma_start3A_115 = arith.constant 0 : i32
        %dma_start3A_116 = arith.constant 0 : i32
        %dma_start3A_117 = tpu.memref_slice %arg4[%dma_start3A_115, %dma_start3A_116] : memref<20000x128xf32, #tpu.memory_space<hbm>> -> memref<20000x128xf32, #tpu.memory_space<hbm>>
        tpu.enqueue_indirect_dma source(%dma_start3A_117 : memref<20000x128xf32, #tpu.memory_space<hbm>>) target(%dma_start3A_111 : memref<125x128xf32, #tpu.memory_space<vmem>>) offsets(%dma_start3A_114 : memref<125xi32, #tpu.memory_space<vmem>>) semaphore(%arg10 : memref<!tpu.dma_semaphore, #tpu.memory_space<semaphore_mem>>)
      } else {
      }
      %dma_wait3A_95 = arith.constant 1 : i32
      %dma_wait3A_96 = arith.constant 0 : i32
      %dma_wait3A_97 = arith.constant 0 : i32
      %dma_wait3A_98 = tpu.memref_slice %arg8[%dma_wait3A_95, %dma_wait3A_96, %dma_wait3A_97] : memref<2x125x128xf32, #tpu.memory_space<vmem>> -> memref<1x125x128xf32, #tpu.memory_space<vmem>>
      %dma_wait3A_99 = tpu.memref_squeeze %dma_wait3A_98 : memref<1x125x128xf32, #tpu.memory_space<vmem>> -> memref<125x128xf32, #tpu.memory_space<vmem>>
      %dma_wait3A_100 = arith.constant 0 : i32
      %dma_wait3A_101 = tpu.memref_slice %arg6[%add3A_87, %dma_wait3A_100] : memref<40x125xi32, #tpu.memory_space<vmem>> -> memref<1x125xi32, #tpu.memory_space<vmem>>
      %dma_wait3A_102 = tpu.memref_squeeze %dma_wait3A_101 : memref<1x125xi32, #tpu.memory_space<vmem>> -> memref<125xi32, #tpu.memory_space<vmem>>
      %dma_wait3A_103 = arith.constant 0 : i32
      %dma_wait3A_104 = arith.constant 0 : i32
      %dma_wait3A_105 = tpu.memref_slice %arg4[%dma_wait3A_103, %dma_wait3A_104] : memref<20000x128xf32, #tpu.memory_space<hbm>> -> memref<20000x128xf32, #tpu.memory_space<hbm>>
      tpu.wait_indirect_dma semaphore(%arg11 : memref<!tpu.dma_semaphore, #tpu.memory_space<semaphore_mem>>) src(%dma_wait3A_105 : memref<20000x128xf32, #tpu.memory_space<hbm>>) dst(%dma_wait3A_99 : memref<125x128xf32, #tpu.memory_space<vmem>>)
      %run_scoped3A_106 = arith.constant 1 : i32
      "tpu.region"() ({
        %run_scoped3A_107 = tpu.sem_alloc : memref<!tpu.dma_semaphore, #tpu.memory_space<semaphore_mem>>
        %dma_start3A_108 = arith.constant 0 : i32
        %dma_start3A_109 = arith.constant 0 : i32
        %dma_start3A_110 = tpu.memref_slice %arg8[%run_scoped3A_106, %dma_start3A_108, %dma_start3A_109] : memref<2x125x128xf32, #tpu.memory_space<vmem>> -> memref<1x125x128xf32, #tpu.memory_space<vmem>>
        %dma_start3A_111 = tpu.memref_squeeze %dma_start3A_110 : memref<1x125x128xf32, #tpu.memory_space<vmem>> -> memref<125x128xf32, #tpu.memory_space<vmem>>
        %dma_start3A_112 = arith.constant 0 : i32
        %dma_start3A_113 = tpu.memref_slice %arg7[%add3A_87, %dma_start3A_112] : memref<40x125xi32, #tpu.memory_space<vmem>> -> memref<1x125xi32, #tpu.memory_space<vmem>>
        %dma_start3A_114 = tpu.memref_squeeze %dma_start3A_113 : memref<1x125xi32, #tpu.memory_space<vmem>> -> memref<125xi32, #tpu.memory_space<vmem>>
        %dma_start3A_115 = arith.constant 0 : i32
        %dma_start3A_116 = arith.constant 0 : i32
        %dma_start3A_117 = tpu.memref_slice %arg9[%dma_start3A_115, %dma_start3A_116] : memref<10000x128xf32, #tpu.memory_space<vmem_shared>> -> memref<10000x128xf32, #tpu.memory_space<vmem_shared>>
        tpu.enqueue_indirect_dma source(%dma_start3A_111 : memref<125x128xf32, #tpu.memory_space<vmem>>) target(%dma_start3A_117 : memref<10000x128xf32, #tpu.memory_space<vmem_shared>>) offsets(%dma_start3A_114 : memref<125xi32, #tpu.memory_space<vmem>>) semaphore(%run_scoped3A_107 : memref<!tpu.dma_semaphore, #tpu.memory_space<semaphore_mem>>) {add = true}
        %dma_wait3A_118 = arith.constant 0 : i32
        %dma_wait3A_119 = arith.constant 0 : i32
        %dma_wait3A_120 = tpu.memref_slice %arg8[%run_scoped3A_106, %dma_wait3A_118, %dma_wait3A_119] : memref<2x125x128xf32, #tpu.memory_space<vmem>> -> memref<1x125x128xf32, #tpu.memory_space<vmem>>
        %dma_wait3A_121 = tpu.memref_squeeze %dma_wait3A_120 : memref<1x125x128xf32, #tpu.memory_space<vmem>> -> memref<125x128xf32, #tpu.memory_space<vmem>>
        %dma_wait3A_122 = arith.constant 0 : i32
        %dma_wait3A_123 = tpu.memref_slice %arg7[%add3A_87, %dma_wait3A_122] : memref<40x125xi32, #tpu.memory_space<vmem>> -> memref<1x125xi32, #tpu.memory_space<vmem>>
        %dma_wait3A_124 = tpu.memref_squeeze %dma_wait3A_123 : memref<1x125xi32, #tpu.memory_space<vmem>> -> memref<125xi32, #tpu.memory_space<vmem>>
        %dma_wait3A_125 = arith.constant 0 : i32
        %dma_wait3A_126 = arith.constant 0 : i32
        %dma_wait3A_127 = tpu.memref_slice %arg9[%dma_wait3A_125, %dma_wait3A_126] : memref<10000x128xf32, #tpu.memory_space<vmem_shared>> -> memref<10000x128xf32, #tpu.memory_space<vmem_shared>>
        tpu.wait_indirect_dma semaphore(%run_scoped3A_107 : memref<!tpu.dma_semaphore, #tpu.memory_space<semaphore_mem>>) src(%dma_wait3A_121 : memref<125x128xf32, #tpu.memory_space<vmem>>) dst(%dma_wait3A_127 : memref<10000x128xf32, #tpu.memory_space<vmem_shared>>)
        tpu.yield
      }) : () -> ()
    }
    %scan3A_51 = arith.constant 20 : i32
    %barrier3A_52 = arith.constant 0 : index
    tpu.barrier barrier_id(%barrier3A_52)
    %lt3A_53 = arith.constant 15 : i32
    %lt3A_54 = arith.cmpi slt, %arg1, %lt3A_53 : i32
    %convert_element_type3A_55 = arith.extui %lt3A_54 : i1 to i32
    %cond3A_56 = arith.constant 0 : i32
    %cond3A_57 = arith.cmpi ne, %convert_element_type3A_55, %cond3A_56 : i32
    scf.if %cond3A_57 {
      "tpu.region"() ({
        %run_scoped3A_63 = tpu.sem_alloc : memref<!tpu.dma_semaphore, #tpu.memory_space<semaphore_mem>>
        %dma_start3A_64 = arith.constant 0 : i32
        %dma_start3A_65 = tpu.memref_slice %arg5[%multiple_of3A_8, %dma_start3A_64] : memref<20000x128xf32, #tpu.memory_space<hbm>> -> memref<640x128xf32, #tpu.memory_space<hbm>>
        %dma_start3A_66 = arith.constant 0 : i32
        %dma_start3A_67 = tpu.memref_slice %arg9[%multiple_of3A, %dma_start3A_66] : memref<10000x128xf32, #tpu.memory_space<vmem_shared>> -> memref<640x128xf32, #tpu.memory_space<vmem_shared>>
        tpu.enqueue_dma source(%dma_start3A_67 : memref<640x128xf32, #tpu.memory_space<vmem_shared>>) target(%dma_start3A_65 : memref<640x128xf32, #tpu.memory_space<hbm>>) target_semaphore(%run_scoped3A_63 : memref<!tpu.dma_semaphore, #tpu.memory_space<semaphore_mem>>)
        %dma_wait3A = arith.constant 0 : i32
        %dma_wait3A_68 = tpu.memref_slice %arg5[%multiple_of3A_8, %dma_wait3A] : memref<20000x128xf32, #tpu.memory_space<hbm>> -> memref<640x128xf32, #tpu.memory_space<hbm>>
        %dma_wait3A_69 = arith.constant 0 : i32
        %dma_wait3A_70 = tpu.memref_slice %arg9[%multiple_of3A, %dma_wait3A_69] : memref<10000x128xf32, #tpu.memory_space<vmem_shared>> -> memref<640x128xf32, #tpu.memory_space<vmem_shared>>
        tpu.wait_dma2 semaphore(%run_scoped3A_63 : memref<!tpu.dma_semaphore, #tpu.memory_space<semaphore_mem>>) src(%dma_wait3A_70 : memref<640x128xf32, #tpu.memory_space<vmem_shared>>) dst(%dma_wait3A_68 : memref<640x128xf32, #tpu.memory_space<hbm>>)
        tpu.yield
      }) : () -> ()
    } else {
    }
    %eq3A_58 = arith.constant 15 : i32
    %eq3A_59 = arith.cmpi eq, %arg1, %eq3A_58 : i32
    %convert_element_type3A_60 = arith.extui %eq3A_59 : i1 to i32
    %cond3A_61 = arith.constant 0 : i32
    %cond3A_62 = arith.cmpi ne, %convert_element_type3A_60, %cond3A_61 : i32
    scf.if %cond3A_62 {
      "tpu.region"() ({
        %run_scoped3A_63 = tpu.sem_alloc : memref<!tpu.dma_semaphore, #tpu.memory_space<semaphore_mem>>
        %dma_start3A_64 = arith.constant 0 : i32
        %dma_start3A_65 = tpu.memref_slice %arg5[%multiple_of3A_8, %dma_start3A_64] : memref<20000x128xf32, #tpu.memory_space<hbm>> -> memref<400x128xf32, #tpu.memory_space<hbm>>
        %dma_start3A_66 = arith.constant 0 : i32
        %dma_start3A_67 = tpu.memref_slice %arg9[%multiple_of3A, %dma_start3A_66] : memref<10000x128xf32, #tpu.memory_space<vmem_shared>> -> memref<400x128xf32, #tpu.memory_space<vmem_shared>>
        tpu.enqueue_dma source(%dma_start3A_67 : memref<400x128xf32, #tpu.memory_space<vmem_shared>>) target(%dma_start3A_65 : memref<400x128xf32, #tpu.memory_space<hbm>>) target_semaphore(%run_scoped3A_63 : memref<!tpu.dma_semaphore, #tpu.memory_space<semaphore_mem>>)
        %dma_wait3A = arith.constant 0 : i32
        %dma_wait3A_68 = tpu.memref_slice %arg5[%multiple_of3A_8, %dma_wait3A] : memref<20000x128xf32, #tpu.memory_space<hbm>> -> memref<400x128xf32, #tpu.memory_space<hbm>>
        %dma_wait3A_69 = arith.constant 0 : i32
        %dma_wait3A_70 = tpu.memref_slice %arg9[%multiple_of3A, %dma_wait3A_69] : memref<10000x128xf32, #tpu.memory_space<vmem_shared>> -> memref<400x128xf32, #tpu.memory_space<vmem_shared>>
        tpu.wait_dma2 semaphore(%run_scoped3A_63 : memref<!tpu.dma_semaphore, #tpu.memory_space<semaphore_mem>>) src(%dma_wait3A_70 : memref<400x128xf32, #tpu.memory_space<vmem_shared>>) dst(%dma_wait3A_68 : memref<400x128xf32, #tpu.memory_space<hbm>>)
        tpu.yield
      }) : () -> ()
    } else {
    }
    return
  }
}

#map = affine_map<(d0, d1) -> (0, 0, 0, 0)>
#map1 = affine_map<(d0, d1) -> (0, 0)>
module attributes {stable_mosaic.version = 14 : i64} {
  func.func @_sc_seg_zeroinit(%arg0: i32, %arg1: i32, %arg2: memref<32x2x40x125xi32, #tpu.memory_space<hbm>>, %arg3: memref<16x2x40x125xi32, #tpu.memory_space<hbm>>, %arg4: memref<20000x128xf32, #tpu.memory_space<hbm>>, %arg5: memref<20000x128xf32, #tpu.memory_space<hbm>>, %arg6: memref<40x125xi32, #tpu.memory_space<vmem>>, %arg7: memref<40x125xi32, #tpu.memory_space<vmem>>, %arg8: memref<2x125x128xf32, #tpu.memory_space<vmem>>, %arg9: memref<10000x128xf32, #tpu.memory_space<vmem_shared>>, %arg10: memref<!tpu.dma_semaphore, #tpu.memory_space<semaphore_mem>>, %arg11: memref<!tpu.dma_semaphore, #tpu.memory_space<semaphore_mem>>, %arg12: memref<16x128xf32, #tpu.memory_space<vmem>>) attributes {dimension_semantics = [#tpu.dimension_semantics<core_parallel>, #tpu.dimension_semantics<subcore_parallel>], iteration_bounds = array<i64: 2, 16>, scalar_prefetch = 0 : i64, scratch_operands = 7 : i64, tpu.core_type = #tpu.core_type<sc_vector_subcore>, window_params = [{transform_indices = #map}, {transform_indices = #map}, {transform_indices = #map1}, {transform_indices = #map1}]} {
    %mul3A = arith.constant 16 : i32
    %mul3A_0 = arith.muli %arg0, %mul3A : i32
    %add3A = arith.addi %mul3A_0, %arg1 : i32
    %mul3A_1 = arith.constant 640 : i32
    %mul3A_2 = arith.muli %arg1, %mul3A_1 : i32
    %multiple_of3A = tpu.assume_multiple %mul3A_2, 8 : i32
    %mul3A_3 = arith.constant 10000 : i32
    %mul3A_4 = arith.muli %arg0, %mul3A_3 : i32
    %mul3A_5 = arith.constant 640 : i32
    %mul3A_6 = arith.muli %arg1, %mul3A_5 : i32
    %add3A_7 = arith.addi %mul3A_4, %mul3A_6 : i32
    %multiple_of3A_8 = tpu.assume_multiple %add3A_7, 8 : i32
    %broadcast_in_dim3A = arith.constant 0.000000e+00 : f32
    %broadcast_in_dim3A_9 = vector.broadcast %broadcast_in_dim3A : f32 to vector<16xf32>
    %swap3A = arith.constant 0 : i32
    %swap3A_10 = arith.index_cast %swap3A : i32 to index
    %swap3A_11 = arith.constant 0 : index
    %swap3A_12 = tpu.vector_load %arg12[%swap3A_10, %swap3A_11] {strides = array<i32>} : memref<16x128xf32, #tpu.memory_space<vmem>>, vector<1x16xf32>,
    %swap3A_13 = vector.shape_cast %swap3A_12 : vector<1x16xf32> to vector<16xf32>
    %swap3A_14 = vector.shape_cast %broadcast_in_dim3A_9 : vector<16xf32> to vector<1x16xf32>
    tpu.vector_store %arg12[%swap3A_10, %swap3A_11], %swap3A_14 {strides = array<i32>} : memref<16x128xf32, #tpu.memory_space<vmem>>, vector<1x16xf32>,
    %broadcast_in_dim3A_15 = arith.constant 0.000000e+00 : f32
    %broadcast_in_dim3A_16 = vector.broadcast %broadcast_in_dim3A_15 : f32 to vector<16xf32>
    %swap3A_17 = arith.constant 0 : i32
    %swap3A_18 = arith.index_cast %swap3A_17 : i32 to index
    %swap3A_19 = arith.constant 16 : index
    %swap3A_20 = tpu.vector_load %arg12[%swap3A_18, %swap3A_19] {strides = array<i32>} : memref<16x128xf32, #tpu.memory_space<vmem>>, vector<1x16xf32>,
    %swap3A_21 = vector.shape_cast %swap3A_20 : vector<1x16xf32> to vector<16xf32>
    %swap3A_22 = vector.shape_cast %broadcast_in_dim3A_16 : vector<16xf32> to vector<1x16xf32>
    tpu.vector_store %arg12[%swap3A_18, %swap3A_19], %swap3A_22 {strides = array<i32>} : memref<16x128xf32, #tpu.memory_space<vmem>>, vector<1x16xf32>,
    %broadcast_in_dim3A_23 = arith.constant 0.000000e+00 : f32
    %broadcast_in_dim3A_24 = vector.broadcast %broadcast_in_dim3A_23 : f32 to vector<16xf32>
    %swap3A_25 = arith.constant 0 : i32
    %swap3A_26 = arith.index_cast %swap3A_25 : i32 to index
    %swap3A_27 = arith.constant 32 : index
    %swap3A_28 = tpu.vector_load %arg12[%swap3A_26, %swap3A_27] {strides = array<i32>} : memref<16x128xf32, #tpu.memory_space<vmem>>, vector<1x16xf32>,
    %swap3A_29 = vector.shape_cast %swap3A_28 : vector<1x16xf32> to vector<16xf32>
    %swap3A_30 = vector.shape_cast %broadcast_in_dim3A_24 : vector<16xf32> to vector<1x16xf32>
    tpu.vector_store %arg12[%swap3A_26, %swap3A_27], %swap3A_30 {strides = array<i32>} : memref<16x128xf32, #tpu.memory_space<vmem>>, vector<1x16xf32>,
    %broadcast_in_dim3A_31 = arith.constant 0.000000e+00 : f32
    %broadcast_in_dim3A_32 = vector.broadcast %broadcast_in_dim3A_31 : f32 to vector<16xf32>
    %swap3A_33 = arith.constant 0 : i32
    %swap3A_34 = arith.index_cast %swap3A_33 : i32 to index
    %swap3A_35 = arith.constant 48 : index
    %swap3A_36 = tpu.vector_load %arg12[%swap3A_34, %swap3A_35] {strides = array<i32>} : memref<16x128xf32, #tpu.memory_space<vmem>>, vector<1x16xf32>,
    %swap3A_37 = vector.shape_cast %swap3A_36 : vector<1x16xf32> to vector<16xf32>
    %swap3A_38 = vector.shape_cast %broadcast_in_dim3A_32 : vector<16xf32> to vector<1x16xf32>
    tpu.vector_store %arg12[%swap3A_34, %swap3A_35], %swap3A_38 {strides = array<i32>} : memref<16x128xf32, #tpu.memory_space<vmem>>, vector<1x16xf32>,
    %broadcast_in_dim3A_39 = arith.constant 0.000000e+00 : f32
    %broadcast_in_dim3A_40 = vector.broadcast %broadcast_in_dim3A_39 : f32 to vector<16xf32>
    %swap3A_41 = arith.constant 0 : i32
    %swap3A_42 = arith.index_cast %swap3A_41 : i32 to index
    %swap3A_43 = arith.constant 64 : index
    %swap3A_44 = tpu.vector_load %arg12[%swap3A_42, %swap3A_43] {strides = array<i32>} : memref<16x128xf32, #tpu.memory_space<vmem>>, vector<1x16xf32>,
    %swap3A_45 = vector.shape_cast %swap3A_44 : vector<1x16xf32> to vector<16xf32>
    %swap3A_46 = vector.shape_cast %broadcast_in_dim3A_40 : vector<16xf32> to vector<1x16xf32>
    tpu.vector_store %arg12[%swap3A_42, %swap3A_43], %swap3A_46 {strides = array<i32>} : memref<16x128xf32, #tpu.memory_space<vmem>>, vector<1x16xf32>,
    %broadcast_in_dim3A_47 = arith.constant 0.000000e+00 : f32
    %broadcast_in_dim3A_48 = vector.broadcast %broadcast_in_dim3A_47 : f32 to vector<16xf32>
    %swap3A_49 = arith.constant 0 : i32
    %swap3A_50 = arith.index_cast %swap3A_49 : i32 to index
    %swap3A_51 = arith.constant 80 : index
    %swap3A_52 = tpu.vector_load %arg12[%swap3A_50, %swap3A_51] {strides = array<i32>} : memref<16x128xf32, #tpu.memory_space<vmem>>, vector<1x16xf32>,
    %swap3A_53 = vector.shape_cast %swap3A_52 : vector<1x16xf32> to vector<16xf32>
    %swap3A_54 = vector.shape_cast %broadcast_in_dim3A_48 : vector<16xf32> to vector<1x16xf32>
    tpu.vector_store %arg12[%swap3A_50, %swap3A_51], %swap3A_54 {strides = array<i32>} : memref<16x128xf32, #tpu.memory_space<vmem>>, vector<1x16xf32>,
    %broadcast_in_dim3A_55 = arith.constant 0.000000e+00 : f32
    %broadcast_in_dim3A_56 = vector.broadcast %broadcast_in_dim3A_55 : f32 to vector<16xf32>
    %swap3A_57 = arith.constant 0 : i32
    %swap3A_58 = arith.index_cast %swap3A_57 : i32 to index
    %swap3A_59 = arith.constant 96 : index
    %swap3A_60 = tpu.vector_load %arg12[%swap3A_58, %swap3A_59] {strides = array<i32>} : memref<16x128xf32, #tpu.memory_space<vmem>>, vector<1x16xf32>,
    %swap3A_61 = vector.shape_cast %swap3A_60 : vector<1x16xf32> to vector<16xf32>
    %swap3A_62 = vector.shape_cast %broadcast_in_dim3A_56 : vector<16xf32> to vector<1x16xf32>
    tpu.vector_store %arg12[%swap3A_58, %swap3A_59], %swap3A_62 {strides = array<i32>} : memref<16x128xf32, #tpu.memory_space<vmem>>, vector<1x16xf32>,
    %broadcast_in_dim3A_63 = arith.constant 0.000000e+00 : f32
    %broadcast_in_dim3A_64 = vector.broadcast %broadcast_in_dim3A_63 : f32 to vector<16xf32>
    %swap3A_65 = arith.constant 0 : i32
    %swap3A_66 = arith.index_cast %swap3A_65 : i32 to index
    %swap3A_67 = arith.constant 112 : index
    %swap3A_68 = tpu.vector_load %arg12[%swap3A_66, %swap3A_67] {strides = array<i32>} : memref<16x128xf32, #tpu.memory_space<vmem>>, vector<1x16xf32>,
    %swap3A_69 = vector.shape_cast %swap3A_68 : vector<1x16xf32> to vector<16xf32>
    %swap3A_70 = vector.shape_cast %broadcast_in_dim3A_64 : vector<16xf32> to vector<1x16xf32>
    tpu.vector_store %arg12[%swap3A_66, %swap3A_67], %swap3A_70 {strides = array<i32>} : memref<16x128xf32, #tpu.memory_space<vmem>>, vector<1x16xf32>,
    %broadcast_in_dim3A_71 = arith.constant 0.000000e+00 : f32
    %broadcast_in_dim3A_72 = vector.broadcast %broadcast_in_dim3A_71 : f32 to vector<16xf32>
    %swap3A_73 = arith.constant 1 : i32
    %swap3A_74 = arith.index_cast %swap3A_73 : i32 to index
    %swap3A_75 = arith.constant 0 : index
    %swap3A_76 = tpu.vector_load %arg12[%swap3A_74, %swap3A_75] {strides = array<i32>} : memref<16x128xf32, #tpu.memory_space<vmem>>, vector<1x16xf32>,
    %swap3A_77 = vector.shape_cast %swap3A_76 : vector<1x16xf32> to vector<16xf32>
    %swap3A_78 = vector.shape_cast %broadcast_in_dim3A_72 : vector<16xf32> to vector<1x16xf32>
    tpu.vector_store %arg12[%swap3A_74, %swap3A_75], %swap3A_78 {strides = array<i32>} : memref<16x128xf32, #tpu.memory_space<vmem>>, vector<1x16xf32>,
    %broadcast_in_dim3A_79 = arith.constant 0.000000e+00 : f32
    %broadcast_in_dim3A_80 = vector.broadcast %broadcast_in_dim3A_79 : f32 to vector<16xf32>
    %swap3A_81 = arith.constant 1 : i32
    %swap3A_82 = arith.index_cast %swap3A_81 : i32 to index
    %swap3A_83 = arith.constant 16 : index
    %swap3A_84 = tpu.vector_load %arg12[%swap3A_82, %swap3A_83] {strides = array<i32>} : memref<16x128xf32, #tpu.memory_space<vmem>>, vector<1x16xf32>,
    %swap3A_85 = vector.shape_cast %swap3A_84 : vector<1x16xf32> to vector<16xf32>
    %swap3A_86 = vector.shape_cast %broadcast_in_dim3A_80 : vector<16xf32> to vector<1x16xf32>
    tpu.vector_store %arg12[%swap3A_82, %swap3A_83], %swap3A_86 {strides = array<i32>} : memref<16x128xf32, #tpu.memory_space<vmem>>, vector<1x16xf32>,
    %broadcast_in_dim3A_87 = arith.constant 0.000000e+00 : f32
    %broadcast_in_dim3A_88 = vector.broadcast %broadcast_in_dim3A_87 : f32 to vector<16xf32>
    %swap3A_89 = arith.constant 1 : i32
    %swap3A_90 = arith.index_cast %swap3A_89 : i32 to index
    %swap3A_91 = arith.constant 32 : index
    %swap3A_92 = tpu.vector_load %arg12[%swap3A_90, %swap3A_91] {strides = array<i32>} : memref<16x128xf32, #tpu.memory_space<vmem>>, vector<1x16xf32>,
    %swap3A_93 = vector.shape_cast %swap3A_92 : vector<1x16xf32> to vector<16xf32>
    %swap3A_94 = vector.shape_cast %broadcast_in_dim3A_88 : vector<16xf32> to vector<1x16xf32>
    tpu.vector_store %arg12[%swap3A_90, %swap3A_91], %swap3A_94 {strides = array<i32>} : memref<16x128xf32, #tpu.memory_space<vmem>>, vector<1x16xf32>,
    %broadcast_in_dim3A_95 = arith.constant 0.000000e+00 : f32
    %broadcast_in_dim3A_96 = vector.broadcast %broadcast_in_dim3A_95 : f32 to vector<16xf32>
    %swap3A_97 = arith.constant 1 : i32
    %swap3A_98 = arith.index_cast %swap3A_97 : i32 to index
    %swap3A_99 = arith.constant 48 : index
    %swap3A_100 = tpu.vector_load %arg12[%swap3A_98, %swap3A_99] {strides = array<i32>} : memref<16x128xf32, #tpu.memory_space<vmem>>, vector<1x16xf32>,
    %swap3A_101 = vector.shape_cast %swap3A_100 : vector<1x16xf32> to vector<16xf32>
    %swap3A_102 = vector.shape_cast %broadcast_in_dim3A_96 : vector<16xf32> to vector<1x16xf32>
    tpu.vector_store %arg12[%swap3A_98, %swap3A_99], %swap3A_102 {strides = array<i32>} : memref<16x128xf32, #tpu.memory_space<vmem>>, vector<1x16xf32>,
    %broadcast_in_dim3A_103 = arith.constant 0.000000e+00 : f32
    %broadcast_in_dim3A_104 = vector.broadcast %broadcast_in_dim3A_103 : f32 to vector<16xf32>
    %swap3A_105 = arith.constant 1 : i32
    %swap3A_106 = arith.index_cast %swap3A_105 : i32 to index
    %swap3A_107 = arith.constant 64 : index
    %swap3A_108 = tpu.vector_load %arg12[%swap3A_106, %swap3A_107] {strides = array<i32>} : memref<16x128xf32, #tpu.memory_space<vmem>>, vector<1x16xf32>,
    %swap3A_109 = vector.shape_cast %swap3A_108 : vector<1x16xf32> to vector<16xf32>
    %swap3A_110 = vector.shape_cast %broadcast_in_dim3A_104 : vector<16xf32> to vector<1x16xf32>
    tpu.vector_store %arg12[%swap3A_106, %swap3A_107], %swap3A_110 {strides = array<i32>} : memref<16x128xf32, #tpu.memory_space<vmem>>, vector<1x16xf32>,
    %broadcast_in_dim3A_111 = arith.constant 0.000000e+00 : f32
    %broadcast_in_dim3A_112 = vector.broadcast %broadcast_in_dim3A_111 : f32 to vector<16xf32>
    %swap3A_113 = arith.constant 1 : i32
    %swap3A_114 = arith.index_cast %swap3A_113 : i32 to index
    %swap3A_115 = arith.constant 80 : index
    %swap3A_116 = tpu.vector_load %arg12[%swap3A_114, %swap3A_115] {strides = array<i32>} : memref<16x128xf32, #tpu.memory_space<vmem>>, vector<1x16xf32>,
    %swap3A_117 = vector.shape_cast %swap3A_116 : vector<1x16xf32> to vector<16xf32>
    %swap3A_118 = vector.shape_cast %broadcast_in_dim3A_112 : vector<16xf32> to vector<1x16xf32>
    tpu.vector_store %arg12[%swap3A_114, %swap3A_115], %swap3A_118 {strides = array<i32>} : memref<16x128xf32, #tpu.memory_space<vmem>>, vector<1x16xf32>,
    %broadcast_in_dim3A_119 = arith.constant 0.000000e+00 : f32
    %broadcast_in_dim3A_120 = vector.broadcast %broadcast_in_dim3A_119 : f32 to vector<16xf32>
    %swap3A_121 = arith.constant 1 : i32
    %swap3A_122 = arith.index_cast %swap3A_121 : i32 to index
    %swap3A_123 = arith.constant 96 : index
    %swap3A_124 = tpu.vector_load %arg12[%swap3A_122, %swap3A_123] {strides = array<i32>} : memref<16x128xf32, #tpu.memory_space<vmem>>, vector<1x16xf32>,
    %swap3A_125 = vector.shape_cast %swap3A_124 : vector<1x16xf32> to vector<16xf32>
    %swap3A_126 = vector.shape_cast %broadcast_in_dim3A_120 : vector<16xf32> to vector<1x16xf32>
    tpu.vector_store %arg12[%swap3A_122, %swap3A_123], %swap3A_126 {strides = array<i32>} : memref<16x128xf32, #tpu.memory_space<vmem>>, vector<1x16xf32>,
    %broadcast_in_dim3A_127 = arith.constant 0.000000e+00 : f32
    %broadcast_in_dim3A_128 = vector.broadcast %broadcast_in_dim3A_127 : f32 to vector<16xf32>
    %swap3A_129 = arith.constant 1 : i32
    %swap3A_130 = arith.index_cast %swap3A_129 : i32 to index
    %swap3A_131 = arith.constant 112 : index
    %swap3A_132 = tpu.vector_load %arg12[%swap3A_130, %swap3A_131] {strides = array<i32>} : memref<16x128xf32, #tpu.memory_space<vmem>>, vector<1x16xf32>,
    %swap3A_133 = vector.shape_cast %swap3A_132 : vector<1x16xf32> to vector<16xf32>
    %swap3A_134 = vector.shape_cast %broadcast_in_dim3A_128 : vector<16xf32> to vector<1x16xf32>
    tpu.vector_store %arg12[%swap3A_130, %swap3A_131], %swap3A_134 {strides = array<i32>} : memref<16x128xf32, #tpu.memory_space<vmem>>, vector<1x16xf32>,
    %broadcast_in_dim3A_135 = arith.constant 0.000000e+00 : f32
    %broadcast_in_dim3A_136 = vector.broadcast %broadcast_in_dim3A_135 : f32 to vector<16xf32>
    %swap3A_137 = arith.constant 2 : i32
    %swap3A_138 = arith.index_cast %swap3A_137 : i32 to index
    %swap3A_139 = arith.constant 0 : index
    %swap3A_140 = tpu.vector_load %arg12[%swap3A_138, %swap3A_139] {strides = array<i32>} : memref<16x128xf32, #tpu.memory_space<vmem>>, vector<1x16xf32>,
    %swap3A_141 = vector.shape_cast %swap3A_140 : vector<1x16xf32> to vector<16xf32>
    %swap3A_142 = vector.shape_cast %broadcast_in_dim3A_136 : vector<16xf32> to vector<1x16xf32>
    tpu.vector_store %arg12[%swap3A_138, %swap3A_139], %swap3A_142 {strides = array<i32>} : memref<16x128xf32, #tpu.memory_space<vmem>>, vector<1x16xf32>,
    %broadcast_in_dim3A_143 = arith.constant 0.000000e+00 : f32
    %broadcast_in_dim3A_144 = vector.broadcast %broadcast_in_dim3A_143 : f32 to vector<16xf32>
    %swap3A_145 = arith.constant 2 : i32
    %swap3A_146 = arith.index_cast %swap3A_145 : i32 to index
    %swap3A_147 = arith.constant 16 : index
    %swap3A_148 = tpu.vector_load %arg12[%swap3A_146, %swap3A_147] {strides = array<i32>} : memref<16x128xf32, #tpu.memory_space<vmem>>, vector<1x16xf32>,
    %swap3A_149 = vector.shape_cast %swap3A_148 : vector<1x16xf32> to vector<16xf32>
    %swap3A_150 = vector.shape_cast %broadcast_in_dim3A_144 : vector<16xf32> to vector<1x16xf32>
    tpu.vector_store %arg12[%swap3A_146, %swap3A_147], %swap3A_150 {strides = array<i32>} : memref<16x128xf32, #tpu.memory_space<vmem>>, vector<1x16xf32>,
    %broadcast_in_dim3A_151 = arith.constant 0.000000e+00 : f32
    %broadcast_in_dim3A_152 = vector.broadcast %broadcast_in_dim3A_151 : f32 to vector<16xf32>
    %swap3A_153 = arith.constant 2 : i32
    %swap3A_154 = arith.index_cast %swap3A_153 : i32 to index
    %swap3A_155 = arith.constant 32 : index
    %swap3A_156 = tpu.vector_load %arg12[%swap3A_154, %swap3A_155] {strides = array<i32>} : memref<16x128xf32, #tpu.memory_space<vmem>>, vector<1x16xf32>,
    %swap3A_157 = vector.shape_cast %swap3A_156 : vector<1x16xf32> to vector<16xf32>
    %swap3A_158 = vector.shape_cast %broadcast_in_dim3A_152 : vector<16xf32> to vector<1x16xf32>
    tpu.vector_store %arg12[%swap3A_154, %swap3A_155], %swap3A_158 {strides = array<i32>} : memref<16x128xf32, #tpu.memory_space<vmem>>, vector<1x16xf32>,
    %broadcast_in_dim3A_159 = arith.constant 0.000000e+00 : f32
    %broadcast_in_dim3A_160 = vector.broadcast %broadcast_in_dim3A_159 : f32 to vector<16xf32>
    %swap3A_161 = arith.constant 2 : i32
    %swap3A_162 = arith.index_cast %swap3A_161 : i32 to index
    %swap3A_163 = arith.constant 48 : index
    %swap3A_164 = tpu.vector_load %arg12[%swap3A_162, %swap3A_163] {strides = array<i32>} : memref<16x128xf32, #tpu.memory_space<vmem>>, vector<1x16xf32>,
    %swap3A_165 = vector.shape_cast %swap3A_164 : vector<1x16xf32> to vector<16xf32>
    %swap3A_166 = vector.shape_cast %broadcast_in_dim3A_160 : vector<16xf32> to vector<1x16xf32>
    tpu.vector_store %arg12[%swap3A_162, %swap3A_163], %swap3A_166 {strides = array<i32>} : memref<16x128xf32, #tpu.memory_space<vmem>>, vector<1x16xf32>,
    %broadcast_in_dim3A_167 = arith.constant 0.000000e+00 : f32
    %broadcast_in_dim3A_168 = vector.broadcast %broadcast_in_dim3A_167 : f32 to vector<16xf32>
    %swap3A_169 = arith.constant 2 : i32
    %swap3A_170 = arith.index_cast %swap3A_169 : i32 to index
    %swap3A_171 = arith.constant 64 : index
    %swap3A_172 = tpu.vector_load %arg12[%swap3A_170, %swap3A_171] {strides = array<i32>} : memref<16x128xf32, #tpu.memory_space<vmem>>, vector<1x16xf32>,
    %swap3A_173 = vector.shape_cast %swap3A_172 : vector<1x16xf32> to vector<16xf32>
    %swap3A_174 = vector.shape_cast %broadcast_in_dim3A_168 : vector<16xf32> to vector<1x16xf32>
    tpu.vector_store %arg12[%swap3A_170, %swap3A_171], %swap3A_174 {strides = array<i32>} : memref<16x128xf32, #tpu.memory_space<vmem>>, vector<1x16xf32>,
    %broadcast_in_dim3A_175 = arith.constant 0.000000e+00 : f32
    %broadcast_in_dim3A_176 = vector.broadcast %broadcast_in_dim3A_175 : f32 to vector<16xf32>
    %swap3A_177 = arith.constant 2 : i32
    %swap3A_178 = arith.index_cast %swap3A_177 : i32 to index
    %swap3A_179 = arith.constant 80 : index
    %swap3A_180 = tpu.vector_load %arg12[%swap3A_178, %swap3A_179] {strides = array<i32>} : memref<16x128xf32, #tpu.memory_space<vmem>>, vector<1x16xf32>,
    %swap3A_181 = vector.shape_cast %swap3A_180 : vector<1x16xf32> to vector<16xf32>
    %swap3A_182 = vector.shape_cast %broadcast_in_dim3A_176 : vector<16xf32> to vector<1x16xf32>
    tpu.vector_store %arg12[%swap3A_178, %swap3A_179], %swap3A_182 {strides = array<i32>} : memref<16x128xf32, #tpu.memory_space<vmem>>, vector<1x16xf32>,
    %broadcast_in_dim3A_183 = arith.constant 0.000000e+00 : f32
    %broadcast_in_dim3A_184 = vector.broadcast %broadcast_in_dim3A_183 : f32 to vector<16xf32>
    %swap3A_185 = arith.constant 2 : i32
    %swap3A_186 = arith.index_cast %swap3A_185 : i32 to index
    %swap3A_187 = arith.constant 96 : index
    %swap3A_188 = tpu.vector_load %arg12[%swap3A_186, %swap3A_187] {strides = array<i32>} : memref<16x128xf32, #tpu.memory_space<vmem>>, vector<1x16xf32>,
    %swap3A_189 = vector.shape_cast %swap3A_188 : vector<1x16xf32> to vector<16xf32>
    %swap3A_190 = vector.shape_cast %broadcast_in_dim3A_184 : vector<16xf32> to vector<1x16xf32>
    tpu.vector_store %arg12[%swap3A_186, %swap3A_187], %swap3A_190 {strides = array<i32>} : memref<16x128xf32, #tpu.memory_space<vmem>>, vector<1x16xf32>,
    %broadcast_in_dim3A_191 = arith.constant 0.000000e+00 : f32
    %broadcast_in_dim3A_192 = vector.broadcast %broadcast_in_dim3A_191 : f32 to vector<16xf32>
    %swap3A_193 = arith.constant 2 : i32
    %swap3A_194 = arith.index_cast %swap3A_193 : i32 to index
    %swap3A_195 = arith.constant 112 : index
    %swap3A_196 = tpu.vector_load %arg12[%swap3A_194, %swap3A_195] {strides = array<i32>} : memref<16x128xf32, #tpu.memory_space<vmem>>, vector<1x16xf32>,
    %swap3A_197 = vector.shape_cast %swap3A_196 : vector<1x16xf32> to vector<16xf32>
    %swap3A_198 = vector.shape_cast %broadcast_in_dim3A_192 : vector<16xf32> to vector<1x16xf32>
    tpu.vector_store %arg12[%swap3A_194, %swap3A_195], %swap3A_198 {strides = array<i32>} : memref<16x128xf32, #tpu.memory_space<vmem>>, vector<1x16xf32>,
    %broadcast_in_dim3A_199 = arith.constant 0.000000e+00 : f32
    %broadcast_in_dim3A_200 = vector.broadcast %broadcast_in_dim3A_199 : f32 to vector<16xf32>
    %swap3A_201 = arith.constant 3 : i32
    %swap3A_202 = arith.index_cast %swap3A_201 : i32 to index
    %swap3A_203 = arith.constant 0 : index
    %swap3A_204 = tpu.vector_load %arg12[%swap3A_202, %swap3A_203] {strides = array<i32>} : memref<16x128xf32, #tpu.memory_space<vmem>>, vector<1x16xf32>,
    %swap3A_205 = vector.shape_cast %swap3A_204 : vector<1x16xf32> to vector<16xf32>
    %swap3A_206 = vector.shape_cast %broadcast_in_dim3A_200 : vector<16xf32> to vector<1x16xf32>
    tpu.vector_store %arg12[%swap3A_202, %swap3A_203], %swap3A_206 {strides = array<i32>} : memref<16x128xf32, #tpu.memory_space<vmem>>, vector<1x16xf32>,
    %broadcast_in_dim3A_207 = arith.constant 0.000000e+00 : f32
    %broadcast_in_dim3A_208 = vector.broadcast %broadcast_in_dim3A_207 : f32 to vector<16xf32>
    %swap3A_209 = arith.constant 3 : i32
    %swap3A_210 = arith.index_cast %swap3A_209 : i32 to index
    %swap3A_211 = arith.constant 16 : index
    %swap3A_212 = tpu.vector_load %arg12[%swap3A_210, %swap3A_211] {strides = array<i32>} : memref<16x128xf32, #tpu.memory_space<vmem>>, vector<1x16xf32>,
    %swap3A_213 = vector.shape_cast %swap3A_212 : vector<1x16xf32> to vector<16xf32>
    %swap3A_214 = vector.shape_cast %broadcast_in_dim3A_208 : vector<16xf32> to vector<1x16xf32>
    tpu.vector_store %arg12[%swap3A_210, %swap3A_211], %swap3A_214 {strides = array<i32>} : memref<16x128xf32, #tpu.memory_space<vmem>>, vector<1x16xf32>,
    %broadcast_in_dim3A_215 = arith.constant 0.000000e+00 : f32
    %broadcast_in_dim3A_216 = vector.broadcast %broadcast_in_dim3A_215 : f32 to vector<16xf32>
    %swap3A_217 = arith.constant 3 : i32
    %swap3A_218 = arith.index_cast %swap3A_217 : i32 to index
    %swap3A_219 = arith.constant 32 : index
    %swap3A_220 = tpu.vector_load %arg12[%swap3A_218, %swap3A_219] {strides = array<i32>} : memref<16x128xf32, #tpu.memory_space<vmem>>, vector<1x16xf32>,
    %swap3A_221 = vector.shape_cast %swap3A_220 : vector<1x16xf32> to vector<16xf32>
    %swap3A_222 = vector.shape_cast %broadcast_in_dim3A_216 : vector<16xf32> to vector<1x16xf32>
    tpu.vector_store %arg12[%swap3A_218, %swap3A_219], %swap3A_222 {strides = array<i32>} : memref<16x128xf32, #tpu.memory_space<vmem>>, vector<1x16xf32>,
    %broadcast_in_dim3A_223 = arith.constant 0.000000e+00 : f32
    %broadcast_in_dim3A_224 = vector.broadcast %broadcast_in_dim3A_223 : f32 to vector<16xf32>
    %swap3A_225 = arith.constant 3 : i32
    %swap3A_226 = arith.index_cast %swap3A_225 : i32 to index
    %swap3A_227 = arith.constant 48 : index
    %swap3A_228 = tpu.vector_load %arg12[%swap3A_226, %swap3A_227] {strides = array<i32>} : memref<16x128xf32, #tpu.memory_space<vmem>>, vector<1x16xf32>,
    %swap3A_229 = vector.shape_cast %swap3A_228 : vector<1x16xf32> to vector<16xf32>
    %swap3A_230 = vector.shape_cast %broadcast_in_dim3A_224 : vector<16xf32> to vector<1x16xf32>
    tpu.vector_store %arg12[%swap3A_226, %swap3A_227], %swap3A_230 {strides = array<i32>} : memref<16x128xf32, #tpu.memory_space<vmem>>, vector<1x16xf32>,
    %broadcast_in_dim3A_231 = arith.constant 0.000000e+00 : f32
    %broadcast_in_dim3A_232 = vector.broadcast %broadcast_in_dim3A_231 : f32 to vector<16xf32>
    %swap3A_233 = arith.constant 3 : i32
    %swap3A_234 = arith.index_cast %swap3A_233 : i32 to index
    %swap3A_235 = arith.constant 64 : index
    %swap3A_236 = tpu.vector_load %arg12[%swap3A_234, %swap3A_235] {strides = array<i32>} : memref<16x128xf32, #tpu.memory_space<vmem>>, vector<1x16xf32>,
    %swap3A_237 = vector.shape_cast %swap3A_236 : vector<1x16xf32> to vector<16xf32>
    %swap3A_238 = vector.shape_cast %broadcast_in_dim3A_232 : vector<16xf32> to vector<1x16xf32>
    tpu.vector_store %arg12[%swap3A_234, %swap3A_235], %swap3A_238 {strides = array<i32>} : memref<16x128xf32, #tpu.memory_space<vmem>>, vector<1x16xf32>,
    %broadcast_in_dim3A_239 = arith.constant 0.000000e+00 : f32
    %broadcast_in_dim3A_240 = vector.broadcast %broadcast_in_dim3A_239 : f32 to vector<16xf32>
    %swap3A_241 = arith.constant 3 : i32
    %swap3A_242 = arith.index_cast %swap3A_241 : i32 to index
    %swap3A_243 = arith.constant 80 : index
    %swap3A_244 = tpu.vector_load %arg12[%swap3A_242, %swap3A_243] {strides = array<i32>} : memref<16x128xf32, #tpu.memory_space<vmem>>, vector<1x16xf32>,
    %swap3A_245 = vector.shape_cast %swap3A_244 : vector<1x16xf32> to vector<16xf32>
    %swap3A_246 = vector.shape_cast %broadcast_in_dim3A_240 : vector<16xf32> to vector<1x16xf32>
    tpu.vector_store %arg12[%swap3A_242, %swap3A_243], %swap3A_246 {strides = array<i32>} : memref<16x128xf32, #tpu.memory_space<vmem>>, vector<1x16xf32>,
    %broadcast_in_dim3A_247 = arith.constant 0.000000e+00 : f32
    %broadcast_in_dim3A_248 = vector.broadcast %broadcast_in_dim3A_247 : f32 to vector<16xf32>
    %swap3A_249 = arith.constant 3 : i32
    %swap3A_250 = arith.index_cast %swap3A_249 : i32 to index
    %swap3A_251 = arith.constant 96 : index
    %swap3A_252 = tpu.vector_load %arg12[%swap3A_250, %swap3A_251] {strides = array<i32>} : memref<16x128xf32, #tpu.memory_space<vmem>>, vector<1x16xf32>,
    %swap3A_253 = vector.shape_cast %swap3A_252 : vector<1x16xf32> to vector<16xf32>
    %swap3A_254 = vector.shape_cast %broadcast_in_dim3A_248 : vector<16xf32> to vector<1x16xf32>
    tpu.vector_store %arg12[%swap3A_250, %swap3A_251], %swap3A_254 {strides = array<i32>} : memref<16x128xf32, #tpu.memory_space<vmem>>, vector<1x16xf32>,
    %broadcast_in_dim3A_255 = arith.constant 0.000000e+00 : f32
    %broadcast_in_dim3A_256 = vector.broadcast %broadcast_in_dim3A_255 : f32 to vector<16xf32>
    %swap3A_257 = arith.constant 3 : i32
    %swap3A_258 = arith.index_cast %swap3A_257 : i32 to index
    %swap3A_259 = arith.constant 112 : index
    %swap3A_260 = tpu.vector_load %arg12[%swap3A_258, %swap3A_259] {strides = array<i32>} : memref<16x128xf32, #tpu.memory_space<vmem>>, vector<1x16xf32>,
    %swap3A_261 = vector.shape_cast %swap3A_260 : vector<1x16xf32> to vector<16xf32>
    %swap3A_262 = vector.shape_cast %broadcast_in_dim3A_256 : vector<16xf32> to vector<1x16xf32>
    tpu.vector_store %arg12[%swap3A_258, %swap3A_259], %swap3A_262 {strides = array<i32>} : memref<16x128xf32, #tpu.memory_space<vmem>>, vector<1x16xf32>,
    %broadcast_in_dim3A_263 = arith.constant 0.000000e+00 : f32
    %broadcast_in_dim3A_264 = vector.broadcast %broadcast_in_dim3A_263 : f32 to vector<16xf32>
    %swap3A_265 = arith.constant 4 : i32
    %swap3A_266 = arith.index_cast %swap3A_265 : i32 to index
    %swap3A_267 = arith.constant 0 : index
    %swap3A_268 = tpu.vector_load %arg12[%swap3A_266, %swap3A_267] {strides = array<i32>} : memref<16x128xf32, #tpu.memory_space<vmem>>, vector<1x16xf32>,
    %swap3A_269 = vector.shape_cast %swap3A_268 : vector<1x16xf32> to vector<16xf32>
    %swap3A_270 = vector.shape_cast %broadcast_in_dim3A_264 : vector<16xf32> to vector<1x16xf32>
    tpu.vector_store %arg12[%swap3A_266, %swap3A_267], %swap3A_270 {strides = array<i32>} : memref<16x128xf32, #tpu.memory_space<vmem>>, vector<1x16xf32>,
    %broadcast_in_dim3A_271 = arith.constant 0.000000e+00 : f32
    %broadcast_in_dim3A_272 = vector.broadcast %broadcast_in_dim3A_271 : f32 to vector<16xf32>
    %swap3A_273 = arith.constant 4 : i32
    %swap3A_274 = arith.index_cast %swap3A_273 : i32 to index
    %swap3A_275 = arith.constant 16 : index
    %swap3A_276 = tpu.vector_load %arg12[%swap3A_274, %swap3A_275] {strides = array<i32>} : memref<16x128xf32, #tpu.memory_space<vmem>>, vector<1x16xf32>,
    %swap3A_277 = vector.shape_cast %swap3A_276 : vector<1x16xf32> to vector<16xf32>
    %swap3A_278 = vector.shape_cast %broadcast_in_dim3A_272 : vector<16xf32> to vector<1x16xf32>
    tpu.vector_store %arg12[%swap3A_274, %swap3A_275], %swap3A_278 {strides = array<i32>} : memref<16x128xf32, #tpu.memory_space<vmem>>, vector<1x16xf32>,
    %broadcast_in_dim3A_279 = arith.constant 0.000000e+00 : f32
    %broadcast_in_dim3A_280 = vector.broadcast %broadcast_in_dim3A_279 : f32 to vector<16xf32>
    %swap3A_281 = arith.constant 4 : i32
    %swap3A_282 = arith.index_cast %swap3A_281 : i32 to index
    %swap3A_283 = arith.constant 32 : index
    %swap3A_284 = tpu.vector_load %arg12[%swap3A_282, %swap3A_283] {strides = array<i32>} : memref<16x128xf32, #tpu.memory_space<vmem>>, vector<1x16xf32>,
    %swap3A_285 = vector.shape_cast %swap3A_284 : vector<1x16xf32> to vector<16xf32>
    %swap3A_286 = vector.shape_cast %broadcast_in_dim3A_280 : vector<16xf32> to vector<1x16xf32>
    tpu.vector_store %arg12[%swap3A_282, %swap3A_283], %swap3A_286 {strides = array<i32>} : memref<16x128xf32, #tpu.memory_space<vmem>>, vector<1x16xf32>,
    %broadcast_in_dim3A_287 = arith.constant 0.000000e+00 : f32
    %broadcast_in_dim3A_288 = vector.broadcast %broadcast_in_dim3A_287 : f32 to vector<16xf32>
    %swap3A_289 = arith.constant 4 : i32
    %swap3A_290 = arith.index_cast %swap3A_289 : i32 to index
    %swap3A_291 = arith.constant 48 : index
    %swap3A_292 = tpu.vector_load %arg12[%swap3A_290, %swap3A_291] {strides = array<i32>} : memref<16x128xf32, #tpu.memory_space<vmem>>, vector<1x16xf32>,
    %swap3A_293 = vector.shape_cast %swap3A_292 : vector<1x16xf32> to vector<16xf32>
    %swap3A_294 = vector.shape_cast %broadcast_in_dim3A_288 : vector<16xf32> to vector<1x16xf32>
    tpu.vector_store %arg12[%swap3A_290, %swap3A_291], %swap3A_294 {strides = array<i32>} : memref<16x128xf32, #tpu.memory_space<vmem>>, vector<1x16xf32>,
    %broadcast_in_dim3A_295 = arith.constant 0.000000e+00 : f32
    %broadcast_in_dim3A_296 = vector.broadcast %broadcast_in_dim3A_295 : f32 to vector<16xf32>
    %swap3A_297 = arith.constant 4 : i32
    %swap3A_298 = arith.index_cast %swap3A_297 : i32 to index
    %swap3A_299 = arith.constant 64 : index
    %swap3A_300 = tpu.vector_load %arg12[%swap3A_298, %swap3A_299] {strides = array<i32>} : memref<16x128xf32, #tpu.memory_space<vmem>>, vector<1x16xf32>,
    %swap3A_301 = vector.shape_cast %swap3A_300 : vector<1x16xf32> to vector<16xf32>
    %swap3A_302 = vector.shape_cast %broadcast_in_dim3A_296 : vector<16xf32> to vector<1x16xf32>
    tpu.vector_store %arg12[%swap3A_298, %swap3A_299], %swap3A_302 {strides = array<i32>} : memref<16x128xf32, #tpu.memory_space<vmem>>, vector<1x16xf32>,
    %broadcast_in_dim3A_303 = arith.constant 0.000000e+00 : f32
    %broadcast_in_dim3A_304 = vector.broadcast %broadcast_in_dim3A_303 : f32 to vector<16xf32>
    %swap3A_305 = arith.constant 4 : i32
    %swap3A_306 = arith.index_cast %swap3A_305 : i32 to index
    %swap3A_307 = arith.constant 80 : index
    %swap3A_308 = tpu.vector_load %arg12[%swap3A_306, %swap3A_307] {strides = array<i32>} : memref<16x128xf32, #tpu.memory_space<vmem>>, vector<1x16xf32>,
    %swap3A_309 = vector.shape_cast %swap3A_308 : vector<1x16xf32> to vector<16xf32>
    %swap3A_310 = vector.shape_cast %broadcast_in_dim3A_304 : vector<16xf32> to vector<1x16xf32>
    tpu.vector_store %arg12[%swap3A_306, %swap3A_307], %swap3A_310 {strides = array<i32>} : memref<16x128xf32, #tpu.memory_space<vmem>>, vector<1x16xf32>,
    %broadcast_in_dim3A_311 = arith.constant 0.000000e+00 : f32
    %broadcast_in_dim3A_312 = vector.broadcast %broadcast_in_dim3A_311 : f32 to vector<16xf32>
    %swap3A_313 = arith.constant 4 : i32
    %swap3A_314 = arith.index_cast %swap3A_313 : i32 to index
    %swap3A_315 = arith.constant 96 : index
    %swap3A_316 = tpu.vector_load %arg12[%swap3A_314, %swap3A_315] {strides = array<i32>} : memref<16x128xf32, #tpu.memory_space<vmem>>, vector<1x16xf32>,
    %swap3A_317 = vector.shape_cast %swap3A_316 : vector<1x16xf32> to vector<16xf32>
    %swap3A_318 = vector.shape_cast %broadcast_in_dim3A_312 : vector<16xf32> to vector<1x16xf32>
    tpu.vector_store %arg12[%swap3A_314, %swap3A_315], %swap3A_318 {strides = array<i32>} : memref<16x128xf32, #tpu.memory_space<vmem>>, vector<1x16xf32>,
    %broadcast_in_dim3A_319 = arith.constant 0.000000e+00 : f32
    %broadcast_in_dim3A_320 = vector.broadcast %broadcast_in_dim3A_319 : f32 to vector<16xf32>
    %swap3A_321 = arith.constant 4 : i32
    %swap3A_322 = arith.index_cast %swap3A_321 : i32 to index
    %swap3A_323 = arith.constant 112 : index
    %swap3A_324 = tpu.vector_load %arg12[%swap3A_322, %swap3A_323] {strides = array<i32>} : memref<16x128xf32, #tpu.memory_space<vmem>>, vector<1x16xf32>,
    %swap3A_325 = vector.shape_cast %swap3A_324 : vector<1x16xf32> to vector<16xf32>
    %swap3A_326 = vector.shape_cast %broadcast_in_dim3A_320 : vector<16xf32> to vector<1x16xf32>
    tpu.vector_store %arg12[%swap3A_322, %swap3A_323], %swap3A_326 {strides = array<i32>} : memref<16x128xf32, #tpu.memory_space<vmem>>, vector<1x16xf32>,
    %broadcast_in_dim3A_327 = arith.constant 0.000000e+00 : f32
    %broadcast_in_dim3A_328 = vector.broadcast %broadcast_in_dim3A_327 : f32 to vector<16xf32>
    %swap3A_329 = arith.constant 5 : i32
    %swap3A_330 = arith.index_cast %swap3A_329 : i32 to index
    %swap3A_331 = arith.constant 0 : index
    %swap3A_332 = tpu.vector_load %arg12[%swap3A_330, %swap3A_331] {strides = array<i32>} : memref<16x128xf32, #tpu.memory_space<vmem>>, vector<1x16xf32>,
    %swap3A_333 = vector.shape_cast %swap3A_332 : vector<1x16xf32> to vector<16xf32>
    %swap3A_334 = vector.shape_cast %broadcast_in_dim3A_328 : vector<16xf32> to vector<1x16xf32>
    tpu.vector_store %arg12[%swap3A_330, %swap3A_331], %swap3A_334 {strides = array<i32>} : memref<16x128xf32, #tpu.memory_space<vmem>>, vector<1x16xf32>,
    %broadcast_in_dim3A_335 = arith.constant 0.000000e+00 : f32
    %broadcast_in_dim3A_336 = vector.broadcast %broadcast_in_dim3A_335 : f32 to vector<16xf32>
    %swap3A_337 = arith.constant 5 : i32
    %swap3A_338 = arith.index_cast %swap3A_337 : i32 to index
    %swap3A_339 = arith.constant 16 : index
    %swap3A_340 = tpu.vector_load %arg12[%swap3A_338, %swap3A_339] {strides = array<i32>} : memref<16x128xf32, #tpu.memory_space<vmem>>, vector<1x16xf32>,
    %swap3A_341 = vector.shape_cast %swap3A_340 : vector<1x16xf32> to vector<16xf32>
    %swap3A_342 = vector.shape_cast %broadcast_in_dim3A_336 : vector<16xf32> to vector<1x16xf32>
    tpu.vector_store %arg12[%swap3A_338, %swap3A_339], %swap3A_342 {strides = array<i32>} : memref<16x128xf32, #tpu.memory_space<vmem>>, vector<1x16xf32>,
    %broadcast_in_dim3A_343 = arith.constant 0.000000e+00 : f32
    %broadcast_in_dim3A_344 = vector.broadcast %broadcast_in_dim3A_343 : f32 to vector<16xf32>
    %swap3A_345 = arith.constant 5 : i32
    %swap3A_346 = arith.index_cast %swap3A_345 : i32 to index
    %swap3A_347 = arith.constant 32 : index
    %swap3A_348 = tpu.vector_load %arg12[%swap3A_346, %swap3A_347] {strides = array<i32>} : memref<16x128xf32, #tpu.memory_space<vmem>>, vector<1x16xf32>,
    %swap3A_349 = vector.shape_cast %swap3A_348 : vector<1x16xf32> to vector<16xf32>
    %swap3A_350 = vector.shape_cast %broadcast_in_dim3A_344 : vector<16xf32> to vector<1x16xf32>
    tpu.vector_store %arg12[%swap3A_346, %swap3A_347], %swap3A_350 {strides = array<i32>} : memref<16x128xf32, #tpu.memory_space<vmem>>, vector<1x16xf32>,
    %broadcast_in_dim3A_351 = arith.constant 0.000000e+00 : f32
    %broadcast_in_dim3A_352 = vector.broadcast %broadcast_in_dim3A_351 : f32 to vector<16xf32>
    %swap3A_353 = arith.constant 5 : i32
    %swap3A_354 = arith.index_cast %swap3A_353 : i32 to index
    %swap3A_355 = arith.constant 48 : index
    %swap3A_356 = tpu.vector_load %arg12[%swap3A_354, %swap3A_355] {strides = array<i32>} : memref<16x128xf32, #tpu.memory_space<vmem>>, vector<1x16xf32>,
    %swap3A_357 = vector.shape_cast %swap3A_356 : vector<1x16xf32> to vector<16xf32>
    %swap3A_358 = vector.shape_cast %broadcast_in_dim3A_352 : vector<16xf32> to vector<1x16xf32>
    tpu.vector_store %arg12[%swap3A_354, %swap3A_355], %swap3A_358 {strides = array<i32>} : memref<16x128xf32, #tpu.memory_space<vmem>>, vector<1x16xf32>,
    %broadcast_in_dim3A_359 = arith.constant 0.000000e+00 : f32
    %broadcast_in_dim3A_360 = vector.broadcast %broadcast_in_dim3A_359 : f32 to vector<16xf32>
    %swap3A_361 = arith.constant 5 : i32
    %swap3A_362 = arith.index_cast %swap3A_361 : i32 to index
    %swap3A_363 = arith.constant 64 : index
    %swap3A_364 = tpu.vector_load %arg12[%swap3A_362, %swap3A_363] {strides = array<i32>} : memref<16x128xf32, #tpu.memory_space<vmem>>, vector<1x16xf32>,
    %swap3A_365 = vector.shape_cast %swap3A_364 : vector<1x16xf32> to vector<16xf32>
    %swap3A_366 = vector.shape_cast %broadcast_in_dim3A_360 : vector<16xf32> to vector<1x16xf32>
    tpu.vector_store %arg12[%swap3A_362, %swap3A_363], %swap3A_366 {strides = array<i32>} : memref<16x128xf32, #tpu.memory_space<vmem>>, vector<1x16xf32>,
    %broadcast_in_dim3A_367 = arith.constant 0.000000e+00 : f32
    %broadcast_in_dim3A_368 = vector.broadcast %broadcast_in_dim3A_367 : f32 to vector<16xf32>
    %swap3A_369 = arith.constant 5 : i32
    %swap3A_370 = arith.index_cast %swap3A_369 : i32 to index
    %swap3A_371 = arith.constant 80 : index
    %swap3A_372 = tpu.vector_load %arg12[%swap3A_370, %swap3A_371] {strides = array<i32>} : memref<16x128xf32, #tpu.memory_space<vmem>>, vector<1x16xf32>,
    %swap3A_373 = vector.shape_cast %swap3A_372 : vector<1x16xf32> to vector<16xf32>
    %swap3A_374 = vector.shape_cast %broadcast_in_dim3A_368 : vector<16xf32> to vector<1x16xf32>
    tpu.vector_store %arg12[%swap3A_370, %swap3A_371], %swap3A_374 {strides = array<i32>} : memref<16x128xf32, #tpu.memory_space<vmem>>, vector<1x16xf32>,
    %broadcast_in_dim3A_375 = arith.constant 0.000000e+00 : f32
    %broadcast_in_dim3A_376 = vector.broadcast %broadcast_in_dim3A_375 : f32 to vector<16xf32>
    %swap3A_377 = arith.constant 5 : i32
    %swap3A_378 = arith.index_cast %swap3A_377 : i32 to index
    %swap3A_379 = arith.constant 96 : index
    %swap3A_380 = tpu.vector_load %arg12[%swap3A_378, %swap3A_379] {strides = array<i32>} : memref<16x128xf32, #tpu.memory_space<vmem>>, vector<1x16xf32>,
    %swap3A_381 = vector.shape_cast %swap3A_380 : vector<1x16xf32> to vector<16xf32>
    %swap3A_382 = vector.shape_cast %broadcast_in_dim3A_376 : vector<16xf32> to vector<1x16xf32>
    tpu.vector_store %arg12[%swap3A_378, %swap3A_379], %swap3A_382 {strides = array<i32>} : memref<16x128xf32, #tpu.memory_space<vmem>>, vector<1x16xf32>,
    %broadcast_in_dim3A_383 = arith.constant 0.000000e+00 : f32
    %broadcast_in_dim3A_384 = vector.broadcast %broadcast_in_dim3A_383 : f32 to vector<16xf32>
    %swap3A_385 = arith.constant 5 : i32
    %swap3A_386 = arith.index_cast %swap3A_385 : i32 to index
    %swap3A_387 = arith.constant 112 : index
    %swap3A_388 = tpu.vector_load %arg12[%swap3A_386, %swap3A_387] {strides = array<i32>} : memref<16x128xf32, #tpu.memory_space<vmem>>, vector<1x16xf32>,
    %swap3A_389 = vector.shape_cast %swap3A_388 : vector<1x16xf32> to vector<16xf32>
    %swap3A_390 = vector.shape_cast %broadcast_in_dim3A_384 : vector<16xf32> to vector<1x16xf32>
    tpu.vector_store %arg12[%swap3A_386, %swap3A_387], %swap3A_390 {strides = array<i32>} : memref<16x128xf32, #tpu.memory_space<vmem>>, vector<1x16xf32>,
    %broadcast_in_dim3A_391 = arith.constant 0.000000e+00 : f32
    %broadcast_in_dim3A_392 = vector.broadcast %broadcast_in_dim3A_391 : f32 to vector<16xf32>
    %swap3A_393 = arith.constant 6 : i32
    %swap3A_394 = arith.index_cast %swap3A_393 : i32 to index
    %swap3A_395 = arith.constant 0 : index
    %swap3A_396 = tpu.vector_load %arg12[%swap3A_394, %swap3A_395] {strides = array<i32>} : memref<16x128xf32, #tpu.memory_space<vmem>>, vector<1x16xf32>,
    %swap3A_397 = vector.shape_cast %swap3A_396 : vector<1x16xf32> to vector<16xf32>
    %swap3A_398 = vector.shape_cast %broadcast_in_dim3A_392 : vector<16xf32> to vector<1x16xf32>
    tpu.vector_store %arg12[%swap3A_394, %swap3A_395], %swap3A_398 {strides = array<i32>} : memref<16x128xf32, #tpu.memory_space<vmem>>, vector<1x16xf32>,
    %broadcast_in_dim3A_399 = arith.constant 0.000000e+00 : f32
    %broadcast_in_dim3A_400 = vector.broadcast %broadcast_in_dim3A_399 : f32 to vector<16xf32>
    %swap3A_401 = arith.constant 6 : i32
    %swap3A_402 = arith.index_cast %swap3A_401 : i32 to index
    %swap3A_403 = arith.constant 16 : index
    %swap3A_404 = tpu.vector_load %arg12[%swap3A_402, %swap3A_403] {strides = array<i32>} : memref<16x128xf32, #tpu.memory_space<vmem>>, vector<1x16xf32>,
    %swap3A_405 = vector.shape_cast %swap3A_404 : vector<1x16xf32> to vector<16xf32>
    %swap3A_406 = vector.shape_cast %broadcast_in_dim3A_400 : vector<16xf32> to vector<1x16xf32>
    tpu.vector_store %arg12[%swap3A_402, %swap3A_403], %swap3A_406 {strides = array<i32>} : memref<16x128xf32, #tpu.memory_space<vmem>>, vector<1x16xf32>,
    %broadcast_in_dim3A_407 = arith.constant 0.000000e+00 : f32
    %broadcast_in_dim3A_408 = vector.broadcast %broadcast_in_dim3A_407 : f32 to vector<16xf32>
    %swap3A_409 = arith.constant 6 : i32
    %swap3A_410 = arith.index_cast %swap3A_409 : i32 to index
    %swap3A_411 = arith.constant 32 : index
    %swap3A_412 = tpu.vector_load %arg12[%swap3A_410, %swap3A_411] {strides = array<i32>} : memref<16x128xf32, #tpu.memory_space<vmem>>, vector<1x16xf32>,
    %swap3A_413 = vector.shape_cast %swap3A_412 : vector<1x16xf32> to vector<16xf32>
    %swap3A_414 = vector.shape_cast %broadcast_in_dim3A_408 : vector<16xf32> to vector<1x16xf32>
    tpu.vector_store %arg12[%swap3A_410, %swap3A_411], %swap3A_414 {strides = array<i32>} : memref<16x128xf32, #tpu.memory_space<vmem>>, vector<1x16xf32>,
    %broadcast_in_dim3A_415 = arith.constant 0.000000e+00 : f32
    %broadcast_in_dim3A_416 = vector.broadcast %broadcast_in_dim3A_415 : f32 to vector<16xf32>
    %swap3A_417 = arith.constant 6 : i32
    %swap3A_418 = arith.index_cast %swap3A_417 : i32 to index
    %swap3A_419 = arith.constant 48 : index
    %swap3A_420 = tpu.vector_load %arg12[%swap3A_418, %swap3A_419] {strides = array<i32>} : memref<16x128xf32, #tpu.memory_space<vmem>>, vector<1x16xf32>,
    %swap3A_421 = vector.shape_cast %swap3A_420 : vector<1x16xf32> to vector<16xf32>
    %swap3A_422 = vector.shape_cast %broadcast_in_dim3A_416 : vector<16xf32> to vector<1x16xf32>
    tpu.vector_store %arg12[%swap3A_418, %swap3A_419], %swap3A_422 {strides = array<i32>} : memref<16x128xf32, #tpu.memory_space<vmem>>, vector<1x16xf32>,
    %broadcast_in_dim3A_423 = arith.constant 0.000000e+00 : f32
    %broadcast_in_dim3A_424 = vector.broadcast %broadcast_in_dim3A_423 : f32 to vector<16xf32>
    %swap3A_425 = arith.constant 6 : i32
    %swap3A_426 = arith.index_cast %swap3A_425 : i32 to index
    %swap3A_427 = arith.constant 64 : index
    %swap3A_428 = tpu.vector_load %arg12[%swap3A_426, %swap3A_427] {strides = array<i32>} : memref<16x128xf32, #tpu.memory_space<vmem>>, vector<1x16xf32>,
    %swap3A_429 = vector.shape_cast %swap3A_428 : vector<1x16xf32> to vector<16xf32>
    %swap3A_430 = vector.shape_cast %broadcast_in_dim3A_424 : vector<16xf32> to vector<1x16xf32>
    tpu.vector_store %arg12[%swap3A_426, %swap3A_427], %swap3A_430 {strides = array<i32>} : memref<16x128xf32, #tpu.memory_space<vmem>>, vector<1x16xf32>,
    %broadcast_in_dim3A_431 = arith.constant 0.000000e+00 : f32
    %broadcast_in_dim3A_432 = vector.broadcast %broadcast_in_dim3A_431 : f32 to vector<16xf32>
    %swap3A_433 = arith.constant 6 : i32
    %swap3A_434 = arith.index_cast %swap3A_433 : i32 to index
    %swap3A_435 = arith.constant 80 : index
    %swap3A_436 = tpu.vector_load %arg12[%swap3A_434, %swap3A_435] {strides = array<i32>} : memref<16x128xf32, #tpu.memory_space<vmem>>, vector<1x16xf32>,
    %swap3A_437 = vector.shape_cast %swap3A_436 : vector<1x16xf32> to vector<16xf32>
    %swap3A_438 = vector.shape_cast %broadcast_in_dim3A_432 : vector<16xf32> to vector<1x16xf32>
    tpu.vector_store %arg12[%swap3A_434, %swap3A_435], %swap3A_438 {strides = array<i32>} : memref<16x128xf32, #tpu.memory_space<vmem>>, vector<1x16xf32>,
    %broadcast_in_dim3A_439 = arith.constant 0.000000e+00 : f32
    %broadcast_in_dim3A_440 = vector.broadcast %broadcast_in_dim3A_439 : f32 to vector<16xf32>
    %swap3A_441 = arith.constant 6 : i32
    %swap3A_442 = arith.index_cast %swap3A_441 : i32 to index
    %swap3A_443 = arith.constant 96 : index
    %swap3A_444 = tpu.vector_load %arg12[%swap3A_442, %swap3A_443] {strides = array<i32>} : memref<16x128xf32, #tpu.memory_space<vmem>>, vector<1x16xf32>,
    %swap3A_445 = vector.shape_cast %swap3A_444 : vector<1x16xf32> to vector<16xf32>
    %swap3A_446 = vector.shape_cast %broadcast_in_dim3A_440 : vector<16xf32> to vector<1x16xf32>
    tpu.vector_store %arg12[%swap3A_442, %swap3A_443], %swap3A_446 {strides = array<i32>} : memref<16x128xf32, #tpu.memory_space<vmem>>, vector<1x16xf32>,
    %broadcast_in_dim3A_447 = arith.constant 0.000000e+00 : f32
    %broadcast_in_dim3A_448 = vector.broadcast %broadcast_in_dim3A_447 : f32 to vector<16xf32>
    %swap3A_449 = arith.constant 6 : i32
    %swap3A_450 = arith.index_cast %swap3A_449 : i32 to index
    %swap3A_451 = arith.constant 112 : index
    %swap3A_452 = tpu.vector_load %arg12[%swap3A_450, %swap3A_451] {strides = array<i32>} : memref<16x128xf32, #tpu.memory_space<vmem>>, vector<1x16xf32>,
    %swap3A_453 = vector.shape_cast %swap3A_452 : vector<1x16xf32> to vector<16xf32>
    %swap3A_454 = vector.shape_cast %broadcast_in_dim3A_448 : vector<16xf32> to vector<1x16xf32>
    tpu.vector_store %arg12[%swap3A_450, %swap3A_451], %swap3A_454 {strides = array<i32>} : memref<16x128xf32, #tpu.memory_space<vmem>>, vector<1x16xf32>,
    %broadcast_in_dim3A_455 = arith.constant 0.000000e+00 : f32
    %broadcast_in_dim3A_456 = vector.broadcast %broadcast_in_dim3A_455 : f32 to vector<16xf32>
    %swap3A_457 = arith.constant 7 : i32
    %swap3A_458 = arith.index_cast %swap3A_457 : i32 to index
    %swap3A_459 = arith.constant 0 : index
    %swap3A_460 = tpu.vector_load %arg12[%swap3A_458, %swap3A_459] {strides = array<i32>} : memref<16x128xf32, #tpu.memory_space<vmem>>, vector<1x16xf32>,
    %swap3A_461 = vector.shape_cast %swap3A_460 : vector<1x16xf32> to vector<16xf32>
    %swap3A_462 = vector.shape_cast %broadcast_in_dim3A_456 : vector<16xf32> to vector<1x16xf32>
    tpu.vector_store %arg12[%swap3A_458, %swap3A_459], %swap3A_462 {strides = array<i32>} : memref<16x128xf32, #tpu.memory_space<vmem>>, vector<1x16xf32>,
    %broadcast_in_dim3A_463 = arith.constant 0.000000e+00 : f32
    %broadcast_in_dim3A_464 = vector.broadcast %broadcast_in_dim3A_463 : f32 to vector<16xf32>
    %swap3A_465 = arith.constant 7 : i32
    %swap3A_466 = arith.index_cast %swap3A_465 : i32 to index
    %swap3A_467 = arith.constant 16 : index
    %swap3A_468 = tpu.vector_load %arg12[%swap3A_466, %swap3A_467] {strides = array<i32>} : memref<16x128xf32, #tpu.memory_space<vmem>>, vector<1x16xf32>,
    %swap3A_469 = vector.shape_cast %swap3A_468 : vector<1x16xf32> to vector<16xf32>
    %swap3A_470 = vector.shape_cast %broadcast_in_dim3A_464 : vector<16xf32> to vector<1x16xf32>
    tpu.vector_store %arg12[%swap3A_466, %swap3A_467], %swap3A_470 {strides = array<i32>} : memref<16x128xf32, #tpu.memory_space<vmem>>, vector<1x16xf32>,
    %broadcast_in_dim3A_471 = arith.constant 0.000000e+00 : f32
    %broadcast_in_dim3A_472 = vector.broadcast %broadcast_in_dim3A_471 : f32 to vector<16xf32>
    %swap3A_473 = arith.constant 7 : i32
    %swap3A_474 = arith.index_cast %swap3A_473 : i32 to index
    %swap3A_475 = arith.constant 32 : index
    %swap3A_476 = tpu.vector_load %arg12[%swap3A_474, %swap3A_475] {strides = array<i32>} : memref<16x128xf32, #tpu.memory_space<vmem>>, vector<1x16xf32>,
    %swap3A_477 = vector.shape_cast %swap3A_476 : vector<1x16xf32> to vector<16xf32>
    %swap3A_478 = vector.shape_cast %broadcast_in_dim3A_472 : vector<16xf32> to vector<1x16xf32>
    tpu.vector_store %arg12[%swap3A_474, %swap3A_475], %swap3A_478 {strides = array<i32>} : memref<16x128xf32, #tpu.memory_space<vmem>>, vector<1x16xf32>,
    %broadcast_in_dim3A_479 = arith.constant 0.000000e+00 : f32
    %broadcast_in_dim3A_480 = vector.broadcast %broadcast_in_dim3A_479 : f32 to vector<16xf32>
    %swap3A_481 = arith.constant 7 : i32
    %swap3A_482 = arith.index_cast %swap3A_481 : i32 to index
    %swap3A_483 = arith.constant 48 : index
    %swap3A_484 = tpu.vector_load %arg12[%swap3A_482, %swap3A_483] {strides = array<i32>} : memref<16x128xf32, #tpu.memory_space<vmem>>, vector<1x16xf32>,
    %swap3A_485 = vector.shape_cast %swap3A_484 : vector<1x16xf32> to vector<16xf32>
    %swap3A_486 = vector.shape_cast %broadcast_in_dim3A_480 : vector<16xf32> to vector<1x16xf32>
    tpu.vector_store %arg12[%swap3A_482, %swap3A_483], %swap3A_486 {strides = array<i32>} : memref<16x128xf32, #tpu.memory_space<vmem>>, vector<1x16xf32>,
    %broadcast_in_dim3A_487 = arith.constant 0.000000e+00 : f32
    %broadcast_in_dim3A_488 = vector.broadcast %broadcast_in_dim3A_487 : f32 to vector<16xf32>
    %swap3A_489 = arith.constant 7 : i32
    %swap3A_490 = arith.index_cast %swap3A_489 : i32 to index
    %swap3A_491 = arith.constant 64 : index
    %swap3A_492 = tpu.vector_load %arg12[%swap3A_490, %swap3A_491] {strides = array<i32>} : memref<16x128xf32, #tpu.memory_space<vmem>>, vector<1x16xf32>,
    %swap3A_493 = vector.shape_cast %swap3A_492 : vector<1x16xf32> to vector<16xf32>
    %swap3A_494 = vector.shape_cast %broadcast_in_dim3A_488 : vector<16xf32> to vector<1x16xf32>
    tpu.vector_store %arg12[%swap3A_490, %swap3A_491], %swap3A_494 {strides = array<i32>} : memref<16x128xf32, #tpu.memory_space<vmem>>, vector<1x16xf32>,
    %broadcast_in_dim3A_495 = arith.constant 0.000000e+00 : f32
    %broadcast_in_dim3A_496 = vector.broadcast %broadcast_in_dim3A_495 : f32 to vector<16xf32>
    %swap3A_497 = arith.constant 7 : i32
    %swap3A_498 = arith.index_cast %swap3A_497 : i32 to index
    %swap3A_499 = arith.constant 80 : index
    %swap3A_500 = tpu.vector_load %arg12[%swap3A_498, %swap3A_499] {strides = array<i32>} : memref<16x128xf32, #tpu.memory_space<vmem>>, vector<1x16xf32>,
    %swap3A_501 = vector.shape_cast %swap3A_500 : vector<1x16xf32> to vector<16xf32>
    %swap3A_502 = vector.shape_cast %broadcast_in_dim3A_496 : vector<16xf32> to vector<1x16xf32>
    tpu.vector_store %arg12[%swap3A_498, %swap3A_499], %swap3A_502 {strides = array<i32>} : memref<16x128xf32, #tpu.memory_space<vmem>>, vector<1x16xf32>,
    %broadcast_in_dim3A_503 = arith.constant 0.000000e+00 : f32
    %broadcast_in_dim3A_504 = vector.broadcast %broadcast_in_dim3A_503 : f32 to vector<16xf32>
    %swap3A_505 = arith.constant 7 : i32
    %swap3A_506 = arith.index_cast %swap3A_505 : i32 to index
    %swap3A_507 = arith.constant 96 : index
    %swap3A_508 = tpu.vector_load %arg12[%swap3A_506, %swap3A_507] {strides = array<i32>} : memref<16x128xf32, #tpu.memory_space<vmem>>, vector<1x16xf32>,
    %swap3A_509 = vector.shape_cast %swap3A_508 : vector<1x16xf32> to vector<16xf32>
    %swap3A_510 = vector.shape_cast %broadcast_in_dim3A_504 : vector<16xf32> to vector<1x16xf32>
    tpu.vector_store %arg12[%swap3A_506, %swap3A_507], %swap3A_510 {strides = array<i32>} : memref<16x128xf32, #tpu.memory_space<vmem>>, vector<1x16xf32>,
    %broadcast_in_dim3A_511 = arith.constant 0.000000e+00 : f32
    %broadcast_in_dim3A_512 = vector.broadcast %broadcast_in_dim3A_511 : f32 to vector<16xf32>
    %swap3A_513 = arith.constant 7 : i32
    %swap3A_514 = arith.index_cast %swap3A_513 : i32 to index
    %swap3A_515 = arith.constant 112 : index
    %swap3A_516 = tpu.vector_load %arg12[%swap3A_514, %swap3A_515] {strides = array<i32>} : memref<16x128xf32, #tpu.memory_space<vmem>>, vector<1x16xf32>,
    %swap3A_517 = vector.shape_cast %swap3A_516 : vector<1x16xf32> to vector<16xf32>
    %swap3A_518 = vector.shape_cast %broadcast_in_dim3A_512 : vector<16xf32> to vector<1x16xf32>
    tpu.vector_store %arg12[%swap3A_514, %swap3A_515], %swap3A_518 {strides = array<i32>} : memref<16x128xf32, #tpu.memory_space<vmem>>, vector<1x16xf32>,
    %broadcast_in_dim3A_519 = arith.constant 0.000000e+00 : f32
    %broadcast_in_dim3A_520 = vector.broadcast %broadcast_in_dim3A_519 : f32 to vector<16xf32>
    %swap3A_521 = arith.constant 8 : i32
    %swap3A_522 = arith.index_cast %swap3A_521 : i32 to index
    %swap3A_523 = arith.constant 0 : index
    %swap3A_524 = tpu.vector_load %arg12[%swap3A_522, %swap3A_523] {strides = array<i32>} : memref<16x128xf32, #tpu.memory_space<vmem>>, vector<1x16xf32>,
    %swap3A_525 = vector.shape_cast %swap3A_524 : vector<1x16xf32> to vector<16xf32>
    %swap3A_526 = vector.shape_cast %broadcast_in_dim3A_520 : vector<16xf32> to vector<1x16xf32>
    tpu.vector_store %arg12[%swap3A_522, %swap3A_523], %swap3A_526 {strides = array<i32>} : memref<16x128xf32, #tpu.memory_space<vmem>>, vector<1x16xf32>,
    %broadcast_in_dim3A_527 = arith.constant 0.000000e+00 : f32
    %broadcast_in_dim3A_528 = vector.broadcast %broadcast_in_dim3A_527 : f32 to vector<16xf32>
    %swap3A_529 = arith.constant 8 : i32
    %swap3A_530 = arith.index_cast %swap3A_529 : i32 to index
    %swap3A_531 = arith.constant 16 : index
    %swap3A_532 = tpu.vector_load %arg12[%swap3A_530, %swap3A_531] {strides = array<i32>} : memref<16x128xf32, #tpu.memory_space<vmem>>, vector<1x16xf32>,
    %swap3A_533 = vector.shape_cast %swap3A_532 : vector<1x16xf32> to vector<16xf32>
    %swap3A_534 = vector.shape_cast %broadcast_in_dim3A_528 : vector<16xf32> to vector<1x16xf32>
    tpu.vector_store %arg12[%swap3A_530, %swap3A_531], %swap3A_534 {strides = array<i32>} : memref<16x128xf32, #tpu.memory_space<vmem>>, vector<1x16xf32>,
    %broadcast_in_dim3A_535 = arith.constant 0.000000e+00 : f32
    %broadcast_in_dim3A_536 = vector.broadcast %broadcast_in_dim3A_535 : f32 to vector<16xf32>
    %swap3A_537 = arith.constant 8 : i32
    %swap3A_538 = arith.index_cast %swap3A_537 : i32 to index
    %swap3A_539 = arith.constant 32 : index
    %swap3A_540 = tpu.vector_load %arg12[%swap3A_538, %swap3A_539] {strides = array<i32>} : memref<16x128xf32, #tpu.memory_space<vmem>>, vector<1x16xf32>,
    %swap3A_541 = vector.shape_cast %swap3A_540 : vector<1x16xf32> to vector<16xf32>
    %swap3A_542 = vector.shape_cast %broadcast_in_dim3A_536 : vector<16xf32> to vector<1x16xf32>
    tpu.vector_store %arg12[%swap3A_538, %swap3A_539], %swap3A_542 {strides = array<i32>} : memref<16x128xf32, #tpu.memory_space<vmem>>, vector<1x16xf32>,
    %broadcast_in_dim3A_543 = arith.constant 0.000000e+00 : f32
    %broadcast_in_dim3A_544 = vector.broadcast %broadcast_in_dim3A_543 : f32 to vector<16xf32>
    %swap3A_545 = arith.constant 8 : i32
    %swap3A_546 = arith.index_cast %swap3A_545 : i32 to index
    %swap3A_547 = arith.constant 48 : index
    %swap3A_548 = tpu.vector_load %arg12[%swap3A_546, %swap3A_547] {strides = array<i32>} : memref<16x128xf32, #tpu.memory_space<vmem>>, vector<1x16xf32>,
    %swap3A_549 = vector.shape_cast %swap3A_548 : vector<1x16xf32> to vector<16xf32>
    %swap3A_550 = vector.shape_cast %broadcast_in_dim3A_544 : vector<16xf32> to vector<1x16xf32>
    tpu.vector_store %arg12[%swap3A_546, %swap3A_547], %swap3A_550 {strides = array<i32>} : memref<16x128xf32, #tpu.memory_space<vmem>>, vector<1x16xf32>,
    %broadcast_in_dim3A_551 = arith.constant 0.000000e+00 : f32
    %broadcast_in_dim3A_552 = vector.broadcast %broadcast_in_dim3A_551 : f32 to vector<16xf32>
    %swap3A_553 = arith.constant 8 : i32
    %swap3A_554 = arith.index_cast %swap3A_553 : i32 to index
    %swap3A_555 = arith.constant 64 : index
    %swap3A_556 = tpu.vector_load %arg12[%swap3A_554, %swap3A_555] {strides = array<i32>} : memref<16x128xf32, #tpu.memory_space<vmem>>, vector<1x16xf32>,
    %swap3A_557 = vector.shape_cast %swap3A_556 : vector<1x16xf32> to vector<16xf32>
    %swap3A_558 = vector.shape_cast %broadcast_in_dim3A_552 : vector<16xf32> to vector<1x16xf32>
    tpu.vector_store %arg12[%swap3A_554, %swap3A_555], %swap3A_558 {strides = array<i32>} : memref<16x128xf32, #tpu.memory_space<vmem>>, vector<1x16xf32>,
    %broadcast_in_dim3A_559 = arith.constant 0.000000e+00 : f32
    %broadcast_in_dim3A_560 = vector.broadcast %broadcast_in_dim3A_559 : f32 to vector<16xf32>
    %swap3A_561 = arith.constant 8 : i32
    %swap3A_562 = arith.index_cast %swap3A_561 : i32 to index
    %swap3A_563 = arith.constant 80 : index
    %swap3A_564 = tpu.vector_load %arg12[%swap3A_562, %swap3A_563] {strides = array<i32>} : memref<16x128xf32, #tpu.memory_space<vmem>>, vector<1x16xf32>,
    %swap3A_565 = vector.shape_cast %swap3A_564 : vector<1x16xf32> to vector<16xf32>
    %swap3A_566 = vector.shape_cast %broadcast_in_dim3A_560 : vector<16xf32> to vector<1x16xf32>
    tpu.vector_store %arg12[%swap3A_562, %swap3A_563], %swap3A_566 {strides = array<i32>} : memref<16x128xf32, #tpu.memory_space<vmem>>, vector<1x16xf32>,
    %broadcast_in_dim3A_567 = arith.constant 0.000000e+00 : f32
    %broadcast_in_dim3A_568 = vector.broadcast %broadcast_in_dim3A_567 : f32 to vector<16xf32>
    %swap3A_569 = arith.constant 8 : i32
    %swap3A_570 = arith.index_cast %swap3A_569 : i32 to index
    %swap3A_571 = arith.constant 96 : index
    %swap3A_572 = tpu.vector_load %arg12[%swap3A_570, %swap3A_571] {strides = array<i32>} : memref<16x128xf32, #tpu.memory_space<vmem>>, vector<1x16xf32>,
    %swap3A_573 = vector.shape_cast %swap3A_572 : vector<1x16xf32> to vector<16xf32>
    %swap3A_574 = vector.shape_cast %broadcast_in_dim3A_568 : vector<16xf32> to vector<1x16xf32>
    tpu.vector_store %arg12[%swap3A_570, %swap3A_571], %swap3A_574 {strides = array<i32>} : memref<16x128xf32, #tpu.memory_space<vmem>>, vector<1x16xf32>,
    %broadcast_in_dim3A_575 = arith.constant 0.000000e+00 : f32
    %broadcast_in_dim3A_576 = vector.broadcast %broadcast_in_dim3A_575 : f32 to vector<16xf32>
    %swap3A_577 = arith.constant 8 : i32
    %swap3A_578 = arith.index_cast %swap3A_577 : i32 to index
    %swap3A_579 = arith.constant 112 : index
    %swap3A_580 = tpu.vector_load %arg12[%swap3A_578, %swap3A_579] {strides = array<i32>} : memref<16x128xf32, #tpu.memory_space<vmem>>, vector<1x16xf32>,
    %swap3A_581 = vector.shape_cast %swap3A_580 : vector<1x16xf32> to vector<16xf32>
    %swap3A_582 = vector.shape_cast %broadcast_in_dim3A_576 : vector<16xf32> to vector<1x16xf32>
    tpu.vector_store %arg12[%swap3A_578, %swap3A_579], %swap3A_582 {strides = array<i32>} : memref<16x128xf32, #tpu.memory_space<vmem>>, vector<1x16xf32>,
    %broadcast_in_dim3A_583 = arith.constant 0.000000e+00 : f32
    %broadcast_in_dim3A_584 = vector.broadcast %broadcast_in_dim3A_583 : f32 to vector<16xf32>
    %swap3A_585 = arith.constant 9 : i32
    %swap3A_586 = arith.index_cast %swap3A_585 : i32 to index
    %swap3A_587 = arith.constant 0 : index
    %swap3A_588 = tpu.vector_load %arg12[%swap3A_586, %swap3A_587] {strides = array<i32>} : memref<16x128xf32, #tpu.memory_space<vmem>>, vector<1x16xf32>,
    %swap3A_589 = vector.shape_cast %swap3A_588 : vector<1x16xf32> to vector<16xf32>
    %swap3A_590 = vector.shape_cast %broadcast_in_dim3A_584 : vector<16xf32> to vector<1x16xf32>
    tpu.vector_store %arg12[%swap3A_586, %swap3A_587], %swap3A_590 {strides = array<i32>} : memref<16x128xf32, #tpu.memory_space<vmem>>, vector<1x16xf32>,
    %broadcast_in_dim3A_591 = arith.constant 0.000000e+00 : f32
    %broadcast_in_dim3A_592 = vector.broadcast %broadcast_in_dim3A_591 : f32 to vector<16xf32>
    %swap3A_593 = arith.constant 9 : i32
    %swap3A_594 = arith.index_cast %swap3A_593 : i32 to index
    %swap3A_595 = arith.constant 16 : index
    %swap3A_596 = tpu.vector_load %arg12[%swap3A_594, %swap3A_595] {strides = array<i32>} : memref<16x128xf32, #tpu.memory_space<vmem>>, vector<1x16xf32>,
    %swap3A_597 = vector.shape_cast %swap3A_596 : vector<1x16xf32> to vector<16xf32>
    %swap3A_598 = vector.shape_cast %broadcast_in_dim3A_592 : vector<16xf32> to vector<1x16xf32>
    tpu.vector_store %arg12[%swap3A_594, %swap3A_595], %swap3A_598 {strides = array<i32>} : memref<16x128xf32, #tpu.memory_space<vmem>>, vector<1x16xf32>,
    %broadcast_in_dim3A_599 = arith.constant 0.000000e+00 : f32
    %broadcast_in_dim3A_600 = vector.broadcast %broadcast_in_dim3A_599 : f32 to vector<16xf32>
    %swap3A_601 = arith.constant 9 : i32
    %swap3A_602 = arith.index_cast %swap3A_601 : i32 to index
    %swap3A_603 = arith.constant 32 : index
    %swap3A_604 = tpu.vector_load %arg12[%swap3A_602, %swap3A_603] {strides = array<i32>} : memref<16x128xf32, #tpu.memory_space<vmem>>, vector<1x16xf32>,
    %swap3A_605 = vector.shape_cast %swap3A_604 : vector<1x16xf32> to vector<16xf32>
    %swap3A_606 = vector.shape_cast %broadcast_in_dim3A_600 : vector<16xf32> to vector<1x16xf32>
    tpu.vector_store %arg12[%swap3A_602, %swap3A_603], %swap3A_606 {strides = array<i32>} : memref<16x128xf32, #tpu.memory_space<vmem>>, vector<1x16xf32>,
    %broadcast_in_dim3A_607 = arith.constant 0.000000e+00 : f32
    %broadcast_in_dim3A_608 = vector.broadcast %broadcast_in_dim3A_607 : f32 to vector<16xf32>
    %swap3A_609 = arith.constant 9 : i32
    %swap3A_610 = arith.index_cast %swap3A_609 : i32 to index
    %swap3A_611 = arith.constant 48 : index
    %swap3A_612 = tpu.vector_load %arg12[%swap3A_610, %swap3A_611] {strides = array<i32>} : memref<16x128xf32, #tpu.memory_space<vmem>>, vector<1x16xf32>,
    %swap3A_613 = vector.shape_cast %swap3A_612 : vector<1x16xf32> to vector<16xf32>
    %swap3A_614 = vector.shape_cast %broadcast_in_dim3A_608 : vector<16xf32> to vector<1x16xf32>
    tpu.vector_store %arg12[%swap3A_610, %swap3A_611], %swap3A_614 {strides = array<i32>} : memref<16x128xf32, #tpu.memory_space<vmem>>, vector<1x16xf32>,
    %broadcast_in_dim3A_615 = arith.constant 0.000000e+00 : f32
    %broadcast_in_dim3A_616 = vector.broadcast %broadcast_in_dim3A_615 : f32 to vector<16xf32>
    %swap3A_617 = arith.constant 9 : i32
    %swap3A_618 = arith.index_cast %swap3A_617 : i32 to index
    %swap3A_619 = arith.constant 64 : index
    %swap3A_620 = tpu.vector_load %arg12[%swap3A_618, %swap3A_619] {strides = array<i32>} : memref<16x128xf32, #tpu.memory_space<vmem>>, vector<1x16xf32>,
    %swap3A_621 = vector.shape_cast %swap3A_620 : vector<1x16xf32> to vector<16xf32>
    %swap3A_622 = vector.shape_cast %broadcast_in_dim3A_616 : vector<16xf32> to vector<1x16xf32>
    tpu.vector_store %arg12[%swap3A_618, %swap3A_619], %swap3A_622 {strides = array<i32>} : memref<16x128xf32, #tpu.memory_space<vmem>>, vector<1x16xf32>,
    %broadcast_in_dim3A_623 = arith.constant 0.000000e+00 : f32
    %broadcast_in_dim3A_624 = vector.broadcast %broadcast_in_dim3A_623 : f32 to vector<16xf32>
    %swap3A_625 = arith.constant 9 : i32
    %swap3A_626 = arith.index_cast %swap3A_625 : i32 to index
    %swap3A_627 = arith.constant 80 : index
    %swap3A_628 = tpu.vector_load %arg12[%swap3A_626, %swap3A_627] {strides = array<i32>} : memref<16x128xf32, #tpu.memory_space<vmem>>, vector<1x16xf32>,
    %swap3A_629 = vector.shape_cast %swap3A_628 : vector<1x16xf32> to vector<16xf32>
    %swap3A_630 = vector.shape_cast %broadcast_in_dim3A_624 : vector<16xf32> to vector<1x16xf32>
    tpu.vector_store %arg12[%swap3A_626, %swap3A_627], %swap3A_630 {strides = array<i32>} : memref<16x128xf32, #tpu.memory_space<vmem>>, vector<1x16xf32>,
    %broadcast_in_dim3A_631 = arith.constant 0.000000e+00 : f32
    %broadcast_in_dim3A_632 = vector.broadcast %broadcast_in_dim3A_631 : f32 to vector<16xf32>
    %swap3A_633 = arith.constant 9 : i32
    %swap3A_634 = arith.index_cast %swap3A_633 : i32 to index
    %swap3A_635 = arith.constant 96 : index
    %swap3A_636 = tpu.vector_load %arg12[%swap3A_634, %swap3A_635] {strides = array<i32>} : memref<16x128xf32, #tpu.memory_space<vmem>>, vector<1x16xf32>,
    %swap3A_637 = vector.shape_cast %swap3A_636 : vector<1x16xf32> to vector<16xf32>
    %swap3A_638 = vector.shape_cast %broadcast_in_dim3A_632 : vector<16xf32> to vector<1x16xf32>
    tpu.vector_store %arg12[%swap3A_634, %swap3A_635], %swap3A_638 {strides = array<i32>} : memref<16x128xf32, #tpu.memory_space<vmem>>, vector<1x16xf32>,
    %broadcast_in_dim3A_639 = arith.constant 0.000000e+00 : f32
    %broadcast_in_dim3A_640 = vector.broadcast %broadcast_in_dim3A_639 : f32 to vector<16xf32>
    %swap3A_641 = arith.constant 9 : i32
    %swap3A_642 = arith.index_cast %swap3A_641 : i32 to index
    %swap3A_643 = arith.constant 112 : index
    %swap3A_644 = tpu.vector_load %arg12[%swap3A_642, %swap3A_643] {strides = array<i32>} : memref<16x128xf32, #tpu.memory_space<vmem>>, vector<1x16xf32>,
    %swap3A_645 = vector.shape_cast %swap3A_644 : vector<1x16xf32> to vector<16xf32>
    %swap3A_646 = vector.shape_cast %broadcast_in_dim3A_640 : vector<16xf32> to vector<1x16xf32>
    tpu.vector_store %arg12[%swap3A_642, %swap3A_643], %swap3A_646 {strides = array<i32>} : memref<16x128xf32, #tpu.memory_space<vmem>>, vector<1x16xf32>,
    %broadcast_in_dim3A_647 = arith.constant 0.000000e+00 : f32
    %broadcast_in_dim3A_648 = vector.broadcast %broadcast_in_dim3A_647 : f32 to vector<16xf32>
    %swap3A_649 = arith.constant 10 : i32
    %swap3A_650 = arith.index_cast %swap3A_649 : i32 to index
    %swap3A_651 = arith.constant 0 : index
    %swap3A_652 = tpu.vector_load %arg12[%swap3A_650, %swap3A_651] {strides = array<i32>} : memref<16x128xf32, #tpu.memory_space<vmem>>, vector<1x16xf32>,
    %swap3A_653 = vector.shape_cast %swap3A_652 : vector<1x16xf32> to vector<16xf32>
    %swap3A_654 = vector.shape_cast %broadcast_in_dim3A_648 : vector<16xf32> to vector<1x16xf32>
    tpu.vector_store %arg12[%swap3A_650, %swap3A_651], %swap3A_654 {strides = array<i32>} : memref<16x128xf32, #tpu.memory_space<vmem>>, vector<1x16xf32>,
    %broadcast_in_dim3A_655 = arith.constant 0.000000e+00 : f32
    %broadcast_in_dim3A_656 = vector.broadcast %broadcast_in_dim3A_655 : f32 to vector<16xf32>
    %swap3A_657 = arith.constant 10 : i32
    %swap3A_658 = arith.index_cast %swap3A_657 : i32 to index
    %swap3A_659 = arith.constant 16 : index
    %swap3A_660 = tpu.vector_load %arg12[%swap3A_658, %swap3A_659] {strides = array<i32>} : memref<16x128xf32, #tpu.memory_space<vmem>>, vector<1x16xf32>,
    %swap3A_661 = vector.shape_cast %swap3A_660 : vector<1x16xf32> to vector<16xf32>
    %swap3A_662 = vector.shape_cast %broadcast_in_dim3A_656 : vector<16xf32> to vector<1x16xf32>
    tpu.vector_store %arg12[%swap3A_658, %swap3A_659], %swap3A_662 {strides = array<i32>} : memref<16x128xf32, #tpu.memory_space<vmem>>, vector<1x16xf32>,
    %broadcast_in_dim3A_663 = arith.constant 0.000000e+00 : f32
    %broadcast_in_dim3A_664 = vector.broadcast %broadcast_in_dim3A_663 : f32 to vector<16xf32>
    %swap3A_665 = arith.constant 10 : i32
    %swap3A_666 = arith.index_cast %swap3A_665 : i32 to index
    %swap3A_667 = arith.constant 32 : index
    %swap3A_668 = tpu.vector_load %arg12[%swap3A_666, %swap3A_667] {strides = array<i32>} : memref<16x128xf32, #tpu.memory_space<vmem>>, vector<1x16xf32>,
    %swap3A_669 = vector.shape_cast %swap3A_668 : vector<1x16xf32> to vector<16xf32>
    %swap3A_670 = vector.shape_cast %broadcast_in_dim3A_664 : vector<16xf32> to vector<1x16xf32>
    tpu.vector_store %arg12[%swap3A_666, %swap3A_667], %swap3A_670 {strides = array<i32>} : memref<16x128xf32, #tpu.memory_space<vmem>>, vector<1x16xf32>,
    %broadcast_in_dim3A_671 = arith.constant 0.000000e+00 : f32
    %broadcast_in_dim3A_672 = vector.broadcast %broadcast_in_dim3A_671 : f32 to vector<16xf32>
    %swap3A_673 = arith.constant 10 : i32
    %swap3A_674 = arith.index_cast %swap3A_673 : i32 to index
    %swap3A_675 = arith.constant 48 : index
    %swap3A_676 = tpu.vector_load %arg12[%swap3A_674, %swap3A_675] {strides = array<i32>} : memref<16x128xf32, #tpu.memory_space<vmem>>, vector<1x16xf32>,
    %swap3A_677 = vector.shape_cast %swap3A_676 : vector<1x16xf32> to vector<16xf32>
    %swap3A_678 = vector.shape_cast %broadcast_in_dim3A_672 : vector<16xf32> to vector<1x16xf32>
    tpu.vector_store %arg12[%swap3A_674, %swap3A_675], %swap3A_678 {strides = array<i32>} : memref<16x128xf32, #tpu.memory_space<vmem>>, vector<1x16xf32>,
    %broadcast_in_dim3A_679 = arith.constant 0.000000e+00 : f32
    %broadcast_in_dim3A_680 = vector.broadcast %broadcast_in_dim3A_679 : f32 to vector<16xf32>
    %swap3A_681 = arith.constant 10 : i32
    %swap3A_682 = arith.index_cast %swap3A_681 : i32 to index
    %swap3A_683 = arith.constant 64 : index
    %swap3A_684 = tpu.vector_load %arg12[%swap3A_682, %swap3A_683] {strides = array<i32>} : memref<16x128xf32, #tpu.memory_space<vmem>>, vector<1x16xf32>,
    %swap3A_685 = vector.shape_cast %swap3A_684 : vector<1x16xf32> to vector<16xf32>
    %swap3A_686 = vector.shape_cast %broadcast_in_dim3A_680 : vector<16xf32> to vector<1x16xf32>
    tpu.vector_store %arg12[%swap3A_682, %swap3A_683], %swap3A_686 {strides = array<i32>} : memref<16x128xf32, #tpu.memory_space<vmem>>, vector<1x16xf32>,
    %broadcast_in_dim3A_687 = arith.constant 0.000000e+00 : f32
    %broadcast_in_dim3A_688 = vector.broadcast %broadcast_in_dim3A_687 : f32 to vector<16xf32>
    %swap3A_689 = arith.constant 10 : i32
    %swap3A_690 = arith.index_cast %swap3A_689 : i32 to index
    %swap3A_691 = arith.constant 80 : index
    %swap3A_692 = tpu.vector_load %arg12[%swap3A_690, %swap3A_691] {strides = array<i32>} : memref<16x128xf32, #tpu.memory_space<vmem>>, vector<1x16xf32>,
    %swap3A_693 = vector.shape_cast %swap3A_692 : vector<1x16xf32> to vector<16xf32>
    %swap3A_694 = vector.shape_cast %broadcast_in_dim3A_688 : vector<16xf32> to vector<1x16xf32>
    tpu.vector_store %arg12[%swap3A_690, %swap3A_691], %swap3A_694 {strides = array<i32>} : memref<16x128xf32, #tpu.memory_space<vmem>>, vector<1x16xf32>,
    %broadcast_in_dim3A_695 = arith.constant 0.000000e+00 : f32
    %broadcast_in_dim3A_696 = vector.broadcast %broadcast_in_dim3A_695 : f32 to vector<16xf32>
    %swap3A_697 = arith.constant 10 : i32
    %swap3A_698 = arith.index_cast %swap3A_697 : i32 to index
    %swap3A_699 = arith.constant 96 : index
    %swap3A_700 = tpu.vector_load %arg12[%swap3A_698, %swap3A_699] {strides = array<i32>} : memref<16x128xf32, #tpu.memory_space<vmem>>, vector<1x16xf32>,
    %swap3A_701 = vector.shape_cast %swap3A_700 : vector<1x16xf32> to vector<16xf32>
    %swap3A_702 = vector.shape_cast %broadcast_in_dim3A_696 : vector<16xf32> to vector<1x16xf32>
    tpu.vector_store %arg12[%swap3A_698, %swap3A_699], %swap3A_702 {strides = array<i32>} : memref<16x128xf32, #tpu.memory_space<vmem>>, vector<1x16xf32>,
    %broadcast_in_dim3A_703 = arith.constant 0.000000e+00 : f32
    %broadcast_in_dim3A_704 = vector.broadcast %broadcast_in_dim3A_703 : f32 to vector<16xf32>
    %swap3A_705 = arith.constant 10 : i32
    %swap3A_706 = arith.index_cast %swap3A_705 : i32 to index
    %swap3A_707 = arith.constant 112 : index
    %swap3A_708 = tpu.vector_load %arg12[%swap3A_706, %swap3A_707] {strides = array<i32>} : memref<16x128xf32, #tpu.memory_space<vmem>>, vector<1x16xf32>,
    %swap3A_709 = vector.shape_cast %swap3A_708 : vector<1x16xf32> to vector<16xf32>
    %swap3A_710 = vector.shape_cast %broadcast_in_dim3A_704 : vector<16xf32> to vector<1x16xf32>
    tpu.vector_store %arg12[%swap3A_706, %swap3A_707], %swap3A_710 {strides = array<i32>} : memref<16x128xf32, #tpu.memory_space<vmem>>, vector<1x16xf32>,
    %broadcast_in_dim3A_711 = arith.constant 0.000000e+00 : f32
    %broadcast_in_dim3A_712 = vector.broadcast %broadcast_in_dim3A_711 : f32 to vector<16xf32>
    %swap3A_713 = arith.constant 11 : i32
    %swap3A_714 = arith.index_cast %swap3A_713 : i32 to index
    %swap3A_715 = arith.constant 0 : index
    %swap3A_716 = tpu.vector_load %arg12[%swap3A_714, %swap3A_715] {strides = array<i32>} : memref<16x128xf32, #tpu.memory_space<vmem>>, vector<1x16xf32>,
    %swap3A_717 = vector.shape_cast %swap3A_716 : vector<1x16xf32> to vector<16xf32>
    %swap3A_718 = vector.shape_cast %broadcast_in_dim3A_712 : vector<16xf32> to vector<1x16xf32>
    tpu.vector_store %arg12[%swap3A_714, %swap3A_715], %swap3A_718 {strides = array<i32>} : memref<16x128xf32, #tpu.memory_space<vmem>>, vector<1x16xf32>,
    %broadcast_in_dim3A_719 = arith.constant 0.000000e+00 : f32
    %broadcast_in_dim3A_720 = vector.broadcast %broadcast_in_dim3A_719 : f32 to vector<16xf32>
    %swap3A_721 = arith.constant 11 : i32
    %swap3A_722 = arith.index_cast %swap3A_721 : i32 to index
    %swap3A_723 = arith.constant 16 : index
    %swap3A_724 = tpu.vector_load %arg12[%swap3A_722, %swap3A_723] {strides = array<i32>} : memref<16x128xf32, #tpu.memory_space<vmem>>, vector<1x16xf32>,
    %swap3A_725 = vector.shape_cast %swap3A_724 : vector<1x16xf32> to vector<16xf32>
    %swap3A_726 = vector.shape_cast %broadcast_in_dim3A_720 : vector<16xf32> to vector<1x16xf32>
    tpu.vector_store %arg12[%swap3A_722, %swap3A_723], %swap3A_726 {strides = array<i32>} : memref<16x128xf32, #tpu.memory_space<vmem>>, vector<1x16xf32>,
    %broadcast_in_dim3A_727 = arith.constant 0.000000e+00 : f32
    %broadcast_in_dim3A_728 = vector.broadcast %broadcast_in_dim3A_727 : f32 to vector<16xf32>
    %swap3A_729 = arith.constant 11 : i32
    %swap3A_730 = arith.index_cast %swap3A_729 : i32 to index
    %swap3A_731 = arith.constant 32 : index
    %swap3A_732 = tpu.vector_load %arg12[%swap3A_730, %swap3A_731] {strides = array<i32>} : memref<16x128xf32, #tpu.memory_space<vmem>>, vector<1x16xf32>,
    %swap3A_733 = vector.shape_cast %swap3A_732 : vector<1x16xf32> to vector<16xf32>
    %swap3A_734 = vector.shape_cast %broadcast_in_dim3A_728 : vector<16xf32> to vector<1x16xf32>
    tpu.vector_store %arg12[%swap3A_730, %swap3A_731], %swap3A_734 {strides = array<i32>} : memref<16x128xf32, #tpu.memory_space<vmem>>, vector<1x16xf32>,
    %broadcast_in_dim3A_735 = arith.constant 0.000000e+00 : f32
    %broadcast_in_dim3A_736 = vector.broadcast %broadcast_in_dim3A_735 : f32 to vector<16xf32>
    %swap3A_737 = arith.constant 11 : i32
    %swap3A_738 = arith.index_cast %swap3A_737 : i32 to index
    %swap3A_739 = arith.constant 48 : index
    %swap3A_740 = tpu.vector_load %arg12[%swap3A_738, %swap3A_739] {strides = array<i32>} : memref<16x128xf32, #tpu.memory_space<vmem>>, vector<1x16xf32>,
    %swap3A_741 = vector.shape_cast %swap3A_740 : vector<1x16xf32> to vector<16xf32>
    %swap3A_742 = vector.shape_cast %broadcast_in_dim3A_736 : vector<16xf32> to vector<1x16xf32>
    tpu.vector_store %arg12[%swap3A_738, %swap3A_739], %swap3A_742 {strides = array<i32>} : memref<16x128xf32, #tpu.memory_space<vmem>>, vector<1x16xf32>,
    %broadcast_in_dim3A_743 = arith.constant 0.000000e+00 : f32
    %broadcast_in_dim3A_744 = vector.broadcast %broadcast_in_dim3A_743 : f32 to vector<16xf32>
    %swap3A_745 = arith.constant 11 : i32
    %swap3A_746 = arith.index_cast %swap3A_745 : i32 to index
    %swap3A_747 = arith.constant 64 : index
    %swap3A_748 = tpu.vector_load %arg12[%swap3A_746, %swap3A_747] {strides = array<i32>} : memref<16x128xf32, #tpu.memory_space<vmem>>, vector<1x16xf32>,
    %swap3A_749 = vector.shape_cast %swap3A_748 : vector<1x16xf32> to vector<16xf32>
    %swap3A_750 = vector.shape_cast %broadcast_in_dim3A_744 : vector<16xf32> to vector<1x16xf32>
    tpu.vector_store %arg12[%swap3A_746, %swap3A_747], %swap3A_750 {strides = array<i32>} : memref<16x128xf32, #tpu.memory_space<vmem>>, vector<1x16xf32>,
    %broadcast_in_dim3A_751 = arith.constant 0.000000e+00 : f32
    %broadcast_in_dim3A_752 = vector.broadcast %broadcast_in_dim3A_751 : f32 to vector<16xf32>
    %swap3A_753 = arith.constant 11 : i32
    %swap3A_754 = arith.index_cast %swap3A_753 : i32 to index
    %swap3A_755 = arith.constant 80 : index
    %swap3A_756 = tpu.vector_load %arg12[%swap3A_754, %swap3A_755] {strides = array<i32>} : memref<16x128xf32, #tpu.memory_space<vmem>>, vector<1x16xf32>,
    %swap3A_757 = vector.shape_cast %swap3A_756 : vector<1x16xf32> to vector<16xf32>
    %swap3A_758 = vector.shape_cast %broadcast_in_dim3A_752 : vector<16xf32> to vector<1x16xf32>
    tpu.vector_store %arg12[%swap3A_754, %swap3A_755], %swap3A_758 {strides = array<i32>} : memref<16x128xf32, #tpu.memory_space<vmem>>, vector<1x16xf32>,
    %broadcast_in_dim3A_759 = arith.constant 0.000000e+00 : f32
    %broadcast_in_dim3A_760 = vector.broadcast %broadcast_in_dim3A_759 : f32 to vector<16xf32>
    %swap3A_761 = arith.constant 11 : i32
    %swap3A_762 = arith.index_cast %swap3A_761 : i32 to index
    %swap3A_763 = arith.constant 96 : index
    %swap3A_764 = tpu.vector_load %arg12[%swap3A_762, %swap3A_763] {strides = array<i32>} : memref<16x128xf32, #tpu.memory_space<vmem>>, vector<1x16xf32>,
    %swap3A_765 = vector.shape_cast %swap3A_764 : vector<1x16xf32> to vector<16xf32>
    %swap3A_766 = vector.shape_cast %broadcast_in_dim3A_760 : vector<16xf32> to vector<1x16xf32>
    tpu.vector_store %arg12[%swap3A_762, %swap3A_763], %swap3A_766 {strides = array<i32>} : memref<16x128xf32, #tpu.memory_space<vmem>>, vector<1x16xf32>,
    %broadcast_in_dim3A_767 = arith.constant 0.000000e+00 : f32
    %broadcast_in_dim3A_768 = vector.broadcast %broadcast_in_dim3A_767 : f32 to vector<16xf32>
    %swap3A_769 = arith.constant 11 : i32
    %swap3A_770 = arith.index_cast %swap3A_769 : i32 to index
    %swap3A_771 = arith.constant 112 : index
    %swap3A_772 = tpu.vector_load %arg12[%swap3A_770, %swap3A_771] {strides = array<i32>} : memref<16x128xf32, #tpu.memory_space<vmem>>, vector<1x16xf32>,
    %swap3A_773 = vector.shape_cast %swap3A_772 : vector<1x16xf32> to vector<16xf32>
    %swap3A_774 = vector.shape_cast %broadcast_in_dim3A_768 : vector<16xf32> to vector<1x16xf32>
    tpu.vector_store %arg12[%swap3A_770, %swap3A_771], %swap3A_774 {strides = array<i32>} : memref<16x128xf32, #tpu.memory_space<vmem>>, vector<1x16xf32>,
    %broadcast_in_dim3A_775 = arith.constant 0.000000e+00 : f32
    %broadcast_in_dim3A_776 = vector.broadcast %broadcast_in_dim3A_775 : f32 to vector<16xf32>
    %swap3A_777 = arith.constant 12 : i32
    %swap3A_778 = arith.index_cast %swap3A_777 : i32 to index
    %swap3A_779 = arith.constant 0 : index
    %swap3A_780 = tpu.vector_load %arg12[%swap3A_778, %swap3A_779] {strides = array<i32>} : memref<16x128xf32, #tpu.memory_space<vmem>>, vector<1x16xf32>,
    %swap3A_781 = vector.shape_cast %swap3A_780 : vector<1x16xf32> to vector<16xf32>
    %swap3A_782 = vector.shape_cast %broadcast_in_dim3A_776 : vector<16xf32> to vector<1x16xf32>
    tpu.vector_store %arg12[%swap3A_778, %swap3A_779], %swap3A_782 {strides = array<i32>} : memref<16x128xf32, #tpu.memory_space<vmem>>, vector<1x16xf32>,
    %broadcast_in_dim3A_783 = arith.constant 0.000000e+00 : f32
    %broadcast_in_dim3A_784 = vector.broadcast %broadcast_in_dim3A_783 : f32 to vector<16xf32>
    %swap3A_785 = arith.constant 12 : i32
    %swap3A_786 = arith.index_cast %swap3A_785 : i32 to index
    %swap3A_787 = arith.constant 16 : index
    %swap3A_788 = tpu.vector_load %arg12[%swap3A_786, %swap3A_787] {strides = array<i32>} : memref<16x128xf32, #tpu.memory_space<vmem>>, vector<1x16xf32>,
    %swap3A_789 = vector.shape_cast %swap3A_788 : vector<1x16xf32> to vector<16xf32>
    %swap3A_790 = vector.shape_cast %broadcast_in_dim3A_784 : vector<16xf32> to vector<1x16xf32>
    tpu.vector_store %arg12[%swap3A_786, %swap3A_787], %swap3A_790 {strides = array<i32>} : memref<16x128xf32, #tpu.memory_space<vmem>>, vector<1x16xf32>,
    %broadcast_in_dim3A_791 = arith.constant 0.000000e+00 : f32
    %broadcast_in_dim3A_792 = vector.broadcast %broadcast_in_dim3A_791 : f32 to vector<16xf32>
    %swap3A_793 = arith.constant 12 : i32
    %swap3A_794 = arith.index_cast %swap3A_793 : i32 to index
    %swap3A_795 = arith.constant 32 : index
    %swap3A_796 = tpu.vector_load %arg12[%swap3A_794, %swap3A_795] {strides = array<i32>} : memref<16x128xf32, #tpu.memory_space<vmem>>, vector<1x16xf32>,
    %swap3A_797 = vector.shape_cast %swap3A_796 : vector<1x16xf32> to vector<16xf32>
    %swap3A_798 = vector.shape_cast %broadcast_in_dim3A_792 : vector<16xf32> to vector<1x16xf32>
    tpu.vector_store %arg12[%swap3A_794, %swap3A_795], %swap3A_798 {strides = array<i32>} : memref<16x128xf32, #tpu.memory_space<vmem>>, vector<1x16xf32>,
    %broadcast_in_dim3A_799 = arith.constant 0.000000e+00 : f32
    %broadcast_in_dim3A_800 = vector.broadcast %broadcast_in_dim3A_799 : f32 to vector<16xf32>
    %swap3A_801 = arith.constant 12 : i32
    %swap3A_802 = arith.index_cast %swap3A_801 : i32 to index
    %swap3A_803 = arith.constant 48 : index
    %swap3A_804 = tpu.vector_load %arg12[%swap3A_802, %swap3A_803] {strides = array<i32>} : memref<16x128xf32, #tpu.memory_space<vmem>>, vector<1x16xf32>,
    %swap3A_805 = vector.shape_cast %swap3A_804 : vector<1x16xf32> to vector<16xf32>
    %swap3A_806 = vector.shape_cast %broadcast_in_dim3A_800 : vector<16xf32> to vector<1x16xf32>
    tpu.vector_store %arg12[%swap3A_802, %swap3A_803], %swap3A_806 {strides = array<i32>} : memref<16x128xf32, #tpu.memory_space<vmem>>, vector<1x16xf32>,
    %broadcast_in_dim3A_807 = arith.constant 0.000000e+00 : f32
    %broadcast_in_dim3A_808 = vector.broadcast %broadcast_in_dim3A_807 : f32 to vector<16xf32>
    %swap3A_809 = arith.constant 12 : i32
    %swap3A_810 = arith.index_cast %swap3A_809 : i32 to index
    %swap3A_811 = arith.constant 64 : index
    %swap3A_812 = tpu.vector_load %arg12[%swap3A_810, %swap3A_811] {strides = array<i32>} : memref<16x128xf32, #tpu.memory_space<vmem>>, vector<1x16xf32>,
    %swap3A_813 = vector.shape_cast %swap3A_812 : vector<1x16xf32> to vector<16xf32>
    %swap3A_814 = vector.shape_cast %broadcast_in_dim3A_808 : vector<16xf32> to vector<1x16xf32>
    tpu.vector_store %arg12[%swap3A_810, %swap3A_811], %swap3A_814 {strides = array<i32>} : memref<16x128xf32, #tpu.memory_space<vmem>>, vector<1x16xf32>,
    %broadcast_in_dim3A_815 = arith.constant 0.000000e+00 : f32
    %broadcast_in_dim3A_816 = vector.broadcast %broadcast_in_dim3A_815 : f32 to vector<16xf32>
    %swap3A_817 = arith.constant 12 : i32
    %swap3A_818 = arith.index_cast %swap3A_817 : i32 to index
    %swap3A_819 = arith.constant 80 : index
    %swap3A_820 = tpu.vector_load %arg12[%swap3A_818, %swap3A_819] {strides = array<i32>} : memref<16x128xf32, #tpu.memory_space<vmem>>, vector<1x16xf32>,
    %swap3A_821 = vector.shape_cast %swap3A_820 : vector<1x16xf32> to vector<16xf32>
    %swap3A_822 = vector.shape_cast %broadcast_in_dim3A_816 : vector<16xf32> to vector<1x16xf32>
    tpu.vector_store %arg12[%swap3A_818, %swap3A_819], %swap3A_822 {strides = array<i32>} : memref<16x128xf32, #tpu.memory_space<vmem>>, vector<1x16xf32>,
    %broadcast_in_dim3A_823 = arith.constant 0.000000e+00 : f32
    %broadcast_in_dim3A_824 = vector.broadcast %broadcast_in_dim3A_823 : f32 to vector<16xf32>
    %swap3A_825 = arith.constant 12 : i32
    %swap3A_826 = arith.index_cast %swap3A_825 : i32 to index
    %swap3A_827 = arith.constant 96 : index
    %swap3A_828 = tpu.vector_load %arg12[%swap3A_826, %swap3A_827] {strides = array<i32>} : memref<16x128xf32, #tpu.memory_space<vmem>>, vector<1x16xf32>,
    %swap3A_829 = vector.shape_cast %swap3A_828 : vector<1x16xf32> to vector<16xf32>
    %swap3A_830 = vector.shape_cast %broadcast_in_dim3A_824 : vector<16xf32> to vector<1x16xf32>
    tpu.vector_store %arg12[%swap3A_826, %swap3A_827], %swap3A_830 {strides = array<i32>} : memref<16x128xf32, #tpu.memory_space<vmem>>, vector<1x16xf32>,
    %broadcast_in_dim3A_831 = arith.constant 0.000000e+00 : f32
    %broadcast_in_dim3A_832 = vector.broadcast %broadcast_in_dim3A_831 : f32 to vector<16xf32>
    %swap3A_833 = arith.constant 12 : i32
    %swap3A_834 = arith.index_cast %swap3A_833 : i32 to index
    %swap3A_835 = arith.constant 112 : index
    %swap3A_836 = tpu.vector_load %arg12[%swap3A_834, %swap3A_835] {strides = array<i32>} : memref<16x128xf32, #tpu.memory_space<vmem>>, vector<1x16xf32>,
    %swap3A_837 = vector.shape_cast %swap3A_836 : vector<1x16xf32> to vector<16xf32>
    %swap3A_838 = vector.shape_cast %broadcast_in_dim3A_832 : vector<16xf32> to vector<1x16xf32>
    tpu.vector_store %arg12[%swap3A_834, %swap3A_835], %swap3A_838 {strides = array<i32>} : memref<16x128xf32, #tpu.memory_space<vmem>>, vector<1x16xf32>,
    %broadcast_in_dim3A_839 = arith.constant 0.000000e+00 : f32
    %broadcast_in_dim3A_840 = vector.broadcast %broadcast_in_dim3A_839 : f32 to vector<16xf32>
    %swap3A_841 = arith.constant 13 : i32
    %swap3A_842 = arith.index_cast %swap3A_841 : i32 to index
    %swap3A_843 = arith.constant 0 : index
    %swap3A_844 = tpu.vector_load %arg12[%swap3A_842, %swap3A_843] {strides = array<i32>} : memref<16x128xf32, #tpu.memory_space<vmem>>, vector<1x16xf32>,
    %swap3A_845 = vector.shape_cast %swap3A_844 : vector<1x16xf32> to vector<16xf32>
    %swap3A_846 = vector.shape_cast %broadcast_in_dim3A_840 : vector<16xf32> to vector<1x16xf32>
    tpu.vector_store %arg12[%swap3A_842, %swap3A_843], %swap3A_846 {strides = array<i32>} : memref<16x128xf32, #tpu.memory_space<vmem>>, vector<1x16xf32>,
    %broadcast_in_dim3A_847 = arith.constant 0.000000e+00 : f32
    %broadcast_in_dim3A_848 = vector.broadcast %broadcast_in_dim3A_847 : f32 to vector<16xf32>
    %swap3A_849 = arith.constant 13 : i32
    %swap3A_850 = arith.index_cast %swap3A_849 : i32 to index
    %swap3A_851 = arith.constant 16 : index
    %swap3A_852 = tpu.vector_load %arg12[%swap3A_850, %swap3A_851] {strides = array<i32>} : memref<16x128xf32, #tpu.memory_space<vmem>>, vector<1x16xf32>,
    %swap3A_853 = vector.shape_cast %swap3A_852 : vector<1x16xf32> to vector<16xf32>
    %swap3A_854 = vector.shape_cast %broadcast_in_dim3A_848 : vector<16xf32> to vector<1x16xf32>
    tpu.vector_store %arg12[%swap3A_850, %swap3A_851], %swap3A_854 {strides = array<i32>} : memref<16x128xf32, #tpu.memory_space<vmem>>, vector<1x16xf32>,
    %broadcast_in_dim3A_855 = arith.constant 0.000000e+00 : f32
    %broadcast_in_dim3A_856 = vector.broadcast %broadcast_in_dim3A_855 : f32 to vector<16xf32>
    %swap3A_857 = arith.constant 13 : i32
    %swap3A_858 = arith.index_cast %swap3A_857 : i32 to index
    %swap3A_859 = arith.constant 32 : index
    %swap3A_860 = tpu.vector_load %arg12[%swap3A_858, %swap3A_859] {strides = array<i32>} : memref<16x128xf32, #tpu.memory_space<vmem>>, vector<1x16xf32>,
    %swap3A_861 = vector.shape_cast %swap3A_860 : vector<1x16xf32> to vector<16xf32>
    %swap3A_862 = vector.shape_cast %broadcast_in_dim3A_856 : vector<16xf32> to vector<1x16xf32>
    tpu.vector_store %arg12[%swap3A_858, %swap3A_859], %swap3A_862 {strides = array<i32>} : memref<16x128xf32, #tpu.memory_space<vmem>>, vector<1x16xf32>,
    %broadcast_in_dim3A_863 = arith.constant 0.000000e+00 : f32
    %broadcast_in_dim3A_864 = vector.broadcast %broadcast_in_dim3A_863 : f32 to vector<16xf32>
    %swap3A_865 = arith.constant 13 : i32
    %swap3A_866 = arith.index_cast %swap3A_865 : i32 to index
    %swap3A_867 = arith.constant 48 : index
    %swap3A_868 = tpu.vector_load %arg12[%swap3A_866, %swap3A_867] {strides = array<i32>} : memref<16x128xf32, #tpu.memory_space<vmem>>, vector<1x16xf32>,
    %swap3A_869 = vector.shape_cast %swap3A_868 : vector<1x16xf32> to vector<16xf32>
    %swap3A_870 = vector.shape_cast %broadcast_in_dim3A_864 : vector<16xf32> to vector<1x16xf32>
    tpu.vector_store %arg12[%swap3A_866, %swap3A_867], %swap3A_870 {strides = array<i32>} : memref<16x128xf32, #tpu.memory_space<vmem>>, vector<1x16xf32>,
    %broadcast_in_dim3A_871 = arith.constant 0.000000e+00 : f32
    %broadcast_in_dim3A_872 = vector.broadcast %broadcast_in_dim3A_871 : f32 to vector<16xf32>
    %swap3A_873 = arith.constant 13 : i32
    %swap3A_874 = arith.index_cast %swap3A_873 : i32 to index
    %swap3A_875 = arith.constant 64 : index
    %swap3A_876 = tpu.vector_load %arg12[%swap3A_874, %swap3A_875] {strides = array<i32>} : memref<16x128xf32, #tpu.memory_space<vmem>>, vector<1x16xf32>,
    %swap3A_877 = vector.shape_cast %swap3A_876 : vector<1x16xf32> to vector<16xf32>
    %swap3A_878 = vector.shape_cast %broadcast_in_dim3A_872 : vector<16xf32> to vector<1x16xf32>
    tpu.vector_store %arg12[%swap3A_874, %swap3A_875], %swap3A_878 {strides = array<i32>} : memref<16x128xf32, #tpu.memory_space<vmem>>, vector<1x16xf32>,
    %broadcast_in_dim3A_879 = arith.constant 0.000000e+00 : f32
    %broadcast_in_dim3A_880 = vector.broadcast %broadcast_in_dim3A_879 : f32 to vector<16xf32>
    %swap3A_881 = arith.constant 13 : i32
    %swap3A_882 = arith.index_cast %swap3A_881 : i32 to index
    %swap3A_883 = arith.constant 80 : index
    %swap3A_884 = tpu.vector_load %arg12[%swap3A_882, %swap3A_883] {strides = array<i32>} : memref<16x128xf32, #tpu.memory_space<vmem>>, vector<1x16xf32>,
    %swap3A_885 = vector.shape_cast %swap3A_884 : vector<1x16xf32> to vector<16xf32>
    %swap3A_886 = vector.shape_cast %broadcast_in_dim3A_880 : vector<16xf32> to vector<1x16xf32>
    tpu.vector_store %arg12[%swap3A_882, %swap3A_883], %swap3A_886 {strides = array<i32>} : memref<16x128xf32, #tpu.memory_space<vmem>>, vector<1x16xf32>,
    %broadcast_in_dim3A_887 = arith.constant 0.000000e+00 : f32
    %broadcast_in_dim3A_888 = vector.broadcast %broadcast_in_dim3A_887 : f32 to vector<16xf32>
    %swap3A_889 = arith.constant 13 : i32
    %swap3A_890 = arith.index_cast %swap3A_889 : i32 to index
    %swap3A_891 = arith.constant 96 : index
    %swap3A_892 = tpu.vector_load %arg12[%swap3A_890, %swap3A_891] {strides = array<i32>} : memref<16x128xf32, #tpu.memory_space<vmem>>, vector<1x16xf32>,
    %swap3A_893 = vector.shape_cast %swap3A_892 : vector<1x16xf32> to vector<16xf32>
    %swap3A_894 = vector.shape_cast %broadcast_in_dim3A_888 : vector<16xf32> to vector<1x16xf32>
    tpu.vector_store %arg12[%swap3A_890, %swap3A_891], %swap3A_894 {strides = array<i32>} : memref<16x128xf32, #tpu.memory_space<vmem>>, vector<1x16xf32>,
    %broadcast_in_dim3A_895 = arith.constant 0.000000e+00 : f32
    %broadcast_in_dim3A_896 = vector.broadcast %broadcast_in_dim3A_895 : f32 to vector<16xf32>
    %swap3A_897 = arith.constant 13 : i32
    %swap3A_898 = arith.index_cast %swap3A_897 : i32 to index
    %swap3A_899 = arith.constant 112 : index
    %swap3A_900 = tpu.vector_load %arg12[%swap3A_898, %swap3A_899] {strides = array<i32>} : memref<16x128xf32, #tpu.memory_space<vmem>>, vector<1x16xf32>,
    %swap3A_901 = vector.shape_cast %swap3A_900 : vector<1x16xf32> to vector<16xf32>
    %swap3A_902 = vector.shape_cast %broadcast_in_dim3A_896 : vector<16xf32> to vector<1x16xf32>
    tpu.vector_store %arg12[%swap3A_898, %swap3A_899], %swap3A_902 {strides = array<i32>} : memref<16x128xf32, #tpu.memory_space<vmem>>, vector<1x16xf32>,
    %broadcast_in_dim3A_903 = arith.constant 0.000000e+00 : f32
    %broadcast_in_dim3A_904 = vector.broadcast %broadcast_in_dim3A_903 : f32 to vector<16xf32>
    %swap3A_905 = arith.constant 14 : i32
    %swap3A_906 = arith.index_cast %swap3A_905 : i32 to index
    %swap3A_907 = arith.constant 0 : index
    %swap3A_908 = tpu.vector_load %arg12[%swap3A_906, %swap3A_907] {strides = array<i32>} : memref<16x128xf32, #tpu.memory_space<vmem>>, vector<1x16xf32>,
    %swap3A_909 = vector.shape_cast %swap3A_908 : vector<1x16xf32> to vector<16xf32>
    %swap3A_910 = vector.shape_cast %broadcast_in_dim3A_904 : vector<16xf32> to vector<1x16xf32>
    tpu.vector_store %arg12[%swap3A_906, %swap3A_907], %swap3A_910 {strides = array<i32>} : memref<16x128xf32, #tpu.memory_space<vmem>>, vector<1x16xf32>,
    %broadcast_in_dim3A_911 = arith.constant 0.000000e+00 : f32
    %broadcast_in_dim3A_912 = vector.broadcast %broadcast_in_dim3A_911 : f32 to vector<16xf32>
    %swap3A_913 = arith.constant 14 : i32
    %swap3A_914 = arith.index_cast %swap3A_913 : i32 to index
    %swap3A_915 = arith.constant 16 : index
    %swap3A_916 = tpu.vector_load %arg12[%swap3A_914, %swap3A_915] {strides = array<i32>} : memref<16x128xf32, #tpu.memory_space<vmem>>, vector<1x16xf32>,
    %swap3A_917 = vector.shape_cast %swap3A_916 : vector<1x16xf32> to vector<16xf32>
    %swap3A_918 = vector.shape_cast %broadcast_in_dim3A_912 : vector<16xf32> to vector<1x16xf32>
    tpu.vector_store %arg12[%swap3A_914, %swap3A_915], %swap3A_918 {strides = array<i32>} : memref<16x128xf32, #tpu.memory_space<vmem>>, vector<1x16xf32>,
    %broadcast_in_dim3A_919 = arith.constant 0.000000e+00 : f32
    %broadcast_in_dim3A_920 = vector.broadcast %broadcast_in_dim3A_919 : f32 to vector<16xf32>
    %swap3A_921 = arith.constant 14 : i32
    %swap3A_922 = arith.index_cast %swap3A_921 : i32 to index
    %swap3A_923 = arith.constant 32 : index
    %swap3A_924 = tpu.vector_load %arg12[%swap3A_922, %swap3A_923] {strides = array<i32>} : memref<16x128xf32, #tpu.memory_space<vmem>>, vector<1x16xf32>,
    %swap3A_925 = vector.shape_cast %swap3A_924 : vector<1x16xf32> to vector<16xf32>
    %swap3A_926 = vector.shape_cast %broadcast_in_dim3A_920 : vector<16xf32> to vector<1x16xf32>
    tpu.vector_store %arg12[%swap3A_922, %swap3A_923], %swap3A_926 {strides = array<i32>} : memref<16x128xf32, #tpu.memory_space<vmem>>, vector<1x16xf32>,
    %broadcast_in_dim3A_927 = arith.constant 0.000000e+00 : f32
    %broadcast_in_dim3A_928 = vector.broadcast %broadcast_in_dim3A_927 : f32 to vector<16xf32>
    %swap3A_929 = arith.constant 14 : i32
    %swap3A_930 = arith.index_cast %swap3A_929 : i32 to index
    %swap3A_931 = arith.constant 48 : index
    %swap3A_932 = tpu.vector_load %arg12[%swap3A_930, %swap3A_931] {strides = array<i32>} : memref<16x128xf32, #tpu.memory_space<vmem>>, vector<1x16xf32>,
    %swap3A_933 = vector.shape_cast %swap3A_932 : vector<1x16xf32> to vector<16xf32>
    %swap3A_934 = vector.shape_cast %broadcast_in_dim3A_928 : vector<16xf32> to vector<1x16xf32>
    tpu.vector_store %arg12[%swap3A_930, %swap3A_931], %swap3A_934 {strides = array<i32>} : memref<16x128xf32, #tpu.memory_space<vmem>>, vector<1x16xf32>,
    %broadcast_in_dim3A_935 = arith.constant 0.000000e+00 : f32
    %broadcast_in_dim3A_936 = vector.broadcast %broadcast_in_dim3A_935 : f32 to vector<16xf32>
    %swap3A_937 = arith.constant 14 : i32
    %swap3A_938 = arith.index_cast %swap3A_937 : i32 to index
    %swap3A_939 = arith.constant 64 : index
    %swap3A_940 = tpu.vector_load %arg12[%swap3A_938, %swap3A_939] {strides = array<i32>} : memref<16x128xf32, #tpu.memory_space<vmem>>, vector<1x16xf32>,
    %swap3A_941 = vector.shape_cast %swap3A_940 : vector<1x16xf32> to vector<16xf32>
    %swap3A_942 = vector.shape_cast %broadcast_in_dim3A_936 : vector<16xf32> to vector<1x16xf32>
    tpu.vector_store %arg12[%swap3A_938, %swap3A_939], %swap3A_942 {strides = array<i32>} : memref<16x128xf32, #tpu.memory_space<vmem>>, vector<1x16xf32>,
    %broadcast_in_dim3A_943 = arith.constant 0.000000e+00 : f32
    %broadcast_in_dim3A_944 = vector.broadcast %broadcast_in_dim3A_943 : f32 to vector<16xf32>
    %swap3A_945 = arith.constant 14 : i32
    %swap3A_946 = arith.index_cast %swap3A_945 : i32 to index
    %swap3A_947 = arith.constant 80 : index
    %swap3A_948 = tpu.vector_load %arg12[%swap3A_946, %swap3A_947] {strides = array<i32>} : memref<16x128xf32, #tpu.memory_space<vmem>>, vector<1x16xf32>,
    %swap3A_949 = vector.shape_cast %swap3A_948 : vector<1x16xf32> to vector<16xf32>
    %swap3A_950 = vector.shape_cast %broadcast_in_dim3A_944 : vector<16xf32> to vector<1x16xf32>
    tpu.vector_store %arg12[%swap3A_946, %swap3A_947], %swap3A_950 {strides = array<i32>} : memref<16x128xf32, #tpu.memory_space<vmem>>, vector<1x16xf32>,
    %broadcast_in_dim3A_951 = arith.constant 0.000000e+00 : f32
    %broadcast_in_dim3A_952 = vector.broadcast %broadcast_in_dim3A_951 : f32 to vector<16xf32>
    %swap3A_953 = arith.constant 14 : i32
    %swap3A_954 = arith.index_cast %swap3A_953 : i32 to index
    %swap3A_955 = arith.constant 96 : index
    %swap3A_956 = tpu.vector_load %arg12[%swap3A_954, %swap3A_955] {strides = array<i32>} : memref<16x128xf32, #tpu.memory_space<vmem>>, vector<1x16xf32>,
    %swap3A_957 = vector.shape_cast %swap3A_956 : vector<1x16xf32> to vector<16xf32>
    %swap3A_958 = vector.shape_cast %broadcast_in_dim3A_952 : vector<16xf32> to vector<1x16xf32>
    tpu.vector_store %arg12[%swap3A_954, %swap3A_955], %swap3A_958 {strides = array<i32>} : memref<16x128xf32, #tpu.memory_space<vmem>>, vector<1x16xf32>,
    %broadcast_in_dim3A_959 = arith.constant 0.000000e+00 : f32
    %broadcast_in_dim3A_960 = vector.broadcast %broadcast_in_dim3A_959 : f32 to vector<16xf32>
    %swap3A_961 = arith.constant 14 : i32
    %swap3A_962 = arith.index_cast %swap3A_961 : i32 to index
    %swap3A_963 = arith.constant 112 : index
    %swap3A_964 = tpu.vector_load %arg12[%swap3A_962, %swap3A_963] {strides = array<i32>} : memref<16x128xf32, #tpu.memory_space<vmem>>, vector<1x16xf32>,
    %swap3A_965 = vector.shape_cast %swap3A_964 : vector<1x16xf32> to vector<16xf32>
    %swap3A_966 = vector.shape_cast %broadcast_in_dim3A_960 : vector<16xf32> to vector<1x16xf32>
    tpu.vector_store %arg12[%swap3A_962, %swap3A_963], %swap3A_966 {strides = array<i32>} : memref<16x128xf32, #tpu.memory_space<vmem>>, vector<1x16xf32>,
    %broadcast_in_dim3A_967 = arith.constant 0.000000e+00 : f32
    %broadcast_in_dim3A_968 = vector.broadcast %broadcast_in_dim3A_967 : f32 to vector<16xf32>
    %swap3A_969 = arith.constant 15 : i32
    %swap3A_970 = arith.index_cast %swap3A_969 : i32 to index
    %swap3A_971 = arith.constant 0 : index
    %swap3A_972 = tpu.vector_load %arg12[%swap3A_970, %swap3A_971] {strides = array<i32>} : memref<16x128xf32, #tpu.memory_space<vmem>>, vector<1x16xf32>,
    %swap3A_973 = vector.shape_cast %swap3A_972 : vector<1x16xf32> to vector<16xf32>
    %swap3A_974 = vector.shape_cast %broadcast_in_dim3A_968 : vector<16xf32> to vector<1x16xf32>
    tpu.vector_store %arg12[%swap3A_970, %swap3A_971], %swap3A_974 {strides = array<i32>} : memref<16x128xf32, #tpu.memory_space<vmem>>, vector<1x16xf32>,
    %broadcast_in_dim3A_975 = arith.constant 0.000000e+00 : f32
    %broadcast_in_dim3A_976 = vector.broadcast %broadcast_in_dim3A_975 : f32 to vector<16xf32>
    %swap3A_977 = arith.constant 15 : i32
    %swap3A_978 = arith.index_cast %swap3A_977 : i32 to index
    %swap3A_979 = arith.constant 16 : index
    %swap3A_980 = tpu.vector_load %arg12[%swap3A_978, %swap3A_979] {strides = array<i32>} : memref<16x128xf32, #tpu.memory_space<vmem>>, vector<1x16xf32>,
    %swap3A_981 = vector.shape_cast %swap3A_980 : vector<1x16xf32> to vector<16xf32>
    %swap3A_982 = vector.shape_cast %broadcast_in_dim3A_976 : vector<16xf32> to vector<1x16xf32>
    tpu.vector_store %arg12[%swap3A_978, %swap3A_979], %swap3A_982 {strides = array<i32>} : memref<16x128xf32, #tpu.memory_space<vmem>>, vector<1x16xf32>,
    %broadcast_in_dim3A_983 = arith.constant 0.000000e+00 : f32
    %broadcast_in_dim3A_984 = vector.broadcast %broadcast_in_dim3A_983 : f32 to vector<16xf32>
    %swap3A_985 = arith.constant 15 : i32
    %swap3A_986 = arith.index_cast %swap3A_985 : i32 to index
    %swap3A_987 = arith.constant 32 : index
    %swap3A_988 = tpu.vector_load %arg12[%swap3A_986, %swap3A_987] {strides = array<i32>} : memref<16x128xf32, #tpu.memory_space<vmem>>, vector<1x16xf32>,
    %swap3A_989 = vector.shape_cast %swap3A_988 : vector<1x16xf32> to vector<16xf32>
    %swap3A_990 = vector.shape_cast %broadcast_in_dim3A_984 : vector<16xf32> to vector<1x16xf32>
    tpu.vector_store %arg12[%swap3A_986, %swap3A_987], %swap3A_990 {strides = array<i32>} : memref<16x128xf32, #tpu.memory_space<vmem>>, vector<1x16xf32>,
    %broadcast_in_dim3A_991 = arith.constant 0.000000e+00 : f32
    %broadcast_in_dim3A_992 = vector.broadcast %broadcast_in_dim3A_991 : f32 to vector<16xf32>
    %swap3A_993 = arith.constant 15 : i32
    %swap3A_994 = arith.index_cast %swap3A_993 : i32 to index
    %swap3A_995 = arith.constant 48 : index
    %swap3A_996 = tpu.vector_load %arg12[%swap3A_994, %swap3A_995] {strides = array<i32>} : memref<16x128xf32, #tpu.memory_space<vmem>>, vector<1x16xf32>,
    %swap3A_997 = vector.shape_cast %swap3A_996 : vector<1x16xf32> to vector<16xf32>
    %swap3A_998 = vector.shape_cast %broadcast_in_dim3A_992 : vector<16xf32> to vector<1x16xf32>
    tpu.vector_store %arg12[%swap3A_994, %swap3A_995], %swap3A_998 {strides = array<i32>} : memref<16x128xf32, #tpu.memory_space<vmem>>, vector<1x16xf32>,
    %broadcast_in_dim3A_999 = arith.constant 0.000000e+00 : f32
    %broadcast_in_dim3A_1000 = vector.broadcast %broadcast_in_dim3A_999 : f32 to vector<16xf32>
    %swap3A_1001 = arith.constant 15 : i32
    %swap3A_1002 = arith.index_cast %swap3A_1001 : i32 to index
    %swap3A_1003 = arith.constant 64 : index
    %swap3A_1004 = tpu.vector_load %arg12[%swap3A_1002, %swap3A_1003] {strides = array<i32>} : memref<16x128xf32, #tpu.memory_space<vmem>>, vector<1x16xf32>,
    %swap3A_1005 = vector.shape_cast %swap3A_1004 : vector<1x16xf32> to vector<16xf32>
    %swap3A_1006 = vector.shape_cast %broadcast_in_dim3A_1000 : vector<16xf32> to vector<1x16xf32>
    tpu.vector_store %arg12[%swap3A_1002, %swap3A_1003], %swap3A_1006 {strides = array<i32>} : memref<16x128xf32, #tpu.memory_space<vmem>>, vector<1x16xf32>,
    %broadcast_in_dim3A_1007 = arith.constant 0.000000e+00 : f32
    %broadcast_in_dim3A_1008 = vector.broadcast %broadcast_in_dim3A_1007 : f32 to vector<16xf32>
    %swap3A_1009 = arith.constant 15 : i32
    %swap3A_1010 = arith.index_cast %swap3A_1009 : i32 to index
    %swap3A_1011 = arith.constant 80 : index
    %swap3A_1012 = tpu.vector_load %arg12[%swap3A_1010, %swap3A_1011] {strides = array<i32>} : memref<16x128xf32, #tpu.memory_space<vmem>>, vector<1x16xf32>,
    %swap3A_1013 = vector.shape_cast %swap3A_1012 : vector<1x16xf32> to vector<16xf32>
    %swap3A_1014 = vector.shape_cast %broadcast_in_dim3A_1008 : vector<16xf32> to vector<1x16xf32>
    tpu.vector_store %arg12[%swap3A_1010, %swap3A_1011], %swap3A_1014 {strides = array<i32>} : memref<16x128xf32, #tpu.memory_space<vmem>>, vector<1x16xf32>,
    %broadcast_in_dim3A_1015 = arith.constant 0.000000e+00 : f32
    %broadcast_in_dim3A_1016 = vector.broadcast %broadcast_in_dim3A_1015 : f32 to vector<16xf32>
    %swap3A_1017 = arith.constant 15 : i32
    %swap3A_1018 = arith.index_cast %swap3A_1017 : i32 to index
    %swap3A_1019 = arith.constant 96 : index
    %swap3A_1020 = tpu.vector_load %arg12[%swap3A_1018, %swap3A_1019] {strides = array<i32>} : memref<16x128xf32, #tpu.memory_space<vmem>>, vector<1x16xf32>,
    %swap3A_1021 = vector.shape_cast %swap3A_1020 : vector<1x16xf32> to vector<16xf32>
    %swap3A_1022 = vector.shape_cast %broadcast_in_dim3A_1016 : vector<16xf32> to vector<1x16xf32>
    tpu.vector_store %arg12[%swap3A_1018, %swap3A_1019], %swap3A_1022 {strides = array<i32>} : memref<16x128xf32, #tpu.memory_space<vmem>>, vector<1x16xf32>,
    %broadcast_in_dim3A_1023 = arith.constant 0.000000e+00 : f32
    %broadcast_in_dim3A_1024 = vector.broadcast %broadcast_in_dim3A_1023 : f32 to vector<16xf32>
    %swap3A_1025 = arith.constant 15 : i32
    %swap3A_1026 = arith.index_cast %swap3A_1025 : i32 to index
    %swap3A_1027 = arith.constant 112 : index
    %swap3A_1028 = tpu.vector_load %arg12[%swap3A_1026, %swap3A_1027] {strides = array<i32>} : memref<16x128xf32, #tpu.memory_space<vmem>>, vector<1x16xf32>,
    %swap3A_1029 = vector.shape_cast %swap3A_1028 : vector<1x16xf32> to vector<16xf32>
    %swap3A_1030 = vector.shape_cast %broadcast_in_dim3A_1024 : vector<16xf32> to vector<1x16xf32>
    tpu.vector_store %arg12[%swap3A_1026, %swap3A_1027], %swap3A_1030 {strides = array<i32>} : memref<16x128xf32, #tpu.memory_space<vmem>>, vector<1x16xf32>,
    %eq3A = arith.constant 15 : i32
    %eq3A_1031 = arith.cmpi eq, %arg1, %eq3A : i32
    %jit3A = arith.constant 25 : i32
    %jit3A_1032 = arith.constant 40 : i32
    %select_n3A = arith.select %eq3A_1031, %jit3A, %jit3A_1032 : i32
    %while3A = arith.constant 0 : i32
    %while3A_1033 = arith.constant 0 : i32
    %while3A_1034 = arith.subi %select_n3A, %while3A_1033 : i32
    %while3A_1035 = arith.addi %while3A_1033, %while3A_1034 : i32
    %while3A_1036 = arith.constant 1 : i32
    %while3A_1037 = arith.divsi %while3A_1034, %while3A_1036 : i32
    %while3A_1038 = arith.muli %while3A_1037, %while3A_1036 : i32
    %while3A_1039 = arith.addi %while3A_1033, %while3A_1038 : i32
    %while3A_1040 = arith.constant 1 : i32
    scf.for %while3A_1087 = %while3A_1033 to %while3A_1039 step %while3A_1040  : i32 {
      %mul3A_1088 = arith.constant 16 : i32
      %mul3A_1089 = arith.muli %while3A_1087, %mul3A_1088 : i32
      %add3A_1090 = arith.addi %multiple_of3A, %mul3A_1089 : i32
      "tpu.region"() ({
        %run_scoped3A_1091 = tpu.sem_alloc : memref<!tpu.dma_semaphore, #tpu.memory_space<semaphore_mem>>
        %dma_start3A_1092 = arith.constant 0 : i32
        %dma_start3A_1093 = tpu.memref_slice %arg9[%add3A_1090, %dma_start3A_1092] : memref<10000x128xf32, #tpu.memory_space<vmem_shared>> -> memref<16x128xf32, #tpu.memory_space<vmem_shared>>
        %dma_start3A_1094 = arith.constant 0 : i32
        %dma_start3A_1095 = tpu.memref_slice %arg9[%add3A_1090, %dma_start3A_1094] : memref<10000x128xf32, #tpu.memory_space<vmem_shared>> -> memref<16x128xf32, #tpu.memory_space<vmem_shared>>
        tpu.enqueue_dma source(%arg12 : memref<16x128xf32, #tpu.memory_space<vmem>>) target(%dma_start3A_1095 : memref<16x128xf32, #tpu.memory_space<vmem_shared>>) target_semaphore(%run_scoped3A_1091 : memref<!tpu.dma_semaphore, #tpu.memory_space<semaphore_mem>>)
        %dma_wait3A = arith.constant 0 : i32
        %dma_wait3A_1096 = tpu.memref_slice %arg9[%add3A_1090, %dma_wait3A] : memref<10000x128xf32, #tpu.memory_space<vmem_shared>> -> memref<16x128xf32, #tpu.memory_space<vmem_shared>>
        %dma_wait3A_1097 = arith.constant 0 : i32
        %dma_wait3A_1098 = tpu.memref_slice %arg9[%add3A_1090, %dma_wait3A_1097] : memref<10000x128xf32, #tpu.memory_space<vmem_shared>> -> memref<16x128xf32, #tpu.memory_space<vmem_shared>>
        tpu.wait_dma2 semaphore(%run_scoped3A_1091 : memref<!tpu.dma_semaphore, #tpu.memory_space<semaphore_mem>>) src(%arg12 : memref<16x128xf32, #tpu.memory_space<vmem>>) dst(%dma_wait3A_1098 : memref<16x128xf32, #tpu.memory_space<vmem_shared>>)
        tpu.yield
      }) : () -> ()
    }
    %while3A_1041 = arith.constant 1 : i32
    scf.for %while3A_1087 = %while3A_1039 to %while3A_1035 step %while3A_1041  : i32 {
      %mul3A_1088 = arith.constant 16 : i32
      %mul3A_1089 = arith.muli %while3A_1087, %mul3A_1088 : i32
      %add3A_1090 = arith.addi %multiple_of3A, %mul3A_1089 : i32
      "tpu.region"() ({
        %run_scoped3A_1091 = tpu.sem_alloc : memref<!tpu.dma_semaphore, #tpu.memory_space<semaphore_mem>>
        %dma_start3A_1092 = arith.constant 0 : i32
        %dma_start3A_1093 = tpu.memref_slice %arg9[%add3A_1090, %dma_start3A_1092] : memref<10000x128xf32, #tpu.memory_space<vmem_shared>> -> memref<16x128xf32, #tpu.memory_space<vmem_shared>>
        %dma_start3A_1094 = arith.constant 0 : i32
        %dma_start3A_1095 = tpu.memref_slice %arg9[%add3A_1090, %dma_start3A_1094] : memref<10000x128xf32, #tpu.memory_space<vmem_shared>> -> memref<16x128xf32, #tpu.memory_space<vmem_shared>>
        tpu.enqueue_dma source(%arg12 : memref<16x128xf32, #tpu.memory_space<vmem>>) target(%dma_start3A_1095 : memref<16x128xf32, #tpu.memory_space<vmem_shared>>) target_semaphore(%run_scoped3A_1091 : memref<!tpu.dma_semaphore, #tpu.memory_space<semaphore_mem>>)
        %dma_wait3A = arith.constant 0 : i32
        %dma_wait3A_1096 = tpu.memref_slice %arg9[%add3A_1090, %dma_wait3A] : memref<10000x128xf32, #tpu.memory_space<vmem_shared>> -> memref<16x128xf32, #tpu.memory_space<vmem_shared>>
        %dma_wait3A_1097 = arith.constant 0 : i32
        %dma_wait3A_1098 = tpu.memref_slice %arg9[%add3A_1090, %dma_wait3A_1097] : memref<10000x128xf32, #tpu.memory_space<vmem_shared>> -> memref<16x128xf32, #tpu.memory_space<vmem_shared>>
        tpu.wait_dma2 semaphore(%run_scoped3A_1091 : memref<!tpu.dma_semaphore, #tpu.memory_space<semaphore_mem>>) src(%arg12 : memref<16x128xf32, #tpu.memory_space<vmem>>) dst(%dma_wait3A_1098 : memref<16x128xf32, #tpu.memory_space<vmem_shared>>)
        tpu.yield
      }) : () -> ()
    }
    %barrier3A = arith.constant 0 : index
    tpu.barrier barrier_id(%barrier3A)
    %run_scoped3A = arith.constant 0 : i32
    "tpu.region"() ({
      %run_scoped3A_1087 = tpu.sem_alloc : memref<!tpu.dma_semaphore, #tpu.memory_space<semaphore_mem>>
      %dma_start3A_1088 = arith.constant 0 : i32
      %dma_start3A_1089 = arith.constant 0 : i32
      %dma_start3A_1090 = tpu.memref_slice %arg2[%add3A, %run_scoped3A, %dma_start3A_1088, %dma_start3A_1089] : memref<32x2x40x125xi32, #tpu.memory_space<hbm>> -> memref<1x1x40x125xi32, #tpu.memory_space<hbm>>
      %dma_start3A_1091 = tpu.memref_squeeze %dma_start3A_1090 : memref<1x1x40x125xi32, #tpu.memory_space<hbm>> -> memref<40x125xi32, #tpu.memory_space<hbm>>
      %dma_start3A_1092 = arith.constant 0 : i32
      %dma_start3A_1093 = arith.constant 0 : i32
      %dma_start3A_1094 = tpu.memref_slice %arg2[%add3A, %run_scoped3A, %dma_start3A_1092, %dma_start3A_1093] : memref<32x2x40x125xi32, #tpu.memory_space<hbm>> -> memref<1x1x40x125xi32, #tpu.memory_space<hbm>>
      %dma_start3A_1095 = tpu.memref_squeeze %dma_start3A_1094 : memref<1x1x40x125xi32, #tpu.memory_space<hbm>> -> memref<40x125xi32, #tpu.memory_space<hbm>>
      tpu.enqueue_dma source(%dma_start3A_1095 : memref<40x125xi32, #tpu.memory_space<hbm>>) target(%arg6 : memref<40x125xi32, #tpu.memory_space<vmem>>) target_semaphore(%run_scoped3A_1087 : memref<!tpu.dma_semaphore, #tpu.memory_space<semaphore_mem>>)
      %dma_wait3A = arith.constant 0 : i32
      %dma_wait3A_1096 = arith.constant 0 : i32
      %dma_wait3A_1097 = tpu.memref_slice %arg2[%add3A, %run_scoped3A, %dma_wait3A, %dma_wait3A_1096] : memref<32x2x40x125xi32, #tpu.memory_space<hbm>> -> memref<1x1x40x125xi32, #tpu.memory_space<hbm>>
      %dma_wait3A_1098 = tpu.memref_squeeze %dma_wait3A_1097 : memref<1x1x40x125xi32, #tpu.memory_space<hbm>> -> memref<40x125xi32, #tpu.memory_space<hbm>>
      %dma_wait3A_1099 = arith.constant 0 : i32
      %dma_wait3A_1100 = arith.constant 0 : i32
      %dma_wait3A_1101 = tpu.memref_slice %arg2[%add3A, %run_scoped3A, %dma_wait3A_1099, %dma_wait3A_1100] : memref<32x2x40x125xi32, #tpu.memory_space<hbm>> -> memref<1x1x40x125xi32, #tpu.memory_space<hbm>>
      %dma_wait3A_1102 = tpu.memref_squeeze %dma_wait3A_1101 : memref<1x1x40x125xi32, #tpu.memory_space<hbm>> -> memref<40x125xi32, #tpu.memory_space<hbm>>
      tpu.wait_dma2 semaphore(%run_scoped3A_1087 : memref<!tpu.dma_semaphore, #tpu.memory_space<semaphore_mem>>) src(%dma_wait3A_1102 : memref<40x125xi32, #tpu.memory_space<hbm>>) dst(%arg6 : memref<40x125xi32, #tpu.memory_space<vmem>>)
      tpu.yield
    }) : () -> ()
    %run_scoped3A_1042 = arith.constant 0 : i32
    "tpu.region"() ({
      %run_scoped3A_1087 = tpu.sem_alloc : memref<!tpu.dma_semaphore, #tpu.memory_space<semaphore_mem>>
      %dma_start3A_1088 = arith.constant 0 : i32
      %dma_start3A_1089 = arith.constant 0 : i32
      %dma_start3A_1090 = tpu.memref_slice %arg3[%arg1, %run_scoped3A_1042, %dma_start3A_1088, %dma_start3A_1089] : memref<16x2x40x125xi32, #tpu.memory_space<hbm>> -> memref<1x1x40x125xi32, #tpu.memory_space<hbm>>
      %dma_start3A_1091 = tpu.memref_squeeze %dma_start3A_1090 : memref<1x1x40x125xi32, #tpu.memory_space<hbm>> -> memref<40x125xi32, #tpu.memory_space<hbm>>
      %dma_start3A_1092 = arith.constant 0 : i32
      %dma_start3A_1093 = arith.constant 0 : i32
      %dma_start3A_1094 = tpu.memref_slice %arg3[%arg1, %run_scoped3A_1042, %dma_start3A_1092, %dma_start3A_1093] : memref<16x2x40x125xi32, #tpu.memory_space<hbm>> -> memref<1x1x40x125xi32, #tpu.memory_space<hbm>>
      %dma_start3A_1095 = tpu.memref_squeeze %dma_start3A_1094 : memref<1x1x40x125xi32, #tpu.memory_space<hbm>> -> memref<40x125xi32, #tpu.memory_space<hbm>>
      tpu.enqueue_dma source(%dma_start3A_1095 : memref<40x125xi32, #tpu.memory_space<hbm>>) target(%arg7 : memref<40x125xi32, #tpu.memory_space<vmem>>) target_semaphore(%run_scoped3A_1087 : memref<!tpu.dma_semaphore, #tpu.memory_space<semaphore_mem>>)
      %dma_wait3A = arith.constant 0 : i32
      %dma_wait3A_1096 = arith.constant 0 : i32
      %dma_wait3A_1097 = tpu.memref_slice %arg3[%arg1, %run_scoped3A_1042, %dma_wait3A, %dma_wait3A_1096] : memref<16x2x40x125xi32, #tpu.memory_space<hbm>> -> memref<1x1x40x125xi32, #tpu.memory_space<hbm>>
      %dma_wait3A_1098 = tpu.memref_squeeze %dma_wait3A_1097 : memref<1x1x40x125xi32, #tpu.memory_space<hbm>> -> memref<40x125xi32, #tpu.memory_space<hbm>>
      %dma_wait3A_1099 = arith.constant 0 : i32
      %dma_wait3A_1100 = arith.constant 0 : i32
      %dma_wait3A_1101 = tpu.memref_slice %arg3[%arg1, %run_scoped3A_1042, %dma_wait3A_1099, %dma_wait3A_1100] : memref<16x2x40x125xi32, #tpu.memory_space<hbm>> -> memref<1x1x40x125xi32, #tpu.memory_space<hbm>>
      %dma_wait3A_1102 = tpu.memref_squeeze %dma_wait3A_1101 : memref<1x1x40x125xi32, #tpu.memory_space<hbm>> -> memref<40x125xi32, #tpu.memory_space<hbm>>
      tpu.wait_dma2 semaphore(%run_scoped3A_1087 : memref<!tpu.dma_semaphore, #tpu.memory_space<semaphore_mem>>) src(%dma_wait3A_1102 : memref<40x125xi32, #tpu.memory_space<hbm>>) dst(%arg7 : memref<40x125xi32, #tpu.memory_space<vmem>>)
      tpu.yield
    }) : () -> ()
    %dma_start3A = arith.constant 0 : i32
    %dma_start3A_1043 = arith.constant 0 : i32
    %dma_start3A_1044 = arith.constant 0 : i32
    %dma_start3A_1045 = arith.constant 0 : i32
    %dma_start3A_1046 = tpu.memref_slice %arg8[%dma_start3A_1043, %dma_start3A_1044, %dma_start3A_1045] : memref<2x125x128xf32, #tpu.memory_space<vmem>> -> memref<1x125x128xf32, #tpu.memory_space<vmem>>
    %dma_start3A_1047 = tpu.memref_squeeze %dma_start3A_1046 : memref<1x125x128xf32, #tpu.memory_space<vmem>> -> memref<125x128xf32, #tpu.memory_space<vmem>>
    %dma_start3A_1048 = arith.constant 0 : i32
    %dma_start3A_1049 = tpu.memref_slice %arg6[%dma_start3A, %dma_start3A_1048] : memref<40x125xi32, #tpu.memory_space<vmem>> -> memref<1x125xi32, #tpu.memory_space<vmem>>
    %dma_start3A_1050 = tpu.memref_squeeze %dma_start3A_1049 : memref<1x125xi32, #tpu.memory_space<vmem>> -> memref<125xi32, #tpu.memory_space<vmem>>
    %dma_start3A_1051 = arith.constant 0 : i32
    %dma_start3A_1052 = arith.constant 0 : i32
    %dma_start3A_1053 = tpu.memref_slice %arg4[%dma_start3A_1051, %dma_start3A_1052] : memref<20000x128xf32, #tpu.memory_space<hbm>> -> memref<20000x128xf32, #tpu.memory_space<hbm>>
    tpu.enqueue_indirect_dma source(%dma_start3A_1053 : memref<20000x128xf32, #tpu.memory_space<hbm>>) target(%dma_start3A_1047 : memref<125x128xf32, #tpu.memory_space<vmem>>) offsets(%dma_start3A_1050 : memref<125xi32, #tpu.memory_space<vmem>>) semaphore(%arg10 : memref<!tpu.dma_semaphore, #tpu.memory_space<semaphore_mem>>)
    %scan3A = arith.constant 0 : i32
    %scan3A_1054 = arith.constant 0 : i32
    %scan3A_1055 = arith.constant 20 : i32
    %scan3A_1056 = arith.addi %scan3A_1054, %scan3A_1055 : i32
    %scan3A_1057 = arith.constant 1 : i32
    scf.for %scan3A_1087 = %scan3A_1054 to %scan3A_1056 step %scan3A_1057  : i32 {
      %mul3A_1088 = arith.constant 2 : i32
      %mul3A_1089 = arith.muli %scan3A_1087, %mul3A_1088 : i32
      %add3A_1090 = arith.constant 0 : i32
      %add3A_1091 = arith.addi %mul3A_1089, %add3A_1090 : i32
      %add3A_1092 = arith.constant 1 : i32
      %add3A_1093 = arith.addi %add3A_1091, %add3A_1092 : i32
      %lt3A_1094 = arith.constant 40 : i32
      %lt3A_1095 = arith.cmpi slt, %add3A_1093, %lt3A_1094 : i32
      %convert_element_type3A_1096 = arith.extui %lt3A_1095 : i1 to i32
      %cond3A_1097 = arith.constant 0 : i32
      %cond3A_1098 = arith.cmpi ne, %convert_element_type3A_1096, %cond3A_1097 : i32
      scf.if %cond3A_1098 {
        %dma_start3A_1131 = arith.constant 1 : i32
        %dma_start3A_1132 = arith.constant 0 : i32
        %dma_start3A_1133 = arith.constant 0 : i32
        %dma_start3A_1134 = tpu.memref_slice %arg8[%dma_start3A_1131, %dma_start3A_1132, %dma_start3A_1133] : memref<2x125x128xf32, #tpu.memory_space<vmem>> -> memref<1x125x128xf32, #tpu.memory_space<vmem>>
        %dma_start3A_1135 = tpu.memref_squeeze %dma_start3A_1134 : memref<1x125x128xf32, #tpu.memory_space<vmem>> -> memref<125x128xf32, #tpu.memory_space<vmem>>
        %dma_start3A_1136 = arith.constant 0 : i32
        %dma_start3A_1137 = tpu.memref_slice %arg6[%add3A_1093, %dma_start3A_1136] : memref<40x125xi32, #tpu.memory_space<vmem>> -> memref<1x125xi32, #tpu.memory_space<vmem>>
        %dma_start3A_1138 = tpu.memref_squeeze %dma_start3A_1137 : memref<1x125xi32, #tpu.memory_space<vmem>> -> memref<125xi32, #tpu.memory_space<vmem>>
        %dma_start3A_1139 = arith.constant 0 : i32
        %dma_start3A_1140 = arith.constant 0 : i32
        %dma_start3A_1141 = tpu.memref_slice %arg4[%dma_start3A_1139, %dma_start3A_1140] : memref<20000x128xf32, #tpu.memory_space<hbm>> -> memref<20000x128xf32, #tpu.memory_space<hbm>>
        tpu.enqueue_indirect_dma source(%dma_start3A_1141 : memref<20000x128xf32, #tpu.memory_space<hbm>>) target(%dma_start3A_1135 : memref<125x128xf32, #tpu.memory_space<vmem>>) offsets(%dma_start3A_1138 : memref<125xi32, #tpu.memory_space<vmem>>) semaphore(%arg11 : memref<!tpu.dma_semaphore, #tpu.memory_space<semaphore_mem>>)
      } else {
      }
      %dma_wait3A = arith.constant 0 : i32
      %dma_wait3A_1099 = arith.constant 0 : i32
      %dma_wait3A_1100 = arith.constant 0 : i32
      %dma_wait3A_1101 = tpu.memref_slice %arg8[%dma_wait3A, %dma_wait3A_1099, %dma_wait3A_1100] : memref<2x125x128xf32, #tpu.memory_space<vmem>> -> memref<1x125x128xf32, #tpu.memory_space<vmem>>
      %dma_wait3A_1102 = tpu.memref_squeeze %dma_wait3A_1101 : memref<1x125x128xf32, #tpu.memory_space<vmem>> -> memref<125x128xf32, #tpu.memory_space<vmem>>
      %dma_wait3A_1103 = arith.constant 0 : i32
      %dma_wait3A_1104 = tpu.memref_slice %arg6[%add3A_1091, %dma_wait3A_1103] : memref<40x125xi32, #tpu.memory_space<vmem>> -> memref<1x125xi32, #tpu.memory_space<vmem>>
      %dma_wait3A_1105 = tpu.memref_squeeze %dma_wait3A_1104 : memref<1x125xi32, #tpu.memory_space<vmem>> -> memref<125xi32, #tpu.memory_space<vmem>>
      %dma_wait3A_1106 = arith.constant 0 : i32
      %dma_wait3A_1107 = arith.constant 0 : i32
      %dma_wait3A_1108 = tpu.memref_slice %arg4[%dma_wait3A_1106, %dma_wait3A_1107] : memref<20000x128xf32, #tpu.memory_space<hbm>> -> memref<20000x128xf32, #tpu.memory_space<hbm>>
      tpu.wait_indirect_dma semaphore(%arg10 : memref<!tpu.dma_semaphore, #tpu.memory_space<semaphore_mem>>) src(%dma_wait3A_1108 : memref<20000x128xf32, #tpu.memory_space<hbm>>) dst(%dma_wait3A_1102 : memref<125x128xf32, #tpu.memory_space<vmem>>)
      %run_scoped3A_1109 = arith.constant 0 : i32
      "tpu.region"() ({
        %run_scoped3A_1131 = tpu.sem_alloc : memref<!tpu.dma_semaphore, #tpu.memory_space<semaphore_mem>>
        %dma_start3A_1132 = arith.constant 0 : i32
        %dma_start3A_1133 = arith.constant 0 : i32
        %dma_start3A_1134 = tpu.memref_slice %arg8[%run_scoped3A_1109, %dma_start3A_1132, %dma_start3A_1133] : memref<2x125x128xf32, #tpu.memory_space<vmem>> -> memref<1x125x128xf32, #tpu.memory_space<vmem>>
        %dma_start3A_1135 = tpu.memref_squeeze %dma_start3A_1134 : memref<1x125x128xf32, #tpu.memory_space<vmem>> -> memref<125x128xf32, #tpu.memory_space<vmem>>
        %dma_start3A_1136 = arith.constant 0 : i32
        %dma_start3A_1137 = tpu.memref_slice %arg7[%add3A_1091, %dma_start3A_1136] : memref<40x125xi32, #tpu.memory_space<vmem>> -> memref<1x125xi32, #tpu.memory_space<vmem>>
        %dma_start3A_1138 = tpu.memref_squeeze %dma_start3A_1137 : memref<1x125xi32, #tpu.memory_space<vmem>> -> memref<125xi32, #tpu.memory_space<vmem>>
        %dma_start3A_1139 = arith.constant 0 : i32
        %dma_start3A_1140 = arith.constant 0 : i32
        %dma_start3A_1141 = tpu.memref_slice %arg9[%dma_start3A_1139, %dma_start3A_1140] : memref<10000x128xf32, #tpu.memory_space<vmem_shared>> -> memref<10000x128xf32, #tpu.memory_space<vmem_shared>>
        tpu.enqueue_indirect_dma source(%dma_start3A_1135 : memref<125x128xf32, #tpu.memory_space<vmem>>) target(%dma_start3A_1141 : memref<10000x128xf32, #tpu.memory_space<vmem_shared>>) offsets(%dma_start3A_1138 : memref<125xi32, #tpu.memory_space<vmem>>) semaphore(%run_scoped3A_1131 : memref<!tpu.dma_semaphore, #tpu.memory_space<semaphore_mem>>) {add = true}
        %dma_wait3A_1142 = arith.constant 0 : i32
        %dma_wait3A_1143 = arith.constant 0 : i32
        %dma_wait3A_1144 = tpu.memref_slice %arg8[%run_scoped3A_1109, %dma_wait3A_1142, %dma_wait3A_1143] : memref<2x125x128xf32, #tpu.memory_space<vmem>> -> memref<1x125x128xf32, #tpu.memory_space<vmem>>
        %dma_wait3A_1145 = tpu.memref_squeeze %dma_wait3A_1144 : memref<1x125x128xf32, #tpu.memory_space<vmem>> -> memref<125x128xf32, #tpu.memory_space<vmem>>
        %dma_wait3A_1146 = arith.constant 0 : i32
        %dma_wait3A_1147 = tpu.memref_slice %arg7[%add3A_1091, %dma_wait3A_1146] : memref<40x125xi32, #tpu.memory_space<vmem>> -> memref<1x125xi32, #tpu.memory_space<vmem>>
        %dma_wait3A_1148 = tpu.memref_squeeze %dma_wait3A_1147 : memref<1x125xi32, #tpu.memory_space<vmem>> -> memref<125xi32, #tpu.memory_space<vmem>>
        %dma_wait3A_1149 = arith.constant 0 : i32
        %dma_wait3A_1150 = arith.constant 0 : i32
        %dma_wait3A_1151 = tpu.memref_slice %arg9[%dma_wait3A_1149, %dma_wait3A_1150] : memref<10000x128xf32, #tpu.memory_space<vmem_shared>> -> memref<10000x128xf32, #tpu.memory_space<vmem_shared>>
        tpu.wait_indirect_dma semaphore(%run_scoped3A_1131 : memref<!tpu.dma_semaphore, #tpu.memory_space<semaphore_mem>>) src(%dma_wait3A_1145 : memref<125x128xf32, #tpu.memory_space<vmem>>) dst(%dma_wait3A_1151 : memref<10000x128xf32, #tpu.memory_space<vmem_shared>>)
        tpu.yield
      }) : () -> ()
      %add3A_1110 = arith.constant 1 : i32
      %add3A_1111 = arith.addi %mul3A_1089, %add3A_1110 : i32
      %add3A_1112 = arith.constant 1 : i32
      %add3A_1113 = arith.addi %add3A_1111, %add3A_1112 : i32
      %lt3A_1114 = arith.constant 40 : i32
      %lt3A_1115 = arith.cmpi slt, %add3A_1113, %lt3A_1114 : i32
      %convert_element_type3A_1116 = arith.extui %lt3A_1115 : i1 to i32
      %cond3A_1117 = arith.constant 0 : i32
      %cond3A_1118 = arith.cmpi ne, %convert_element_type3A_1116, %cond3A_1117 : i32
      scf.if %cond3A_1118 {
        %dma_start3A_1131 = arith.constant 0 : i32
        %dma_start3A_1132 = arith.constant 0 : i32
        %dma_start3A_1133 = arith.constant 0 : i32
        %dma_start3A_1134 = tpu.memref_slice %arg8[%dma_start3A_1131, %dma_start3A_1132, %dma_start3A_1133] : memref<2x125x128xf32, #tpu.memory_space<vmem>> -> memref<1x125x128xf32, #tpu.memory_space<vmem>>
        %dma_start3A_1135 = tpu.memref_squeeze %dma_start3A_1134 : memref<1x125x128xf32, #tpu.memory_space<vmem>> -> memref<125x128xf32, #tpu.memory_space<vmem>>
        %dma_start3A_1136 = arith.constant 0 : i32
        %dma_start3A_1137 = tpu.memref_slice %arg6[%add3A_1113, %dma_start3A_1136] : memref<40x125xi32, #tpu.memory_space<vmem>> -> memref<1x125xi32, #tpu.memory_space<vmem>>
        %dma_start3A_1138 = tpu.memref_squeeze %dma_start3A_1137 : memref<1x125xi32, #tpu.memory_space<vmem>> -> memref<125xi32, #tpu.memory_space<vmem>>
        %dma_start3A_1139 = arith.constant 0 : i32
        %dma_start3A_1140 = arith.constant 0 : i32
        %dma_start3A_1141 = tpu.memref_slice %arg4[%dma_start3A_1139, %dma_start3A_1140] : memref<20000x128xf32, #tpu.memory_space<hbm>> -> memref<20000x128xf32, #tpu.memory_space<hbm>>
        tpu.enqueue_indirect_dma source(%dma_start3A_1141 : memref<20000x128xf32, #tpu.memory_space<hbm>>) target(%dma_start3A_1135 : memref<125x128xf32, #tpu.memory_space<vmem>>) offsets(%dma_start3A_1138 : memref<125xi32, #tpu.memory_space<vmem>>) semaphore(%arg10 : memref<!tpu.dma_semaphore, #tpu.memory_space<semaphore_mem>>)
      } else {
      }
      %dma_wait3A_1119 = arith.constant 1 : i32
      %dma_wait3A_1120 = arith.constant 0 : i32
      %dma_wait3A_1121 = arith.constant 0 : i32
      %dma_wait3A_1122 = tpu.memref_slice %arg8[%dma_wait3A_1119, %dma_wait3A_1120, %dma_wait3A_1121] : memref<2x125x128xf32, #tpu.memory_space<vmem>> -> memref<1x125x128xf32, #tpu.memory_space<vmem>>
      %dma_wait3A_1123 = tpu.memref_squeeze %dma_wait3A_1122 : memref<1x125x128xf32, #tpu.memory_space<vmem>> -> memref<125x128xf32, #tpu.memory_space<vmem>>
      %dma_wait3A_1124 = arith.constant 0 : i32
      %dma_wait3A_1125 = tpu.memref_slice %arg6[%add3A_1111, %dma_wait3A_1124] : memref<40x125xi32, #tpu.memory_space<vmem>> -> memref<1x125xi32, #tpu.memory_space<vmem>>
      %dma_wait3A_1126 = tpu.memref_squeeze %dma_wait3A_1125 : memref<1x125xi32, #tpu.memory_space<vmem>> -> memref<125xi32, #tpu.memory_space<vmem>>
      %dma_wait3A_1127 = arith.constant 0 : i32
      %dma_wait3A_1128 = arith.constant 0 : i32
      %dma_wait3A_1129 = tpu.memref_slice %arg4[%dma_wait3A_1127, %dma_wait3A_1128] : memref<20000x128xf32, #tpu.memory_space<hbm>> -> memref<20000x128xf32, #tpu.memory_space<hbm>>
      tpu.wait_indirect_dma semaphore(%arg11 : memref<!tpu.dma_semaphore, #tpu.memory_space<semaphore_mem>>) src(%dma_wait3A_1129 : memref<20000x128xf32, #tpu.memory_space<hbm>>) dst(%dma_wait3A_1123 : memref<125x128xf32, #tpu.memory_space<vmem>>)
      %run_scoped3A_1130 = arith.constant 1 : i32
      "tpu.region"() ({
        %run_scoped3A_1131 = tpu.sem_alloc : memref<!tpu.dma_semaphore, #tpu.memory_space<semaphore_mem>>
        %dma_start3A_1132 = arith.constant 0 : i32
        %dma_start3A_1133 = arith.constant 0 : i32
        %dma_start3A_1134 = tpu.memref_slice %arg8[%run_scoped3A_1130, %dma_start3A_1132, %dma_start3A_1133] : memref<2x125x128xf32, #tpu.memory_space<vmem>> -> memref<1x125x128xf32, #tpu.memory_space<vmem>>
        %dma_start3A_1135 = tpu.memref_squeeze %dma_start3A_1134 : memref<1x125x128xf32, #tpu.memory_space<vmem>> -> memref<125x128xf32, #tpu.memory_space<vmem>>
        %dma_start3A_1136 = arith.constant 0 : i32
        %dma_start3A_1137 = tpu.memref_slice %arg7[%add3A_1111, %dma_start3A_1136] : memref<40x125xi32, #tpu.memory_space<vmem>> -> memref<1x125xi32, #tpu.memory_space<vmem>>
        %dma_start3A_1138 = tpu.memref_squeeze %dma_start3A_1137 : memref<1x125xi32, #tpu.memory_space<vmem>> -> memref<125xi32, #tpu.memory_space<vmem>>
        %dma_start3A_1139 = arith.constant 0 : i32
        %dma_start3A_1140 = arith.constant 0 : i32
        %dma_start3A_1141 = tpu.memref_slice %arg9[%dma_start3A_1139, %dma_start3A_1140] : memref<10000x128xf32, #tpu.memory_space<vmem_shared>> -> memref<10000x128xf32, #tpu.memory_space<vmem_shared>>
        tpu.enqueue_indirect_dma source(%dma_start3A_1135 : memref<125x128xf32, #tpu.memory_space<vmem>>) target(%dma_start3A_1141 : memref<10000x128xf32, #tpu.memory_space<vmem_shared>>) offsets(%dma_start3A_1138 : memref<125xi32, #tpu.memory_space<vmem>>) semaphore(%run_scoped3A_1131 : memref<!tpu.dma_semaphore, #tpu.memory_space<semaphore_mem>>) {add = true}
        %dma_wait3A_1142 = arith.constant 0 : i32
        %dma_wait3A_1143 = arith.constant 0 : i32
        %dma_wait3A_1144 = tpu.memref_slice %arg8[%run_scoped3A_1130, %dma_wait3A_1142, %dma_wait3A_1143] : memref<2x125x128xf32, #tpu.memory_space<vmem>> -> memref<1x125x128xf32, #tpu.memory_space<vmem>>
        %dma_wait3A_1145 = tpu.memref_squeeze %dma_wait3A_1144 : memref<1x125x128xf32, #tpu.memory_space<vmem>> -> memref<125x128xf32, #tpu.memory_space<vmem>>
        %dma_wait3A_1146 = arith.constant 0 : i32
        %dma_wait3A_1147 = tpu.memref_slice %arg7[%add3A_1111, %dma_wait3A_1146] : memref<40x125xi32, #tpu.memory_space<vmem>> -> memref<1x125xi32, #tpu.memory_space<vmem>>
        %dma_wait3A_1148 = tpu.memref_squeeze %dma_wait3A_1147 : memref<1x125xi32, #tpu.memory_space<vmem>> -> memref<125xi32, #tpu.memory_space<vmem>>
        %dma_wait3A_1149 = arith.constant 0 : i32
        %dma_wait3A_1150 = arith.constant 0 : i32
        %dma_wait3A_1151 = tpu.memref_slice %arg9[%dma_wait3A_1149, %dma_wait3A_1150] : memref<10000x128xf32, #tpu.memory_space<vmem_shared>> -> memref<10000x128xf32, #tpu.memory_space<vmem_shared>>
        tpu.wait_indirect_dma semaphore(%run_scoped3A_1131 : memref<!tpu.dma_semaphore, #tpu.memory_space<semaphore_mem>>) src(%dma_wait3A_1145 : memref<125x128xf32, #tpu.memory_space<vmem>>) dst(%dma_wait3A_1151 : memref<10000x128xf32, #tpu.memory_space<vmem_shared>>)
        tpu.yield
      }) : () -> ()
    }
    %scan3A_1058 = arith.constant 20 : i32
    %run_scoped3A_1059 = arith.constant 1 : i32
    "tpu.region"() ({
      %run_scoped3A_1087 = tpu.sem_alloc : memref<!tpu.dma_semaphore, #tpu.memory_space<semaphore_mem>>
      %dma_start3A_1088 = arith.constant 0 : i32
      %dma_start3A_1089 = arith.constant 0 : i32
      %dma_start3A_1090 = tpu.memref_slice %arg2[%add3A, %run_scoped3A_1059, %dma_start3A_1088, %dma_start3A_1089] : memref<32x2x40x125xi32, #tpu.memory_space<hbm>> -> memref<1x1x40x125xi32, #tpu.memory_space<hbm>>
      %dma_start3A_1091 = tpu.memref_squeeze %dma_start3A_1090 : memref<1x1x40x125xi32, #tpu.memory_space<hbm>> -> memref<40x125xi32, #tpu.memory_space<hbm>>
      %dma_start3A_1092 = arith.constant 0 : i32
      %dma_start3A_1093 = arith.constant 0 : i32
      %dma_start3A_1094 = tpu.memref_slice %arg2[%add3A, %run_scoped3A_1059, %dma_start3A_1092, %dma_start3A_1093] : memref<32x2x40x125xi32, #tpu.memory_space<hbm>> -> memref<1x1x40x125xi32, #tpu.memory_space<hbm>>
      %dma_start3A_1095 = tpu.memref_squeeze %dma_start3A_1094 : memref<1x1x40x125xi32, #tpu.memory_space<hbm>> -> memref<40x125xi32, #tpu.memory_space<hbm>>
      tpu.enqueue_dma source(%dma_start3A_1095 : memref<40x125xi32, #tpu.memory_space<hbm>>) target(%arg6 : memref<40x125xi32, #tpu.memory_space<vmem>>) target_semaphore(%run_scoped3A_1087 : memref<!tpu.dma_semaphore, #tpu.memory_space<semaphore_mem>>)
      %dma_wait3A = arith.constant 0 : i32
      %dma_wait3A_1096 = arith.constant 0 : i32
      %dma_wait3A_1097 = tpu.memref_slice %arg2[%add3A, %run_scoped3A_1059, %dma_wait3A, %dma_wait3A_1096] : memref<32x2x40x125xi32, #tpu.memory_space<hbm>> -> memref<1x1x40x125xi32, #tpu.memory_space<hbm>>
      %dma_wait3A_1098 = tpu.memref_squeeze %dma_wait3A_1097 : memref<1x1x40x125xi32, #tpu.memory_space<hbm>> -> memref<40x125xi32, #tpu.memory_space<hbm>>
      %dma_wait3A_1099 = arith.constant 0 : i32
      %dma_wait3A_1100 = arith.constant 0 : i32
      %dma_wait3A_1101 = tpu.memref_slice %arg2[%add3A, %run_scoped3A_1059, %dma_wait3A_1099, %dma_wait3A_1100] : memref<32x2x40x125xi32, #tpu.memory_space<hbm>> -> memref<1x1x40x125xi32, #tpu.memory_space<hbm>>
      %dma_wait3A_1102 = tpu.memref_squeeze %dma_wait3A_1101 : memref<1x1x40x125xi32, #tpu.memory_space<hbm>> -> memref<40x125xi32, #tpu.memory_space<hbm>>
      tpu.wait_dma2 semaphore(%run_scoped3A_1087 : memref<!tpu.dma_semaphore, #tpu.memory_space<semaphore_mem>>) src(%dma_wait3A_1102 : memref<40x125xi32, #tpu.memory_space<hbm>>) dst(%arg6 : memref<40x125xi32, #tpu.memory_space<vmem>>)
      tpu.yield
    }) : () -> ()
    %run_scoped3A_1060 = arith.constant 1 : i32
    "tpu.region"() ({
      %run_scoped3A_1087 = tpu.sem_alloc : memref<!tpu.dma_semaphore, #tpu.memory_space<semaphore_mem>>
      %dma_start3A_1088 = arith.constant 0 : i32
      %dma_start3A_1089 = arith.constant 0 : i32
      %dma_start3A_1090 = tpu.memref_slice %arg3[%arg1, %run_scoped3A_1060, %dma_start3A_1088, %dma_start3A_1089] : memref<16x2x40x125xi32, #tpu.memory_space<hbm>> -> memref<1x1x40x125xi32, #tpu.memory_space<hbm>>
      %dma_start3A_1091 = tpu.memref_squeeze %dma_start3A_1090 : memref<1x1x40x125xi32, #tpu.memory_space<hbm>> -> memref<40x125xi32, #tpu.memory_space<hbm>>
      %dma_start3A_1092 = arith.constant 0 : i32
      %dma_start3A_1093 = arith.constant 0 : i32
      %dma_start3A_1094 = tpu.memref_slice %arg3[%arg1, %run_scoped3A_1060, %dma_start3A_1092, %dma_start3A_1093] : memref<16x2x40x125xi32, #tpu.memory_space<hbm>> -> memref<1x1x40x125xi32, #tpu.memory_space<hbm>>
      %dma_start3A_1095 = tpu.memref_squeeze %dma_start3A_1094 : memref<1x1x40x125xi32, #tpu.memory_space<hbm>> -> memref<40x125xi32, #tpu.memory_space<hbm>>
      tpu.enqueue_dma source(%dma_start3A_1095 : memref<40x125xi32, #tpu.memory_space<hbm>>) target(%arg7 : memref<40x125xi32, #tpu.memory_space<vmem>>) target_semaphore(%run_scoped3A_1087 : memref<!tpu.dma_semaphore, #tpu.memory_space<semaphore_mem>>)
      %dma_wait3A = arith.constant 0 : i32
      %dma_wait3A_1096 = arith.constant 0 : i32
      %dma_wait3A_1097 = tpu.memref_slice %arg3[%arg1, %run_scoped3A_1060, %dma_wait3A, %dma_wait3A_1096] : memref<16x2x40x125xi32, #tpu.memory_space<hbm>> -> memref<1x1x40x125xi32, #tpu.memory_space<hbm>>
      %dma_wait3A_1098 = tpu.memref_squeeze %dma_wait3A_1097 : memref<1x1x40x125xi32, #tpu.memory_space<hbm>> -> memref<40x125xi32, #tpu.memory_space<hbm>>
      %dma_wait3A_1099 = arith.constant 0 : i32
      %dma_wait3A_1100 = arith.constant 0 : i32
      %dma_wait3A_1101 = tpu.memref_slice %arg3[%arg1, %run_scoped3A_1060, %dma_wait3A_1099, %dma_wait3A_1100] : memref<16x2x40x125xi32, #tpu.memory_space<hbm>> -> memref<1x1x40x125xi32, #tpu.memory_space<hbm>>
      %dma_wait3A_1102 = tpu.memref_squeeze %dma_wait3A_1101 : memref<1x1x40x125xi32, #tpu.memory_space<hbm>> -> memref<40x125xi32, #tpu.memory_space<hbm>>
      tpu.wait_dma2 semaphore(%run_scoped3A_1087 : memref<!tpu.dma_semaphore, #tpu.memory_space<semaphore_mem>>) src(%dma_wait3A_1102 : memref<40x125xi32, #tpu.memory_space<hbm>>) dst(%arg7 : memref<40x125xi32, #tpu.memory_space<vmem>>)
      tpu.yield
    }) : () -> ()
    %dma_start3A_1061 = arith.constant 0 : i32
    %dma_start3A_1062 = arith.constant 0 : i32
    %dma_start3A_1063 = arith.constant 0 : i32
    %dma_start3A_1064 = arith.constant 0 : i32
    %dma_start3A_1065 = tpu.memref_slice %arg8[%dma_start3A_1062, %dma_start3A_1063, %dma_start3A_1064] : memref<2x125x128xf32, #tpu.memory_space<vmem>> -> memref<1x125x128xf32, #tpu.memory_space<vmem>>
    %dma_start3A_1066 = tpu.memref_squeeze %dma_start3A_1065 : memref<1x125x128xf32, #tpu.memory_space<vmem>> -> memref<125x128xf32, #tpu.memory_space<vmem>>
    %dma_start3A_1067 = arith.constant 0 : i32
    %dma_start3A_1068 = tpu.memref_slice %arg6[%dma_start3A_1061, %dma_start3A_1067] : memref<40x125xi32, #tpu.memory_space<vmem>> -> memref<1x125xi32, #tpu.memory_space<vmem>>
    %dma_start3A_1069 = tpu.memref_squeeze %dma_start3A_1068 : memref<1x125xi32, #tpu.memory_space<vmem>> -> memref<125xi32, #tpu.memory_space<vmem>>
    %dma_start3A_1070 = arith.constant 0 : i32
    %dma_start3A_1071 = arith.constant 0 : i32
    %dma_start3A_1072 = tpu.memref_slice %arg4[%dma_start3A_1070, %dma_start3A_1071] : memref<20000x128xf32, #tpu.memory_space<hbm>> -> memref<20000x128xf32, #tpu.memory_space<hbm>>
    tpu.enqueue_indirect_dma source(%dma_start3A_1072 : memref<20000x128xf32, #tpu.memory_space<hbm>>) target(%dma_start3A_1066 : memref<125x128xf32, #tpu.memory_space<vmem>>) offsets(%dma_start3A_1069 : memref<125xi32, #tpu.memory_space<vmem>>) semaphore(%arg10 : memref<!tpu.dma_semaphore, #tpu.memory_space<semaphore_mem>>)
    %scan3A_1073 = arith.constant 0 : i32
    %scan3A_1074 = arith.constant 0 : i32
    %scan3A_1075 = arith.constant 20 : i32
    %scan3A_1076 = arith.addi %scan3A_1074, %scan3A_1075 : i32
    %scan3A_1077 = arith.constant 1 : i32
    scf.for %scan3A_1087 = %scan3A_1074 to %scan3A_1076 step %scan3A_1077  : i32 {
      %mul3A_1088 = arith.constant 2 : i32
      %mul3A_1089 = arith.muli %scan3A_1087, %mul3A_1088 : i32
      %add3A_1090 = arith.constant 0 : i32
      %add3A_1091 = arith.addi %mul3A_1089, %add3A_1090 : i32
      %add3A_1092 = arith.constant 1 : i32
      %add3A_1093 = arith.addi %add3A_1091, %add3A_1092 : i32
      %lt3A_1094 = arith.constant 40 : i32
      %lt3A_1095 = arith.cmpi slt, %add3A_1093, %lt3A_1094 : i32
      %convert_element_type3A_1096 = arith.extui %lt3A_1095 : i1 to i32
      %cond3A_1097 = arith.constant 0 : i32
      %cond3A_1098 = arith.cmpi ne, %convert_element_type3A_1096, %cond3A_1097 : i32
      scf.if %cond3A_1098 {
        %dma_start3A_1131 = arith.constant 1 : i32
        %dma_start3A_1132 = arith.constant 0 : i32
        %dma_start3A_1133 = arith.constant 0 : i32
        %dma_start3A_1134 = tpu.memref_slice %arg8[%dma_start3A_1131, %dma_start3A_1132, %dma_start3A_1133] : memref<2x125x128xf32, #tpu.memory_space<vmem>> -> memref<1x125x128xf32, #tpu.memory_space<vmem>>
        %dma_start3A_1135 = tpu.memref_squeeze %dma_start3A_1134 : memref<1x125x128xf32, #tpu.memory_space<vmem>> -> memref<125x128xf32, #tpu.memory_space<vmem>>
        %dma_start3A_1136 = arith.constant 0 : i32
        %dma_start3A_1137 = tpu.memref_slice %arg6[%add3A_1093, %dma_start3A_1136] : memref<40x125xi32, #tpu.memory_space<vmem>> -> memref<1x125xi32, #tpu.memory_space<vmem>>
        %dma_start3A_1138 = tpu.memref_squeeze %dma_start3A_1137 : memref<1x125xi32, #tpu.memory_space<vmem>> -> memref<125xi32, #tpu.memory_space<vmem>>
        %dma_start3A_1139 = arith.constant 0 : i32
        %dma_start3A_1140 = arith.constant 0 : i32
        %dma_start3A_1141 = tpu.memref_slice %arg4[%dma_start3A_1139, %dma_start3A_1140] : memref<20000x128xf32, #tpu.memory_space<hbm>> -> memref<20000x128xf32, #tpu.memory_space<hbm>>
        tpu.enqueue_indirect_dma source(%dma_start3A_1141 : memref<20000x128xf32, #tpu.memory_space<hbm>>) target(%dma_start3A_1135 : memref<125x128xf32, #tpu.memory_space<vmem>>) offsets(%dma_start3A_1138 : memref<125xi32, #tpu.memory_space<vmem>>) semaphore(%arg11 : memref<!tpu.dma_semaphore, #tpu.memory_space<semaphore_mem>>)
      } else {
      }
      %dma_wait3A = arith.constant 0 : i32
      %dma_wait3A_1099 = arith.constant 0 : i32
      %dma_wait3A_1100 = arith.constant 0 : i32
      %dma_wait3A_1101 = tpu.memref_slice %arg8[%dma_wait3A, %dma_wait3A_1099, %dma_wait3A_1100] : memref<2x125x128xf32, #tpu.memory_space<vmem>> -> memref<1x125x128xf32, #tpu.memory_space<vmem>>
      %dma_wait3A_1102 = tpu.memref_squeeze %dma_wait3A_1101 : memref<1x125x128xf32, #tpu.memory_space<vmem>> -> memref<125x128xf32, #tpu.memory_space<vmem>>
      %dma_wait3A_1103 = arith.constant 0 : i32
      %dma_wait3A_1104 = tpu.memref_slice %arg6[%add3A_1091, %dma_wait3A_1103] : memref<40x125xi32, #tpu.memory_space<vmem>> -> memref<1x125xi32, #tpu.memory_space<vmem>>
      %dma_wait3A_1105 = tpu.memref_squeeze %dma_wait3A_1104 : memref<1x125xi32, #tpu.memory_space<vmem>> -> memref<125xi32, #tpu.memory_space<vmem>>
      %dma_wait3A_1106 = arith.constant 0 : i32
      %dma_wait3A_1107 = arith.constant 0 : i32
      %dma_wait3A_1108 = tpu.memref_slice %arg4[%dma_wait3A_1106, %dma_wait3A_1107] : memref<20000x128xf32, #tpu.memory_space<hbm>> -> memref<20000x128xf32, #tpu.memory_space<hbm>>
      tpu.wait_indirect_dma semaphore(%arg10 : memref<!tpu.dma_semaphore, #tpu.memory_space<semaphore_mem>>) src(%dma_wait3A_1108 : memref<20000x128xf32, #tpu.memory_space<hbm>>) dst(%dma_wait3A_1102 : memref<125x128xf32, #tpu.memory_space<vmem>>)
      %run_scoped3A_1109 = arith.constant 0 : i32
      "tpu.region"() ({
        %run_scoped3A_1131 = tpu.sem_alloc : memref<!tpu.dma_semaphore, #tpu.memory_space<semaphore_mem>>
        %dma_start3A_1132 = arith.constant 0 : i32
        %dma_start3A_1133 = arith.constant 0 : i32
        %dma_start3A_1134 = tpu.memref_slice %arg8[%run_scoped3A_1109, %dma_start3A_1132, %dma_start3A_1133] : memref<2x125x128xf32, #tpu.memory_space<vmem>> -> memref<1x125x128xf32, #tpu.memory_space<vmem>>
        %dma_start3A_1135 = tpu.memref_squeeze %dma_start3A_1134 : memref<1x125x128xf32, #tpu.memory_space<vmem>> -> memref<125x128xf32, #tpu.memory_space<vmem>>
        %dma_start3A_1136 = arith.constant 0 : i32
        %dma_start3A_1137 = tpu.memref_slice %arg7[%add3A_1091, %dma_start3A_1136] : memref<40x125xi32, #tpu.memory_space<vmem>> -> memref<1x125xi32, #tpu.memory_space<vmem>>
        %dma_start3A_1138 = tpu.memref_squeeze %dma_start3A_1137 : memref<1x125xi32, #tpu.memory_space<vmem>> -> memref<125xi32, #tpu.memory_space<vmem>>
        %dma_start3A_1139 = arith.constant 0 : i32
        %dma_start3A_1140 = arith.constant 0 : i32
        %dma_start3A_1141 = tpu.memref_slice %arg9[%dma_start3A_1139, %dma_start3A_1140] : memref<10000x128xf32, #tpu.memory_space<vmem_shared>> -> memref<10000x128xf32, #tpu.memory_space<vmem_shared>>
        tpu.enqueue_indirect_dma source(%dma_start3A_1135 : memref<125x128xf32, #tpu.memory_space<vmem>>) target(%dma_start3A_1141 : memref<10000x128xf32, #tpu.memory_space<vmem_shared>>) offsets(%dma_start3A_1138 : memref<125xi32, #tpu.memory_space<vmem>>) semaphore(%run_scoped3A_1131 : memref<!tpu.dma_semaphore, #tpu.memory_space<semaphore_mem>>) {add = true}
        %dma_wait3A_1142 = arith.constant 0 : i32
        %dma_wait3A_1143 = arith.constant 0 : i32
        %dma_wait3A_1144 = tpu.memref_slice %arg8[%run_scoped3A_1109, %dma_wait3A_1142, %dma_wait3A_1143] : memref<2x125x128xf32, #tpu.memory_space<vmem>> -> memref<1x125x128xf32, #tpu.memory_space<vmem>>
        %dma_wait3A_1145 = tpu.memref_squeeze %dma_wait3A_1144 : memref<1x125x128xf32, #tpu.memory_space<vmem>> -> memref<125x128xf32, #tpu.memory_space<vmem>>
        %dma_wait3A_1146 = arith.constant 0 : i32
        %dma_wait3A_1147 = tpu.memref_slice %arg7[%add3A_1091, %dma_wait3A_1146] : memref<40x125xi32, #tpu.memory_space<vmem>> -> memref<1x125xi32, #tpu.memory_space<vmem>>
        %dma_wait3A_1148 = tpu.memref_squeeze %dma_wait3A_1147 : memref<1x125xi32, #tpu.memory_space<vmem>> -> memref<125xi32, #tpu.memory_space<vmem>>
        %dma_wait3A_1149 = arith.constant 0 : i32
        %dma_wait3A_1150 = arith.constant 0 : i32
        %dma_wait3A_1151 = tpu.memref_slice %arg9[%dma_wait3A_1149, %dma_wait3A_1150] : memref<10000x128xf32, #tpu.memory_space<vmem_shared>> -> memref<10000x128xf32, #tpu.memory_space<vmem_shared>>
        tpu.wait_indirect_dma semaphore(%run_scoped3A_1131 : memref<!tpu.dma_semaphore, #tpu.memory_space<semaphore_mem>>) src(%dma_wait3A_1145 : memref<125x128xf32, #tpu.memory_space<vmem>>) dst(%dma_wait3A_1151 : memref<10000x128xf32, #tpu.memory_space<vmem_shared>>)
        tpu.yield
      }) : () -> ()
      %add3A_1110 = arith.constant 1 : i32
      %add3A_1111 = arith.addi %mul3A_1089, %add3A_1110 : i32
      %add3A_1112 = arith.constant 1 : i32
      %add3A_1113 = arith.addi %add3A_1111, %add3A_1112 : i32
      %lt3A_1114 = arith.constant 40 : i32
      %lt3A_1115 = arith.cmpi slt, %add3A_1113, %lt3A_1114 : i32
      %convert_element_type3A_1116 = arith.extui %lt3A_1115 : i1 to i32
      %cond3A_1117 = arith.constant 0 : i32
      %cond3A_1118 = arith.cmpi ne, %convert_element_type3A_1116, %cond3A_1117 : i32
      scf.if %cond3A_1118 {
        %dma_start3A_1131 = arith.constant 0 : i32
        %dma_start3A_1132 = arith.constant 0 : i32
        %dma_start3A_1133 = arith.constant 0 : i32
        %dma_start3A_1134 = tpu.memref_slice %arg8[%dma_start3A_1131, %dma_start3A_1132, %dma_start3A_1133] : memref<2x125x128xf32, #tpu.memory_space<vmem>> -> memref<1x125x128xf32, #tpu.memory_space<vmem>>
        %dma_start3A_1135 = tpu.memref_squeeze %dma_start3A_1134 : memref<1x125x128xf32, #tpu.memory_space<vmem>> -> memref<125x128xf32, #tpu.memory_space<vmem>>
        %dma_start3A_1136 = arith.constant 0 : i32
        %dma_start3A_1137 = tpu.memref_slice %arg6[%add3A_1113, %dma_start3A_1136] : memref<40x125xi32, #tpu.memory_space<vmem>> -> memref<1x125xi32, #tpu.memory_space<vmem>>
        %dma_start3A_1138 = tpu.memref_squeeze %dma_start3A_1137 : memref<1x125xi32, #tpu.memory_space<vmem>> -> memref<125xi32, #tpu.memory_space<vmem>>
        %dma_start3A_1139 = arith.constant 0 : i32
        %dma_start3A_1140 = arith.constant 0 : i32
        %dma_start3A_1141 = tpu.memref_slice %arg4[%dma_start3A_1139, %dma_start3A_1140] : memref<20000x128xf32, #tpu.memory_space<hbm>> -> memref<20000x128xf32, #tpu.memory_space<hbm>>
        tpu.enqueue_indirect_dma source(%dma_start3A_1141 : memref<20000x128xf32, #tpu.memory_space<hbm>>) target(%dma_start3A_1135 : memref<125x128xf32, #tpu.memory_space<vmem>>) offsets(%dma_start3A_1138 : memref<125xi32, #tpu.memory_space<vmem>>) semaphore(%arg10 : memref<!tpu.dma_semaphore, #tpu.memory_space<semaphore_mem>>)
      } else {
      }
      %dma_wait3A_1119 = arith.constant 1 : i32
      %dma_wait3A_1120 = arith.constant 0 : i32
      %dma_wait3A_1121 = arith.constant 0 : i32
      %dma_wait3A_1122 = tpu.memref_slice %arg8[%dma_wait3A_1119, %dma_wait3A_1120, %dma_wait3A_1121] : memref<2x125x128xf32, #tpu.memory_space<vmem>> -> memref<1x125x128xf32, #tpu.memory_space<vmem>>
      %dma_wait3A_1123 = tpu.memref_squeeze %dma_wait3A_1122 : memref<1x125x128xf32, #tpu.memory_space<vmem>> -> memref<125x128xf32, #tpu.memory_space<vmem>>
      %dma_wait3A_1124 = arith.constant 0 : i32
      %dma_wait3A_1125 = tpu.memref_slice %arg6[%add3A_1111, %dma_wait3A_1124] : memref<40x125xi32, #tpu.memory_space<vmem>> -> memref<1x125xi32, #tpu.memory_space<vmem>>
      %dma_wait3A_1126 = tpu.memref_squeeze %dma_wait3A_1125 : memref<1x125xi32, #tpu.memory_space<vmem>> -> memref<125xi32, #tpu.memory_space<vmem>>
      %dma_wait3A_1127 = arith.constant 0 : i32
      %dma_wait3A_1128 = arith.constant 0 : i32
      %dma_wait3A_1129 = tpu.memref_slice %arg4[%dma_wait3A_1127, %dma_wait3A_1128] : memref<20000x128xf32, #tpu.memory_space<hbm>> -> memref<20000x128xf32, #tpu.memory_space<hbm>>
      tpu.wait_indirect_dma semaphore(%arg11 : memref<!tpu.dma_semaphore, #tpu.memory_space<semaphore_mem>>) src(%dma_wait3A_1129 : memref<20000x128xf32, #tpu.memory_space<hbm>>) dst(%dma_wait3A_1123 : memref<125x128xf32, #tpu.memory_space<vmem>>)
      %run_scoped3A_1130 = arith.constant 1 : i32
      "tpu.region"() ({
        %run_scoped3A_1131 = tpu.sem_alloc : memref<!tpu.dma_semaphore, #tpu.memory_space<semaphore_mem>>
        %dma_start3A_1132 = arith.constant 0 : i32
        %dma_start3A_1133 = arith.constant 0 : i32
        %dma_start3A_1134 = tpu.memref_slice %arg8[%run_scoped3A_1130, %dma_start3A_1132, %dma_start3A_1133] : memref<2x125x128xf32, #tpu.memory_space<vmem>> -> memref<1x125x128xf32, #tpu.memory_space<vmem>>
        %dma_start3A_1135 = tpu.memref_squeeze %dma_start3A_1134 : memref<1x125x128xf32, #tpu.memory_space<vmem>> -> memref<125x128xf32, #tpu.memory_space<vmem>>
        %dma_start3A_1136 = arith.constant 0 : i32
        %dma_start3A_1137 = tpu.memref_slice %arg7[%add3A_1111, %dma_start3A_1136] : memref<40x125xi32, #tpu.memory_space<vmem>> -> memref<1x125xi32, #tpu.memory_space<vmem>>
        %dma_start3A_1138 = tpu.memref_squeeze %dma_start3A_1137 : memref<1x125xi32, #tpu.memory_space<vmem>> -> memref<125xi32, #tpu.memory_space<vmem>>
        %dma_start3A_1139 = arith.constant 0 : i32
        %dma_start3A_1140 = arith.constant 0 : i32
        %dma_start3A_1141 = tpu.memref_slice %arg9[%dma_start3A_1139, %dma_start3A_1140] : memref<10000x128xf32, #tpu.memory_space<vmem_shared>> -> memref<10000x128xf32, #tpu.memory_space<vmem_shared>>
        tpu.enqueue_indirect_dma source(%dma_start3A_1135 : memref<125x128xf32, #tpu.memory_space<vmem>>) target(%dma_start3A_1141 : memref<10000x128xf32, #tpu.memory_space<vmem_shared>>) offsets(%dma_start3A_1138 : memref<125xi32, #tpu.memory_space<vmem>>) semaphore(%run_scoped3A_1131 : memref<!tpu.dma_semaphore, #tpu.memory_space<semaphore_mem>>) {add = true}
        %dma_wait3A_1142 = arith.constant 0 : i32
        %dma_wait3A_1143 = arith.constant 0 : i32
        %dma_wait3A_1144 = tpu.memref_slice %arg8[%run_scoped3A_1130, %dma_wait3A_1142, %dma_wait3A_1143] : memref<2x125x128xf32, #tpu.memory_space<vmem>> -> memref<1x125x128xf32, #tpu.memory_space<vmem>>
        %dma_wait3A_1145 = tpu.memref_squeeze %dma_wait3A_1144 : memref<1x125x128xf32, #tpu.memory_space<vmem>> -> memref<125x128xf32, #tpu.memory_space<vmem>>
        %dma_wait3A_1146 = arith.constant 0 : i32
        %dma_wait3A_1147 = tpu.memref_slice %arg7[%add3A_1111, %dma_wait3A_1146] : memref<40x125xi32, #tpu.memory_space<vmem>> -> memref<1x125xi32, #tpu.memory_space<vmem>>
        %dma_wait3A_1148 = tpu.memref_squeeze %dma_wait3A_1147 : memref<1x125xi32, #tpu.memory_space<vmem>> -> memref<125xi32, #tpu.memory_space<vmem>>
        %dma_wait3A_1149 = arith.constant 0 : i32
        %dma_wait3A_1150 = arith.constant 0 : i32
        %dma_wait3A_1151 = tpu.memref_slice %arg9[%dma_wait3A_1149, %dma_wait3A_1150] : memref<10000x128xf32, #tpu.memory_space<vmem_shared>> -> memref<10000x128xf32, #tpu.memory_space<vmem_shared>>
        tpu.wait_indirect_dma semaphore(%run_scoped3A_1131 : memref<!tpu.dma_semaphore, #tpu.memory_space<semaphore_mem>>) src(%dma_wait3A_1145 : memref<125x128xf32, #tpu.memory_space<vmem>>) dst(%dma_wait3A_1151 : memref<10000x128xf32, #tpu.memory_space<vmem_shared>>)
        tpu.yield
      }) : () -> ()
    }
    %scan3A_1078 = arith.constant 20 : i32
    %barrier3A_1079 = arith.constant 0 : index
    tpu.barrier barrier_id(%barrier3A_1079)
    %lt3A = arith.constant 15 : i32
    %lt3A_1080 = arith.cmpi slt, %arg1, %lt3A : i32
    %convert_element_type3A = arith.extui %lt3A_1080 : i1 to i32
    %cond3A = arith.constant 0 : i32
    %cond3A_1081 = arith.cmpi ne, %convert_element_type3A, %cond3A : i32
    scf.if %cond3A_1081 {
      "tpu.region"() ({
        %run_scoped3A_1087 = tpu.sem_alloc : memref<!tpu.dma_semaphore, #tpu.memory_space<semaphore_mem>>
        %dma_start3A_1088 = arith.constant 0 : i32
        %dma_start3A_1089 = tpu.memref_slice %arg5[%multiple_of3A_8, %dma_start3A_1088] : memref<20000x128xf32, #tpu.memory_space<hbm>> -> memref<640x128xf32, #tpu.memory_space<hbm>>
        %dma_start3A_1090 = arith.constant 0 : i32
        %dma_start3A_1091 = tpu.memref_slice %arg9[%multiple_of3A, %dma_start3A_1090] : memref<10000x128xf32, #tpu.memory_space<vmem_shared>> -> memref<640x128xf32, #tpu.memory_space<vmem_shared>>
        tpu.enqueue_dma source(%dma_start3A_1091 : memref<640x128xf32, #tpu.memory_space<vmem_shared>>) target(%dma_start3A_1089 : memref<640x128xf32, #tpu.memory_space<hbm>>) target_semaphore(%run_scoped3A_1087 : memref<!tpu.dma_semaphore, #tpu.memory_space<semaphore_mem>>)
        %dma_wait3A = arith.constant 0 : i32
        %dma_wait3A_1092 = tpu.memref_slice %arg5[%multiple_of3A_8, %dma_wait3A] : memref<20000x128xf32, #tpu.memory_space<hbm>> -> memref<640x128xf32, #tpu.memory_space<hbm>>
        %dma_wait3A_1093 = arith.constant 0 : i32
        %dma_wait3A_1094 = tpu.memref_slice %arg9[%multiple_of3A, %dma_wait3A_1093] : memref<10000x128xf32, #tpu.memory_space<vmem_shared>> -> memref<640x128xf32, #tpu.memory_space<vmem_shared>>
        tpu.wait_dma2 semaphore(%run_scoped3A_1087 : memref<!tpu.dma_semaphore, #tpu.memory_space<semaphore_mem>>) src(%dma_wait3A_1094 : memref<640x128xf32, #tpu.memory_space<vmem_shared>>) dst(%dma_wait3A_1092 : memref<640x128xf32, #tpu.memory_space<hbm>>)
        tpu.yield
      }) : () -> ()
    } else {
    }
    %eq3A_1082 = arith.constant 15 : i32
    %eq3A_1083 = arith.cmpi eq, %arg1, %eq3A_1082 : i32
    %convert_element_type3A_1084 = arith.extui %eq3A_1083 : i1 to i32
    %cond3A_1085 = arith.constant 0 : i32
    %cond3A_1086 = arith.cmpi ne, %convert_element_type3A_1084, %cond3A_1085 : i32
    scf.if %cond3A_1086 {
      "tpu.region"() ({
        %run_scoped3A_1087 = tpu.sem_alloc : memref<!tpu.dma_semaphore, #tpu.memory_space<semaphore_mem>>
        %dma_start3A_1088 = arith.constant 0 : i32
        %dma_start3A_1089 = tpu.memref_slice %arg5[%multiple_of3A_8, %dma_start3A_1088] : memref<20000x128xf32, #tpu.memory_space<hbm>> -> memref<400x128xf32, #tpu.memory_space<hbm>>
        %dma_start3A_1090 = arith.constant 0 : i32
        %dma_start3A_1091 = tpu.memref_slice %arg9[%multiple_of3A, %dma_start3A_1090] : memref<10000x128xf32, #tpu.memory_space<vmem_shared>> -> memref<400x128xf32, #tpu.memory_space<vmem_shared>>
        tpu.enqueue_dma source(%dma_start3A_1091 : memref<400x128xf32, #tpu.memory_space<vmem_shared>>) target(%dma_start3A_1089 : memref<400x128xf32, #tpu.memory_space<hbm>>) target_semaphore(%run_scoped3A_1087 : memref<!tpu.dma_semaphore, #tpu.memory_space<semaphore_mem>>)
        %dma_wait3A = arith.constant 0 : i32
        %dma_wait3A_1092 = tpu.memref_slice %arg5[%multiple_of3A_8, %dma_wait3A] : memref<20000x128xf32, #tpu.memory_space<hbm>> -> memref<400x128xf32, #tpu.memory_space<hbm>>
        %dma_wait3A_1093 = arith.constant 0 : i32
        %dma_wait3A_1094 = tpu.memref_slice %arg9[%multiple_of3A, %dma_wait3A_1093] : memref<10000x128xf32, #tpu.memory_space<vmem_shared>> -> memref<400x128xf32, #tpu.memory_space<vmem_shared>>
        tpu.wait_dma2 semaphore(%run_scoped3A_1087 : memref<!tpu.dma_semaphore, #tpu.memory_space<semaphore_mem>>) src(%dma_wait3A_1094 : memref<400x128xf32, #tpu.memory_space<vmem_shared>>) dst(%dma_wait3A_1092 : memref<400x128xf32, #tpu.memory_space<hbm>>)
        tpu.yield
      }) : () -> ()
    } else {
    }
    return
  }
}

module attributes {stable_mosaic.version = 14 : i64} {
  func.func @_ka_body(%arg0: i32, %arg1: memref<1000x256xf32, #tpu.memory_space<vmem>>, %arg2: memref<1x256xf32, #tpu.memory_space<vmem>>, %arg3: memref<1x256xf32, #tpu.memory_space<vmem>>, %arg4: memref<256x128xf32, #tpu.memory_space<vmem>>, %arg5: memref<1000x128xf32, #tpu.memory_space<vmem>>, %arg6: memref<1000x128xf32, #tpu.memory_space<vmem>>, %arg7: memref<1000x128xf32, #tpu.memory_space<vmem>>, %arg8: memref<2x256xf32, #tpu.memory_space<vmem>>, %arg9: memref<2x256xf32, #tpu.memory_space<vmem>>) attributes {dimension_semantics = [#tpu.dimension_semantics<arbitrary>], iteration_bounds = array<i64: 30>, scalar_prefetch = 0 : i64, scratch_operands = 1 : i64, tpu.core_type = #tpu.core_type<tc>, window_params = [{transform_indices = @transform_0, window_bounds = array<i64: 1000, 256>}, {pipeline_mode = #tpu.pipeline_mode<synchronous>, transform_indices = @transform_1, window_bounds = array<i64: 1, 256>}, {pipeline_mode = #tpu.pipeline_mode<synchronous>, transform_indices = @transform_2, window_bounds = array<i64: 1, 256>}, {transform_indices = @transform_3, window_bounds = array<i64: 256, 128>}, {transform_indices = @transform_4, window_bounds = array<i64: 1000, 128>}, {transform_indices = @transform_5, window_bounds = array<i64: 1000, 128>}, {transform_indices = @transform_6, window_bounds = array<i64: 1000, 128>}, {pipeline_mode = #tpu.pipeline_mode<synchronous>, transform_indices = @transform_7, window_bounds = array<i64: 2, 256>}]} {
    %lt3A = arith.constant 10 : i32
    %lt3A_0 = arith.cmpi slt, %arg0, %lt3A : i32
    %convert_element_type3A = arith.extui %lt3A_0 : i1 to i32
    %cond3A = arith.constant 0 : i32
    %cond3A_1 = arith.cmpi ne, %convert_element_type3A, %cond3A : i32
    scf.if %cond3A_1 {
      %get3A = arith.constant 0 : index
      %get3A_6 = arith.constant 0 : index
      %get3A_7 = vector.load %arg1[%get3A, %get3A_6] : memref<1000x256xf32, #tpu.memory_space<vmem>>, vector<1000x256xf32>
      %reduce_sum3A = arith.constant dense<0.000000e+00> : vector<256xf32>
      %reduce_sum3A_8 = vector.multi_reduction <add>, %get3A_7, %reduce_sum3A [0] : vector<1000x256xf32> to vector<256xf32>
      %mul3A = arith.mulf %get3A_7, %get3A_7 : vector<1000x256xf32>
      %reduce_sum3A_9 = arith.constant dense<0.000000e+00> : vector<256xf32>
      %reduce_sum3A_10 = vector.multi_reduction <add>, %mul3A, %reduce_sum3A_9 [0] : vector<1000x256xf32> to vector<256xf32>
      %stack3A = vector.shape_cast %reduce_sum3A_8 : vector<256xf32> to vector<1x256xf32>
      %stack3A_11 = vector.shape_cast %reduce_sum3A_10 : vector<256xf32> to vector<1x256xf32>
      %stack3A_12 = tpu.concatenate %stack3A, %stack3A_11 in 0 : vector<1x256xf32>, vector<1x256xf32> -> vector<2x256xf32>
      %eq3A = arith.constant 0 : i32
      %eq3A_13 = arith.cmpi eq, %arg0, %eq3A : i32
      %convert_element_type3A_14 = arith.extui %eq3A_13 : i1 to i32
      %cond3A_15 = arith.constant 0 : i32
      %cond3A_16 = arith.cmpi ne, %convert_element_type3A_14, %cond3A_15 : i32
      scf.if %cond3A_16 {
        %swap3A = arith.constant 0 : index
        %swap3A_26 = arith.constant 0 : index
        %swap3A_27 = vector.load %arg9[%swap3A, %swap3A_26] : memref<2x256xf32, #tpu.memory_space<vmem>>, vector<2x256xf32>
        tpu.vector_store %arg9[%swap3A, %swap3A_26], %stack3A_12 {strides = array<i32>} : memref<2x256xf32, #tpu.memory_space<vmem>>, vector<2x256xf32>,
      } else {
      }
      %gt3A = arith.constant 0 : i32
      %gt3A_17 = arith.cmpi sgt, %arg0, %gt3A : i32
      %convert_element_type3A_18 = arith.extui %gt3A_17 : i1 to i32
      %cond3A_19 = arith.constant 0 : i32
      %cond3A_20 = arith.cmpi ne, %convert_element_type3A_18, %cond3A_19 : i32
      scf.if %cond3A_20 {
        %get3A_26 = arith.constant 0 : index
        %get3A_27 = arith.constant 0 : index
        %get3A_28 = vector.load %arg9[%get3A_26, %get3A_27] : memref<2x256xf32, #tpu.memory_space<vmem>>, vector<2x256xf32>
        %add3A = arith.addf %get3A_28, %stack3A_12 : vector<2x256xf32>
        %swap3A = arith.constant 0 : index
        %swap3A_29 = arith.constant 0 : index
        %swap3A_30 = vector.load %arg9[%swap3A, %swap3A_29] : memref<2x256xf32, #tpu.memory_space<vmem>>, vector<2x256xf32>
        tpu.vector_store %arg9[%swap3A, %swap3A_29], %add3A {strides = array<i32>} : memref<2x256xf32, #tpu.memory_space<vmem>>, vector<2x256xf32>,
      } else {
      }
      %eq3A_21 = arith.constant 9 : i32
      %eq3A_22 = arith.cmpi eq, %arg0, %eq3A_21 : i32
      %convert_element_type3A_23 = arith.extui %eq3A_22 : i1 to i32
      %cond3A_24 = arith.constant 0 : i32
      %cond3A_25 = arith.cmpi ne, %convert_element_type3A_23, %cond3A_24 : i32
      scf.if %cond3A_25 {
        %get3A_26 = arith.constant 0 : index
        %get3A_27 = arith.constant 0 : index
        %get3A_28 = vector.load %arg9[%get3A_26, %get3A_27] : memref<2x256xf32, #tpu.memory_space<vmem>>, vector<2x256xf32>
        %swap3A = arith.constant 0 : index
        %swap3A_29 = arith.constant 0 : index
        %swap3A_30 = vector.load %arg8[%swap3A, %swap3A_29] : memref<2x256xf32, #tpu.memory_space<vmem>>, vector<2x256xf32>
        tpu.vector_store %arg8[%swap3A, %swap3A_29], %get3A_28 {strides = array<i32>} : memref<2x256xf32, #tpu.memory_space<vmem>>, vector<2x256xf32>,
      } else {
      }
    } else {
    }
    %ge3A = arith.constant 10 : i32
    %ge3A_2 = arith.cmpi sge, %arg0, %ge3A : i32
    %convert_element_type3A_3 = arith.extui %ge3A_2 : i1 to i32
    %cond3A_4 = arith.constant 0 : i32
    %cond3A_5 = arith.cmpi ne, %convert_element_type3A_3, %cond3A_4 : i32
    scf.if %cond3A_5 {
      %get3A = arith.constant 0 : index
      %get3A_6 = arith.constant 0 : index
      %get3A_7 = vector.load %arg9[%get3A, %get3A_6] : memref<2x256xf32, #tpu.memory_space<vmem>>, vector<2x256xf32>
      %get3A_8 = arith.constant 0 : index
      %get3A_9 = arith.constant 0 : index
      %get3A_10 = vector.load %arg2[%get3A_8, %get3A_9] : memref<1x256xf32, #tpu.memory_space<vmem>>, vector<1x256xf32>
      %get3A_11 = vector.shape_cast %get3A_10 : vector<1x256xf32> to vector<256xf32>
      %get3A_12 = arith.constant 0 : index
      %get3A_13 = arith.constant 0 : index
      %get3A_14 = vector.load %arg3[%get3A_12, %get3A_13] : memref<1x256xf32, #tpu.memory_space<vmem>>, vector<1x256xf32>
      %get3A_15 = vector.shape_cast %get3A_14 : vector<1x256xf32> to vector<256xf32>
      %slice3A = vector.extract_strided_slice %get3A_7 {offsets = [0, 0], sizes = [1, 256], strides = [1, 1]} : vector<2x256xf32> to vector<1x256xf32>
      %squeeze3A = vector.shape_cast %slice3A : vector<1x256xf32> to vector<256xf32>
      %div3A = arith.constant 1.000000e+04 : f32
      %div3A_16 = vector.broadcast %div3A : f32 to vector<256xf32>
      %div3A_17 = arith.divf %squeeze3A, %div3A_16 : vector<256xf32>
      %slice3A_18 = vector.extract_strided_slice %get3A_7 {offsets = [1, 0], sizes = [1, 256], strides = [1, 1]} : vector<2x256xf32> to vector<1x256xf32>
      %squeeze3A_19 = vector.shape_cast %slice3A_18 : vector<1x256xf32> to vector<256xf32>
      %div3A_20 = arith.constant 1.000000e+04 : f32
      %div3A_21 = vector.broadcast %div3A_20 : f32 to vector<256xf32>
      %div3A_22 = arith.divf %squeeze3A_19, %div3A_21 : vector<256xf32>
      %mul3A = arith.mulf %div3A_17, %div3A_17 : vector<256xf32>
      %sub3A = arith.subf %div3A_22, %mul3A : vector<256xf32>
      %add3A = arith.constant 9.99999974E-6 : f32
      %add3A_23 = vector.broadcast %add3A : f32 to vector<256xf32>
      %add3A_24 = arith.addf %sub3A, %add3A_23 : vector<256xf32>
      %rsqrt3A = math.rsqrt %add3A_24 : vector<256xf32>
      %mul3A_25 = arith.mulf %get3A_11, %rsqrt3A : vector<256xf32>
      %mul3A_26 = arith.mulf %div3A_17, %mul3A_25 : vector<256xf32>
      %sub3A_27 = arith.subf %get3A_15, %mul3A_26 : vector<256xf32>
      %get3A_28 = arith.constant 0 : index
      %get3A_29 = arith.constant 0 : index
      %get3A_30 = vector.load %arg1[%get3A_28, %get3A_29] : memref<1000x256xf32, #tpu.memory_space<vmem>>, vector<1000x256xf32>
      %broadcast_in_dim3A = vector.shape_cast %mul3A_25 : vector<256xf32> to vector<1x256xf32>
      %mul3A_31 = vector.broadcast %broadcast_in_dim3A : vector<1x256xf32> to vector<1000x256xf32>
      %mul3A_32 = arith.mulf %get3A_30, %mul3A_31 : vector<1000x256xf32>
      %broadcast_in_dim3A_33 = vector.shape_cast %sub3A_27 : vector<256xf32> to vector<1x256xf32>
      %add3A_34 = vector.broadcast %broadcast_in_dim3A_33 : vector<1x256xf32> to vector<1000x256xf32>
      %add3A_35 = arith.addf %mul3A_32, %add3A_34 : vector<1000x256xf32>
      %get3A_36 = arith.constant 0 : index
      %get3A_37 = arith.constant 0 : index
      %get3A_38 = vector.load %arg4[%get3A_36, %get3A_37] : memref<256x128xf32, #tpu.memory_space<vmem>>, vector<256x128xf32>
      %dot_general3A = arith.constant dense<0.000000e+00> : vector<1000x128xf32>
      %dot_general3A_39 = tpu.matmul %add3A_35, %get3A_38, %dot_general3A {dimension_numbers = #tpu.dot_dimension_numbers<[1], [0], [0], [1], [0, 0, 1, 1], [], []>, transpose_lhs_hint = false} : vector<1000x256xf32>, vector<256x128xf32>, vector<1000x128xf32> -> vector<1000x128xf32>
      %get3A_40 = arith.constant 0 : index
      %get3A_41 = arith.constant 0 : index
      %get3A_42 = vector.load %arg5[%get3A_40, %get3A_41] : memref<1000x128xf32, #tpu.memory_space<vmem>>, vector<1000x1xf32>
      %get3A_43 = vector.shape_cast %get3A_42 : vector<1000x1xf32> to vector<1000xf32>
      %get3A_44 = arith.constant 0 : index
      %get3A_45 = arith.constant 0 : index
      %get3A_46 = vector.load %arg6[%get3A_44, %get3A_45] : memref<1000x128xf32, #tpu.memory_space<vmem>>, vector<1000x1xf32>
      %get3A_47 = vector.shape_cast %get3A_46 : vector<1000x1xf32> to vector<1000xf32>
      %add3A_48 = arith.addf %get3A_43, %get3A_47 : vector<1000xf32>
      %add3A_49 = arith.constant 1.000000e+00 : f32
      %add3A_50 = vector.broadcast %add3A_49 : f32 to vector<1000xf32>
      %add3A_51 = arith.addf %add3A_48, %add3A_50 : vector<1000xf32>
      %rsqrt3A_52 = math.rsqrt %add3A_51 : vector<1000xf32>
      %broadcast_in_dim3A_53 = vector.shape_cast %rsqrt3A_52 : vector<1000xf32> to vector<1000x1xf32>
      %mul3A_54 = vector.broadcast %broadcast_in_dim3A_53 : vector<1000x1xf32> to vector<1000x128xf32>
      %mul3A_55 = arith.mulf %dot_general3A_39, %mul3A_54 : vector<1000x128xf32>
      %swap3A = arith.constant 0 : index
      %swap3A_56 = arith.constant 0 : index
      %swap3A_57 = vector.load %arg7[%swap3A, %swap3A_56] : memref<1000x128xf32, #tpu.memory_space<vmem>>, vector<1000x128xf32>
      tpu.vector_store %arg7[%swap3A, %swap3A_56], %mul3A_55 {strides = array<i32>} : memref<1000x128xf32, #tpu.memory_space<vmem>>, vector<1000x128xf32>,
    } else {
    }
    return
  }
  func.func @transform_0(%arg0: i32) -> (i32, i32) {
    %lt3A = arith.constant 10 : i32
    %lt3A_0 = arith.cmpi slt, %arg0, %lt3A : i32
    %sub3A = arith.constant 10 : i32
    %sub3A_1 = arith.subi %arg0, %sub3A : i32
    %jit3A = arith.constant 2 : i32
    %div3A = arith.divsi %sub3A_1, %jit3A : i32
    %sign3A = arith.constant 0 : i32
    %sign3A_2 = arith.cmpi sgt, %sub3A_1, %sign3A : i32
    %sign3A_3 = arith.extui %sign3A_2 : i1 to i32
    %sign3A_4 = arith.constant 0 : i32
    %sign3A_5 = arith.cmpi slt, %sub3A_1, %sign3A_4 : i32
    %sign3A_6 = arith.extui %sign3A_5 : i1 to i32
    %sign3A_7 = arith.subi %sign3A_3, %sign3A_6 : i32
    %sign3A_8 = arith.constant 0 : i32
    %sign3A_9 = arith.cmpi sgt, %jit3A, %sign3A_8 : i32
    %sign3A_10 = arith.extui %sign3A_9 : i1 to i32
    %sign3A_11 = arith.constant 0 : i32
    %sign3A_12 = arith.cmpi slt, %jit3A, %sign3A_11 : i32
    %sign3A_13 = arith.extui %sign3A_12 : i1 to i32
    %sign3A_14 = arith.subi %sign3A_10, %sign3A_13 : i32
    %ne3A = arith.cmpi ne, %sign3A_7, %sign3A_14 : i32
    %rem3A = arith.remsi %sub3A_1, %jit3A : i32
    %ne3A_15 = arith.constant 0 : i32
    %ne3A_16 = arith.cmpi ne, %rem3A, %ne3A_15 : i32
    %and3A = arith.andi %ne3A, %ne3A_16 : i1
    %sub3A_17 = arith.constant 1 : i32
    %sub3A_18 = arith.subi %div3A, %sub3A_17 : i32
    %select_n3A = arith.select %and3A, %sub3A_18, %div3A : i32
    %select_n3A_19 = arith.select %lt3A_0, %arg0, %select_n3A : i32
    %c0_i32 = arith.constant 0 : i32
    %c0_i32_20 = arith.constant 0 : i32
    return %select_n3A_19, %c0_i32 : i32, i32
  }
  func.func @transform_1(%arg0: i32) -> (i32, i32) {
    %c0_i32 = arith.constant 0 : i32
    %c0_i32_0 = arith.constant 0 : i32
    %c0_i32_1 = arith.constant 0 : i32
    return %c0_i32, %c0_i32_0 : i32, i32
  }
  func.func @transform_2(%arg0: i32) -> (i32, i32) {
    %c0_i32 = arith.constant 0 : i32
    %c0_i32_0 = arith.constant 0 : i32
    %c0_i32_1 = arith.constant 0 : i32
    return %c0_i32, %c0_i32_0 : i32, i32
  }
  func.func @transform_3(%arg0: i32) -> (i32, i32) {
    %lt3A = arith.constant 10 : i32
    %lt3A_0 = arith.cmpi slt, %arg0, %lt3A : i32
    %sub3A = arith.constant 10 : i32
    %sub3A_1 = arith.subi %arg0, %sub3A : i32
    %jit3A = arith.constant 2 : i32
    %eq3A = arith.constant 0 : i32
    %eq3A_2 = arith.cmpi eq, %jit3A, %eq3A : i32
    %jit3A_3 = arith.constant 1 : i32
    %select_n3A = arith.select %eq3A_2, %jit3A_3, %jit3A : i32
    %rem3A = arith.remsi %sub3A_1, %select_n3A : i32
    %ne3A = arith.constant 0 : i32
    %ne3A_4 = arith.cmpi ne, %rem3A, %ne3A : i32
    %lt3A_5 = arith.constant 0 : i32
    %lt3A_6 = arith.cmpi slt, %rem3A, %lt3A_5 : i32
    %lt3A_7 = arith.constant 0 : i32
    %lt3A_8 = arith.cmpi slt, %select_n3A, %lt3A_7 : i32
    %ne3A_9 = arith.xori %lt3A_6, %lt3A_8 : i1
    %and3A = arith.andi %ne3A_9, %ne3A_4 : i1
    %add3A = arith.addi %rem3A, %select_n3A : i32
    %select_n3A_10 = arith.select %and3A, %add3A, %rem3A : i32
    %jit3A_11 = arith.constant 0 : i32
    %select_n3A_12 = arith.select %lt3A_0, %jit3A_11, %select_n3A_10 : i32
    %c0_i32 = arith.constant 0 : i32
    %c0_i32_13 = arith.constant 0 : i32
    return %c0_i32, %select_n3A_12 : i32, i32
  }
  func.func @transform_4(%arg0: i32) -> (i32, i32) {
    %lt3A = arith.constant 10 : i32
    %lt3A_0 = arith.cmpi slt, %arg0, %lt3A : i32
    %sub3A = arith.constant 10 : i32
    %sub3A_1 = arith.subi %arg0, %sub3A : i32
    %jit3A = arith.constant 2 : i32
    %div3A = arith.divsi %sub3A_1, %jit3A : i32
    %sign3A = arith.constant 0 : i32
    %sign3A_2 = arith.cmpi sgt, %sub3A_1, %sign3A : i32
    %sign3A_3 = arith.extui %sign3A_2 : i1 to i32
    %sign3A_4 = arith.constant 0 : i32
    %sign3A_5 = arith.cmpi slt, %sub3A_1, %sign3A_4 : i32
    %sign3A_6 = arith.extui %sign3A_5 : i1 to i32
    %sign3A_7 = arith.subi %sign3A_3, %sign3A_6 : i32
    %sign3A_8 = arith.constant 0 : i32
    %sign3A_9 = arith.cmpi sgt, %jit3A, %sign3A_8 : i32
    %sign3A_10 = arith.extui %sign3A_9 : i1 to i32
    %sign3A_11 = arith.constant 0 : i32
    %sign3A_12 = arith.cmpi slt, %jit3A, %sign3A_11 : i32
    %sign3A_13 = arith.extui %sign3A_12 : i1 to i32
    %sign3A_14 = arith.subi %sign3A_10, %sign3A_13 : i32
    %ne3A = arith.cmpi ne, %sign3A_7, %sign3A_14 : i32
    %rem3A = arith.remsi %sub3A_1, %jit3A : i32
    %ne3A_15 = arith.constant 0 : i32
    %ne3A_16 = arith.cmpi ne, %rem3A, %ne3A_15 : i32
    %and3A = arith.andi %ne3A, %ne3A_16 : i1
    %sub3A_17 = arith.constant 1 : i32
    %sub3A_18 = arith.subi %div3A, %sub3A_17 : i32
    %select_n3A = arith.select %and3A, %sub3A_18, %div3A : i32
    %jit3A_19 = arith.constant 0 : i32
    %select_n3A_20 = arith.select %lt3A_0, %jit3A_19, %select_n3A : i32
    %c0_i32 = arith.constant 0 : i32
    %c0_i32_21 = arith.constant 0 : i32
    return %select_n3A_20, %c0_i32 : i32, i32
  }
  func.func @transform_5(%arg0: i32) -> (i32, i32) {
    %lt3A = arith.constant 10 : i32
    %lt3A_0 = arith.cmpi slt, %arg0, %lt3A : i32
    %sub3A = arith.constant 10 : i32
    %sub3A_1 = arith.subi %arg0, %sub3A : i32
    %jit3A = arith.constant 2 : i32
    %div3A = arith.divsi %sub3A_1, %jit3A : i32
    %sign3A = arith.constant 0 : i32
    %sign3A_2 = arith.cmpi sgt, %sub3A_1, %sign3A : i32
    %sign3A_3 = arith.extui %sign3A_2 : i1 to i32
    %sign3A_4 = arith.constant 0 : i32
    %sign3A_5 = arith.cmpi slt, %sub3A_1, %sign3A_4 : i32
    %sign3A_6 = arith.extui %sign3A_5 : i1 to i32
    %sign3A_7 = arith.subi %sign3A_3, %sign3A_6 : i32
    %sign3A_8 = arith.constant 0 : i32
    %sign3A_9 = arith.cmpi sgt, %jit3A, %sign3A_8 : i32
    %sign3A_10 = arith.extui %sign3A_9 : i1 to i32
    %sign3A_11 = arith.constant 0 : i32
    %sign3A_12 = arith.cmpi slt, %jit3A, %sign3A_11 : i32
    %sign3A_13 = arith.extui %sign3A_12 : i1 to i32
    %sign3A_14 = arith.subi %sign3A_10, %sign3A_13 : i32
    %ne3A = arith.cmpi ne, %sign3A_7, %sign3A_14 : i32
    %rem3A = arith.remsi %sub3A_1, %jit3A : i32
    %ne3A_15 = arith.constant 0 : i32
    %ne3A_16 = arith.cmpi ne, %rem3A, %ne3A_15 : i32
    %and3A = arith.andi %ne3A, %ne3A_16 : i1
    %sub3A_17 = arith.constant 1 : i32
    %sub3A_18 = arith.subi %div3A, %sub3A_17 : i32
    %select_n3A = arith.select %and3A, %sub3A_18, %div3A : i32
    %jit3A_19 = arith.constant 0 : i32
    %select_n3A_20 = arith.select %lt3A_0, %jit3A_19, %select_n3A : i32
    %add3A = arith.constant 10 : i32
    %add3A_21 = arith.addi %add3A, %select_n3A_20 : i32
    %c0_i32 = arith.constant 0 : i32
    %c0_i32_22 = arith.constant 0 : i32
    return %add3A_21, %c0_i32 : i32, i32
  }
  func.func @transform_6(%arg0: i32) -> (i32, i32) {
    %lt3A = arith.constant 10 : i32
    %lt3A_0 = arith.cmpi slt, %arg0, %lt3A : i32
    %sub3A = arith.constant 10 : i32
    %sub3A_1 = arith.subi %arg0, %sub3A : i32
    %jit3A = arith.constant 2 : i32
    %eq3A = arith.constant 0 : i32
    %eq3A_2 = arith.cmpi eq, %jit3A, %eq3A : i32
    %jit3A_3 = arith.constant 1 : i32
    %select_n3A = arith.select %eq3A_2, %jit3A_3, %jit3A : i32
    %rem3A = arith.remsi %sub3A_1, %select_n3A : i32
    %ne3A = arith.constant 0 : i32
    %ne3A_4 = arith.cmpi ne, %rem3A, %ne3A : i32
    %lt3A_5 = arith.constant 0 : i32
    %lt3A_6 = arith.cmpi slt, %rem3A, %lt3A_5 : i32
    %lt3A_7 = arith.constant 0 : i32
    %lt3A_8 = arith.cmpi slt, %select_n3A, %lt3A_7 : i32
    %ne3A_9 = arith.xori %lt3A_6, %lt3A_8 : i1
    %and3A = arith.andi %ne3A_9, %ne3A_4 : i1
    %add3A = arith.addi %rem3A, %select_n3A : i32
    %select_n3A_10 = arith.select %and3A, %add3A, %rem3A : i32
    %mul3A = arith.constant 10 : i32
    %mul3A_11 = arith.muli %select_n3A_10, %mul3A : i32
    %sub3A_12 = arith.constant 10 : i32
    %sub3A_13 = arith.subi %arg0, %sub3A_12 : i32
    %jit3A_14 = arith.constant 2 : i32
    %div3A = arith.divsi %sub3A_13, %jit3A_14 : i32
    %sign3A = arith.constant 0 : i32
    %sign3A_15 = arith.cmpi sgt, %sub3A_13, %sign3A : i32
    %sign3A_16 = arith.extui %sign3A_15 : i1 to i32
    %sign3A_17 = arith.constant 0 : i32
    %sign3A_18 = arith.cmpi slt, %sub3A_13, %sign3A_17 : i32
    %sign3A_19 = arith.extui %sign3A_18 : i1 to i32
    %sign3A_20 = arith.subi %sign3A_16, %sign3A_19 : i32
    %sign3A_21 = arith.constant 0 : i32
    %sign3A_22 = arith.cmpi sgt, %jit3A_14, %sign3A_21 : i32
    %sign3A_23 = arith.extui %sign3A_22 : i1 to i32
    %sign3A_24 = arith.constant 0 : i32
    %sign3A_25 = arith.cmpi slt, %jit3A_14, %sign3A_24 : i32
    %sign3A_26 = arith.extui %sign3A_25 : i1 to i32
    %sign3A_27 = arith.subi %sign3A_23, %sign3A_26 : i32
    %ne3A_28 = arith.cmpi ne, %sign3A_20, %sign3A_27 : i32
    %rem3A_29 = arith.remsi %sub3A_13, %jit3A_14 : i32
    %ne3A_30 = arith.constant 0 : i32
    %ne3A_31 = arith.cmpi ne, %rem3A_29, %ne3A_30 : i32
    %and3A_32 = arith.andi %ne3A_28, %ne3A_31 : i1
    %sub3A_33 = arith.constant 1 : i32
    %sub3A_34 = arith.subi %div3A, %sub3A_33 : i32
    %select_n3A_35 = arith.select %and3A_32, %sub3A_34, %div3A : i32
    %add3A_36 = arith.addi %mul3A_11, %select_n3A_35 : i32
    %jit3A_37 = arith.constant 0 : i32
    %select_n3A_38 = arith.select %lt3A_0, %jit3A_37, %add3A_36 : i32
    %c0_i32 = arith.constant 0 : i32
    %c0_i32_39 = arith.constant 0 : i32
    return %select_n3A_38, %c0_i32 : i32, i32
  }
  func.func @transform_7(%arg0: i32) -> (i32, i32) {
    %c0_i32 = arith.constant 0 : i32
    %c0_i32_0 = arith.constant 0 : i32
    %c0_i32_1 = arith.constant 0 : i32
    return %c0_i32, %c0_i32_0 : i32, i32
  }
}

module attributes {stable_mosaic.version = 14 : i64} {
  func.func @_kb_body(%arg0: i32, %arg1: memref<1000x128xf32, #tpu.memory_space<vmem>>, %arg2: memref<1000x128xf32, #tpu.memory_space<vmem>>, %arg3: memref<1000x128xf32, #tpu.memory_space<vmem>>, %arg4: memref<1000x128xf32, #tpu.memory_space<vmem>>, %arg5: memref<1x256xf32, #tpu.memory_space<vmem>>, %arg6: memref<1x256xf32, #tpu.memory_space<vmem>>, %arg7: memref<1x256xf32, #tpu.memory_space<vmem>>, %arg8: memref<256x128xf32, #tpu.memory_space<vmem>>, %arg9: memref<1000x128xf32, #tpu.memory_space<vmem>>, %arg10: memref<1000x128xf32, #tpu.memory_space<vmem>>, %arg11: memref<2x256xf32, #tpu.memory_space<vmem>>) attributes {dimension_semantics = [#tpu.dimension_semantics<arbitrary>], iteration_bounds = array<i64: 30>, scalar_prefetch = 0 : i64, scratch_operands = 1 : i64, tpu.core_type = #tpu.core_type<tc>, window_params = [{transform_indices = @transform_0, window_bounds = array<i64: 1000, 128>}, {transform_indices = @transform_1, window_bounds = array<i64: 1000, 128>}, {transform_indices = @transform_2, window_bounds = array<i64: 1000, 128>}, {transform_indices = @transform_3, window_bounds = array<i64: 1000, 128>}, {pipeline_mode = #tpu.pipeline_mode<synchronous>, transform_indices = @transform_4, window_bounds = array<i64: 1, 256>}, {pipeline_mode = #tpu.pipeline_mode<synchronous>, transform_indices = @transform_5, window_bounds = array<i64: 1, 256>}, {pipeline_mode = #tpu.pipeline_mode<synchronous>, transform_indices = @transform_6, window_bounds = array<i64: 1, 256>}, {transform_indices = @transform_7, window_bounds = array<i64: 256, 128>}, {transform_indices = @transform_8, window_bounds = array<i64: 1000, 128>}, {transform_indices = @transform_9, window_bounds = array<i64: 1000, 128>}]} {
    %lt3A = arith.constant 10 : i32
    %lt3A_0 = arith.cmpi slt, %arg0, %lt3A : i32
    %convert_element_type3A = arith.extui %lt3A_0 : i1 to i32
    %cond3A = arith.constant 0 : i32
    %cond3A_1 = arith.cmpi ne, %convert_element_type3A, %cond3A : i32
    scf.if %cond3A_1 {
      %get3A = arith.constant 0 : index
      %get3A_6 = arith.constant 0 : index
      %get3A_7 = vector.load %arg3[%get3A, %get3A_6] : memref<1000x128xf32, #tpu.memory_space<vmem>>, vector<1000x1xf32>
      %get3A_8 = vector.shape_cast %get3A_7 : vector<1000x1xf32> to vector<1000xf32>
      %get3A_9 = arith.constant 0 : index
      %get3A_10 = arith.constant 0 : index
      %get3A_11 = vector.load %arg4[%get3A_9, %get3A_10] : memref<1000x128xf32, #tpu.memory_space<vmem>>, vector<1000x1xf32>
      %get3A_12 = vector.shape_cast %get3A_11 : vector<1000x1xf32> to vector<1000xf32>
      %add3A = arith.addf %get3A_8, %get3A_12 : vector<1000xf32>
      %add3A_13 = arith.constant 1.000000e+00 : f32
      %add3A_14 = vector.broadcast %add3A_13 : f32 to vector<1000xf32>
      %add3A_15 = arith.addf %add3A, %add3A_14 : vector<1000xf32>
      %rsqrt3A = math.rsqrt %add3A_15 : vector<1000xf32>
      %broadcast_in_dim3A = vector.shape_cast %rsqrt3A : vector<1000xf32> to vector<1000x1xf32>
      %get3A_16 = arith.constant 0 : index
      %get3A_17 = arith.constant 0 : index
      %get3A_18 = vector.load %arg1[%get3A_16, %get3A_17] : memref<1000x128xf32, #tpu.memory_space<vmem>>, vector<1000x128xf32>
      %mul3A = vector.broadcast %broadcast_in_dim3A : vector<1000x1xf32> to vector<1000x128xf32>
      %mul3A_19 = arith.mulf %get3A_18, %mul3A : vector<1000x128xf32>
      %get3A_20 = arith.constant 0 : index
      %get3A_21 = arith.constant 0 : index
      %get3A_22 = vector.load %arg5[%get3A_20, %get3A_21] : memref<1x256xf32, #tpu.memory_space<vmem>>, vector<1x128xf32>
      %get3A_23 = vector.shape_cast %get3A_22 : vector<1x128xf32> to vector<128xf32>
      %broadcast_in_dim3A_24 = vector.shape_cast %get3A_23 : vector<128xf32> to vector<1x128xf32>
      %add3A_25 = vector.broadcast %broadcast_in_dim3A_24 : vector<1x128xf32> to vector<1000x128xf32>
      %add3A_26 = arith.addf %mul3A_19, %add3A_25 : vector<1000x128xf32>
      %max3A = arith.constant 0.000000e+00 : f32
      %max3A_27 = vector.broadcast %max3A : f32 to vector<1000x128xf32>
      %max3A_28 = arith.maximumf %add3A_26, %max3A_27 : vector<1000x128xf32>
      %get3A_29 = arith.constant 0 : index
      %get3A_30 = arith.constant 0 : index
      %get3A_31 = vector.load %arg2[%get3A_29, %get3A_30] : memref<1000x128xf32, #tpu.memory_space<vmem>>, vector<1000x128xf32>
      %mul3A_32 = vector.broadcast %broadcast_in_dim3A : vector<1000x1xf32> to vector<1000x128xf32>
      %mul3A_33 = arith.mulf %get3A_31, %mul3A_32 : vector<1000x128xf32>
      %get3A_34 = arith.constant 0 : index
      %get3A_35 = arith.constant 128 : index
      %get3A_36 = vector.load %arg5[%get3A_34, %get3A_35] : memref<1x256xf32, #tpu.memory_space<vmem>>, vector<1x128xf32>
      %get3A_37 = vector.shape_cast %get3A_36 : vector<1x128xf32> to vector<128xf32>
      %broadcast_in_dim3A_38 = vector.shape_cast %get3A_37 : vector<128xf32> to vector<1x128xf32>
      %add3A_39 = vector.broadcast %broadcast_in_dim3A_38 : vector<1x128xf32> to vector<1000x128xf32>
      %add3A_40 = arith.addf %mul3A_33, %add3A_39 : vector<1000x128xf32>
      %max3A_41 = arith.constant 0.000000e+00 : f32
      %max3A_42 = vector.broadcast %max3A_41 : f32 to vector<1000x128xf32>
      %max3A_43 = arith.maximumf %add3A_40, %max3A_42 : vector<1000x128xf32>
      %reduce_sum3A = arith.constant dense<0.000000e+00> : vector<128xf32>
      %reduce_sum3A_44 = vector.multi_reduction <add>, %max3A_28, %reduce_sum3A [0] : vector<1000x128xf32> to vector<128xf32>
      %mul3A_45 = arith.mulf %max3A_28, %max3A_28 : vector<1000x128xf32>
      %reduce_sum3A_46 = arith.constant dense<0.000000e+00> : vector<128xf32>
      %reduce_sum3A_47 = vector.multi_reduction <add>, %mul3A_45, %reduce_sum3A_46 [0] : vector<1000x128xf32> to vector<128xf32>
      %stack3A = vector.shape_cast %reduce_sum3A_44 : vector<128xf32> to vector<1x128xf32>
      %stack3A_48 = vector.shape_cast %reduce_sum3A_47 : vector<128xf32> to vector<1x128xf32>
      %stack3A_49 = tpu.concatenate %stack3A, %stack3A_48 in 0 : vector<1x128xf32>, vector<1x128xf32> -> vector<2x128xf32>
      %reduce_sum3A_50 = arith.constant dense<0.000000e+00> : vector<128xf32>
      %reduce_sum3A_51 = vector.multi_reduction <add>, %max3A_43, %reduce_sum3A_50 [0] : vector<1000x128xf32> to vector<128xf32>
      %mul3A_52 = arith.mulf %max3A_43, %max3A_43 : vector<1000x128xf32>
      %reduce_sum3A_53 = arith.constant dense<0.000000e+00> : vector<128xf32>
      %reduce_sum3A_54 = vector.multi_reduction <add>, %mul3A_52, %reduce_sum3A_53 [0] : vector<1000x128xf32> to vector<128xf32>
      %stack3A_55 = vector.shape_cast %reduce_sum3A_51 : vector<128xf32> to vector<1x128xf32>
      %stack3A_56 = vector.shape_cast %reduce_sum3A_54 : vector<128xf32> to vector<1x128xf32>
      %stack3A_57 = tpu.concatenate %stack3A_55, %stack3A_56 in 0 : vector<1x128xf32>, vector<1x128xf32> -> vector<2x128xf32>
      %concatenate3A = tpu.concatenate %stack3A_49, %stack3A_57 in 1 : vector<2x128xf32>, vector<2x128xf32> -> vector<2x256xf32>
      %eq3A = arith.constant 0 : i32
      %eq3A_58 = arith.cmpi eq, %arg0, %eq3A : i32
      %convert_element_type3A_59 = arith.extui %eq3A_58 : i1 to i32
      %cond3A_60 = arith.constant 0 : i32
      %cond3A_61 = arith.cmpi ne, %convert_element_type3A_59, %cond3A_60 : i32
      scf.if %cond3A_61 {
        %swap3A = arith.constant 0 : index
        %swap3A_66 = arith.constant 0 : index
        %swap3A_67 = vector.load %arg11[%swap3A, %swap3A_66] : memref<2x256xf32, #tpu.memory_space<vmem>>, vector<2x256xf32>
        tpu.vector_store %arg11[%swap3A, %swap3A_66], %concatenate3A {strides = array<i32>} : memref<2x256xf32, #tpu.memory_space<vmem>>, vector<2x256xf32>,
      } else {
      }
      %gt3A = arith.constant 0 : i32
      %gt3A_62 = arith.cmpi sgt, %arg0, %gt3A : i32
      %convert_element_type3A_63 = arith.extui %gt3A_62 : i1 to i32
      %cond3A_64 = arith.constant 0 : i32
      %cond3A_65 = arith.cmpi ne, %convert_element_type3A_63, %cond3A_64 : i32
      scf.if %cond3A_65 {
        %get3A_66 = arith.constant 0 : index
        %get3A_67 = arith.constant 0 : index
        %get3A_68 = vector.load %arg11[%get3A_66, %get3A_67] : memref<2x256xf32, #tpu.memory_space<vmem>>, vector<2x256xf32>
        %add3A_69 = arith.addf %get3A_68, %concatenate3A : vector<2x256xf32>
        %swap3A = arith.constant 0 : index
        %swap3A_70 = arith.constant 0 : index
        %swap3A_71 = vector.load %arg11[%swap3A, %swap3A_70] : memref<2x256xf32, #tpu.memory_space<vmem>>, vector<2x256xf32>
        tpu.vector_store %arg11[%swap3A, %swap3A_70], %add3A_69 {strides = array<i32>} : memref<2x256xf32, #tpu.memory_space<vmem>>, vector<2x256xf32>,
      } else {
      }
    } else {
    }
    %ge3A = arith.constant 10 : i32
    %ge3A_2 = arith.cmpi sge, %arg0, %ge3A : i32
    %convert_element_type3A_3 = arith.extui %ge3A_2 : i1 to i32
    %cond3A_4 = arith.constant 0 : i32
    %cond3A_5 = arith.cmpi ne, %convert_element_type3A_3, %cond3A_4 : i32
    scf.if %cond3A_5 {
      %sub3A = arith.constant 10 : i32
      %sub3A_6 = arith.subi %arg0, %sub3A : i32
      %jit3A = arith.constant 2 : i32
      %eq3A = arith.constant 0 : i32
      %eq3A_7 = arith.cmpi eq, %jit3A, %eq3A : i32
      %jit3A_8 = arith.constant 1 : i32
      %select_n3A = arith.select %eq3A_7, %jit3A_8, %jit3A : i32
      %rem3A = arith.remsi %sub3A_6, %select_n3A : i32
      %ne3A = arith.constant 0 : i32
      %ne3A_9 = arith.cmpi ne, %rem3A, %ne3A : i32
      %lt3A_10 = arith.constant 0 : i32
      %lt3A_11 = arith.cmpi slt, %rem3A, %lt3A_10 : i32
      %lt3A_12 = arith.constant 0 : i32
      %lt3A_13 = arith.cmpi slt, %select_n3A, %lt3A_12 : i32
      %ne3A_14 = arith.xori %lt3A_11, %lt3A_13 : i1
      %and3A = arith.andi %ne3A_14, %ne3A_9 : i1
      %add3A = arith.addi %rem3A, %select_n3A : i32
      %select_n3A_15 = arith.select %and3A, %add3A, %rem3A : i32
      %get3A = arith.constant 0 : index
      %get3A_16 = arith.constant 0 : index
      %get3A_17 = vector.load %arg3[%get3A, %get3A_16] : memref<1000x128xf32, #tpu.memory_space<vmem>>, vector<1000x1xf32>
      %get3A_18 = vector.shape_cast %get3A_17 : vector<1000x1xf32> to vector<1000xf32>
      %get3A_19 = arith.constant 0 : index
      %get3A_20 = arith.constant 0 : index
      %get3A_21 = vector.load %arg4[%get3A_19, %get3A_20] : memref<1000x128xf32, #tpu.memory_space<vmem>>, vector<1000x1xf32>
      %get3A_22 = vector.shape_cast %get3A_21 : vector<1000x1xf32> to vector<1000xf32>
      %add3A_23 = arith.addf %get3A_18, %get3A_22 : vector<1000xf32>
      %add3A_24 = arith.constant 1.000000e+00 : f32
      %add3A_25 = vector.broadcast %add3A_24 : f32 to vector<1000xf32>
      %add3A_26 = arith.addf %add3A_23, %add3A_25 : vector<1000xf32>
      %rsqrt3A = math.rsqrt %add3A_26 : vector<1000xf32>
      %broadcast_in_dim3A = vector.shape_cast %rsqrt3A : vector<1000xf32> to vector<1000x1xf32>
      %get3A_27 = arith.constant 0 : index
      %get3A_28 = arith.constant 0 : index
      %get3A_29 = vector.load %arg1[%get3A_27, %get3A_28] : memref<1000x128xf32, #tpu.memory_space<vmem>>, vector<1000x128xf32>
      %mul3A = vector.broadcast %broadcast_in_dim3A : vector<1000x1xf32> to vector<1000x128xf32>
      %mul3A_30 = arith.mulf %get3A_29, %mul3A : vector<1000x128xf32>
      %get3A_31 = arith.constant 0 : index
      %get3A_32 = arith.constant 0 : index
      %get3A_33 = vector.load %arg5[%get3A_31, %get3A_32] : memref<1x256xf32, #tpu.memory_space<vmem>>, vector<1x128xf32>
      %get3A_34 = vector.shape_cast %get3A_33 : vector<1x128xf32> to vector<128xf32>
      %broadcast_in_dim3A_35 = vector.shape_cast %get3A_34 : vector<128xf32> to vector<1x128xf32>
      %add3A_36 = vector.broadcast %broadcast_in_dim3A_35 : vector<1x128xf32> to vector<1000x128xf32>
      %add3A_37 = arith.addf %mul3A_30, %add3A_36 : vector<1000x128xf32>
      %max3A = arith.constant 0.000000e+00 : f32
      %max3A_38 = vector.broadcast %max3A : f32 to vector<1000x128xf32>
      %max3A_39 = arith.maximumf %add3A_37, %max3A_38 : vector<1000x128xf32>
      %get3A_40 = arith.constant 0 : index
      %get3A_41 = arith.constant 0 : index
      %get3A_42 = vector.load %arg2[%get3A_40, %get3A_41] : memref<1000x128xf32, #tpu.memory_space<vmem>>, vector<1000x128xf32>
      %mul3A_43 = vector.broadcast %broadcast_in_dim3A : vector<1000x1xf32> to vector<1000x128xf32>
      %mul3A_44 = arith.mulf %get3A_42, %mul3A_43 : vector<1000x128xf32>
      %get3A_45 = arith.constant 0 : index
      %get3A_46 = arith.constant 128 : index
      %get3A_47 = vector.load %arg5[%get3A_45, %get3A_46] : memref<1x256xf32, #tpu.memory_space<vmem>>, vector<1x128xf32>
      %get3A_48 = vector.shape_cast %get3A_47 : vector<1x128xf32> to vector<128xf32>
      %broadcast_in_dim3A_49 = vector.shape_cast %get3A_48 : vector<128xf32> to vector<1x128xf32>
      %add3A_50 = vector.broadcast %broadcast_in_dim3A_49 : vector<1x128xf32> to vector<1000x128xf32>
      %add3A_51 = arith.addf %mul3A_44, %add3A_50 : vector<1000x128xf32>
      %max3A_52 = arith.constant 0.000000e+00 : f32
      %max3A_53 = vector.broadcast %max3A_52 : f32 to vector<1000x128xf32>
      %max3A_54 = arith.maximumf %add3A_51, %max3A_53 : vector<1000x128xf32>
      %get3A_55 = arith.constant 0 : index
      %get3A_56 = arith.constant 0 : index
      %get3A_57 = vector.load %arg11[%get3A_55, %get3A_56] : memref<2x256xf32, #tpu.memory_space<vmem>>, vector<2x256xf32>
      %get3A_58 = arith.constant 0 : index
      %get3A_59 = arith.constant 0 : index
      %get3A_60 = vector.load %arg6[%get3A_58, %get3A_59] : memref<1x256xf32, #tpu.memory_space<vmem>>, vector<1x256xf32>
      %get3A_61 = vector.shape_cast %get3A_60 : vector<1x256xf32> to vector<256xf32>
      %get3A_62 = arith.constant 0 : index
      %get3A_63 = arith.constant 0 : index
      %get3A_64 = vector.load %arg7[%get3A_62, %get3A_63] : memref<1x256xf32, #tpu.memory_space<vmem>>, vector<1x256xf32>
      %get3A_65 = vector.shape_cast %get3A_64 : vector<1x256xf32> to vector<256xf32>
      %slice3A = vector.extract_strided_slice %get3A_57 {offsets = [0, 0], sizes = [1, 256], strides = [1, 1]} : vector<2x256xf32> to vector<1x256xf32>
      %squeeze3A = vector.shape_cast %slice3A : vector<1x256xf32> to vector<256xf32>
      %div3A = arith.constant 1.000000e+04 : f32
      %div3A_66 = vector.broadcast %div3A : f32 to vector<256xf32>
      %div3A_67 = arith.divf %squeeze3A, %div3A_66 : vector<256xf32>
      %slice3A_68 = vector.extract_strided_slice %get3A_57 {offsets = [1, 0], sizes = [1, 256], strides = [1, 1]} : vector<2x256xf32> to vector<1x256xf32>
      %squeeze3A_69 = vector.shape_cast %slice3A_68 : vector<1x256xf32> to vector<256xf32>
      %div3A_70 = arith.constant 1.000000e+04 : f32
      %div3A_71 = vector.broadcast %div3A_70 : f32 to vector<256xf32>
      %div3A_72 = arith.divf %squeeze3A_69, %div3A_71 : vector<256xf32>
      %mul3A_73 = arith.mulf %div3A_67, %div3A_67 : vector<256xf32>
      %sub3A_74 = arith.subf %div3A_72, %mul3A_73 : vector<256xf32>
      %add3A_75 = arith.constant 9.99999974E-6 : f32
      %add3A_76 = vector.broadcast %add3A_75 : f32 to vector<256xf32>
      %add3A_77 = arith.addf %sub3A_74, %add3A_76 : vector<256xf32>
      %rsqrt3A_78 = math.rsqrt %add3A_77 : vector<256xf32>
      %mul3A_79 = arith.mulf %get3A_61, %rsqrt3A_78 : vector<256xf32>
      %mul3A_80 = arith.mulf %div3A_67, %mul3A_79 : vector<256xf32>
      %sub3A_81 = arith.subf %get3A_65, %mul3A_80 : vector<256xf32>
      %slice3A_82 = vector.extract_strided_slice %mul3A_79 {offsets = [0], sizes = [128], strides = [1]} : vector<256xf32> to vector<128xf32>
      %broadcast_in_dim3A_83 = vector.shape_cast %slice3A_82 : vector<128xf32> to vector<1x128xf32>
      %mul3A_84 = vector.broadcast %broadcast_in_dim3A_83 : vector<1x128xf32> to vector<1000x128xf32>
      %mul3A_85 = arith.mulf %max3A_39, %mul3A_84 : vector<1000x128xf32>
      %slice3A_86 = vector.extract_strided_slice %sub3A_81 {offsets = [0], sizes = [128], strides = [1]} : vector<256xf32> to vector<128xf32>
      %broadcast_in_dim3A_87 = vector.shape_cast %slice3A_86 : vector<128xf32> to vector<1x128xf32>
      %add3A_88 = vector.broadcast %broadcast_in_dim3A_87 : vector<1x128xf32> to vector<1000x128xf32>
      %add3A_89 = arith.addf %mul3A_85, %add3A_88 : vector<1000x128xf32>
      %slice3A_90 = vector.extract_strided_slice %mul3A_79 {offsets = [128], sizes = [128], strides = [1]} : vector<256xf32> to vector<128xf32>
      %broadcast_in_dim3A_91 = vector.shape_cast %slice3A_90 : vector<128xf32> to vector<1x128xf32>
      %mul3A_92 = vector.broadcast %broadcast_in_dim3A_91 : vector<1x128xf32> to vector<1000x128xf32>
      %mul3A_93 = arith.mulf %max3A_54, %mul3A_92 : vector<1000x128xf32>
      %slice3A_94 = vector.extract_strided_slice %sub3A_81 {offsets = [128], sizes = [128], strides = [1]} : vector<256xf32> to vector<128xf32>
      %broadcast_in_dim3A_95 = vector.shape_cast %slice3A_94 : vector<128xf32> to vector<1x128xf32>
      %add3A_96 = vector.broadcast %broadcast_in_dim3A_95 : vector<1x128xf32> to vector<1000x128xf32>
      %add3A_97 = arith.addf %mul3A_93, %add3A_96 : vector<1000x128xf32>
      %concatenate3A = tpu.concatenate %add3A_89, %add3A_97 in 1 : vector<1000x128xf32>, vector<1000x128xf32> -> vector<1000x256xf32>
      %get3A_98 = arith.constant 0 : index
      %get3A_99 = arith.constant 0 : index
      %get3A_100 = vector.load %arg8[%get3A_98, %get3A_99] : memref<256x128xf32, #tpu.memory_space<vmem>>, vector<256x128xf32>
      %dot_general3A = arith.constant dense<0.000000e+00> : vector<1000x128xf32>
      %dot_general3A_101 = tpu.matmul %concatenate3A, %get3A_100, %dot_general3A {dimension_numbers = #tpu.dot_dimension_numbers<[1], [0], [0], [1], [0, 0, 1, 1], [], []>, transpose_lhs_hint = false} : vector<1000x256xf32>, vector<256x128xf32>, vector<1000x128xf32> -> vector<1000x128xf32>
      %swap3A = arith.constant 0 : index
      %swap3A_102 = arith.constant 0 : index
      %swap3A_103 = vector.load %arg10[%swap3A, %swap3A_102] : memref<1000x128xf32, #tpu.memory_space<vmem>>, vector<1000x128xf32>
      tpu.vector_store %arg10[%swap3A, %swap3A_102], %dot_general3A_101 {strides = array<i32>} : memref<1000x128xf32, #tpu.memory_space<vmem>>, vector<1000x128xf32>,
      %eq3A_104 = arith.constant 0 : i32
      %eq3A_105 = arith.cmpi eq, %select_n3A_15, %eq3A_104 : i32
      %convert_element_type3A_106 = arith.extui %eq3A_105 : i1 to i32
      %cond3A_107 = arith.constant 0 : i32
      %cond3A_108 = arith.cmpi ne, %convert_element_type3A_106, %cond3A_107 : i32
      scf.if %cond3A_108 {
        %swap3A_114 = arith.constant 0 : index
        %swap3A_115 = arith.constant 0 : index
        %swap3A_116 = vector.load %arg9[%swap3A_114, %swap3A_115] : memref<1000x128xf32, #tpu.memory_space<vmem>>, vector<1000x128xf32>
        tpu.vector_store %arg9[%swap3A_114, %swap3A_115], %add3A_89 {strides = array<i32>} : memref<1000x128xf32, #tpu.memory_space<vmem>>, vector<1000x128xf32>,
      } else {
      }
      %eq3A_109 = arith.constant 1 : i32
      %eq3A_110 = arith.cmpi eq, %select_n3A_15, %eq3A_109 : i32
      %convert_element_type3A_111 = arith.extui %eq3A_110 : i1 to i32
      %cond3A_112 = arith.constant 0 : i32
      %cond3A_113 = arith.cmpi ne, %convert_element_type3A_111, %cond3A_112 : i32
      scf.if %cond3A_113 {
        %swap3A_114 = arith.constant 0 : index
        %swap3A_115 = arith.constant 0 : index
        %swap3A_116 = vector.load %arg9[%swap3A_114, %swap3A_115] : memref<1000x128xf32, #tpu.memory_space<vmem>>, vector<1000x128xf32>
        tpu.vector_store %arg9[%swap3A_114, %swap3A_115], %add3A_97 {strides = array<i32>} : memref<1000x128xf32, #tpu.memory_space<vmem>>, vector<1000x128xf32>,
      } else {
      }
    } else {
    }
    return
  }
  func.func @transform_0(%arg0: i32) -> (i32, i32) {
    %lt3A = arith.constant 10 : i32
    %lt3A_0 = arith.cmpi slt, %arg0, %lt3A : i32
    %sub3A = arith.constant 10 : i32
    %sub3A_1 = arith.subi %arg0, %sub3A : i32
    %jit3A = arith.constant 2 : i32
    %div3A = arith.divsi %sub3A_1, %jit3A : i32
    %sign3A = arith.constant 0 : i32
    %sign3A_2 = arith.cmpi sgt, %sub3A_1, %sign3A : i32
    %sign3A_3 = arith.extui %sign3A_2 : i1 to i32
    %sign3A_4 = arith.constant 0 : i32
    %sign3A_5 = arith.cmpi slt, %sub3A_1, %sign3A_4 : i32
    %sign3A_6 = arith.extui %sign3A_5 : i1 to i32
    %sign3A_7 = arith.subi %sign3A_3, %sign3A_6 : i32
    %sign3A_8 = arith.constant 0 : i32
    %sign3A_9 = arith.cmpi sgt, %jit3A, %sign3A_8 : i32
    %sign3A_10 = arith.extui %sign3A_9 : i1 to i32
    %sign3A_11 = arith.constant 0 : i32
    %sign3A_12 = arith.cmpi slt, %jit3A, %sign3A_11 : i32
    %sign3A_13 = arith.extui %sign3A_12 : i1 to i32
    %sign3A_14 = arith.subi %sign3A_10, %sign3A_13 : i32
    %ne3A = arith.cmpi ne, %sign3A_7, %sign3A_14 : i32
    %rem3A = arith.remsi %sub3A_1, %jit3A : i32
    %ne3A_15 = arith.constant 0 : i32
    %ne3A_16 = arith.cmpi ne, %rem3A, %ne3A_15 : i32
    %and3A = arith.andi %ne3A, %ne3A_16 : i1
    %sub3A_17 = arith.constant 1 : i32
    %sub3A_18 = arith.subi %div3A, %sub3A_17 : i32
    %select_n3A = arith.select %and3A, %sub3A_18, %div3A : i32
    %select_n3A_19 = arith.select %lt3A_0, %arg0, %select_n3A : i32
    %c0_i32 = arith.constant 0 : i32
    %c0_i32_20 = arith.constant 0 : i32
    return %select_n3A_19, %c0_i32 : i32, i32
  }
  func.func @transform_1(%arg0: i32) -> (i32, i32) {
    %lt3A = arith.constant 10 : i32
    %lt3A_0 = arith.cmpi slt, %arg0, %lt3A : i32
    %sub3A = arith.constant 10 : i32
    %sub3A_1 = arith.subi %arg0, %sub3A : i32
    %jit3A = arith.constant 2 : i32
    %div3A = arith.divsi %sub3A_1, %jit3A : i32
    %sign3A = arith.constant 0 : i32
    %sign3A_2 = arith.cmpi sgt, %sub3A_1, %sign3A : i32
    %sign3A_3 = arith.extui %sign3A_2 : i1 to i32
    %sign3A_4 = arith.constant 0 : i32
    %sign3A_5 = arith.cmpi slt, %sub3A_1, %sign3A_4 : i32
    %sign3A_6 = arith.extui %sign3A_5 : i1 to i32
    %sign3A_7 = arith.subi %sign3A_3, %sign3A_6 : i32
    %sign3A_8 = arith.constant 0 : i32
    %sign3A_9 = arith.cmpi sgt, %jit3A, %sign3A_8 : i32
    %sign3A_10 = arith.extui %sign3A_9 : i1 to i32
    %sign3A_11 = arith.constant 0 : i32
    %sign3A_12 = arith.cmpi slt, %jit3A, %sign3A_11 : i32
    %sign3A_13 = arith.extui %sign3A_12 : i1 to i32
    %sign3A_14 = arith.subi %sign3A_10, %sign3A_13 : i32
    %ne3A = arith.cmpi ne, %sign3A_7, %sign3A_14 : i32
    %rem3A = arith.remsi %sub3A_1, %jit3A : i32
    %ne3A_15 = arith.constant 0 : i32
    %ne3A_16 = arith.cmpi ne, %rem3A, %ne3A_15 : i32
    %and3A = arith.andi %ne3A, %ne3A_16 : i1
    %sub3A_17 = arith.constant 1 : i32
    %sub3A_18 = arith.subi %div3A, %sub3A_17 : i32
    %select_n3A = arith.select %and3A, %sub3A_18, %div3A : i32
    %select_n3A_19 = arith.select %lt3A_0, %arg0, %select_n3A : i32
    %add3A = arith.constant 10 : i32
    %add3A_20 = arith.addi %add3A, %select_n3A_19 : i32
    %c0_i32 = arith.constant 0 : i32
    %c0_i32_21 = arith.constant 0 : i32
    return %add3A_20, %c0_i32 : i32, i32
  }
  func.func @transform_2(%arg0: i32) -> (i32, i32) {
    %lt3A = arith.constant 10 : i32
    %lt3A_0 = arith.cmpi slt, %arg0, %lt3A : i32
    %sub3A = arith.constant 10 : i32
    %sub3A_1 = arith.subi %arg0, %sub3A : i32
    %jit3A = arith.constant 2 : i32
    %div3A = arith.divsi %sub3A_1, %jit3A : i32
    %sign3A = arith.constant 0 : i32
    %sign3A_2 = arith.cmpi sgt, %sub3A_1, %sign3A : i32
    %sign3A_3 = arith.extui %sign3A_2 : i1 to i32
    %sign3A_4 = arith.constant 0 : i32
    %sign3A_5 = arith.cmpi slt, %sub3A_1, %sign3A_4 : i32
    %sign3A_6 = arith.extui %sign3A_5 : i1 to i32
    %sign3A_7 = arith.subi %sign3A_3, %sign3A_6 : i32
    %sign3A_8 = arith.constant 0 : i32
    %sign3A_9 = arith.cmpi sgt, %jit3A, %sign3A_8 : i32
    %sign3A_10 = arith.extui %sign3A_9 : i1 to i32
    %sign3A_11 = arith.constant 0 : i32
    %sign3A_12 = arith.cmpi slt, %jit3A, %sign3A_11 : i32
    %sign3A_13 = arith.extui %sign3A_12 : i1 to i32
    %sign3A_14 = arith.subi %sign3A_10, %sign3A_13 : i32
    %ne3A = arith.cmpi ne, %sign3A_7, %sign3A_14 : i32
    %rem3A = arith.remsi %sub3A_1, %jit3A : i32
    %ne3A_15 = arith.constant 0 : i32
    %ne3A_16 = arith.cmpi ne, %rem3A, %ne3A_15 : i32
    %and3A = arith.andi %ne3A, %ne3A_16 : i1
    %sub3A_17 = arith.constant 1 : i32
    %sub3A_18 = arith.subi %div3A, %sub3A_17 : i32
    %select_n3A = arith.select %and3A, %sub3A_18, %div3A : i32
    %select_n3A_19 = arith.select %lt3A_0, %arg0, %select_n3A : i32
    %c0_i32 = arith.constant 0 : i32
    %c0_i32_20 = arith.constant 0 : i32
    return %select_n3A_19, %c0_i32 : i32, i32
  }
  func.func @transform_3(%arg0: i32) -> (i32, i32) {
    %lt3A = arith.constant 10 : i32
    %lt3A_0 = arith.cmpi slt, %arg0, %lt3A : i32
    %sub3A = arith.constant 10 : i32
    %sub3A_1 = arith.subi %arg0, %sub3A : i32
    %jit3A = arith.constant 2 : i32
    %div3A = arith.divsi %sub3A_1, %jit3A : i32
    %sign3A = arith.constant 0 : i32
    %sign3A_2 = arith.cmpi sgt, %sub3A_1, %sign3A : i32
    %sign3A_3 = arith.extui %sign3A_2 : i1 to i32
    %sign3A_4 = arith.constant 0 : i32
    %sign3A_5 = arith.cmpi slt, %sub3A_1, %sign3A_4 : i32
    %sign3A_6 = arith.extui %sign3A_5 : i1 to i32
    %sign3A_7 = arith.subi %sign3A_3, %sign3A_6 : i32
    %sign3A_8 = arith.constant 0 : i32
    %sign3A_9 = arith.cmpi sgt, %jit3A, %sign3A_8 : i32
    %sign3A_10 = arith.extui %sign3A_9 : i1 to i32
    %sign3A_11 = arith.constant 0 : i32
    %sign3A_12 = arith.cmpi slt, %jit3A, %sign3A_11 : i32
    %sign3A_13 = arith.extui %sign3A_12 : i1 to i32
    %sign3A_14 = arith.subi %sign3A_10, %sign3A_13 : i32
    %ne3A = arith.cmpi ne, %sign3A_7, %sign3A_14 : i32
    %rem3A = arith.remsi %sub3A_1, %jit3A : i32
    %ne3A_15 = arith.constant 0 : i32
    %ne3A_16 = arith.cmpi ne, %rem3A, %ne3A_15 : i32
    %and3A = arith.andi %ne3A, %ne3A_16 : i1
    %sub3A_17 = arith.constant 1 : i32
    %sub3A_18 = arith.subi %div3A, %sub3A_17 : i32
    %select_n3A = arith.select %and3A, %sub3A_18, %div3A : i32
    %select_n3A_19 = arith.select %lt3A_0, %arg0, %select_n3A : i32
    %add3A = arith.constant 10 : i32
    %add3A_20 = arith.addi %add3A, %select_n3A_19 : i32
    %c0_i32 = arith.constant 0 : i32
    %c0_i32_21 = arith.constant 0 : i32
    return %add3A_20, %c0_i32 : i32, i32
  }
  func.func @transform_4(%arg0: i32) -> (i32, i32) {
    %c0_i32 = arith.constant 0 : i32
    %c0_i32_0 = arith.constant 0 : i32
    %c0_i32_1 = arith.constant 0 : i32
    return %c0_i32, %c0_i32_0 : i32, i32
  }
  func.func @transform_5(%arg0: i32) -> (i32, i32) {
    %c0_i32 = arith.constant 0 : i32
    %c0_i32_0 = arith.constant 0 : i32
    %c0_i32_1 = arith.constant 0 : i32
    return %c0_i32, %c0_i32_0 : i32, i32
  }
  func.func @transform_6(%arg0: i32) -> (i32, i32) {
    %c0_i32 = arith.constant 0 : i32
    %c0_i32_0 = arith.constant 0 : i32
    %c0_i32_1 = arith.constant 0 : i32
    return %c0_i32, %c0_i32_0 : i32, i32
  }
  func.func @transform_7(%arg0: i32) -> (i32, i32) {
    %lt3A = arith.constant 10 : i32
    %lt3A_0 = arith.cmpi slt, %arg0, %lt3A : i32
    %sub3A = arith.constant 10 : i32
    %sub3A_1 = arith.subi %arg0, %sub3A : i32
    %jit3A = arith.constant 2 : i32
    %eq3A = arith.constant 0 : i32
    %eq3A_2 = arith.cmpi eq, %jit3A, %eq3A : i32
    %jit3A_3 = arith.constant 1 : i32
    %select_n3A = arith.select %eq3A_2, %jit3A_3, %jit3A : i32
    %rem3A = arith.remsi %sub3A_1, %select_n3A : i32
    %ne3A = arith.constant 0 : i32
    %ne3A_4 = arith.cmpi ne, %rem3A, %ne3A : i32
    %lt3A_5 = arith.constant 0 : i32
    %lt3A_6 = arith.cmpi slt, %rem3A, %lt3A_5 : i32
    %lt3A_7 = arith.constant 0 : i32
    %lt3A_8 = arith.cmpi slt, %select_n3A, %lt3A_7 : i32
    %ne3A_9 = arith.xori %lt3A_6, %lt3A_8 : i1
    %and3A = arith.andi %ne3A_9, %ne3A_4 : i1
    %add3A = arith.addi %rem3A, %select_n3A : i32
    %select_n3A_10 = arith.select %and3A, %add3A, %rem3A : i32
    %jit3A_11 = arith.constant 0 : i32
    %select_n3A_12 = arith.select %lt3A_0, %jit3A_11, %select_n3A_10 : i32
    %c0_i32 = arith.constant 0 : i32
    %c0_i32_13 = arith.constant 0 : i32
    return %c0_i32, %select_n3A_12 : i32, i32
  }
  func.func @transform_8(%arg0: i32) -> (i32, i32) {
    %lt3A = arith.constant 10 : i32
    %lt3A_0 = arith.cmpi slt, %arg0, %lt3A : i32
    %sub3A = arith.constant 10 : i32
    %sub3A_1 = arith.subi %arg0, %sub3A : i32
    %jit3A = arith.constant 2 : i32
    %eq3A = arith.constant 0 : i32
    %eq3A_2 = arith.cmpi eq, %jit3A, %eq3A : i32
    %jit3A_3 = arith.constant 1 : i32
    %select_n3A = arith.select %eq3A_2, %jit3A_3, %jit3A : i32
    %rem3A = arith.remsi %sub3A_1, %select_n3A : i32
    %ne3A = arith.constant 0 : i32
    %ne3A_4 = arith.cmpi ne, %rem3A, %ne3A : i32
    %lt3A_5 = arith.constant 0 : i32
    %lt3A_6 = arith.cmpi slt, %rem3A, %lt3A_5 : i32
    %lt3A_7 = arith.constant 0 : i32
    %lt3A_8 = arith.cmpi slt, %select_n3A, %lt3A_7 : i32
    %ne3A_9 = arith.xori %lt3A_6, %lt3A_8 : i1
    %and3A = arith.andi %ne3A_9, %ne3A_4 : i1
    %add3A = arith.addi %rem3A, %select_n3A : i32
    %select_n3A_10 = arith.select %and3A, %add3A, %rem3A : i32
    %mul3A = arith.constant 10 : i32
    %mul3A_11 = arith.muli %select_n3A_10, %mul3A : i32
    %sub3A_12 = arith.constant 10 : i32
    %sub3A_13 = arith.subi %arg0, %sub3A_12 : i32
    %jit3A_14 = arith.constant 2 : i32
    %div3A = arith.divsi %sub3A_13, %jit3A_14 : i32
    %sign3A = arith.constant 0 : i32
    %sign3A_15 = arith.cmpi sgt, %sub3A_13, %sign3A : i32
    %sign3A_16 = arith.extui %sign3A_15 : i1 to i32
    %sign3A_17 = arith.constant 0 : i32
    %sign3A_18 = arith.cmpi slt, %sub3A_13, %sign3A_17 : i32
    %sign3A_19 = arith.extui %sign3A_18 : i1 to i32
    %sign3A_20 = arith.subi %sign3A_16, %sign3A_19 : i32
    %sign3A_21 = arith.constant 0 : i32
    %sign3A_22 = arith.cmpi sgt, %jit3A_14, %sign3A_21 : i32
    %sign3A_23 = arith.extui %sign3A_22 : i1 to i32
    %sign3A_24 = arith.constant 0 : i32
    %sign3A_25 = arith.cmpi slt, %jit3A_14, %sign3A_24 : i32
    %sign3A_26 = arith.extui %sign3A_25 : i1 to i32
    %sign3A_27 = arith.subi %sign3A_23, %sign3A_26 : i32
    %ne3A_28 = arith.cmpi ne, %sign3A_20, %sign3A_27 : i32
    %rem3A_29 = arith.remsi %sub3A_13, %jit3A_14 : i32
    %ne3A_30 = arith.constant 0 : i32
    %ne3A_31 = arith.cmpi ne, %rem3A_29, %ne3A_30 : i32
    %and3A_32 = arith.andi %ne3A_28, %ne3A_31 : i1
    %sub3A_33 = arith.constant 1 : i32
    %sub3A_34 = arith.subi %div3A, %sub3A_33 : i32
    %select_n3A_35 = arith.select %and3A_32, %sub3A_34, %div3A : i32
    %add3A_36 = arith.addi %mul3A_11, %select_n3A_35 : i32
    %jit3A_37 = arith.constant 0 : i32
    %select_n3A_38 = arith.select %lt3A_0, %jit3A_37, %add3A_36 : i32
    %c0_i32 = arith.constant 0 : i32
    %c0_i32_39 = arith.constant 0 : i32
    return %select_n3A_38, %c0_i32 : i32, i32
  }
  func.func @transform_9(%arg0: i32) -> (i32, i32) {
    %lt3A = arith.constant 10 : i32
    %lt3A_0 = arith.cmpi slt, %arg0, %lt3A : i32
    %sub3A = arith.constant 10 : i32
    %sub3A_1 = arith.subi %arg0, %sub3A : i32
    %jit3A = arith.constant 2 : i32
    %div3A = arith.divsi %sub3A_1, %jit3A : i32
    %sign3A = arith.constant 0 : i32
    %sign3A_2 = arith.cmpi sgt, %sub3A_1, %sign3A : i32
    %sign3A_3 = arith.extui %sign3A_2 : i1 to i32
    %sign3A_4 = arith.constant 0 : i32
    %sign3A_5 = arith.cmpi slt, %sub3A_1, %sign3A_4 : i32
    %sign3A_6 = arith.extui %sign3A_5 : i1 to i32
    %sign3A_7 = arith.subi %sign3A_3, %sign3A_6 : i32
    %sign3A_8 = arith.constant 0 : i32
    %sign3A_9 = arith.cmpi sgt, %jit3A, %sign3A_8 : i32
    %sign3A_10 = arith.extui %sign3A_9 : i1 to i32
    %sign3A_11 = arith.constant 0 : i32
    %sign3A_12 = arith.cmpi slt, %jit3A, %sign3A_11 : i32
    %sign3A_13 = arith.extui %sign3A_12 : i1 to i32
    %sign3A_14 = arith.subi %sign3A_10, %sign3A_13 : i32
    %ne3A = arith.cmpi ne, %sign3A_7, %sign3A_14 : i32
    %rem3A = arith.remsi %sub3A_1, %jit3A : i32
    %ne3A_15 = arith.constant 0 : i32
    %ne3A_16 = arith.cmpi ne, %rem3A, %ne3A_15 : i32
    %and3A = arith.andi %ne3A, %ne3A_16 : i1
    %sub3A_17 = arith.constant 1 : i32
    %sub3A_18 = arith.subi %div3A, %sub3A_17 : i32
    %select_n3A = arith.select %and3A, %sub3A_18, %div3A : i32
    %jit3A_19 = arith.constant 0 : i32
    %select_n3A_20 = arith.select %lt3A_0, %jit3A_19, %select_n3A : i32
    %lt3A_21 = arith.constant 10 : i32
    %lt3A_22 = arith.cmpi slt, %arg0, %lt3A_21 : i32
    %sub3A_23 = arith.constant 10 : i32
    %sub3A_24 = arith.subi %arg0, %sub3A_23 : i32
    %jit3A_25 = arith.constant 2 : i32
    %eq3A = arith.constant 0 : i32
    %eq3A_26 = arith.cmpi eq, %jit3A_25, %eq3A : i32
    %jit3A_27 = arith.constant 1 : i32
    %select_n3A_28 = arith.select %eq3A_26, %jit3A_27, %jit3A_25 : i32
    %rem3A_29 = arith.remsi %sub3A_24, %select_n3A_28 : i32
    %ne3A_30 = arith.constant 0 : i32
    %ne3A_31 = arith.cmpi ne, %rem3A_29, %ne3A_30 : i32
    %lt3A_32 = arith.constant 0 : i32
    %lt3A_33 = arith.cmpi slt, %rem3A_29, %lt3A_32 : i32
    %lt3A_34 = arith.constant 0 : i32
    %lt3A_35 = arith.cmpi slt, %select_n3A_28, %lt3A_34 : i32
    %ne3A_36 = arith.xori %lt3A_33, %lt3A_35 : i1
    %and3A_37 = arith.andi %ne3A_36, %ne3A_31 : i1
    %add3A = arith.addi %rem3A_29, %select_n3A_28 : i32
    %select_n3A_38 = arith.select %and3A_37, %add3A, %rem3A_29 : i32
    %jit3A_39 = arith.constant 0 : i32
    %select_n3A_40 = arith.select %lt3A_22, %jit3A_39, %select_n3A_38 : i32
    %c0_i32 = arith.constant 0 : i32
    return %select_n3A_20, %select_n3A_40 : i32, i32
  }
}

module attributes {stable_mosaic.version = 14 : i64} {
  func.func @_kc_body(%arg0: i32, %arg1: memref<1000x128xf32, #tpu.memory_space<vmem>>, %arg2: memref<1000x128xf32, #tpu.memory_space<vmem>>, %arg3: memref<256x256xf32, #tpu.memory_space<vmem>>, %arg4: memref<1x256xf32, #tpu.memory_space<vmem>>, %arg5: memref<1000x256xf32, #tpu.memory_space<vmem>>, %arg6: memref<1000x256xf32, #tpu.memory_space<vmem>>, %arg7: memref<2x256xf32, #tpu.memory_space<vmem>>, %arg8: memref<1x256xf32, #tpu.memory_space<vmem>>, %arg9: memref<1x256xf32, #tpu.memory_space<vmem>>, %arg10: memref<1x256xf32, #tpu.memory_space<vmem>>, %arg11: memref<1x256xf32, #tpu.memory_space<vmem>>, %arg12: memref<256x128xf32, #tpu.memory_space<vmem>>, %arg13: memref<1x128xf32, #tpu.memory_space<vmem>>, %arg14: memref<128x40xf32, #tpu.memory_space<vmem>>, %arg15: memref<1x40xf32, #tpu.memory_space<vmem>>, %arg16: memref<1000x40xf32, #tpu.memory_space<vmem>>, %arg17: memref<2x256xf32, #tpu.memory_space<vmem>>) attributes {dimension_semantics = [#tpu.dimension_semantics<arbitrary>], iteration_bounds = array<i64: 20>, scalar_prefetch = 0 : i64, scratch_operands = 1 : i64, tpu.core_type = #tpu.core_type<tc>, window_params = [{transform_indices = @transform_0, window_bounds = array<i64: 1000, 128>}, {transform_indices = @transform_1, window_bounds = array<i64: 1000, 128>}, {pipeline_mode = #tpu.pipeline_mode<synchronous>, transform_indices = @transform_2, window_bounds = array<i64: 256, 256>}, {pipeline_mode = #tpu.pipeline_mode<synchronous>, transform_indices = @transform_3, window_bounds = array<i64: 1, 256>}, {transform_indices = @transform_4, window_bounds = array<i64: 1000, 256>}, {transform_indices = @transform_5, window_bounds = array<i64: 1000, 256>}, {pipeline_mode = #tpu.pipeline_mode<synchronous>, transform_indices = @transform_6, window_bounds = array<i64: 2, 256>}, {pipeline_mode = #tpu.pipeline_mode<synchronous>, transform_indices = @transform_7, window_bounds = array<i64: 1, 256>}, {pipeline_mode = #tpu.pipeline_mode<synchronous>, transform_indices = @transform_8, window_bounds = array<i64: 1, 256>}, {pipeline_mode = #tpu.pipeline_mode<synchronous>, transform_indices = @transform_9, window_bounds = array<i64: 1, 256>}, {pipeline_mode = #tpu.pipeline_mode<synchronous>, transform_indices = @transform_10, window_bounds = array<i64: 1, 256>}, {pipeline_mode = #tpu.pipeline_mode<synchronous>, transform_indices = @transform_11, window_bounds = array<i64: 256, 128>}, {pipeline_mode = #tpu.pipeline_mode<synchronous>, transform_indices = @transform_12, window_bounds = array<i64: 1, 128>}, {pipeline_mode = #tpu.pipeline_mode<synchronous>, transform_indices = @transform_13, window_bounds = array<i64: 128, 40>}, {pipeline_mode = #tpu.pipeline_mode<synchronous>, transform_indices = @transform_14, window_bounds = array<i64: 1, 40>}, {transform_indices = @transform_15, window_bounds = array<i64: 1000, 40>}]} {
    %lt3A = arith.constant 10 : i32
    %lt3A_0 = arith.cmpi slt, %arg0, %lt3A : i32
    %convert_element_type3A = arith.extui %lt3A_0 : i1 to i32
    %cond3A = arith.constant 0 : i32
    %cond3A_1 = arith.cmpi ne, %convert_element_type3A, %cond3A : i32
    scf.if %cond3A_1 {
      %get3A = arith.constant 0 : index
      %get3A_6 = arith.constant 0 : index
      %get3A_7 = vector.load %arg1[%get3A, %get3A_6] : memref<1000x128xf32, #tpu.memory_space<vmem>>, vector<1000x128xf32>
      %get3A_8 = arith.constant 0 : index
      %get3A_9 = arith.constant 0 : index
      %get3A_10 = vector.load %arg2[%get3A_8, %get3A_9] : memref<1000x128xf32, #tpu.memory_space<vmem>>, vector<1000x128xf32>
      %concatenate3A = tpu.concatenate %get3A_7, %get3A_10 in 1 : vector<1000x128xf32>, vector<1000x128xf32> -> vector<1000x256xf32>
      %get3A_11 = arith.constant 0 : index
      %get3A_12 = arith.constant 0 : index
      %get3A_13 = vector.load %arg3[%get3A_11, %get3A_12] : memref<256x256xf32, #tpu.memory_space<vmem>>, vector<256x256xf32>
      %dot_general3A = arith.constant dense<0.000000e+00> : vector<1000x256xf32>
      %dot_general3A_14 = tpu.matmul %concatenate3A, %get3A_13, %dot_general3A {dimension_numbers = #tpu.dot_dimension_numbers<[1], [0], [0], [1], [0, 0, 1, 1], [], []>, transpose_lhs_hint = false} : vector<1000x256xf32>, vector<256x256xf32>, vector<1000x256xf32> -> vector<1000x256xf32>
      %get3A_15 = arith.constant 0 : index
      %get3A_16 = arith.constant 0 : index
      %get3A_17 = vector.load %arg5[%get3A_15, %get3A_16] : memref<1000x256xf32, #tpu.memory_space<vmem>>, vector<1000x256xf32>
      %add3A = arith.addf %dot_general3A_14, %get3A_17 : vector<1000x256xf32>
      %get3A_18 = arith.constant 0 : index
      %get3A_19 = arith.constant 0 : index
      %get3A_20 = vector.load %arg4[%get3A_18, %get3A_19] : memref<1x256xf32, #tpu.memory_space<vmem>>, vector<1x256xf32>
      %get3A_21 = vector.shape_cast %get3A_20 : vector<1x256xf32> to vector<256xf32>
      %broadcast_in_dim3A = vector.shape_cast %get3A_21 : vector<256xf32> to vector<1x256xf32>
      %add3A_22 = vector.broadcast %broadcast_in_dim3A : vector<1x256xf32> to vector<1000x256xf32>
      %add3A_23 = arith.addf %add3A, %add3A_22 : vector<1000x256xf32>
      %max3A = arith.constant 0.000000e+00 : f32
      %max3A_24 = vector.broadcast %max3A : f32 to vector<1000x256xf32>
      %max3A_25 = arith.maximumf %add3A_23, %max3A_24 : vector<1000x256xf32>
      %reduce_sum3A = arith.constant dense<0.000000e+00> : vector<256xf32>
      %reduce_sum3A_26 = vector.multi_reduction <add>, %max3A_25, %reduce_sum3A [0] : vector<1000x256xf32> to vector<256xf32>
      %mul3A = arith.mulf %max3A_25, %max3A_25 : vector<1000x256xf32>
      %reduce_sum3A_27 = arith.constant dense<0.000000e+00> : vector<256xf32>
      %reduce_sum3A_28 = vector.multi_reduction <add>, %mul3A, %reduce_sum3A_27 [0] : vector<1000x256xf32> to vector<256xf32>
      %stack3A = vector.shape_cast %reduce_sum3A_26 : vector<256xf32> to vector<1x256xf32>
      %stack3A_29 = vector.shape_cast %reduce_sum3A_28 : vector<256xf32> to vector<1x256xf32>
      %stack3A_30 = tpu.concatenate %stack3A, %stack3A_29 in 0 : vector<1x256xf32>, vector<1x256xf32> -> vector<2x256xf32>
      %eq3A = arith.constant 0 : i32
      %eq3A_31 = arith.cmpi eq, %arg0, %eq3A : i32
      %convert_element_type3A_32 = arith.extui %eq3A_31 : i1 to i32
      %cond3A_33 = arith.constant 0 : i32
      %cond3A_34 = arith.cmpi ne, %convert_element_type3A_32, %cond3A_33 : i32
      scf.if %cond3A_34 {
        %swap3A = arith.constant 0 : index
        %swap3A_39 = arith.constant 0 : index
        %swap3A_40 = vector.load %arg17[%swap3A, %swap3A_39] : memref<2x256xf32, #tpu.memory_space<vmem>>, vector<2x256xf32>
        tpu.vector_store %arg17[%swap3A, %swap3A_39], %stack3A_30 {strides = array<i32>} : memref<2x256xf32, #tpu.memory_space<vmem>>, vector<2x256xf32>,
      } else {
      }
      %gt3A = arith.constant 0 : i32
      %gt3A_35 = arith.cmpi sgt, %arg0, %gt3A : i32
      %convert_element_type3A_36 = arith.extui %gt3A_35 : i1 to i32
      %cond3A_37 = arith.constant 0 : i32
      %cond3A_38 = arith.cmpi ne, %convert_element_type3A_36, %cond3A_37 : i32
      scf.if %cond3A_38 {
        %get3A_39 = arith.constant 0 : index
        %get3A_40 = arith.constant 0 : index
        %get3A_41 = vector.load %arg17[%get3A_39, %get3A_40] : memref<2x256xf32, #tpu.memory_space<vmem>>, vector<2x256xf32>
        %add3A_42 = arith.addf %get3A_41, %stack3A_30 : vector<2x256xf32>
        %swap3A = arith.constant 0 : index
        %swap3A_43 = arith.constant 0 : index
        %swap3A_44 = vector.load %arg17[%swap3A, %swap3A_43] : memref<2x256xf32, #tpu.memory_space<vmem>>, vector<2x256xf32>
        tpu.vector_store %arg17[%swap3A, %swap3A_43], %add3A_42 {strides = array<i32>} : memref<2x256xf32, #tpu.memory_space<vmem>>, vector<2x256xf32>,
      } else {
      }
    } else {
    }
    %ge3A = arith.constant 10 : i32
    %ge3A_2 = arith.cmpi sge, %arg0, %ge3A : i32
    %convert_element_type3A_3 = arith.extui %ge3A_2 : i1 to i32
    %cond3A_4 = arith.constant 0 : i32
    %cond3A_5 = arith.cmpi ne, %convert_element_type3A_3, %cond3A_4 : i32
    scf.if %cond3A_5 {
      %get3A = arith.constant 0 : index
      %get3A_6 = arith.constant 0 : index
      %get3A_7 = vector.load %arg17[%get3A, %get3A_6] : memref<2x256xf32, #tpu.memory_space<vmem>>, vector<2x256xf32>
      %get3A_8 = arith.constant 0 : index
      %get3A_9 = arith.constant 0 : index
      %get3A_10 = vector.load %arg10[%get3A_8, %get3A_9] : memref<1x256xf32, #tpu.memory_space<vmem>>, vector<1x256xf32>
      %get3A_11 = vector.shape_cast %get3A_10 : vector<1x256xf32> to vector<256xf32>
      %get3A_12 = arith.constant 0 : index
      %get3A_13 = arith.constant 0 : index
      %get3A_14 = vector.load %arg11[%get3A_12, %get3A_13] : memref<1x256xf32, #tpu.memory_space<vmem>>, vector<1x256xf32>
      %get3A_15 = vector.shape_cast %get3A_14 : vector<1x256xf32> to vector<256xf32>
      %slice3A = vector.extract_strided_slice %get3A_7 {offsets = [0, 0], sizes = [1, 256], strides = [1, 1]} : vector<2x256xf32> to vector<1x256xf32>
      %squeeze3A = vector.shape_cast %slice3A : vector<1x256xf32> to vector<256xf32>
      %div3A = arith.constant 1.000000e+04 : f32
      %div3A_16 = vector.broadcast %div3A : f32 to vector<256xf32>
      %div3A_17 = arith.divf %squeeze3A, %div3A_16 : vector<256xf32>
      %slice3A_18 = vector.extract_strided_slice %get3A_7 {offsets = [1, 0], sizes = [1, 256], strides = [1, 1]} : vector<2x256xf32> to vector<1x256xf32>
      %squeeze3A_19 = vector.shape_cast %slice3A_18 : vector<1x256xf32> to vector<256xf32>
      %div3A_20 = arith.constant 1.000000e+04 : f32
      %div3A_21 = vector.broadcast %div3A_20 : f32 to vector<256xf32>
      %div3A_22 = arith.divf %squeeze3A_19, %div3A_21 : vector<256xf32>
      %mul3A = arith.mulf %div3A_17, %div3A_17 : vector<256xf32>
      %sub3A = arith.subf %div3A_22, %mul3A : vector<256xf32>
      %add3A = arith.constant 9.99999974E-6 : f32
      %add3A_23 = vector.broadcast %add3A : f32 to vector<256xf32>
      %add3A_24 = arith.addf %sub3A, %add3A_23 : vector<256xf32>
      %rsqrt3A = math.rsqrt %add3A_24 : vector<256xf32>
      %mul3A_25 = arith.mulf %get3A_11, %rsqrt3A : vector<256xf32>
      %mul3A_26 = arith.mulf %div3A_17, %mul3A_25 : vector<256xf32>
      %sub3A_27 = arith.subf %get3A_15, %mul3A_26 : vector<256xf32>
      %get3A_28 = arith.constant 0 : index
      %get3A_29 = arith.constant 0 : index
      %get3A_30 = vector.load %arg7[%get3A_28, %get3A_29] : memref<2x256xf32, #tpu.memory_space<vmem>>, vector<2x256xf32>
      %get3A_31 = arith.constant 0 : index
      %get3A_32 = arith.constant 0 : index
      %get3A_33 = vector.load %arg8[%get3A_31, %get3A_32] : memref<1x256xf32, #tpu.memory_space<vmem>>, vector<1x256xf32>
      %get3A_34 = vector.shape_cast %get3A_33 : vector<1x256xf32> to vector<256xf32>
      %get3A_35 = arith.constant 0 : index
      %get3A_36 = arith.constant 0 : index
      %get3A_37 = vector.load %arg9[%get3A_35, %get3A_36] : memref<1x256xf32, #tpu.memory_space<vmem>>, vector<1x256xf32>
      %get3A_38 = vector.shape_cast %get3A_37 : vector<1x256xf32> to vector<256xf32>
      %slice3A_39 = vector.extract_strided_slice %get3A_30 {offsets = [0, 0], sizes = [1, 256], strides = [1, 1]} : vector<2x256xf32> to vector<1x256xf32>
      %squeeze3A_40 = vector.shape_cast %slice3A_39 : vector<1x256xf32> to vector<256xf32>
      %div3A_41 = arith.constant 1.000000e+04 : f32
      %div3A_42 = vector.broadcast %div3A_41 : f32 to vector<256xf32>
      %div3A_43 = arith.divf %squeeze3A_40, %div3A_42 : vector<256xf32>
      %slice3A_44 = vector.extract_strided_slice %get3A_30 {offsets = [1, 0], sizes = [1, 256], strides = [1, 1]} : vector<2x256xf32> to vector<1x256xf32>
      %squeeze3A_45 = vector.shape_cast %slice3A_44 : vector<1x256xf32> to vector<256xf32>
      %div3A_46 = arith.constant 1.000000e+04 : f32
      %div3A_47 = vector.broadcast %div3A_46 : f32 to vector<256xf32>
      %div3A_48 = arith.divf %squeeze3A_45, %div3A_47 : vector<256xf32>
      %mul3A_49 = arith.mulf %div3A_43, %div3A_43 : vector<256xf32>
      %sub3A_50 = arith.subf %div3A_48, %mul3A_49 : vector<256xf32>
      %add3A_51 = arith.constant 9.99999974E-6 : f32
      %add3A_52 = vector.broadcast %add3A_51 : f32 to vector<256xf32>
      %add3A_53 = arith.addf %sub3A_50, %add3A_52 : vector<256xf32>
      %rsqrt3A_54 = math.rsqrt %add3A_53 : vector<256xf32>
      %mul3A_55 = arith.mulf %get3A_34, %rsqrt3A_54 : vector<256xf32>
      %mul3A_56 = arith.mulf %div3A_43, %mul3A_55 : vector<256xf32>
      %sub3A_57 = arith.subf %get3A_38, %mul3A_56 : vector<256xf32>
      %get3A_58 = arith.constant 0 : index
      %get3A_59 = arith.constant 0 : index
      %get3A_60 = vector.load %arg1[%get3A_58, %get3A_59] : memref<1000x128xf32, #tpu.memory_space<vmem>>, vector<1000x128xf32>
      %get3A_61 = arith.constant 0 : index
      %get3A_62 = arith.constant 0 : index
      %get3A_63 = vector.load %arg2[%get3A_61, %get3A_62] : memref<1000x128xf32, #tpu.memory_space<vmem>>, vector<1000x128xf32>
      %concatenate3A = tpu.concatenate %get3A_60, %get3A_63 in 1 : vector<1000x128xf32>, vector<1000x128xf32> -> vector<1000x256xf32>
      %get3A_64 = arith.constant 0 : index
      %get3A_65 = arith.constant 0 : index
      %get3A_66 = vector.load %arg3[%get3A_64, %get3A_65] : memref<256x256xf32, #tpu.memory_space<vmem>>, vector<256x256xf32>
      %dot_general3A = arith.constant dense<0.000000e+00> : vector<1000x256xf32>
      %dot_general3A_67 = tpu.matmul %concatenate3A, %get3A_66, %dot_general3A {dimension_numbers = #tpu.dot_dimension_numbers<[1], [0], [0], [1], [0, 0, 1, 1], [], []>, transpose_lhs_hint = false} : vector<1000x256xf32>, vector<256x256xf32>, vector<1000x256xf32> -> vector<1000x256xf32>
      %get3A_68 = arith.constant 0 : index
      %get3A_69 = arith.constant 0 : index
      %get3A_70 = vector.load %arg5[%get3A_68, %get3A_69] : memref<1000x256xf32, #tpu.memory_space<vmem>>, vector<1000x256xf32>
      %add3A_71 = arith.addf %dot_general3A_67, %get3A_70 : vector<1000x256xf32>
      %get3A_72 = arith.constant 0 : index
      %get3A_73 = arith.constant 0 : index
      %get3A_74 = vector.load %arg4[%get3A_72, %get3A_73] : memref<1x256xf32, #tpu.memory_space<vmem>>, vector<1x256xf32>
      %get3A_75 = vector.shape_cast %get3A_74 : vector<1x256xf32> to vector<256xf32>
      %broadcast_in_dim3A = vector.shape_cast %get3A_75 : vector<256xf32> to vector<1x256xf32>
      %add3A_76 = vector.broadcast %broadcast_in_dim3A : vector<1x256xf32> to vector<1000x256xf32>
      %add3A_77 = arith.addf %add3A_71, %add3A_76 : vector<1000x256xf32>
      %max3A = arith.constant 0.000000e+00 : f32
      %max3A_78 = vector.broadcast %max3A : f32 to vector<1000x256xf32>
      %max3A_79 = arith.maximumf %add3A_77, %max3A_78 : vector<1000x256xf32>
      %broadcast_in_dim3A_80 = vector.shape_cast %mul3A_25 : vector<256xf32> to vector<1x256xf32>
      %mul3A_81 = vector.broadcast %broadcast_in_dim3A_80 : vector<1x256xf32> to vector<1000x256xf32>
      %mul3A_82 = arith.mulf %max3A_79, %mul3A_81 : vector<1000x256xf32>
      %broadcast_in_dim3A_83 = vector.shape_cast %sub3A_27 : vector<256xf32> to vector<1x256xf32>
      %add3A_84 = vector.broadcast %broadcast_in_dim3A_83 : vector<1x256xf32> to vector<1000x256xf32>
      %add3A_85 = arith.addf %mul3A_82, %add3A_84 : vector<1000x256xf32>
      %get3A_86 = arith.constant 0 : index
      %get3A_87 = arith.constant 0 : index
      %get3A_88 = vector.load %arg6[%get3A_86, %get3A_87] : memref<1000x256xf32, #tpu.memory_space<vmem>>, vector<1000x256xf32>
      %broadcast_in_dim3A_89 = vector.shape_cast %mul3A_55 : vector<256xf32> to vector<1x256xf32>
      %mul3A_90 = vector.broadcast %broadcast_in_dim3A_89 : vector<1x256xf32> to vector<1000x256xf32>
      %mul3A_91 = arith.mulf %get3A_88, %mul3A_90 : vector<1000x256xf32>
      %broadcast_in_dim3A_92 = vector.shape_cast %sub3A_57 : vector<256xf32> to vector<1x256xf32>
      %add3A_93 = vector.broadcast %broadcast_in_dim3A_92 : vector<1x256xf32> to vector<1000x256xf32>
      %add3A_94 = arith.addf %mul3A_91, %add3A_93 : vector<1000x256xf32>
      %add3A_95 = arith.addf %add3A_85, %add3A_94 : vector<1000x256xf32>
      %get3A_96 = arith.constant 0 : index
      %get3A_97 = arith.constant 0 : index
      %get3A_98 = vector.load %arg12[%get3A_96, %get3A_97] : memref<256x128xf32, #tpu.memory_space<vmem>>, vector<256x128xf32>
      %dot_general3A_99 = arith.constant dense<0.000000e+00> : vector<1000x128xf32>
      %dot_general3A_100 = tpu.matmul %add3A_95, %get3A_98, %dot_general3A_99 {dimension_numbers = #tpu.dot_dimension_numbers<[1], [0], [0], [1], [0, 0, 1, 1], [], []>, transpose_lhs_hint = false} : vector<1000x256xf32>, vector<256x128xf32>, vector<1000x128xf32> -> vector<1000x128xf32>
      %get3A_101 = arith.constant 0 : index
      %get3A_102 = arith.constant 0 : index
      %get3A_103 = vector.load %arg13[%get3A_101, %get3A_102] : memref<1x128xf32, #tpu.memory_space<vmem>>, vector<1x128xf32>
      %get3A_104 = vector.shape_cast %get3A_103 : vector<1x128xf32> to vector<128xf32>
      %broadcast_in_dim3A_105 = vector.shape_cast %get3A_104 : vector<128xf32> to vector<1x128xf32>
      %add3A_106 = vector.broadcast %broadcast_in_dim3A_105 : vector<1x128xf32> to vector<1000x128xf32>
      %add3A_107 = arith.addf %dot_general3A_100, %add3A_106 : vector<1000x128xf32>
      %max3A_108 = arith.constant 0.000000e+00 : f32
      %max3A_109 = vector.broadcast %max3A_108 : f32 to vector<1000x128xf32>
      %max3A_110 = arith.maximumf %add3A_107, %max3A_109 : vector<1000x128xf32>
      %get3A_111 = arith.constant 0 : index
      %get3A_112 = arith.constant 0 : index
      %get3A_113 = vector.load %arg14[%get3A_111, %get3A_112] : memref<128x40xf32, #tpu.memory_space<vmem>>, vector<128x40xf32>
      %dot_general3A_114 = arith.constant dense<0.000000e+00> : vector<1000x40xf32>
      %dot_general3A_115 = tpu.matmul %max3A_110, %get3A_113, %dot_general3A_114 {dimension_numbers = #tpu.dot_dimension_numbers<[1], [0], [0], [1], [0, 0, 1, 1], [], []>, transpose_lhs_hint = false} : vector<1000x128xf32>, vector<128x40xf32>, vector<1000x40xf32> -> vector<1000x40xf32>
      %get3A_116 = arith.constant 0 : index
      %get3A_117 = arith.constant 0 : index
      %get3A_118 = vector.load %arg15[%get3A_116, %get3A_117] : memref<1x40xf32, #tpu.memory_space<vmem>>, vector<1x40xf32>
      %get3A_119 = vector.shape_cast %get3A_118 : vector<1x40xf32> to vector<40xf32>
      %broadcast_in_dim3A_120 = vector.shape_cast %get3A_119 : vector<40xf32> to vector<1x40xf32>
      %add3A_121 = vector.broadcast %broadcast_in_dim3A_120 : vector<1x40xf32> to vector<1000x40xf32>
      %add3A_122 = arith.addf %dot_general3A_115, %add3A_121 : vector<1000x40xf32>
      %swap3A = arith.constant 0 : index
      %swap3A_123 = arith.constant 0 : index
      %swap3A_124 = vector.load %arg16[%swap3A, %swap3A_123] : memref<1000x40xf32, #tpu.memory_space<vmem>>, vector<1000x40xf32>
      tpu.vector_store %arg16[%swap3A, %swap3A_123], %add3A_122 {strides = array<i32>} : memref<1000x40xf32, #tpu.memory_space<vmem>>, vector<1000x40xf32>,
    } else {
    }
    return
  }
  func.func @transform_0(%arg0: i32) -> (i32, i32) {
    %lt3A = arith.constant 10 : i32
    %lt3A_0 = arith.cmpi slt, %arg0, %lt3A : i32
    %sub3A = arith.constant 10 : i32
    %sub3A_1 = arith.subi %arg0, %sub3A : i32
    %select_n3A = arith.select %lt3A_0, %arg0, %sub3A_1 : i32
    %c0_i32 = arith.constant 0 : i32
    %c0_i32_2 = arith.constant 0 : i32
    return %select_n3A, %c0_i32 : i32, i32
  }
  func.func @transform_1(%arg0: i32) -> (i32, i32) {
    %lt3A = arith.constant 10 : i32
    %lt3A_0 = arith.cmpi slt, %arg0, %lt3A : i32
    %sub3A = arith.constant 10 : i32
    %sub3A_1 = arith.subi %arg0, %sub3A : i32
    %select_n3A = arith.select %lt3A_0, %arg0, %sub3A_1 : i32
    %add3A = arith.constant 10 : i32
    %add3A_2 = arith.addi %add3A, %select_n3A : i32
    %c0_i32 = arith.constant 0 : i32
    %c0_i32_3 = arith.constant 0 : i32
    return %add3A_2, %c0_i32 : i32, i32
  }
  func.func @transform_2(%arg0: i32) -> (i32, i32) {
    %c0_i32 = arith.constant 0 : i32
    %c0_i32_0 = arith.constant 0 : i32
    %c0_i32_1 = arith.constant 0 : i32
    return %c0_i32, %c0_i32_0 : i32, i32
  }
  func.func @transform_3(%arg0: i32) -> (i32, i32) {
    %c0_i32 = arith.constant 0 : i32
    %c0_i32_0 = arith.constant 0 : i32
    %c0_i32_1 = arith.constant 0 : i32
    return %c0_i32, %c0_i32_0 : i32, i32
  }
  func.func @transform_4(%arg0: i32) -> (i32, i32) {
    %lt3A = arith.constant 10 : i32
    %lt3A_0 = arith.cmpi slt, %arg0, %lt3A : i32
    %sub3A = arith.constant 10 : i32
    %sub3A_1 = arith.subi %arg0, %sub3A : i32
    %select_n3A = arith.select %lt3A_0, %arg0, %sub3A_1 : i32
    %c0_i32 = arith.constant 0 : i32
    %c0_i32_2 = arith.constant 0 : i32
    return %select_n3A, %c0_i32 : i32, i32
  }
  func.func @transform_5(%arg0: i32) -> (i32, i32) {
    %lt3A = arith.constant 10 : i32
    %lt3A_0 = arith.cmpi slt, %arg0, %lt3A : i32
    %sub3A = arith.constant 10 : i32
    %sub3A_1 = arith.subi %arg0, %sub3A : i32
    %jit3A = arith.constant 0 : i32
    %select_n3A = arith.select %lt3A_0, %jit3A, %sub3A_1 : i32
    %c0_i32 = arith.constant 0 : i32
    %c0_i32_2 = arith.constant 0 : i32
    return %select_n3A, %c0_i32 : i32, i32
  }
  func.func @transform_6(%arg0: i32) -> (i32, i32) {
    %c0_i32 = arith.constant 0 : i32
    %c0_i32_0 = arith.constant 0 : i32
    %c0_i32_1 = arith.constant 0 : i32
    return %c0_i32, %c0_i32_0 : i32, i32
  }
  func.func @transform_7(%arg0: i32) -> (i32, i32) {
    %c0_i32 = arith.constant 0 : i32
    %c0_i32_0 = arith.constant 0 : i32
    %c0_i32_1 = arith.constant 0 : i32
    return %c0_i32, %c0_i32_0 : i32, i32
  }
  func.func @transform_8(%arg0: i32) -> (i32, i32) {
    %c0_i32 = arith.constant 0 : i32
    %c0_i32_0 = arith.constant 0 : i32
    %c0_i32_1 = arith.constant 0 : i32
    return %c0_i32, %c0_i32_0 : i32, i32
  }
  func.func @transform_9(%arg0: i32) -> (i32, i32) {
    %c0_i32 = arith.constant 0 : i32
    %c0_i32_0 = arith.constant 0 : i32
    %c0_i32_1 = arith.constant 0 : i32
    return %c0_i32, %c0_i32_0 : i32, i32
  }
  func.func @transform_10(%arg0: i32) -> (i32, i32) {
    %c0_i32 = arith.constant 0 : i32
    %c0_i32_0 = arith.constant 0 : i32
    %c0_i32_1 = arith.constant 0 : i32
    return %c0_i32, %c0_i32_0 : i32, i32
  }
  func.func @transform_11(%arg0: i32) -> (i32, i32) {
    %c0_i32 = arith.constant 0 : i32
    %c0_i32_0 = arith.constant 0 : i32
    %c0_i32_1 = arith.constant 0 : i32
    return %c0_i32, %c0_i32_0 : i32, i32
  }
  func.func @transform_12(%arg0: i32) -> (i32, i32) {
    %c0_i32 = arith.constant 0 : i32
    %c0_i32_0 = arith.constant 0 : i32
    %c0_i32_1 = arith.constant 0 : i32
    return %c0_i32, %c0_i32_0 : i32, i32
  }
  func.func @transform_13(%arg0: i32) -> (i32, i32) {
    %c0_i32 = arith.constant 0 : i32
    %c0_i32_0 = arith.constant 0 : i32
    %c0_i32_1 = arith.constant 0 : i32
    return %c0_i32, %c0_i32_0 : i32, i32
  }
  func.func @transform_14(%arg0: i32) -> (i32, i32) {
    %c0_i32 = arith.constant 0 : i32
    %c0_i32_0 = arith.constant 0 : i32
    %c0_i32_1 = arith.constant 0 : i32
    return %c0_i32, %c0_i32_0 : i32, i32
  }
  func.func @transform_15(%arg0: i32) -> (i32, i32) {
    %lt3A = arith.constant 10 : i32
    %lt3A_0 = arith.cmpi slt, %arg0, %lt3A : i32
    %sub3A = arith.constant 10 : i32
    %sub3A_1 = arith.subi %arg0, %sub3A : i32
    %jit3A = arith.constant 0 : i32
    %select_n3A = arith.select %lt3A_0, %jit3A, %sub3A_1 : i32
    %c0_i32 = arith.constant 0 : i32
    %c0_i32_2 = arith.constant 0 : i32
    return %select_n3A, %c0_i32 : i32, i32
  }
}

</mosaic_0001>

<sc_bundles>
// kernel: kernel.11.cloned.1.call-start
scs
__scs_entry_jumppad:
0x0: {  	(pc) =	sbr.rel $0x88, $3  }
0x1: {  	(tag) =	ssettag $0x0;
	lr =	simm.s32 $0x1  }
0x2: {  	[smem:$0x3F90] =	sst lr;
	_ =	strace $0xD0000000  }
0x3: {  	_ = 	snop  }
0x4: {  	_ = 	snop  }
0x5: {  	_ = 	snop  }
0x6: {  	_ = 	snop  }
0x7: {  	_ = 	snop  }
__scs_overlays_trampoline_lowered:
0x8: {  	[smem:$0x3F9F] =	sst s0  }
0x9: {  	[smem:$0x3FA0] =	sst s1  }
0xa: {  	[smem:$0x3FA1] =	sst s2  }
0xb: {  	[smem:$0x3FA2] =	sst s3  }
0xc: {  	[smem:$0x3FA3] =	sst s4  }
0xd: {  	[smem:$0x3FA4] =	sst s5  }
0xe: {  	[smem:$0x3FA5] =	sst s6  }
0xf: {  	[smem:$0x3FA6] =	sst s7  }
0x10: {  	[smem:$0x3FA7] =	sst s8  }
0x11: {  	[smem:$0x3FA8] =	sst s9;
	s0 =	simm.s32 @!p0 $0x0  }
0x12: {  	s1 =	sld [smem:$0x3F8E];
	s0 =	simm.s32 @p0 $0x1  }
0x13: {  	[smem:$0x3FA9] =	sst s0;
	s0 =	simm.s32 @!p1 $0x0  }
0x14: {  	s2 =	sld [smem:$0x3F8D];
	s0 =	simm.s32 @p1 $0x1  }
0x15: {  	[smem:$0x3FAA] =	sst s0;
	s0 =	simm.s32 @!p2 $0x0  }
0x16: {  	s3 =	sld [smem:$0x3FDB];
	s0 =	simm.s32 @p2 $0x1  }
0x17: {  	s4 =	simm.s32 $0x1BF5;
	[smem:$0x3FAC] =	sst s0  }
0x18: {  	s0 =	sld [smem:$0x3F8F];
	_ =	swait.ge [sflag:s4], $0x0  }
0x19: {  	s7 =	sld [smem:$0x3F90]  }
0x1a: {  	s8 =	sadd.s32 $0xFFFFE003, lr  }
0x1b: {  	s9 =	sadd.s32 $0xFFFFFEF7, lr;
	s5 =	simm.s32 $0xFFFFFFFF;
	p2 =	slt.u32 s8, $0xFFFFF086  }
0x1c: {  	p1 =	slt.u32 s9, $0xF7A;
	s5 =	simm.s32 @!p2 $0x0  }
0x1d: {  	s5 =	simm.s32 @p1 $0x1;
	p0 =	seq.s32 s7, s2  }
0x1e: {  	s7 =	smul.u32 @!p0 $0xF7A, s2;
	p2 =	seq.s32 @!p0 s5, $0x0  }
0x1f: {  	s9 =	smul.u32 $0xF7A, s1;
	s8 =	simm.s32 @!p0 $0x1BF5;
	p2 =	por !p2, p0  }
0x20: {  	[sflag:s8] =	ssyncset.s32 @!p0 $0xFFFFF086;
	s6 =	sadd.s32 @!p0 s3, s7;
	s7 =	simm.s32 @!p0 $0x108  }
0x21: {  	s3 =	sadd.s32 s3, s9;
	s6 =	sadd.s32 @!p0 $0x88, s6;
	s7 =	simm.s32 @p2 $0x1082  }
0x22: {  	[simem:s7], [sflag:s8] =	dma.local @!p0 [hbm:s6], $0xF7A  }
0x23: {  	s9 =	sor.u32 $0xD0000000, s2;
	s6 =	simm.s32 $0x108;
	_ =	swait.ge @!p0 [sflag:s8], $0x0  }
0x24: {  	s3 =	sadd.s32 $0x88, s3;
	s6 =	simm.s32 @!p1 $0x1082;
	[sflag:s4] =	ssyncset.s32 $0xFFFFF086  }
0x25: {  	[simem:s6], [sflag:s4] =	dma.local [hbm:s3], $0xF7A  }
0x26: {  	[smem:$0x3F90] =	sst s1;
	(tag) =	ssettag s2;
	_ =	strace s9  }
0x27: {  	s1 =	sld [smem:$0x3FA0]  }
0x28: {  	s2 =	sld [smem:$0x3FA1]  }
0x29: {  	s4 =	sld [smem:$0x3FA3]  }
0x2a: {  	p0 =	seq.s32 s5, $0x0;
	s5 =	sld [smem:$0x3FA4]  }
0x2b: {  	s6 =	sld [smem:$0x3FA5]  }
0x2c: {  	s7 =	sld [smem:$0x3FA6]  }
0x2d: {  	s3 =	simm.s32 $0x108;
	s8 =	sld [smem:$0x3FA7]  }
0x2e: {  	s3 =	simm.s32 @!p0 $0x1082;
	s9 =	sld [smem:$0x3FA8]  }
0x2f: {  	lr =	sadd.s32 s0, s3;
	s0 =	sld [smem:$0x3F9F]  }
0x30: {  	s3 =	sld [smem:$0x3FA2]  }
0x31: {  	[smem:$0x3FAB] =	sst s10  }
0x32: {  	s10 =	sld [smem:$0x3FA9];
	_ =	sdelay $0x3  }
0x33: {  	p0 =	seq.s32 s10, $0x1;
	s10 =	sld [smem:$0x3FAB];
	_ =	sdelay $0x3  }
0x34: {  	[smem:$0x3FAB] =	sst s10  }
0x35: {  	s10 =	sld [smem:$0x3FAA];
	_ =	sdelay $0x3  }
0x36: {  	p1 =	seq.s32 s10, $0x1;
	s10 =	sld [smem:$0x3FAB];
	_ =	sdelay $0x3  }
0x37: {  	[smem:$0x3FAB] =	sst s10  }
0x38: {  	s10 =	sld [smem:$0x3FAC]  }
0x39: {  	_ = 	snop;
	(pc) =	sbr.ind lr, $3  }
0x3a: {  	_ = 	snop  }
0x3b: {  	_ = 	snop  }
0x3c: {  	p2 =	seq.s32 s10, $0x1;
	s10 =	sld [smem:$0x3FAB]  }
0x3d: {  	_ =	shalt  }
0x3e: {  	_ =	shalt  }
0x3f: {  	_ =	shalt  }
0x40: {  	_ =	shalt  }
0x41: {  	_ =	shalt  }
0x42: {  	_ =	shalt  }
0x43: {  	_ =	shalt  }
0x44: {  	_ =	shalt  }
0x45: {  	_ =	shalt  }
0x46: {  	_ =	shalt  }
0x47: {  	_ =	shalt  }
0x48: {  	_ =	shalt  }
0x49: {  	_ =	shalt  }
0x4a: {  	_ =	shalt  }
0x4b: {  	_ =	shalt  }
0x4c: {  	_ =	shalt  }
0x4d: {  	_ =	shalt  }
0x4e: {  	_ =	shalt  }
0x4f: {  	_ =	shalt  }
0x50: {  	_ =	shalt  }
0x51: {  	_ =	shalt  }
0x52: {  	_ =	shalt  }
0x53: {  	_ =	shalt  }
0x54: {  	_ =	shalt  }
0x55: {  	_ =	shalt  }
0x56: {  	_ =	shalt  }
0x57: {  	_ =	shalt  }
0x58: {  	_ =	shalt  }
0x59: {  	_ =	shalt  }
0x5a: {  	_ =	shalt  }
0x5b: {  	_ =	shalt  }
0x5c: {  	_ =	shalt  }
0x5d: {  	_ =	shalt  }
0x5e: {  	_ =	shalt  }
0x5f: {  	_ =	shalt  }
0x60: {  	_ =	shalt  }
0x61: {  	_ =	shalt  }
0x62: {  	_ =	shalt  }
0x63: {  	_ =	shalt  }
0x64: {  	_ =	shalt  }
0x65: {  	_ =	shalt  }
0x66: {  	_ =	shalt  }
0x67: {  	_ =	shalt  }
0x68: {  	_ =	shalt  }
0x69: {  	_ =	shalt  }
0x6a: {  	_ =	shalt  }
0x6b: {  	_ =	shalt  }
0x6c: {  	_ =	shalt  }
0x6d: {  	_ =	shalt  }
0x6e: {  	_ =	shalt  }
0x6f: {  	_ =	shalt  }
0x70: {  	_ =	shalt  }
0x71: {  	_ =	shalt  }
0x72: {  	_ =	shalt  }
0x73: {  	_ =	shalt  }
0x74: {  	_ =	shalt  }
0x75: {  	_ =	shalt  }
0x76: {  	_ =	shalt  }
0x77: {  	_ =	shalt  }
0x78: {  	_ =	shalt  }
0x79: {  	_ =	shalt  }
0x7a: {  	_ =	shalt  }
0x7b: {  	_ =	shalt  }
0x7c: {  	_ =	shalt  }
0x7d: {  	_ =	shalt  }
0x7e: {  	_ =	shalt  }
0x7f: {  	_ =	shalt  }
0x80: {  	_ =	shalt  }
0x81: {  	_ =	shalt  }
0x82: {  	_ =	shalt  }
0x83: {  	_ =	shalt  }
0x84: {  	_ =	shalt  }
0x85: {  	_ =	shalt  }
0x86: {  	_ =	shalt  }
0x87: {  	_ =	shalt  }
.Lfunc_end0:
.L_simem_size_0:
called_computation.1_lowered:
.L_overlay_start_0:
0x88: {  	s2 =	sld [smem:$0x3FD9]  }
0x89: {  	s3 =	sld [smem:$0x3FFE];
	_ =	sdelay $0x1  }
0x8a: {  	s1 =	srdreg.scid  }
0x8b: {  	s0 =	sand.u32 $0x1, s1  }
0x8c: {  	s17 =	sshll.u32 s0, $0xA;
	s2 =	sadd.s32 s3, s2  }
0x8d: {  	s2 =	sadd.s32 s2, s17  }
0x8e: {  	[smem:$0x3FB7] =	sst s2  }
0x8f: {  	_ = 	snop  }
0x90: {  	s2 =	sld [smem:$0x3FD0];
	(tm) =	ssettm $0x1  }
0x91: {  	s18 =	sld [smem:$0x3FFB];
	_ =	sdelay $0x3  }
0x92: {  	_ =	strace s18  }
0x93: {  	s3 =	sld [smem:$0x3FFC];
	_ =	sdelay $0x3  }
0x94: {  	_ =	strace s3  }
0x95: {  	s3 =	sld [smem:$0x3FFD];
	_ =	sdelay $0x3  }
0x96: {  	_ =	strace s3  }
0x97: {  	_ =	strace $0x8FFFFFFF  }
0x98: {  	s19 =	sld [smem:$0x3FDB];
	_ =	sdelay $0x1  }
0x99: {  	s4 =	simm.s32 $_scs_section_size  }
0x9a: {  	s5 =	simm.s32 $_size__tile_overlayer_lowered;
	s6 =	simm.s32 $_tile_overlayer_lowered  }
0x9b: {  	s22 =	simm.s32 $0x1BFF;
	s21 =	sshll.u32 s6, $0x1;
	s3 =	sadd.s32 s4, s19  }
0x9c: {  	s7 =	simm.s32 $0x0;
	s20 =	sshll.u32 s5, $0x1;
	s5 =	sadd.s32 s21, s3  }
0x9d: {  	[timem:s7], [sflag:s22] =	dma.local [hbm:s5], s20  }
0x9e: {  	_ =	swait.ge [sflag:s22], s20  }
0x9f: {  	s4 =	ssub.s32 $0x0, s20;
	[sflag:s22] =	ssyncset.done $0x0  }
0xa0: {  	[sflag:s22] =	ssyncadd.s32 s4;
	_ =	sdelay $0x1  }
0xa1: {  	s23 =	simm.s32 $0x1B8B  }
0xa2: {  	_ =	swait.ge [sflag:s23], $0x1  }
0xa3: {  	[sflag:s23] =	ssyncset.done $0x0  }
0xa4: {  	s25 =	simm.s32 $0x1B8E;
	s24 =	sld [smem:$0x3FFE];
	[sflag:s23] =	ssyncadd.s32 $0xFFFFFFFF  }
0xa5: {  	s26 =	simm.s32 $execute0_lowered;
	[smem:$0x3FD2] =	sst s25  }
0xa6: {  	s5 =	sshll.u32 s26, $0x1;
	_ =	strace $0x80000049;
	[dreg:$0x1] =	wrdreg $0xFFFFFFFF  }
0xa7: {  	s28 =	simm.s32 $_size_execute0_lowered;
	s3 =	sadd.s32 s3, s5;
	[dreg:$0x0] =	wrdreg $0x0  }
0xa8: {  	s5 =	sshll.u32 s28, $0x1;
	[dreg:$0x2] =	wrdreg s3  }
0xa9: {  	[dreg:$0x3] =	wrdreg s5  }
0xaa: {  	[dreg:$0x4] =	wrdreg $0xC0  }
0xab: {  	_ =	task [dreg:s7], $0x5FFFF  }
0xac: {  	[dreg:$0x1] =	wrdreg $0xFFFFFFFF  }
0xad: {  	[dreg:$0x0] =	wrdreg $0x60  }
0xae: {  	[dreg:$0x2] =	wrdreg s2  }
0xaf: {  	[dreg:$0x3] =	wrdreg s24  }
0xb0: {  	[dreg:$0x4] =	wrdreg $0xA8000  }
0xb1: {  	[dreg:$0x5] =	wrdreg $0x9  }
0xb2: {  	_ =	task.clear_ibuf [dreg:s7], $0x6FFFF;
	_ =	strace $0x90000049  }
0xb3: {  	s29 =	simm.s32 $0x9;
	_ =	strace $0x8000004B  }
0xb4: {  	_ =	swait.ge [sflag:s29], $0x1  }
0xb5: {  	[sflag:s29] =	ssyncadd.s32 $0xFFFFFFFF  }
0xb6: {  	_ =	strace $0x9000004B  }
0xb7: {  	_ =	sfence  }
0xb8: {  	s30 =	sld [smem:$0x0];
	_ =	sdelay $0x2  }
0xb9: {  	s31 =	sshll.u32 s1, $0xD;
	s1 =	sshrl.u32 s1, $0x2  }
0xba: {  	s3 =	sand.u32 $0x4000, s31;
	s1 =	sadd.s32 s1, s30  }
0xbb: {  	s0 =	sor.u32 s3, s0;
	s1 =	sshll.u32 s1, $0x11  }
0xbc: {  	s0 =	sor.u32 s1, s0  }
0xbd: {  	s0 =	sadd.s32 $0x8F2B, s0  }
0xbe: {  	[sflag:s0] =	ssyncadd.remote.s32 $0x1  }
0xbf: {  	_ =	sfence.sel $0xFFFF  }
0xc0: {  	[dreg:$0x0] =	wrdreg $0xFFFFFFFF;
	(pc) =	sbr.abs _section_cstart, $3  }
0xc1: {  	[dreg:$0x1] =	wrdreg $0xFFFFFFFF  }
0xc2: {  	_ =	task.clear_ibuf [dreg:s7], $0x2FFFF;
	_ =	strace $0x9FFFFFFF  }
0xc3: {  	(tm) =	ssettm $0x7FFFFFFF  }
tec
execute0_lowered:
.L_overlay_start_1:
0x0: {  	(tag) =	ssettag $0x1  }
0x1: {  	s6 =	rddreg [dreg:$0x0]  }
0x2: {  	s5 =	rddreg [dreg:$0x1]  }
0x3: {  	s2 =	rddreg [dreg:$0x2]  }
0x4: {  	s0 =	rddreg [dreg:$0x3];
	s1 =	stileid.u32  }
0x5: {  	s3 =	simm.s32 $0x0;
	s7 =	srdreg.scid;
	s17 =	simm.s32 $0x7D  }
0x6: {  	s18 =	simm.s32 $0x2800;
	s19 =	simm.s32 $0x6800;
	s20 =	simm.s32 $0x1  }
0x7: {  	s21 =	simm.s32 $0x2;
	s22 =	simm.s32 $0x1380;
	s23 =	simm.s32 $0x2700  }
0x8: {  	s24 =	simm.s32 $0x2780;
	s25 =	simm.s32 $0x0;
	s4 =	smul.u32 $0x2800, s1  }
0x9: {  	[smem:$0x7FF] =	sst s3;
	s7 =	sand.u32 $0x1, s7;
	s8 =	smul.u32 $0x280, s1  }
0xa: {  	s29 =	smul.u32 $0x50000, s1;
	s15 =	sadd.s32 $0x12C000, s2;
	p0 =	seq.s32 s1, $0xF  }
0xb: {  	_ =	strace $0x8000004A;
	s9 =	smul.u32 $0x2710, s7;
	s11 =	sshll.u32 s7, $0x4  }
0xc: {  	s7 =	ssub.s32 $0x2, s7;
	s16 =	sshll.u32 @!p0 s1, $0x6;
	s4 =	sshrl.u32 s4, $0x3  }
0xd: {  	s28 =	sor.u32 s1, s11;
	s30 =	sshrl.u32 s7, $0x1;
	s11 =	sshrl.u32 s29, $0x2  }
0xe: {  	s10 =	sadd.s32 s4, s5;
	s4 =	sadd.s32 $0x5C400, s5;
	s8 =	sadd.s32 s8, s9  }
0xf: {  	s9 =	smul.u32 $0x2800, s28;
	s13 =	ssub.s32 s7, s30;
	s14 =	sadd.s32 s11, s2  }
0x10: {  	s8 =	sshll.u32 s8, $0x4;
	s7 =	sadd.s32 $0x57400, s10;
	s11 =	smax.u32 s13, $0x1  }
0x11: {  	s13 =	sor.u32 @!p0 $0x1C03, s16;
	s14 =	sshrl.u32 @!p0 s14, $0x3;
	s16 =	simm.s32 $0x1400  }
0x12: {  	s12 =	sadd.s32 s8, s5;
	s31 =	sshrl.u32 s9, $0x3;
	s5 =	sadd.s32 s4, s8  }
0x13: {  	s9 =	sadd.s32 $0x57680, s10;
	s6 =	sadd.s32 s6, s31;
	s10 =	sadd.s32 $0xAA600, s12  }
0x14: {  	s12 =	sshrl.u32 @p0 s15, $0x3;
	s15 =	simm.s32 $0x3;
	s8 =	sadd.s32 $0x280, s6  }
.LBB2_1:
0x15: {  	s26 =	simm.s32 @p0 $0x1FC3  }
0x16: {  	[spmem:s12], [sflag:s26] =	dma.local @p0 [hbm:s5], $0x1900  }
0x17: {  	s26 =	simm.s32 @p0 $0x3  }
0x18: {  	_ =	swait.ge @p0 [sflag:s26], $0x1900  }
0x19: {  	[sflag:s26] =	ssyncset.done @p0 $0x0  }
0x1a: {  	[sflag:s26] =	ssyncadd.s32 @p0 $0xFFFFE700;
	s26 =	simm.s32 @!p0 $0x3  }
0x1b: {  	[spmem:s14], [sflag:s13] =	dma.local @!p0 [hbm:s5], $0x2800  }
0x1c: {  	_ =	swait.ge @!p0 [sflag:s26], $0x2800  }
0x1d: {  	[sflag:s26] =	ssyncset.done @!p0 $0x0  }
0x1e: {  	[sflag:s26] =	ssyncadd.s32 @!p0 $0xFFFFD800  }
0x1f: {  	[bflag:$0x0] =	sbarrier.arrive $0xFFFF  }
0x20: {  	[tilespmem:s3], [sflag:$0x3] =	stream.linear.gather [hbm4b:s6+s3], $0x1400, $0x38;
	[tilespmem:$0x1E080] =	vst v63  }
0x21: {  	_ =	swait.ge [sflag:s15], $0x1400  }
0x22: {  	[sflag:s15] =	ssyncset.done $0x0  }
0x23: {  	[sflag:s15] =	ssyncadd.s32 $0xFFFFEC00  }
0x24: {  	[tilespmem:s16], [sflag:$0x3] =	stream.linear.gather [hbm4b:s7+s3], $0x1400, $0x38;
	[tilespmem:$0x1E080] =	vst v63  }
0x25: {  	_ =	swait.ge [sflag:s15], $0x1400  }
0x26: {  	[sflag:s15] =	ssyncset.done $0x0  }
0x27: {  	[sflag:s15] =	ssyncadd.s32 $0xFFFFEC00  }
0x28: {  	[tilespmem:s18], [sflag:$0x1] =	stream.indirect.gather [hbm4b:s4+s17], $0x80, s3, s17, $0xb8;
	[tilespmem:$0x1E080] =	vst v63  }
0x29: {  	s31 =	simm.s32 $0x80  }
0x2a: {  	[tilespmem:s19], [sflag:$0x2] =	stream.indirect.gather [hbm4b:s4+s17], $0x80, s31, s17, $0xb8;
	[tilespmem:$0x1E080] =	vst v63  }
0x2b: {  	_ =	swait.ge [sflag:s20], $0x3E80  }
0x2c: {  	[sflag:s20] =	ssyncset.done $0x0  }
0x2d: {  	s29 =	simm.s32 $0x1400;
	[sflag:s20] =	ssyncadd.s32 $0xFFFFC180  }
0x2e: {  	[spmem:s2] =	stream.indirect.scatter.add.f32 [tilespmem:s18], [sflag:$0x3], $0x80, s29, s17, $0xb8;
	[tilespmem:$0x1E080] =	vst v63  }
0x2f: {  	_ =	swait.ge [sflag:s15], $0x3E80  }
0x30: {  	[sflag:s15] =	ssyncset.done $0x0  }
0x31: {  	s30 =	simm.s32 $0x100;
	[sflag:s15] =	ssyncadd.s32 $0xFFFFC180  }
0x32: {  	[tilespmem:s18], [sflag:$0x1] =	stream.indirect.gather [hbm4b:s4+s17], $0x80, s30, s17, $0xb8;
	[tilespmem:$0x1E080] =	vst v63  }
0x33: {  	_ =	swait.ge [sflag:s21], $0x3E80  }
0x34: {  	[sflag:s21] =	ssyncset.done $0x0  }
0x35: {  	s31 =	simm.s32 $0x1480;
	[sflag:s21] =	ssyncadd.s32 $0xFFFFC180  }
0x36: {  	[spmem:s2] =	stream.indirect.scatter.add.f32 [tilespmem:s19], [sflag:$0x3], $0x80, s31, s17, $0xb8;
	[tilespmem:$0x1E080] =	vst v63  }
0x37: {  	_ =	swait.ge [sflag:s15], $0x3E80  }
0x38: {  	s28 =	simm.s32 $0x800;
	s26 =	simm.s32 $0x100;
	[sflag:s15] =	ssyncset.done $0x0  }
.LBB2_2:
0x39: {  	s29 =	sadd.s32 $0x80, s26  }
0x3a: {  	[sflag:s15] =	ssyncadd.s32 $0xFFFFC180;
	s30 =	smov.u32 s28;
	s31 =	sadd.s32 $0x400, s28  }
0x3b: {  	[tilespmem:s19], [sflag:$0x2] =	stream.indirect.gather [hbm4b:s4+s17], $0x80, s29, s17, $0xb8;
	[tilespmem:$0x1E080] =	vst v63  }
0x3c: {  	p1 =	sne.s32 s28, $0x4800;
	_ =	swait.ge [sflag:s20], $0x3E80  }
0x3d: {  	[sflag:s20] =	ssyncset.done $0x0  }
0x3e: {  	s28 =	sadd.s32 $0x1400, s26;
	[sflag:s20] =	ssyncadd.s32 $0xFFFFC180  }
0x3f: {  	[spmem:s2] =	stream.indirect.scatter.add.f32 [tilespmem:s18], [sflag:$0x3], $0x80, s28, s17, $0xb8;
	[tilespmem:$0x1E080] =	vst v63  }
0x40: {  	_ =	swait.ge [sflag:s15], $0x3E80  }
0x41: {  	[sflag:s15] =	ssyncset.done $0x0  }
0x42: {  	s28 =	sadd.s32 $0x100, s26;
	[sflag:s15] =	ssyncadd.s32 $0xFFFFC180  }
0x43: {  	[tilespmem:s18], [sflag:$0x1] =	stream.indirect.gather [hbm4b:s4+s17], $0x80, s28, s17, $0xb8;
	[tilespmem:$0x1E080] =	vst v63  }
0x44: {  	_ =	swait.ge [sflag:s21], $0x3E80  }
.Ltmp0:
0x45: {  	[sflag:s21] =	ssyncset.done $0x0;
	(pc) =	sbr.rel @p1 .LBB2_2-.Ltmp0, $4  }
0x46: {  	s26 =	sadd.s32 $0x1480, s26;
	[sflag:s21] =	ssyncadd.s32 $0xFFFFC180  }
0x47: {  	[spmem:s2] =	stream.indirect.scatter.add.f32 [tilespmem:s19], [sflag:$0x3], $0x80, s26, s17, $0xb8;
	[tilespmem:$0x1E080] =	vst v63  }
0x48: {  	_ =	swait.ge [sflag:s15], $0x3E80  }
0x49: {  	s28 =	smov.u32 s31;
	s26 =	sshra.s32 s30, $0x2;
	[sflag:s15] =	ssyncset.done $0x0  }
0x4a: {  	s28 =	sadd.s32 $0x80, s26;
	[sflag:s15] =	ssyncadd.s32 $0xFFFFC180  }
0x4b: {  	[tilespmem:s19], [sflag:$0x2] =	stream.indirect.gather [hbm4b:s4+s17], $0x80, s28, s17, $0xb8;
	[tilespmem:$0x1E080] =	vst v63  }
0x4c: {  	_ =	swait.ge [sflag:s20], $0x3E80  }
0x4d: {  	[sflag:s20] =	ssyncset.done $0x0  }
0x4e: {  	s28 =	sadd.s32 $0x1400, s26;
	[sflag:s20] =	ssyncadd.s32 $0xFFFFC180  }
0x4f: {  	[spmem:s2] =	stream.indirect.scatter.add.f32 [tilespmem:s18], [sflag:$0x3], $0x80, s28, s17, $0xb8;
	[tilespmem:$0x1E080] =	vst v63  }
0x50: {  	_ =	swait.ge [sflag:s15], $0x3E80  }
0x51: {  	[sflag:s15] =	ssyncset.done $0x0  }
0x52: {  	s28 =	sadd.s32 $0x100, s26;
	[sflag:s15] =	ssyncadd.s32 $0xFFFFC180  }
0x53: {  	[tilespmem:s18], [sflag:$0x1] =	stream.indirect.gather [hbm4b:s4+s17], $0x80, s28, s17, $0xb8;
	[tilespmem:$0x1E080] =	vst v63  }
0x54: {  	_ =	swait.ge [sflag:s21], $0x3E80  }
0x55: {  	[sflag:s21] =	ssyncset.done $0x0  }
0x56: {  	s29 =	sadd.s32 $0x1480, s26;
	[sflag:s21] =	ssyncadd.s32 $0xFFFFC180  }
0x57: {  	[spmem:s2] =	stream.indirect.scatter.add.f32 [tilespmem:s19], [sflag:$0x3], $0x80, s29, s17, $0xb8;
	[tilespmem:$0x1E080] =	vst v63  }
0x58: {  	_ =	swait.ge [sflag:s15], $0x3E80  }
0x59: {  	[sflag:s15] =	ssyncset.done $0x0  }
0x5a: {  	[sflag:s15] =	ssyncadd.s32 $0xFFFFC180  }
0x5b: {  	[tilespmem:s19], [sflag:$0x2] =	stream.indirect.gather [hbm4b:s4+s17], $0x80, s22, s17, $0xb8;
	[tilespmem:$0x1E080] =	vst v63  }
0x5c: {  	_ =	swait.ge [sflag:s20], $0x3E80  }
0x5d: {  	[sflag:s20] =	ssyncset.done $0x0  }
0x5e: {  	[sflag:s20] =	ssyncadd.s32 $0xFFFFC180  }
0x5f: {  	[spmem:s2] =	stream.indirect.scatter.add.f32 [tilespmem:s18], [sflag:$0x3], $0x80, s23, s17, $0xb8;
	[tilespmem:$0x1E080] =	vst v63  }
0x60: {  	_ =	swait.ge [sflag:s15], $0x3E80  }
0x61: {  	[sflag:s15] =	ssyncset.done $0x0  }
0x62: {  	[sflag:s15] =	ssyncadd.s32 $0xFFFFC180  }
0x63: {  	_ =	swait.ge [sflag:s21], $0x3E80  }
0x64: {  	[sflag:s21] =	ssyncset.done $0x0  }
0x65: {  	[sflag:s21] =	ssyncadd.s32 $0xFFFFC180  }
0x66: {  	[spmem:s2] =	stream.indirect.scatter.add.f32 [tilespmem:s19], [sflag:$0x3], $0x80, s24, s17, $0xb8;
	[tilespmem:$0x1E080] =	vst v63  }
0x67: {  	_ =	swait.ge [sflag:s15], $0x3E80  }
0x68: {  	[sflag:s15] =	ssyncset.done $0x0  }
0x69: {  	s30 =	simm.s32 $0x0;
	[sflag:s15] =	ssyncadd.s32 $0xFFFFC180  }
0x6a: {  	[tilespmem:s30], [sflag:$0x3] =	stream.linear.gather [hbm4b:s8+s30], $0x1400, $0x38;
	[tilespmem:$0x1E080] =	vst v63  }
0x6b: {  	_ =	swait.ge [sflag:s15], $0x1400  }
0x6c: {  	[sflag:s15] =	ssyncset.done $0x0  }
0x6d: {  	[sflag:s15] =	ssyncadd.s32 $0xFFFFEC00  }
0x6e: {  	[tilespmem:s16], [sflag:$0x3] =	stream.linear.gather [hbm4b:s9+s30], $0x1400, $0x38;
	[tilespmem:$0x1E080] =	vst v63  }
0x6f: {  	_ =	swait.ge [sflag:s15], $0x1400  }
0x70: {  	[sflag:s15] =	ssyncset.done $0x0  }
0x71: {  	[sflag:s15] =	ssyncadd.s32 $0xFFFFEC00  }
0x72: {  	[tilespmem:s18], [sflag:$0x1] =	stream.indirect.gather [hbm4b:s4+s17], $0x80, s30, s17, $0xb8;
	[tilespmem:$0x1E080] =	vst v63  }
0x73: {  	s31 =	simm.s32 $0x80  }
0x74: {  	[tilespmem:s19], [sflag:$0x2] =	stream.indirect.gather [hbm4b:s4+s17], $0x80, s31, s17, $0xb8;
	[tilespmem:$0x1E080] =	vst v63  }
0x75: {  	_ =	swait.ge [sflag:s20], $0x3E80  }
0x76: {  	[sflag:s20] =	ssyncset.done $0x0  }
0x77: {  	s29 =	simm.s32 $0x1400;
	[sflag:s20] =	ssyncadd.s32 $0xFFFFC180  }
0x78: {  	[spmem:s2] =	stream.indirect.scatter.add.f32 [tilespmem:s18], [sflag:$0x3], $0x80, s29, s17, $0xb8;
	[tilespmem:$0x1E080] =	vst v63  }
0x79: {  	_ =	swait.ge [sflag:s15], $0x3E80  }
0x7a: {  	[sflag:s15] =	ssyncset.done $0x0  }
0x7b: {  	s30 =	simm.s32 $0x100;
	[sflag:s15] =	ssyncadd.s32 $0xFFFFC180  }
0x7c: {  	[tilespmem:s18], [sflag:$0x1] =	stream.indirect.gather [hbm4b:s4+s17], $0x80, s30, s17, $0xb8;
	[tilespmem:$0x1E080] =	vst v63  }
0x7d: {  	_ =	swait.ge [sflag:s21], $0x3E80  }
0x7e: {  	[sflag:s21] =	ssyncset.done $0x0  }
0x7f: {  	s31 =	simm.s32 $0x1480;
	[sflag:s21] =	ssyncadd.s32 $0xFFFFC180  }
0x80: {  	[spmem:s2] =	stream.indirect.scatter.add.f32 [tilespmem:s19], [sflag:$0x3], $0x80, s31, s17, $0xb8;
	[tilespmem:$0x1E080] =	vst v63  }
0x81: {  	_ =	swait.ge [sflag:s15], $0x3E80  }
0x82: {  	s26 =	simm.s32 $0x100;
	s28 =	simm.s32 $0x800;
	[sflag:s15] =	ssyncset.done $0x0  }
.LBB2_4:
0x83: {  	s29 =	sadd.s32 $0x80, s26  }
0x84: {  	[sflag:s15] =	ssyncadd.s32 $0xFFFFC180;
	s30 =	smov.u32 s28;
	s31 =	sadd.s32 $0x400, s28  }
0x85: {  	[tilespmem:s19], [sflag:$0x2] =	stream.indirect.gather [hbm4b:s4+s17], $0x80, s29, s17, $0xb8;
	[tilespmem:$0x1E080] =	vst v63  }
0x86: {  	p1 =	sne.s32 s28, $0x4800;
	_ =	swait.ge [sflag:s20], $0x3E80  }
0x87: {  	[sflag:s20] =	ssyncset.done $0x0  }
0x88: {  	s28 =	sadd.s32 $0x1400, s26;
	[sflag:s20] =	ssyncadd.s32 $0xFFFFC180  }
0x89: {  	[spmem:s2] =	stream.indirect.scatter.add.f32 [tilespmem:s18], [sflag:$0x3], $0x80, s28, s17, $0xb8;
	[tilespmem:$0x1E080] =	vst v63  }
0x8a: {  	_ =	swait.ge [sflag:s15], $0x3E80  }
0x8b: {  	[sflag:s15] =	ssyncset.done $0x0  }
0x8c: {  	s28 =	sadd.s32 $0x100, s26;
	[sflag:s15] =	ssyncadd.s32 $0xFFFFC180  }
0x8d: {  	[tilespmem:s18], [sflag:$0x1] =	stream.indirect.gather [hbm4b:s4+s17], $0x80, s28, s17, $0xb8;
	[tilespmem:$0x1E080] =	vst v63  }
0x8e: {  	_ =	swait.ge [sflag:s21], $0x3E80  }
.Ltmp1:
0x8f: {  	[sflag:s21] =	ssyncset.done $0x0;
	(pc) =	sbr.rel @p1 .LBB2_4-.Ltmp1, $4  }
0x90: {  	s26 =	sadd.s32 $0x1480, s26;
	[sflag:s21] =	ssyncadd.s32 $0xFFFFC180  }
0x91: {  	[spmem:s2] =	stream.indirect.scatter.add.f32 [tilespmem:s19], [sflag:$0x3], $0x80, s26, s17, $0xb8;
	[tilespmem:$0x1E080] =	vst v63  }
0x92: {  	_ =	swait.ge [sflag:s15], $0x3E80  }
0x93: {  	s28 =	smov.u32 s31;
	s26 =	sshra.s32 s30, $0x2;
	[sflag:s15] =	ssyncset.done $0x0  }
0x94: {  	s28 =	sadd.s32 $0x80, s26;
	[sflag:s15] =	ssyncadd.s32 $0xFFFFC180  }
0x95: {  	[tilespmem:s19], [sflag:$0x2] =	stream.indirect.gather [hbm4b:s4+s17], $0x80, s28, s17, $0xb8;
	[tilespmem:$0x1E080] =	vst v63  }
0x96: {  	_ =	swait.ge [sflag:s20], $0x3E80  }
0x97: {  	[sflag:s20] =	ssyncset.done $0x0  }
0x98: {  	s29 =	sadd.s32 $0x1400, s26;
	[sflag:s20] =	ssyncadd.s32 $0xFFFFC180  }
0x99: {  	[spmem:s2] =	stream.indirect.scatter.add.f32 [tilespmem:s18], [sflag:$0x3], $0x80, s29, s17, $0xb8;
	[tilespmem:$0x1E080] =	vst v63  }
0x9a: {  	_ =	swait.ge [sflag:s15], $0x3E80  }
0x9b: {  	[sflag:s15] =	ssyncset.done $0x0  }
0x9c: {  	s30 =	sadd.s32 $0x100, s26;
	[sflag:s15] =	ssyncadd.s32 $0xFFFFC180  }
0x9d: {  	[tilespmem:s18], [sflag:$0x1] =	stream.indirect.gather [hbm4b:s4+s17], $0x80, s30, s17, $0xb8;
	[tilespmem:$0x1E080] =	vst v63  }
0x9e: {  	_ =	swait.ge [sflag:s21], $0x3E80  }
0x9f: {  	[sflag:s21] =	ssyncset.done $0x0  }
0xa0: {  	s31 =	sadd.s32 $0x1480, s26;
	[sflag:s21] =	ssyncadd.s32 $0xFFFFC180  }
0xa1: {  	[spmem:s2] =	stream.indirect.scatter.add.f32 [tilespmem:s19], [sflag:$0x3], $0x80, s31, s17, $0xb8;
	[tilespmem:$0x1E080] =	vst v63  }
0xa2: {  	_ =	swait.ge [sflag:s15], $0x3E80  }
0xa3: {  	[sflag:s15] =	ssyncset.done $0x0  }
0xa4: {  	[sflag:s15] =	ssyncadd.s32 $0xFFFFC180  }
0xa5: {  	[tilespmem:s19], [sflag:$0x2] =	stream.indirect.gather [hbm4b:s4+s17], $0x80, s22, s17, $0xb8;
	[tilespmem:$0x1E080] =	vst v63  }
0xa6: {  	_ =	swait.ge [sflag:s20], $0x3E80  }
0xa7: {  	[sflag:s20] =	ssyncset.done $0x0  }
0xa8: {  	[sflag:s20] =	ssyncadd.s32 $0xFFFFC180  }
0xa9: {  	[spmem:s2] =	stream.indirect.scatter.add.f32 [tilespmem:s18], [sflag:$0x3], $0x80, s23, s17, $0xb8;
	[tilespmem:$0x1E080] =	vst v63  }
0xaa: {  	_ =	swait.ge [sflag:s15], $0x3E80  }
0xab: {  	[sflag:s15] =	ssyncset.done $0x0  }
0xac: {  	[sflag:s15] =	ssyncadd.s32 $0xFFFFC180  }
0xad: {  	_ =	swait.ge [sflag:s21], $0x3E80  }
0xae: {  	[sflag:s21] =	ssyncset.done $0x0  }
0xaf: {  	[sflag:s21] =	ssyncadd.s32 $0xFFFFC180  }
0xb0: {  	[spmem:s2] =	stream.indirect.scatter.add.f32 [tilespmem:s19], [sflag:$0x3], $0x80, s24, s17, $0xb8;
	[tilespmem:$0x1E080] =	vst v63  }
0xb1: {  	_ =	swait.ge [sflag:s15], $0x3E80  }
0xb2: {  	[sflag:s15] =	ssyncset.done $0x0  }
0xb3: {  	[sflag:s15] =	ssyncadd.s32 $0xFFFFC180  }
0xb4: {  	s26 =	simm.s32 @p0 $0x1FC3;
	[bflag:$0x0] =	sbarrier.arrive $0xFFFF  }
0xb5: {  	[hbm:s10], [sflag:s26] =	dma.local @p0 [spmem:s12], $0x1900  }
0xb6: {  	s26 =	simm.s32 @p0 $0x3  }
0xb7: {  	s25 =	sadd.s32 $0x1, s25;
	_ =	swait.ge @p0 [sflag:s26], $0x1900  }
0xb8: {  	p1 =	sne.s32 s25, s11;
	[sflag:s26] =	ssyncset.done @p0 $0x0  }
.Ltmp2:
0xb9: {  	[sflag:s26] =	ssyncadd.s32 @p0 $0xFFFFE700;
	s26 =	simm.s32 @!p0 $0x3;
	(pc) =	sbr.rel @p1 .LBB2_1-.Ltmp2, $4  }
0xba: {  	[hbm:s10], [sflag:s13] =	dma.local @!p0 [spmem:s14], $0x2800  }
0xbb: {  	_ =	swait.ge @!p0 [sflag:s26], $0x2800  }
0xbc: {  	[sflag:s26] =	ssyncset.done @!p0 $0x0  }
0xbd: {  	[sflag:s26] =	ssyncadd.s32 @!p0 $0xFFFFD800  }
0xbe: {  	_ =	sfence.sel $0x180000  }
0xbf: {  	[bflag:$0x0] =	sbarrier.arrive $0xFFFF  }
0xc0: {  	p0 =	sne.s32 s1, $0x0;
	_ =	strace $0x9000004A  }
0xc1: {  	s0 =	sadd.s32 @!p0 $0x100000, s0;
	[bflag:$0x2] =	sbarrier.arrive $0xFFFF  }
0xc2: {  	[sflag:s0] =	ssyncadd.tile.s32 @!p0 $0x1;
	_ =	shalt  }
.Lfunc_end2:
_tile_overlayer_lowered:
.L_overlay_start_2:
0xc3: {  	(tag) =	ssettag $0x2  }
0xc4: {  	s0 =	rddreg [dreg:$0x0];
	s2 =	stileid.u32  }
0xc5: {  	s1 =	rddreg [dreg:$0x1];
	p0 =	sne.s32 s2, $0x0  }
0xc6: {  	s3 =	rddreg [dreg:$0x2];
	[bflag:$0x3] =	sbarrier.arrive $0xFFFF;
	s2 =	simm.s32 @!p0 $0x1C03  }
0xc7: {  	[timem:s3], [sflag:s2] =	dma.local @!p0 [hbm:s0], s1  }
0xc8: {  	s0 =	simm.s32 @!p0 $0x3  }
0xc9: {  	_ =	swait.ge @!p0 [sflag:s0], s1  }
0xca: {  	s1 =	ssub.s32 @!p0 $0x0, s1;
	[sflag:s0] =	ssyncset.done @!p0 $0x0  }
0xcb: {  	[sflag:s0] =	ssyncadd.s32 @!p0 s1  }
0xcc: {  	[bflag:$0x3] =	sbarrier.arrive $0xFFFF  }
0xcd: {  	_ =	shalt  }

// kernel: kernel.14.cloned.1.call-start
scs
__scs_entry_jumppad:
0x0: {  	(pc) =	sbr.rel $0x88, $3  }
0x1: {  	(tag) =	ssettag $0x0;
	lr =	simm.s32 $0x1  }
0x2: {  	[smem:$0x3F90] =	sst lr;
	_ =	strace $0xD0000000  }
0x3: {  	_ = 	snop  }
0x4: {  	_ = 	snop  }
0x5: {  	_ = 	snop  }
0x6: {  	_ = 	snop  }
0x7: {  	_ = 	snop  }
__scs_overlays_trampoline_lowered:
0x8: {  	[smem:$0x3F9F] =	sst s0  }
0x9: {  	[smem:$0x3FA0] =	sst s1  }
0xa: {  	[smem:$0x3FA1] =	sst s2  }
0xb: {  	[smem:$0x3FA2] =	sst s3  }
0xc: {  	[smem:$0x3FA3] =	sst s4  }
0xd: {  	[smem:$0x3FA4] =	sst s5  }
0xe: {  	[smem:$0x3FA5] =	sst s6  }
0xf: {  	[smem:$0x3FA6] =	sst s7  }
0x10: {  	[smem:$0x3FA7] =	sst s8  }
0x11: {  	[smem:$0x3FA8] =	sst s9;
	s0 =	simm.s32 @!p0 $0x0  }
0x12: {  	s1 =	sld [smem:$0x3F8E];
	s0 =	simm.s32 @p0 $0x1  }
0x13: {  	[smem:$0x3FA9] =	sst s0;
	s0 =	simm.s32 @!p1 $0x0  }
0x14: {  	s2 =	sld [smem:$0x3F8D];
	s0 =	simm.s32 @p1 $0x1  }
0x15: {  	[smem:$0x3FAA] =	sst s0;
	s0 =	simm.s32 @!p2 $0x0  }
0x16: {  	s3 =	sld [smem:$0x3FDB];
	s0 =	simm.s32 @p2 $0x1  }
0x17: {  	s4 =	simm.s32 $0x1BF5;
	[smem:$0x3FAC] =	sst s0  }
0x18: {  	s0 =	sld [smem:$0x3F8F];
	_ =	swait.ge [sflag:s4], $0x0  }
0x19: {  	s7 =	sld [smem:$0x3F90]  }
0x1a: {  	s8 =	sadd.s32 $0xFFFFE003, lr  }
0x1b: {  	s9 =	sadd.s32 $0xFFFFFEF7, lr;
	s5 =	simm.s32 $0xFFFFFFFF;
	p2 =	slt.u32 s8, $0xFFFFF086  }
0x1c: {  	p1 =	slt.u32 s9, $0xF7A;
	s5 =	simm.s32 @!p2 $0x0  }
0x1d: {  	s5 =	simm.s32 @p1 $0x1;
	p0 =	seq.s32 s7, s2  }
0x1e: {  	s7 =	smul.u32 @!p0 $0xF7A, s2;
	p2 =	seq.s32 @!p0 s5, $0x0  }
0x1f: {  	s9 =	smul.u32 $0xF7A, s1;
	s8 =	simm.s32 @!p0 $0x1BF5;
	p2 =	por !p2, p0  }
0x20: {  	[sflag:s8] =	ssyncset.s32 @!p0 $0xFFFFF086;
	s6 =	sadd.s32 @!p0 s3, s7;
	s7 =	simm.s32 @!p0 $0x108  }
0x21: {  	s3 =	sadd.s32 s3, s9;
	s6 =	sadd.s32 @!p0 $0x88, s6;
	s7 =	simm.s32 @p2 $0x1082  }
0x22: {  	[simem:s7], [sflag:s8] =	dma.local @!p0 [hbm:s6], $0xF7A  }
0x23: {  	s9 =	sor.u32 $0xD0000000, s2;
	s6 =	simm.s32 $0x108;
	_ =	swait.ge @!p0 [sflag:s8], $0x0  }
0x24: {  	s3 =	sadd.s32 $0x88, s3;
	s6 =	simm.s32 @!p1 $0x1082;
	[sflag:s4] =	ssyncset.s32 $0xFFFFF086  }
0x25: {  	[simem:s6], [sflag:s4] =	dma.local [hbm:s3], $0xF7A  }
0x26: {  	[smem:$0x3F90] =	sst s1;
	(tag) =	ssettag s2;
	_ =	strace s9  }
0x27: {  	s1 =	sld [smem:$0x3FA0]  }
0x28: {  	s2 =	sld [smem:$0x3FA1]  }
0x29: {  	s4 =	sld [smem:$0x3FA3]  }
0x2a: {  	p0 =	seq.s32 s5, $0x0;
	s5 =	sld [smem:$0x3FA4]  }
0x2b: {  	s6 =	sld [smem:$0x3FA5]  }
0x2c: {  	s7 =	sld [smem:$0x3FA6]  }
0x2d: {  	s3 =	simm.s32 $0x108;
	s8 =	sld [smem:$0x3FA7]  }
0x2e: {  	s3 =	simm.s32 @!p0 $0x1082;
	s9 =	sld [smem:$0x3FA8]  }
0x2f: {  	lr =	sadd.s32 s0, s3;
	s0 =	sld [smem:$0x3F9F]  }
0x30: {  	s3 =	sld [smem:$0x3FA2]  }
0x31: {  	[smem:$0x3FAB] =	sst s10  }
0x32: {  	s10 =	sld [smem:$0x3FA9];
	_ =	sdelay $0x3  }
0x33: {  	p0 =	seq.s32 s10, $0x1;
	s10 =	sld [smem:$0x3FAB];
	_ =	sdelay $0x3  }
0x34: {  	[smem:$0x3FAB] =	sst s10  }
0x35: {  	s10 =	sld [smem:$0x3FAA];
	_ =	sdelay $0x3  }
0x36: {  	p1 =	seq.s32 s10, $0x1;
	s10 =	sld [smem:$0x3FAB];
	_ =	sdelay $0x3  }
0x37: {  	[smem:$0x3FAB] =	sst s10  }
0x38: {  	s10 =	sld [smem:$0x3FAC]  }
0x39: {  	_ = 	snop;
	(pc) =	sbr.ind lr, $3  }
0x3a: {  	_ = 	snop  }
0x3b: {  	_ = 	snop  }
0x3c: {  	p2 =	seq.s32 s10, $0x1;
	s10 =	sld [smem:$0x3FAB]  }
0x3d: {  	_ =	shalt  }
0x3e: {  	_ =	shalt  }
0x3f: {  	_ =	shalt  }
0x40: {  	_ =	shalt  }
0x41: {  	_ =	shalt  }
0x42: {  	_ =	shalt  }
0x43: {  	_ =	shalt  }
0x44: {  	_ =	shalt  }
0x45: {  	_ =	shalt  }
0x46: {  	_ =	shalt  }
0x47: {  	_ =	shalt  }
0x48: {  	_ =	shalt  }
0x49: {  	_ =	shalt  }
0x4a: {  	_ =	shalt  }
0x4b: {  	_ =	shalt  }
0x4c: {  	_ =	shalt  }
0x4d: {  	_ =	shalt  }
0x4e: {  	_ =	shalt  }
0x4f: {  	_ =	shalt  }
0x50: {  	_ =	shalt  }
0x51: {  	_ =	shalt  }
0x52: {  	_ =	shalt  }
0x53: {  	_ =	shalt  }
0x54: {  	_ =	shalt  }
0x55: {  	_ =	shalt  }
0x56: {  	_ =	shalt  }
0x57: {  	_ =	shalt  }
0x58: {  	_ =	shalt  }
0x59: {  	_ =	shalt  }
0x5a: {  	_ =	shalt  }
0x5b: {  	_ =	shalt  }
0x5c: {  	_ =	shalt  }
0x5d: {  	_ =	shalt  }
0x5e: {  	_ =	shalt  }
0x5f: {  	_ =	shalt  }
0x60: {  	_ =	shalt  }
0x61: {  	_ =	shalt  }
0x62: {  	_ =	shalt  }
0x63: {  	_ =	shalt  }
0x64: {  	_ =	shalt  }
0x65: {  	_ =	shalt  }
0x66: {  	_ =	shalt  }
0x67: {  	_ =	shalt  }
0x68: {  	_ =	shalt  }
0x69: {  	_ =	shalt  }
0x6a: {  	_ =	shalt  }
0x6b: {  	_ =	shalt  }
0x6c: {  	_ =	shalt  }
0x6d: {  	_ =	shalt  }
0x6e: {  	_ =	shalt  }
0x6f: {  	_ =	shalt  }
0x70: {  	_ =	shalt  }
0x71: {  	_ =	shalt  }
0x72: {  	_ =	shalt  }
0x73: {  	_ =	shalt  }
0x74: {  	_ =	shalt  }
0x75: {  	_ =	shalt  }
0x76: {  	_ =	shalt  }
0x77: {  	_ =	shalt  }
0x78: {  	_ =	shalt  }
0x79: {  	_ =	shalt  }
0x7a: {  	_ =	shalt  }
0x7b: {  	_ =	shalt  }
0x7c: {  	_ =	shalt  }
0x7d: {  	_ =	shalt  }
0x7e: {  	_ =	shalt  }
0x7f: {  	_ =	shalt  }
0x80: {  	_ =	shalt  }
0x81: {  	_ =	shalt  }
0x82: {  	_ =	shalt  }
0x83: {  	_ =	shalt  }
0x84: {  	_ =	shalt  }
0x85: {  	_ =	shalt  }
0x86: {  	_ =	shalt  }
0x87: {  	_ =	shalt  }
.Lfunc_end0:
.L_simem_size_0:
called_computation.2_lowered:
.L_overlay_start_0:
0x88: {  	s2 =	sld [smem:$0x3FD9]  }
0x89: {  	s3 =	sld [smem:$0x3FFE];
	_ =	sdelay $0x1  }
0x8a: {  	s1 =	srdreg.scid  }
0x8b: {  	s0 =	sand.u32 $0x1, s1  }
0x8c: {  	s17 =	sshll.u32 s0, $0xA;
	s2 =	sadd.s32 s3, s2  }
0x8d: {  	s2 =	sadd.s32 s2, s17  }
0x8e: {  	[smem:$0x3FB7] =	sst s2  }
0x8f: {  	_ = 	snop  }
0x90: {  	s2 =	sld [smem:$0x3FD0];
	(tm) =	ssettm $0x1  }
0x91: {  	s18 =	sld [smem:$0x3FFB];
	_ =	sdelay $0x3  }
0x92: {  	_ =	strace s18  }
0x93: {  	s3 =	sld [smem:$0x3FFC];
	_ =	sdelay $0x3  }
0x94: {  	_ =	strace s3  }
0x95: {  	s3 =	sld [smem:$0x3FFD];
	_ =	sdelay $0x3  }
0x96: {  	_ =	strace s3  }
0x97: {  	_ =	strace $0x8FFFFFFF  }
0x98: {  	s19 =	sld [smem:$0x3FDB];
	_ =	sdelay $0x1  }
0x99: {  	s4 =	simm.s32 $_scs_section_size  }
0x9a: {  	s5 =	simm.s32 $_size__tile_overlayer_lowered;
	s6 =	simm.s32 $_tile_overlayer_lowered  }
0x9b: {  	s22 =	simm.s32 $0x1BFF;
	s21 =	sshll.u32 s6, $0x1;
	s3 =	sadd.s32 s4, s19  }
0x9c: {  	s7 =	simm.s32 $0x0;
	s20 =	sshll.u32 s5, $0x1;
	s5 =	sadd.s32 s21, s3  }
0x9d: {  	[timem:s7], [sflag:s22] =	dma.local [hbm:s5], s20  }
0x9e: {  	_ =	swait.ge [sflag:s22], s20  }
0x9f: {  	s4 =	ssub.s32 $0x0, s20;
	[sflag:s22] =	ssyncset.done $0x0  }
0xa0: {  	[sflag:s22] =	ssyncadd.s32 s4;
	_ =	sdelay $0x1  }
0xa1: {  	s23 =	simm.s32 $0x1B8B  }
0xa2: {  	_ =	swait.ge [sflag:s23], $0x1  }
0xa3: {  	[sflag:s23] =	ssyncset.done $0x0  }
0xa4: {  	s25 =	simm.s32 $0x1B8E;
	s24 =	sld [smem:$0x3FFE];
	[sflag:s23] =	ssyncadd.s32 $0xFFFFFFFF  }
0xa5: {  	s26 =	simm.s32 $execute0_lowered;
	[smem:$0x3FD2] =	sst s25  }
0xa6: {  	s5 =	sshll.u32 s26, $0x1;
	_ =	strace $0x8000004C;
	[dreg:$0x1] =	wrdreg $0xFFFFFFFF  }
0xa7: {  	s28 =	simm.s32 $_size_execute0_lowered;
	s3 =	sadd.s32 s3, s5;
	[dreg:$0x0] =	wrdreg $0x0  }
0xa8: {  	s5 =	sshll.u32 s28, $0x1;
	[dreg:$0x2] =	wrdreg s3  }
0xa9: {  	[dreg:$0x3] =	wrdreg s5  }
0xaa: {  	[dreg:$0x4] =	wrdreg $0xC0  }
0xab: {  	_ =	task [dreg:s7], $0x5FFFF  }
0xac: {  	[dreg:$0x1] =	wrdreg $0xFFFFFFFF  }
0xad: {  	[dreg:$0x0] =	wrdreg $0x60  }
0xae: {  	[dreg:$0x2] =	wrdreg s2  }
0xaf: {  	[dreg:$0x3] =	wrdreg s24  }
0xb0: {  	[dreg:$0x4] =	wrdreg $0xA8000  }
0xb1: {  	[dreg:$0x5] =	wrdreg $0x9  }
0xb2: {  	_ =	task.clear_ibuf [dreg:s7], $0x6FFFF;
	_ =	strace $0x9000004C  }
0xb3: {  	s29 =	simm.s32 $0x9;
	_ =	strace $0x8000004E  }
0xb4: {  	_ =	swait.ge [sflag:s29], $0x1  }
0xb5: {  	[sflag:s29] =	ssyncadd.s32 $0xFFFFFFFF  }
0xb6: {  	_ =	strace $0x9000004E  }
0xb7: {  	_ =	sfence  }
0xb8: {  	s30 =	sld [smem:$0x0];
	_ =	sdelay $0x2  }
0xb9: {  	s31 =	sshll.u32 s1, $0xD;
	s1 =	sshrl.u32 s1, $0x2  }
0xba: {  	s3 =	sand.u32 $0x4000, s31;
	s1 =	sadd.s32 s1, s30  }
0xbb: {  	s0 =	sor.u32 s3, s0;
	s1 =	sshll.u32 s1, $0x11  }
0xbc: {  	s0 =	sor.u32 s1, s0  }
0xbd: {  	s0 =	sadd.s32 $0x8F2B, s0  }
0xbe: {  	[sflag:s0] =	ssyncadd.remote.s32 $0x1  }
0xbf: {  	_ =	sfence.sel $0xFFFF  }
0xc0: {  	[dreg:$0x0] =	wrdreg $0xFFFFFFFF;
	(pc) =	sbr.abs _section_cstart, $3  }
0xc1: {  	[dreg:$0x1] =	wrdreg $0xFFFFFFFF  }
0xc2: {  	_ =	task.clear_ibuf [dreg:s7], $0x2FFFF;
	_ =	strace $0x9FFFFFFF  }
0xc3: {  	(tm) =	ssettm $0x7FFFFFFF  }
tec
execute0_lowered:
.L_overlay_start_1:
0x0: {  	(tag) =	ssettag $0x1  }
0x1: {  	s7 =	rddreg [dreg:$0x0]  }
0x2: {  	s5 =	rddreg [dreg:$0x1]  }
0x3: {  	s2 =	rddreg [dreg:$0x2]  }
0x4: {  	s0 =	rddreg [dreg:$0x3]  }
0x5: {  	s1 =	stileid.u32;
	s6 =	srdreg.scid  }
0x6: {  	s3 =	simm.s32 $0x0;
	s14 =	simm.s32 $0x3;
	s15 =	simm.s32 $0x1400  }
0x7: {  	s16 =	simm.s32 $0x7D;
	s17 =	simm.s32 $0x2800;
	s18 =	simm.s32 $0x6800  }
0x8: {  	s19 =	simm.s32 $0x1;
	s20 =	simm.s32 $0x2;
	s21 =	simm.s32 $0x1380  }
0x9: {  	s22 =	simm.s32 $0x2700;
	s23 =	simm.s32 $0x2780;
	s4 =	smul.u32 $0x2800, s1  }
0xa: {  	s6 =	sand.u32 $0x1, s6;
	s8 =	smul.u32 $0x280, s1;
	[smem:$0x7FF] =	sst s3  }
0xb: {  	s11 =	smul.u32 $0x50000, s1;
	p0 =	seq.s32 s1, $0xF;
	s24 =	sadd.s32 $0x12C000, s2  }
0xc: {  	s9 =	smul.u32 $0x2710, s6;
	_ =	strace $0x8000004D;
	s29 =	sshll.u32 s6, $0x4  }
0xd: {  	s6 =	ssub.s32 $0x2, s6;
	s24 =	sshrl.u32 @p0 s24, $0x3;
	s4 =	sshrl.u32 s4, $0x3  }
0xe: {  	s12 =	sshrl.u32 s6, $0x1;
	s30 =	sshrl.u32 s11, $0x2;
	s10 =	sadd.s32 s4, s5  }
0xf: {  	s4 =	sadd.s32 $0x3A00, s5;
	s8 =	sadd.s32 s8, s9;
	s9 =	sor.u32 s1, s29  }
0x10: {  	s12 =	ssub.s32 s6, s12;
	s8 =	sshll.u32 s8, $0x4;
	s9 =	smul.u32 $0x2800, s9  }
0x11: {  	s6 =	sadd.s32 s30, s2;
	s12 =	smax.u32 s12, $0x1;
	s13 =	sadd.s32 s8, s5  }
0x12: {  	s5 =	simm.s32 $0x19;
	s8 =	sadd.s32 $0x57400, s10;
	s31 =	sshrl.u32 s9, $0x3  }
0x13: {  	s10 =	sadd.s32 $0x57680, s10;
	s5 =	simm.s32 @!p0 $0x28;
	s7 =	sadd.s32 s7, s31  }
0x14: {  	v0 =	vimm.f32 $0.0e+00;
	s11 =	sadd.s32 $0xAA600, s13;
	s13 =	simm.s32 $0x1E080;
	s9 =	sadd.s32 $0x280, s7  }
.LBB2_1:
0x15: {  	[tilespmem:$0x1E080] =	vst v0  }
0x16: {  	[tilespmem:$0x1E090] =	vst v0  }
0x17: {  	[tilespmem:$0x1E0A0] =	vst v0  }
0x18: {  	[tilespmem:$0x1E0B0] =	vst v0  }
0x19: {  	[tilespmem:$0x1E0C0] =	vst v0  }
0x1a: {  	[tilespmem:$0x1E0D0] =	vst v0  }
0x1b: {  	[tilespmem:$0x1E0E0] =	vst v0  }
0x1c: {  	[tilespmem:$0x1E0F0] =	vst v0  }
0x1d: {  	[tilespmem:$0x1E100] =	vst v0  }
0x1e: {  	[tilespmem:$0x1E110] =	vst v0  }
0x1f: {  	[tilespmem:$0x1E120] =	vst v0  }
0x20: {  	[tilespmem:$0x1E130] =	vst v0  }
0x21: {  	[tilespmem:$0x1E140] =	vst v0  }
0x22: {  	[tilespmem:$0x1E150] =	vst v0  }
0x23: {  	[tilespmem:$0x1E160] =	vst v0  }
0x24: {  	[tilespmem:$0x1E170] =	vst v0  }
0x25: {  	[tilespmem:$0x1E180] =	vst v0  }
0x26: {  	[tilespmem:$0x1E190] =	vst v0  }
0x27: {  	[tilespmem:$0x1E1A0] =	vst v0  }
0x28: {  	[tilespmem:$0x1E1B0] =	vst v0  }
0x29: {  	[tilespmem:$0x1E1C0] =	vst v0  }
0x2a: {  	[tilespmem:$0x1E1D0] =	vst v0  }
0x2b: {  	[tilespmem:$0x1E1E0] =	vst v0  }
0x2c: {  	[tilespmem:$0x1E1F0] =	vst v0  }
0x2d: {  	[tilespmem:$0x1E200] =	vst v0  }
0x2e: {  	[tilespmem:$0x1E210] =	vst v0  }
0x2f: {  	[tilespmem:$0x1E220] =	vst v0  }
0x30: {  	[tilespmem:$0x1E230] =	vst v0  }
0x31: {  	[tilespmem:$0x1E240] =	vst v0  }
0x32: {  	[tilespmem:$0x1E250] =	vst v0  }
0x33: {  	[tilespmem:$0x1E260] =	vst v0  }
0x34: {  	[tilespmem:$0x1E270] =	vst v0  }
0x35: {  	[tilespmem:$0x1E280] =	vst v0  }
0x36: {  	[tilespmem:$0x1E290] =	vst v0  }
0x37: {  	[tilespmem:$0x1E2A0] =	vst v0  }
0x38: {  	[tilespmem:$0x1E2B0] =	vst v0  }
0x39: {  	[tilespmem:$0x1E2C0] =	vst v0  }
0x3a: {  	[tilespmem:$0x1E2D0] =	vst v0  }
0x3b: {  	[tilespmem:$0x1E2E0] =	vst v0  }
0x3c: {  	[tilespmem:$0x1E2F0] =	vst v0  }
0x3d: {  	[tilespmem:$0x1E300] =	vst v0  }
0x3e: {  	[tilespmem:$0x1E310] =	vst v0  }
0x3f: {  	[tilespmem:$0x1E320] =	vst v0  }
0x40: {  	[tilespmem:$0x1E330] =	vst v0  }
0x41: {  	[tilespmem:$0x1E340] =	vst v0  }
0x42: {  	[tilespmem:$0x1E350] =	vst v0  }
0x43: {  	[tilespmem:$0x1E360] =	vst v0  }
0x44: {  	[tilespmem:$0x1E370] =	vst v0  }
0x45: {  	[tilespmem:$0x1E380] =	vst v0  }
0x46: {  	[tilespmem:$0x1E390] =	vst v0  }
0x47: {  	[tilespmem:$0x1E3A0] =	vst v0  }
0x48: {  	[tilespmem:$0x1E3B0] =	vst v0  }
0x49: {  	[tilespmem:$0x1E3C0] =	vst v0  }
0x4a: {  	[tilespmem:$0x1E3D0] =	vst v0  }
0x4b: {  	[tilespmem:$0x1E3E0] =	vst v0  }
0x4c: {  	[tilespmem:$0x1E3F0] =	vst v0  }
0x4d: {  	[tilespmem:$0x1E400] =	vst v0  }
0x4e: {  	[tilespmem:$0x1E410] =	vst v0  }
0x4f: {  	[tilespmem:$0x1E420] =	vst v0  }
0x50: {  	[tilespmem:$0x1E430] =	vst v0  }
0x51: {  	[tilespmem:$0x1E440] =	vst v0  }
0x52: {  	[tilespmem:$0x1E450] =	vst v0  }
0x53: {  	[tilespmem:$0x1E460] =	vst v0  }
0x54: {  	[tilespmem:$0x1E470] =	vst v0  }
0x55: {  	[tilespmem:$0x1E480] =	vst v0  }
0x56: {  	[tilespmem:$0x1E490] =	vst v0  }
0x57: {  	[tilespmem:$0x1E4A0] =	vst v0  }
0x58: {  	[tilespmem:$0x1E4B0] =	vst v0  }
0x59: {  	[tilespmem:$0x1E4C0] =	vst v0  }
0x5a: {  	[tilespmem:$0x1E4D0] =	vst v0  }
0x5b: {  	[tilespmem:$0x1E4E0] =	vst v0  }
0x5c: {  	[tilespmem:$0x1E4F0] =	vst v0  }
0x5d: {  	[tilespmem:$0x1E500] =	vst v0  }
0x5e: {  	[tilespmem:$0x1E510] =	vst v0  }
0x5f: {  	[tilespmem:$0x1E520] =	vst v0  }
0x60: {  	[tilespmem:$0x1E530] =	vst v0  }
0x61: {  	[tilespmem:$0x1E540] =	vst v0  }
0x62: {  	[tilespmem:$0x1E550] =	vst v0  }
0x63: {  	[tilespmem:$0x1E560] =	vst v0  }
0x64: {  	[tilespmem:$0x1E570] =	vst v0  }
0x65: {  	[tilespmem:$0x1E580] =	vst v0  }
0x66: {  	[tilespmem:$0x1E590] =	vst v0  }
0x67: {  	[tilespmem:$0x1E5A0] =	vst v0  }
0x68: {  	[tilespmem:$0x1E5B0] =	vst v0  }
0x69: {  	[tilespmem:$0x1E5C0] =	vst v0  }
0x6a: {  	[tilespmem:$0x1E5D0] =	vst v0  }
0x6b: {  	[tilespmem:$0x1E5E0] =	vst v0  }
0x6c: {  	[tilespmem:$0x1E5F0] =	vst v0  }
0x6d: {  	[tilespmem:$0x1E600] =	vst v0  }
0x6e: {  	[tilespmem:$0x1E610] =	vst v0  }
0x6f: {  	[tilespmem:$0x1E620] =	vst v0  }
0x70: {  	[tilespmem:$0x1E630] =	vst v0  }
0x71: {  	[tilespmem:$0x1E640] =	vst v0  }
0x72: {  	[tilespmem:$0x1E650] =	vst v0  }
0x73: {  	[tilespmem:$0x1E660] =	vst v0  }
0x74: {  	[tilespmem:$0x1E670] =	vst v0  }
0x75: {  	[tilespmem:$0x1E680] =	vst v0  }
0x76: {  	[tilespmem:$0x1E690] =	vst v0  }
0x77: {  	[tilespmem:$0x1E6A0] =	vst v0  }
0x78: {  	[tilespmem:$0x1E6B0] =	vst v0  }
0x79: {  	[tilespmem:$0x1E6C0] =	vst v0  }
0x7a: {  	[tilespmem:$0x1E6D0] =	vst v0  }
0x7b: {  	[tilespmem:$0x1E6E0] =	vst v0  }
0x7c: {  	[tilespmem:$0x1E6F0] =	vst v0  }
0x7d: {  	[tilespmem:$0x1E700] =	vst v0  }
0x7e: {  	[tilespmem:$0x1E710] =	vst v0  }
0x7f: {  	[tilespmem:$0x1E720] =	vst v0  }
0x80: {  	[tilespmem:$0x1E730] =	vst v0  }
0x81: {  	[tilespmem:$0x1E740] =	vst v0  }
0x82: {  	[tilespmem:$0x1E750] =	vst v0  }
0x83: {  	[tilespmem:$0x1E760] =	vst v0  }
0x84: {  	[tilespmem:$0x1E770] =	vst v0  }
0x85: {  	[tilespmem:$0x1E780] =	vst v0  }
0x86: {  	[tilespmem:$0x1E790] =	vst v0  }
0x87: {  	[tilespmem:$0x1E7A0] =	vst v0  }
0x88: {  	[tilespmem:$0x1E7B0] =	vst v0  }
0x89: {  	[tilespmem:$0x1E7C0] =	vst v0  }
0x8a: {  	[tilespmem:$0x1E7D0] =	vst v0  }
0x8b: {  	[tilespmem:$0x1E7E0] =	vst v0  }
0x8c: {  	[tilespmem:$0x1E7F0] =	vst v0  }
0x8d: {  	[tilespmem:$0x1E800] =	vst v0  }
0x8e: {  	[tilespmem:$0x1E810] =	vst v0  }
0x8f: {  	[tilespmem:$0x1E820] =	vst v0  }
0x90: {  	[tilespmem:$0x1E830] =	vst v0  }
0x91: {  	[tilespmem:$0x1E840] =	vst v0  }
0x92: {  	[tilespmem:$0x1E850] =	vst v0;
	p1 =	sne.s32 s5, $0x1  }
.Ltmp0:
0x93: {  	[tilespmem:$0x1E860] =	vst v0;
	(pc) =	sbr.rel @!p1 .LBB2_3-.Ltmp0, $4  }
0x94: {  	[tilespmem:$0x1E870] =	vst v0  }
0x95: {  	[spmem:s6] =	stream.linear.scatter [tilespmem:s13], [sflag:$0x3], $0x800, $0x38;
	[tilespmem:$0x1E880] =	vst v63  }
0x96: {  	_ =	swait.ge [sflag:s14], $0x800  }
0x97: {  	s25 =	sadd.s32 $0xFFFFFFFF, s5;
	s26 =	smov.u32 s6;
	[sflag:s14] =	ssyncset.done $0x0  }
.LBB2_2:
0x98: {  	p1 =	sne.s32 s25, $0x1;
	[sflag:s14] =	ssyncadd.s32 $0xFFFFF800;
	s26 =	sadd.s32 $0x800, s26  }
.Ltmp1:
0x99: {  	s25 =	sadd.s32 $0xFFFFFFFF, s25;
	(pc) =	sbr.rel @p1 .LBB2_2-.Ltmp1, $4  }
0x9a: {  	_ = 	snop  }
0x9b: {  	[spmem:s26] =	stream.linear.scatter [tilespmem:s13], [sflag:$0x3], $0x800, $0x38;
	[tilespmem:$0x1E880] =	vst v63  }
0x9c: {  	_ =	swait.ge [sflag:s14], $0x800  }
0x9d: {  	[sflag:s14] =	ssyncset.done $0x0  }
.LBB2_3:
0x9e: {  	[sflag:s14] =	ssyncadd.s32 $0xFFFFF800  }
0x9f: {  	s25 =	simm.s32 $0x0;
	[bflag:$0x0] =	sbarrier.arrive $0xFFFF  }
0xa0: {  	[tilespmem:s25], [sflag:$0x3] =	stream.linear.gather [hbm4b:s7+s25], $0x1400, $0x38;
	[tilespmem:$0x1E880] =	vst v63  }
0xa1: {  	_ =	swait.ge [sflag:s14], $0x1400  }
0xa2: {  	[sflag:s14] =	ssyncset.done $0x0  }
0xa3: {  	[sflag:s14] =	ssyncadd.s32 $0xFFFFEC00  }
0xa4: {  	[tilespmem:s15], [sflag:$0x3] =	stream.linear.gather [hbm4b:s8+s25], $0x1400, $0x38;
	[tilespmem:$0x1E880] =	vst v63  }
0xa5: {  	_ =	swait.ge [sflag:s14], $0x1400  }
0xa6: {  	[sflag:s14] =	ssyncset.done $0x0  }
0xa7: {  	[sflag:s14] =	ssyncadd.s32 $0xFFFFEC00  }
0xa8: {  	[tilespmem:s17], [sflag:$0x1] =	stream.indirect.gather [hbm4b:s4+s16], $0x80, s25, s16, $0xb8;
	[tilespmem:$0x1E880] =	vst v63  }
0xa9: {  	s28 =	simm.s32 $0x80  }
0xaa: {  	[tilespmem:s18], [sflag:$0x2] =	stream.indirect.gather [hbm4b:s4+s16], $0x80, s28, s16, $0xb8;
	[tilespmem:$0x1E880] =	vst v63  }
0xab: {  	_ =	swait.ge [sflag:s19], $0x3E80  }
0xac: {  	[sflag:s19] =	ssyncset.done $0x0  }
0xad: {  	s29 =	simm.s32 $0x1400;
	[sflag:s19] =	ssyncadd.s32 $0xFFFFC180  }
0xae: {  	[spmem:s2] =	stream.indirect.scatter.add.f32 [tilespmem:s17], [sflag:$0x3], $0x80, s29, s16, $0xb8;
	[tilespmem:$0x1E880] =	vst v63  }
0xaf: {  	_ =	swait.ge [sflag:s14], $0x3E80  }
0xb0: {  	[sflag:s14] =	ssyncset.done $0x0  }
0xb1: {  	s30 =	simm.s32 $0x100;
	[sflag:s14] =	ssyncadd.s32 $0xFFFFC180  }
0xb2: {  	[tilespmem:s17], [sflag:$0x1] =	stream.indirect.gather [hbm4b:s4+s16], $0x80, s30, s16, $0xb8;
	[tilespmem:$0x1E880] =	vst v63  }
0xb3: {  	_ =	swait.ge [sflag:s20], $0x3E80  }
0xb4: {  	[sflag:s20] =	ssyncset.done $0x0  }
0xb5: {  	s31 =	simm.s32 $0x1480;
	[sflag:s20] =	ssyncadd.s32 $0xFFFFC180  }
0xb6: {  	[spmem:s2] =	stream.indirect.scatter.add.f32 [tilespmem:s18], [sflag:$0x3], $0x80, s31, s16, $0xb8;
	[tilespmem:$0x1E880] =	vst v63  }
0xb7: {  	_ =	swait.ge [sflag:s14], $0x3E80  }
0xb8: {  	s26 =	simm.s32 $0x800;
	s25 =	simm.s32 $0x100;
	[sflag:s14] =	ssyncset.done $0x0  }
.LBB2_4:
0xb9: {  	s28 =	sadd.s32 $0x80, s25  }
0xba: {  	[sflag:s14] =	ssyncadd.s32 $0xFFFFC180;
	s29 =	smov.u32 s26;
	s30 =	sadd.s32 $0x400, s26  }
0xbb: {  	[tilespmem:s18], [sflag:$0x2] =	stream.indirect.gather [hbm4b:s4+s16], $0x80, s28, s16, $0xb8;
	[tilespmem:$0x1E880] =	vst v63  }
0xbc: {  	p1 =	sne.s32 s26, $0x4800;
	_ =	swait.ge [sflag:s19], $0x3E80  }
0xbd: {  	[sflag:s19] =	ssyncset.done $0x0  }
0xbe: {  	s26 =	sadd.s32 $0x1400, s25;
	[sflag:s19] =	ssyncadd.s32 $0xFFFFC180  }
0xbf: {  	[spmem:s2] =	stream.indirect.scatter.add.f32 [tilespmem:s17], [sflag:$0x3], $0x80, s26, s16, $0xb8;
	[tilespmem:$0x1E880] =	vst v63  }
0xc0: {  	_ =	swait.ge [sflag:s14], $0x3E80  }
0xc1: {  	[sflag:s14] =	ssyncset.done $0x0  }
0xc2: {  	s26 =	sadd.s32 $0x100, s25;
	[sflag:s14] =	ssyncadd.s32 $0xFFFFC180  }
0xc3: {  	[tilespmem:s17], [sflag:$0x1] =	stream.indirect.gather [hbm4b:s4+s16], $0x80, s26, s16, $0xb8;
	[tilespmem:$0x1E880] =	vst v63  }
0xc4: {  	_ =	swait.ge [sflag:s20], $0x3E80  }
.Ltmp2:
0xc5: {  	[sflag:s20] =	ssyncset.done $0x0;
	(pc) =	sbr.rel @p1 .LBB2_4-.Ltmp2, $4  }
0xc6: {  	s25 =	sadd.s32 $0x1480, s25;
	[sflag:s20] =	ssyncadd.s32 $0xFFFFC180  }
0xc7: {  	[spmem:s2] =	stream.indirect.scatter.add.f32 [tilespmem:s18], [sflag:$0x3], $0x80, s25, s16, $0xb8;
	[tilespmem:$0x1E880] =	vst v63  }
0xc8: {  	_ =	swait.ge [sflag:s14], $0x3E80  }
0xc9: {  	s26 =	smov.u32 s30;
	s25 =	sshra.s32 s29, $0x2;
	[sflag:s14] =	ssyncset.done $0x0  }
0xca: {  	s26 =	sadd.s32 $0x80, s25;
	[sflag:s14] =	ssyncadd.s32 $0xFFFFC180  }
0xcb: {  	[tilespmem:s18], [sflag:$0x2] =	stream.indirect.gather [hbm4b:s4+s16], $0x80, s26, s16, $0xb8;
	[tilespmem:$0x1E880] =	vst v63  }
0xcc: {  	_ =	swait.ge [sflag:s19], $0x3E80  }
0xcd: {  	[sflag:s19] =	ssyncset.done $0x0  }
0xce: {  	s29 =	sadd.s32 $0x1400, s25;
	[sflag:s19] =	ssyncadd.s32 $0xFFFFC180  }
0xcf: {  	[spmem:s2] =	stream.indirect.scatter.add.f32 [tilespmem:s17], [sflag:$0x3], $0x80, s29, s16, $0xb8;
	[tilespmem:$0x1E880] =	vst v63  }
0xd0: {  	_ =	swait.ge [sflag:s14], $0x3E80  }
0xd1: {  	[sflag:s14] =	ssyncset.done $0x0  }
0xd2: {  	s30 =	sadd.s32 $0x100, s25;
	[sflag:s14] =	ssyncadd.s32 $0xFFFFC180  }
0xd3: {  	[tilespmem:s17], [sflag:$0x1] =	stream.indirect.gather [hbm4b:s4+s16], $0x80, s30, s16, $0xb8;
	[tilespmem:$0x1E880] =	vst v63  }
0xd4: {  	_ =	swait.ge [sflag:s20], $0x3E80  }
0xd5: {  	[sflag:s20] =	ssyncset.done $0x0  }
0xd6: {  	s31 =	sadd.s32 $0x1480, s25;
	[sflag:s20] =	ssyncadd.s32 $0xFFFFC180  }
0xd7: {  	[spmem:s2] =	stream.indirect.scatter.add.f32 [tilespmem:s18], [sflag:$0x3], $0x80, s31, s16, $0xb8;
	[tilespmem:$0x1E880] =	vst v63  }
0xd8: {  	_ =	swait.ge [sflag:s14], $0x3E80  }
0xd9: {  	[sflag:s14] =	ssyncset.done $0x0  }
0xda: {  	[sflag:s14] =	ssyncadd.s32 $0xFFFFC180  }
0xdb: {  	[tilespmem:s18], [sflag:$0x2] =	stream.indirect.gather [hbm4b:s4+s16], $0x80, s21, s16, $0xb8;
	[tilespmem:$0x1E880] =	vst v63  }
0xdc: {  	_ =	swait.ge [sflag:s19], $0x3E80  }
0xdd: {  	[sflag:s19] =	ssyncset.done $0x0  }
0xde: {  	[sflag:s19] =	ssyncadd.s32 $0xFFFFC180  }
0xdf: {  	[spmem:s2] =	stream.indirect.scatter.add.f32 [tilespmem:s17], [sflag:$0x3], $0x80, s22, s16, $0xb8;
	[tilespmem:$0x1E880] =	vst v63  }
0xe0: {  	_ =	swait.ge [sflag:s14], $0x3E80  }
0xe1: {  	[sflag:s14] =	ssyncset.done $0x0  }
0xe2: {  	[sflag:s14] =	ssyncadd.s32 $0xFFFFC180  }
0xe3: {  	_ =	swait.ge [sflag:s20], $0x3E80  }
0xe4: {  	[sflag:s20] =	ssyncset.done $0x0  }
0xe5: {  	[sflag:s20] =	ssyncadd.s32 $0xFFFFC180  }
0xe6: {  	[spmem:s2] =	stream.indirect.scatter.add.f32 [tilespmem:s18], [sflag:$0x3], $0x80, s23, s16, $0xb8;
	[tilespmem:$0x1E880] =	vst v63  }
0xe7: {  	_ =	swait.ge [sflag:s14], $0x3E80  }
0xe8: {  	[sflag:s14] =	ssyncset.done $0x0  }
0xe9: {  	s26 =	simm.s32 $0x0;
	[sflag:s14] =	ssyncadd.s32 $0xFFFFC180  }
0xea: {  	[tilespmem:s26], [sflag:$0x3] =	stream.linear.gather [hbm4b:s9+s26], $0x1400, $0x38;
	[tilespmem:$0x1E880] =	vst v63  }
0xeb: {  	_ =	swait.ge [sflag:s14], $0x1400  }
0xec: {  	[sflag:s14] =	ssyncset.done $0x0  }
0xed: {  	[sflag:s14] =	ssyncadd.s32 $0xFFFFEC00  }
0xee: {  	[tilespmem:s15], [sflag:$0x3] =	stream.linear.gather [hbm4b:s10+s26], $0x1400, $0x38;
	[tilespmem:$0x1E880] =	vst v63  }
0xef: {  	_ =	swait.ge [sflag:s14], $0x1400  }
0xf0: {  	[sflag:s14] =	ssyncset.done $0x0  }
0xf1: {  	[sflag:s14] =	ssyncadd.s32 $0xFFFFEC00  }
0xf2: {  	[tilespmem:s17], [sflag:$0x1] =	stream.indirect.gather [hbm4b:s4+s16], $0x80, s26, s16, $0xb8;
	[tilespmem:$0x1E880] =	vst v63  }
0xf3: {  	s28 =	simm.s32 $0x80  }
0xf4: {  	[tilespmem:s18], [sflag:$0x2] =	stream.indirect.gather [hbm4b:s4+s16], $0x80, s28, s16, $0xb8;
	[tilespmem:$0x1E880] =	vst v63  }
0xf5: {  	_ =	swait.ge [sflag:s19], $0x3E80  }
0xf6: {  	[sflag:s19] =	ssyncset.done $0x0  }
0xf7: {  	s29 =	simm.s32 $0x1400;
	[sflag:s19] =	ssyncadd.s32 $0xFFFFC180  }
0xf8: {  	[spmem:s2] =	stream.indirect.scatter.add.f32 [tilespmem:s17], [sflag:$0x3], $0x80, s29, s16, $0xb8;
	[tilespmem:$0x1E880] =	vst v63  }
0xf9: {  	_ =	swait.ge [sflag:s14], $0x3E80  }
0xfa: {  	[sflag:s14] =	ssyncset.done $0x0  }
0xfb: {  	s30 =	simm.s32 $0x100;
	[sflag:s14] =	ssyncadd.s32 $0xFFFFC180  }
0xfc: {  	[tilespmem:s17], [sflag:$0x1] =	stream.indirect.gather [hbm4b:s4+s16], $0x80, s30, s16, $0xb8;
	[tilespmem:$0x1E880] =	vst v63  }
0xfd: {  	_ =	swait.ge [sflag:s20], $0x3E80  }
0xfe: {  	[sflag:s20] =	ssyncset.done $0x0  }
0xff: {  	s31 =	simm.s32 $0x1480;
	[sflag:s20] =	ssyncadd.s32 $0xFFFFC180  }
0x100: {  	[spmem:s2] =	stream.indirect.scatter.add.f32 [tilespmem:s18], [sflag:$0x3], $0x80, s31, s16, $0xb8;
	[tilespmem:$0x1E880] =	vst v63  }
0x101: {  	_ =	swait.ge [sflag:s14], $0x3E80  }
0x102: {  	s25 =	simm.s32 $0x100;
	s26 =	simm.s32 $0x800;
	[sflag:s14] =	ssyncset.done $0x0  }
.LBB2_6:
0x103: {  	s28 =	sadd.s32 $0x80, s25  }
0x104: {  	[sflag:s14] =	ssyncadd.s32 $0xFFFFC180;
	s29 =	smov.u32 s26;
	s30 =	sadd.s32 $0x400, s26  }
0x105: {  	[tilespmem:s18], [sflag:$0x2] =	stream.indirect.gather [hbm4b:s4+s16], $0x80, s28, s16, $0xb8;
	[tilespmem:$0x1E880] =	vst v63  }
0x106: {  	p1 =	sne.s32 s26, $0x4800;
	_ =	swait.ge [sflag:s19], $0x3E80  }
0x107: {  	[sflag:s19] =	ssyncset.done $0x0  }
0x108: {  	s26 =	sadd.s32 $0x1400, s25;
	[sflag:s19] =	ssyncadd.s32 $0xFFFFC180  }
0x109: {  	[spmem:s2] =	stream.indirect.scatter.add.f32 [tilespmem:s17], [sflag:$0x3], $0x80, s26, s16, $0xb8;
	[tilespmem:$0x1E880] =	vst v63  }
0x10a: {  	_ =	swait.ge [sflag:s14], $0x3E80  }
0x10b: {  	[sflag:s14] =	ssyncset.done $0x0  }
0x10c: {  	s26 =	sadd.s32 $0x100, s25;
	[sflag:s14] =	ssyncadd.s32 $0xFFFFC180  }
0x10d: {  	[tilespmem:s17], [sflag:$0x1] =	stream.indirect.gather [hbm4b:s4+s16], $0x80, s26, s16, $0xb8;
	[tilespmem:$0x1E880] =	vst v63  }
0x10e: {  	_ =	swait.ge [sflag:s20], $0x3E80  }
.Ltmp3:
0x10f: {  	[sflag:s20] =	ssyncset.done $0x0;
	(pc) =	sbr.rel @p1 .LBB2_6-.Ltmp3, $4  }
0x110: {  	s25 =	sadd.s32 $0x1480, s25;
	[sflag:s20] =	ssyncadd.s32 $0xFFFFC180  }
0x111: {  	[spmem:s2] =	stream.indirect.scatter.add.f32 [tilespmem:s18], [sflag:$0x3], $0x80, s25, s16, $0xb8;
	[tilespmem:$0x1E880] =	vst v63  }
0x112: {  	_ =	swait.ge [sflag:s14], $0x3E80  }
0x113: {  	s26 =	smov.u32 s30;
	s25 =	sshra.s32 s29, $0x2;
	[sflag:s14] =	ssyncset.done $0x0  }
0x114: {  	s26 =	sadd.s32 $0x80, s25;
	[sflag:s14] =	ssyncadd.s32 $0xFFFFC180  }
0x115: {  	[tilespmem:s18], [sflag:$0x2] =	stream.indirect.gather [hbm4b:s4+s16], $0x80, s26, s16, $0xb8;
	[tilespmem:$0x1E880] =	vst v63  }
0x116: {  	_ =	swait.ge [sflag:s19], $0x3E80  }
0x117: {  	[sflag:s19] =	ssyncset.done $0x0  }
0x118: {  	s29 =	sadd.s32 $0x1400, s25;
	[sflag:s19] =	ssyncadd.s32 $0xFFFFC180  }
0x119: {  	[spmem:s2] =	stream.indirect.scatter.add.f32 [tilespmem:s17], [sflag:$0x3], $0x80, s29, s16, $0xb8;
	[tilespmem:$0x1E880] =	vst v63  }
0x11a: {  	_ =	swait.ge [sflag:s14], $0x3E80  }
0x11b: {  	[sflag:s14] =	ssyncset.done $0x0  }
0x11c: {  	s30 =	sadd.s32 $0x100, s25;
	[sflag:s14] =	ssyncadd.s32 $0xFFFFC180  }
0x11d: {  	[tilespmem:s17], [sflag:$0x1] =	stream.indirect.gather [hbm4b:s4+s16], $0x80, s30, s16, $0xb8;
	[tilespmem:$0x1E880] =	vst v63  }
0x11e: {  	_ =	swait.ge [sflag:s20], $0x3E80  }
0x11f: {  	[sflag:s20] =	ssyncset.done $0x0  }
0x120: {  	s31 =	sadd.s32 $0x1480, s25;
	[sflag:s20] =	ssyncadd.s32 $0xFFFFC180  }
0x121: {  	[spmem:s2] =	stream.indirect.scatter.add.f32 [tilespmem:s18], [sflag:$0x3], $0x80, s31, s16, $0xb8;
	[tilespmem:$0x1E880] =	vst v63  }
0x122: {  	_ =	swait.ge [sflag:s14], $0x3E80  }
0x123: {  	[sflag:s14] =	ssyncset.done $0x0  }
0x124: {  	[sflag:s14] =	ssyncadd.s32 $0xFFFFC180  }
0x125: {  	[tilespmem:s18], [sflag:$0x2] =	stream.indirect.gather [hbm4b:s4+s16], $0x80, s21, s16, $0xb8;
	[tilespmem:$0x1E880] =	vst v63  }
0x126: {  	_ =	swait.ge [sflag:s19], $0x3E80  }
0x127: {  	[sflag:s19] =	ssyncset.done $0x0  }
0x128: {  	[sflag:s19] =	ssyncadd.s32 $0xFFFFC180  }
0x129: {  	[spmem:s2] =	stream.indirect.scatter.add.f32 [tilespmem:s17], [sflag:$0x3], $0x80, s22, s16, $0xb8;
	[tilespmem:$0x1E880] =	vst v63  }
0x12a: {  	_ =	swait.ge [sflag:s14], $0x3E80  }
0x12b: {  	[sflag:s14] =	ssyncset.done $0x0  }
0x12c: {  	[sflag:s14] =	ssyncadd.s32 $0xFFFFC180  }
0x12d: {  	_ =	swait.ge [sflag:s20], $0x3E80  }
0x12e: {  	[sflag:s20] =	ssyncset.done $0x0  }
0x12f: {  	[sflag:s20] =	ssyncadd.s32 $0xFFFFC180  }
0x130: {  	[spmem:s2] =	stream.indirect.scatter.add.f32 [tilespmem:s18], [sflag:$0x3], $0x80, s23, s16, $0xb8;
	[tilespmem:$0x1E880] =	vst v63  }
0x131: {  	_ =	swait.ge [sflag:s14], $0x3E80  }
0x132: {  	[sflag:s14] =	ssyncset.done $0x0  }
0x133: {  	[sflag:s14] =	ssyncadd.s32 $0xFFFFC180  }
0x134: {  	s25 =	simm.s32 @p0 $0x1FC3;
	[bflag:$0x0] =	sbarrier.arrive $0xFFFF  }
0x135: {  	[hbm:s11], [sflag:s25] =	dma.local @p0 [spmem:s24], $0x1900  }
0x136: {  	s25 =	simm.s32 @p0 $0x3  }
0x137: {  	s3 =	sadd.s32 $0x1, s3;
	_ =	swait.ge @p0 [sflag:s25], $0x1900  }
0x138: {  	s26 =	sshll.u32 @!p0 s1, $0x6;
	p1 =	sne.s32 s3, s12;
	[sflag:s25] =	ssyncset.done @p0 $0x0  }
0x139: {  	[sflag:s25] =	ssyncadd.s32 @p0 $0xFFFFE700;
	s25 =	sor.u32 @!p0 $0x1C03, s26;
	s26 =	sshrl.u32 @!p0 s6, $0x3  }
0x13a: {  	[hbm:s11], [sflag:s25] =	dma.local @!p0 [spmem:s26], $0x2800  }
.Ltmp4:
0x13b: {  	_ = 	snop;
	(pc) =	sbr.rel @p1 .LBB2_1-.Ltmp4, $4  }
0x13c: {  	s25 =	simm.s32 @!p0 $0x3  }
0x13d: {  	_ =	swait.ge @!p0 [sflag:s25], $0x2800  }
0x13e: {  	[sflag:s25] =	ssyncset.done @!p0 $0x0  }
0x13f: {  	[sflag:s25] =	ssyncadd.s32 @!p0 $0xFFFFD800  }
0x140: {  	_ =	sfence.sel $0x180000  }
0x141: {  	[bflag:$0x0] =	sbarrier.arrive $0xFFFF  }
0x142: {  	p0 =	sne.s32 s1, $0x0;
	_ =	strace $0x9000004D  }
0x143: {  	s0 =	sadd.s32 @!p0 $0x100000, s0;
	[bflag:$0x2] =	sbarrier.arrive $0xFFFF  }
0x144: {  	[sflag:s0] =	ssyncadd.tile.s32 @!p0 $0x1;
	_ =	shalt  }
.Lfunc_end2:
_tile_overlayer_lowered:
.L_overlay_start_2:
0x145: {  	(tag) =	ssettag $0x2  }
0x146: {  	s0 =	rddreg [dreg:$0x0];
	s2 =	stileid.u32  }
0x147: {  	s1 =	rddreg [dreg:$0x1];
	p0 =	sne.s32 s2, $0x0  }
0x148: {  	s3 =	rddreg [dreg:$0x2];
	[bflag:$0x3] =	sbarrier.arrive $0xFFFF;
	s2 =	simm.s32 @!p0 $0x1C03  }
0x149: {  	[timem:s3], [sflag:s2] =	dma.local @!p0 [hbm:s0], s1  }
0x14a: {  	s0 =	simm.s32 @!p0 $0x3  }
0x14b: {  	_ =	swait.ge @!p0 [sflag:s0], s1  }
0x14c: {  	s1 =	ssub.s32 @!p0 $0x0, s1;
	[sflag:s0] =	ssyncset.done @!p0 $0x0  }
0x14d: {  	[sflag:s0] =	ssyncadd.s32 @!p0 s1  }
0x14e: {  	[bflag:$0x3] =	sbarrier.arrive $0xFFFF  }
0x14f: {  	_ =	shalt  }

// kernel: kernel.8.cloned.1.call-start
scs
__scs_entry_jumppad:
0x0: {  	(pc) =	sbr.rel $0x88, $3  }
0x1: {  	(tag) =	ssettag $0x0;
	lr =	simm.s32 $0x1  }
0x2: {  	[smem:$0x3F90] =	sst lr;
	_ =	strace $0xD0000000  }
0x3: {  	_ = 	snop  }
0x4: {  	_ = 	snop  }
0x5: {  	_ = 	snop  }
0x6: {  	_ = 	snop  }
0x7: {  	_ = 	snop  }
__scs_overlays_trampoline_lowered:
0x8: {  	[smem:$0x3F9F] =	sst s0  }
0x9: {  	[smem:$0x3FA0] =	sst s1  }
0xa: {  	[smem:$0x3FA1] =	sst s2  }
0xb: {  	[smem:$0x3FA2] =	sst s3  }
0xc: {  	[smem:$0x3FA3] =	sst s4  }
0xd: {  	[smem:$0x3FA4] =	sst s5  }
0xe: {  	[smem:$0x3FA5] =	sst s6  }
0xf: {  	[smem:$0x3FA6] =	sst s7  }
0x10: {  	[smem:$0x3FA7] =	sst s8  }
0x11: {  	[smem:$0x3FA8] =	sst s9;
	s0 =	simm.s32 @!p0 $0x0  }
0x12: {  	s1 =	sld [smem:$0x3F8E];
	s0 =	simm.s32 @p0 $0x1  }
0x13: {  	[smem:$0x3FA9] =	sst s0;
	s0 =	simm.s32 @!p1 $0x0  }
0x14: {  	s2 =	sld [smem:$0x3F8D];
	s0 =	simm.s32 @p1 $0x1  }
0x15: {  	[smem:$0x3FAA] =	sst s0;
	s0 =	simm.s32 @!p2 $0x0  }
0x16: {  	s3 =	sld [smem:$0x3FDB];
	s0 =	simm.s32 @p2 $0x1  }
0x17: {  	s4 =	simm.s32 $0x1BF5;
	[smem:$0x3FAC] =	sst s0  }
0x18: {  	s0 =	sld [smem:$0x3F8F];
	_ =	swait.ge [sflag:s4], $0x0  }
0x19: {  	s7 =	sld [smem:$0x3F90]  }
0x1a: {  	s8 =	sadd.s32 $0xFFFFE003, lr  }
0x1b: {  	s9 =	sadd.s32 $0xFFFFFEF7, lr;
	s5 =	simm.s32 $0xFFFFFFFF;
	p2 =	slt.u32 s8, $0xFFFFF086  }
0x1c: {  	p1 =	slt.u32 s9, $0xF7A;
	s5 =	simm.s32 @!p2 $0x0  }
0x1d: {  	s5 =	simm.s32 @p1 $0x1;
	p0 =	seq.s32 s7, s2  }
0x1e: {  	s7 =	smul.u32 @!p0 $0xF7A, s2;
	p2 =	seq.s32 @!p0 s5, $0x0  }
0x1f: {  	s9 =	smul.u32 $0xF7A, s1;
	s8 =	simm.s32 @!p0 $0x1BF5;
	p2 =	por !p2, p0  }
0x20: {  	[sflag:s8] =	ssyncset.s32 @!p0 $0xFFFFF086;
	s6 =	sadd.s32 @!p0 s3, s7;
	s7 =	simm.s32 @!p0 $0x108  }
0x21: {  	s3 =	sadd.s32 s3, s9;
	s6 =	sadd.s32 @!p0 $0x88, s6;
	s7 =	simm.s32 @p2 $0x1082  }
0x22: {  	[simem:s7], [sflag:s8] =	dma.local @!p0 [hbm:s6], $0xF7A  }
0x23: {  	s9 =	sor.u32 $0xD0000000, s2;
	s6 =	simm.s32 $0x108;
	_ =	swait.ge @!p0 [sflag:s8], $0x0  }
0x24: {  	s3 =	sadd.s32 $0x88, s3;
	s6 =	simm.s32 @!p1 $0x1082;
	[sflag:s4] =	ssyncset.s32 $0xFFFFF086  }
0x25: {  	[simem:s6], [sflag:s4] =	dma.local [hbm:s3], $0xF7A  }
0x26: {  	[smem:$0x3F90] =	sst s1;
	(tag) =	ssettag s2;
	_ =	strace s9  }
0x27: {  	s1 =	sld [smem:$0x3FA0]  }
0x28: {  	s2 =	sld [smem:$0x3FA1]  }
0x29: {  	s4 =	sld [smem:$0x3FA3]  }
0x2a: {  	p0 =	seq.s32 s5, $0x0;
	s5 =	sld [smem:$0x3FA4]  }
0x2b: {  	s6 =	sld [smem:$0x3FA5]  }
0x2c: {  	s7 =	sld [smem:$0x3FA6]  }
0x2d: {  	s3 =	simm.s32 $0x108;
	s8 =	sld [smem:$0x3FA7]  }
0x2e: {  	s3 =	simm.s32 @!p0 $0x1082;
	s9 =	sld [smem:$0x3FA8]  }
0x2f: {  	lr =	sadd.s32 s0, s3;
	s0 =	sld [smem:$0x3F9F]  }
0x30: {  	s3 =	sld [smem:$0x3FA2]  }
0x31: {  	[smem:$0x3FAB] =	sst s10  }
0x32: {  	s10 =	sld [smem:$0x3FA9];
	_ =	sdelay $0x3  }
0x33: {  	p0 =	seq.s32 s10, $0x1;
	s10 =	sld [smem:$0x3FAB];
	_ =	sdelay $0x3  }
0x34: {  	[smem:$0x3FAB] =	sst s10  }
0x35: {  	s10 =	sld [smem:$0x3FAA];
	_ =	sdelay $0x3  }
0x36: {  	p1 =	seq.s32 s10, $0x1;
	s10 =	sld [smem:$0x3FAB];
	_ =	sdelay $0x3  }
0x37: {  	[smem:$0x3FAB] =	sst s10  }
0x38: {  	s10 =	sld [smem:$0x3FAC]  }
0x39: {  	_ = 	snop;
	(pc) =	sbr.ind lr, $3  }
0x3a: {  	_ = 	snop  }
0x3b: {  	_ = 	snop  }
0x3c: {  	p2 =	seq.s32 s10, $0x1;
	s10 =	sld [smem:$0x3FAB]  }
0x3d: {  	_ =	shalt  }
0x3e: {  	_ =	shalt  }
0x3f: {  	_ =	shalt  }
0x40: {  	_ =	shalt  }
0x41: {  	_ =	shalt  }
0x42: {  	_ =	shalt  }
0x43: {  	_ =	shalt  }
0x44: {  	_ =	shalt  }
0x45: {  	_ =	shalt  }
0x46: {  	_ =	shalt  }
0x47: {  	_ =	shalt  }
0x48: {  	_ =	shalt  }
0x49: {  	_ =	shalt  }
0x4a: {  	_ =	shalt  }
0x4b: {  	_ =	shalt  }
0x4c: {  	_ =	shalt  }
0x4d: {  	_ =	shalt  }
0x4e: {  	_ =	shalt  }
0x4f: {  	_ =	shalt  }
0x50: {  	_ =	shalt  }
0x51: {  	_ =	shalt  }
0x52: {  	_ =	shalt  }
0x53: {  	_ =	shalt  }
0x54: {  	_ =	shalt  }
0x55: {  	_ =	shalt  }
0x56: {  	_ =	shalt  }
0x57: {  	_ =	shalt  }
0x58: {  	_ =	shalt  }
0x59: {  	_ =	shalt  }
0x5a: {  	_ =	shalt  }
0x5b: {  	_ =	shalt  }
0x5c: {  	_ =	shalt  }
0x5d: {  	_ =	shalt  }
0x5e: {  	_ =	shalt  }
0x5f: {  	_ =	shalt  }
0x60: {  	_ =	shalt  }
0x61: {  	_ =	shalt  }
0x62: {  	_ =	shalt  }
0x63: {  	_ =	shalt  }
0x64: {  	_ =	shalt  }
0x65: {  	_ =	shalt  }
0x66: {  	_ =	shalt  }
0x67: {  	_ =	shalt  }
0x68: {  	_ =	shalt  }
0x69: {  	_ =	shalt  }
0x6a: {  	_ =	shalt  }
0x6b: {  	_ =	shalt  }
0x6c: {  	_ =	shalt  }
0x6d: {  	_ =	shalt  }
0x6e: {  	_ =	shalt  }
0x6f: {  	_ =	shalt  }
0x70: {  	_ =	shalt  }
0x71: {  	_ =	shalt  }
0x72: {  	_ =	shalt  }
0x73: {  	_ =	shalt  }
0x74: {  	_ =	shalt  }
0x75: {  	_ =	shalt  }
0x76: {  	_ =	shalt  }
0x77: {  	_ =	shalt  }
0x78: {  	_ =	shalt  }
0x79: {  	_ =	shalt  }
0x7a: {  	_ =	shalt  }
0x7b: {  	_ =	shalt  }
0x7c: {  	_ =	shalt  }
0x7d: {  	_ =	shalt  }
0x7e: {  	_ =	shalt  }
0x7f: {  	_ =	shalt  }
0x80: {  	_ =	shalt  }
0x81: {  	_ =	shalt  }
0x82: {  	_ =	shalt  }
0x83: {  	_ =	shalt  }
0x84: {  	_ =	shalt  }
0x85: {  	_ =	shalt  }
0x86: {  	_ =	shalt  }
0x87: {  	_ =	shalt  }
.Lfunc_end0:
.L_simem_size_0:
called_computation_lowered:
.L_overlay_start_0:
0x88: {  	s2 =	sld [smem:$0x3FD9]  }
0x89: {  	s3 =	sld [smem:$0x3FFE];
	_ =	sdelay $0x1  }
0x8a: {  	s1 =	srdreg.scid  }
0x8b: {  	s0 =	sand.u32 $0x1, s1  }
0x8c: {  	s16 =	sshll.u32 s0, $0xA;
	s2 =	sadd.s32 s3, s2  }
0x8d: {  	s2 =	sadd.s32 s2, s16  }
0x8e: {  	[smem:$0x3FB7] =	sst s2  }
0x8f: {  	_ = 	snop  }
0x90: {  	(tm) =	ssettm $0x1  }
0x91: {  	s17 =	sld [smem:$0x3FFB];
	_ =	sdelay $0x3  }
0x92: {  	_ =	strace s17  }
0x93: {  	s2 =	sld [smem:$0x3FFC];
	_ =	sdelay $0x3  }
0x94: {  	_ =	strace s2  }
0x95: {  	s2 =	sld [smem:$0x3FFD];
	_ =	sdelay $0x3  }
0x96: {  	_ =	strace s2  }
0x97: {  	_ =	strace $0x8FFFFFFF  }
0x98: {  	s18 =	sld [smem:$0x3FDB];
	_ =	sdelay $0x1  }
0x99: {  	s19 =	simm.s32 $_scs_section_size  }
0x9a: {  	s4 =	simm.s32 $_size__tile_overlayer_lowered;
	s5 =	simm.s32 $_tile_overlayer_lowered  }
0x9b: {  	s22 =	simm.s32 $0x1BFF;
	s21 =	sshll.u32 s5, $0x1;
	s2 =	sadd.s32 s19, s18  }
0x9c: {  	s6 =	simm.s32 $0x0;
	s20 =	sshll.u32 s4, $0x1;
	s4 =	sadd.s32 s21, s2  }
0x9d: {  	[timem:s6], [sflag:s22] =	dma.local [hbm:s4], s20  }
0x9e: {  	_ =	swait.ge [sflag:s22], s20  }
0x9f: {  	s3 =	ssub.s32 $0x0, s20;
	[sflag:s22] =	ssyncset.done $0x0  }
0xa0: {  	[sflag:s22] =	ssyncadd.s32 s3;
	_ =	sdelay $0x1  }
0xa1: {  	s23 =	simm.s32 $0x1B8B  }
0xa2: {  	_ =	swait.ge [sflag:s23], $0x1  }
0xa3: {  	[sflag:s23] =	ssyncset.done $0x0  }
0xa4: {  	s25 =	simm.s32 $0x1B8E;
	s24 =	sld [smem:$0x3FFE];
	[sflag:s23] =	ssyncadd.s32 $0xFFFFFFFF  }
0xa5: {  	s26 =	simm.s32 $execute0_lowered;
	[smem:$0x3FD2] =	sst s25  }
0xa6: {  	s4 =	sshll.u32 s26, $0x1;
	_ =	strace $0x80000046;
	[dreg:$0x1] =	wrdreg $0xFFFFFFFF  }
0xa7: {  	s28 =	simm.s32 $_size_execute0_lowered;
	s2 =	sadd.s32 s2, s4;
	[dreg:$0x0] =	wrdreg $0x0  }
0xa8: {  	s4 =	sshll.u32 s28, $0x1;
	[dreg:$0x2] =	wrdreg s2  }
0xa9: {  	[dreg:$0x3] =	wrdreg s4  }
0xaa: {  	[dreg:$0x4] =	wrdreg $0xC0  }
0xab: {  	_ =	task [dreg:s6], $0x5FFFF  }
0xac: {  	[dreg:$0x1] =	wrdreg $0xFFFFFFFF  }
0xad: {  	[dreg:$0x0] =	wrdreg $0x60  }
0xae: {  	[dreg:$0x2] =	wrdreg s24  }
0xaf: {  	[dreg:$0x3] =	wrdreg $0x5C000  }
0xb0: {  	[dreg:$0x4] =	wrdreg $0x9  }
0xb1: {  	_ =	task.clear_ibuf [dreg:s6], $0x5FFFF;
	_ =	strace $0x90000046  }
0xb2: {  	s29 =	simm.s32 $0x9;
	_ =	strace $0x80000048  }
0xb3: {  	_ =	swait.ge [sflag:s29], $0x1  }
0xb4: {  	[sflag:s29] =	ssyncadd.s32 $0xFFFFFFFF  }
0xb5: {  	_ =	strace $0x90000048  }
0xb6: {  	_ =	sfence  }
0xb7: {  	s30 =	sld [smem:$0x0];
	_ =	sdelay $0x2  }
0xb8: {  	s31 =	sshll.u32 s1, $0xD;
	s1 =	sshrl.u32 s1, $0x2  }
0xb9: {  	s3 =	sand.u32 $0x4000, s31;
	s1 =	sadd.s32 s1, s30  }
0xba: {  	s0 =	sor.u32 s3, s0;
	s1 =	sshll.u32 s1, $0x11  }
0xbb: {  	s0 =	sor.u32 s1, s0  }
0xbc: {  	s0 =	sadd.s32 $0x8F2B, s0  }
0xbd: {  	[sflag:s0] =	ssyncadd.remote.s32 $0x1  }
0xbe: {  	_ =	sfence.sel $0xFFFF  }
0xbf: {  	[dreg:$0x0] =	wrdreg $0xFFFFFFFF;
	(pc) =	sbr.abs _section_cstart, $3  }
0xc0: {  	[dreg:$0x1] =	wrdreg $0xFFFFFFFF  }
0xc1: {  	_ =	task.clear_ibuf [dreg:s6], $0x2FFFF;
	_ =	strace $0x9FFFFFFF  }
0xc2: {  	(tm) =	ssettm $0x7FFFFFFF  }
0xc3: {  	_ =	shalt  }
tec
execute0_lowered:
.L_overlay_start_1:
0x0: {  	(tag) =	ssettag $0x1  }
0x1: {  	s0 =	srdreg.scid;
	s5 =	rddreg [dreg:$0x0]  }
0x2: {  	s2 =	rddreg [dreg:$0x1];
	s3 =	simm.s32 $0x0;
	s12 =	simm.s32 $0x5400  }
0x3: {  	s13 =	simm.s32 $0x7D;
	s4 =	sand.u32 $0x1, s0;
	s0 =	stileid.u32  }
0x4: {  	s17 =	simm.s32 $0x0;
	[smem:$0x7FF] =	sst s3;
	s7 =	smul.u32 $0x280, s0  }
0x5: {  	s14 =	sadd.s32 $0x12C000, s2;
	s1 =	sshll.u32 s4, $0x4;
	s8 =	smul.u32 $0x2710, s4  }
0x6: {  	s30 =	ssub.s32 $0x2, s4;
	s10 =	smul.u32 $0x50000, s0;
	s4 =	sadd.s32 $0x8A00, s5  }
0x7: {  	p0 =	seq.s32 s0, $0xF;
	s1 =	sor.u32 s0, s1;
	s9 =	sshrl.u32 s30, $0x1  }
0x8: {  	s14 =	sshrl.u32 @p0 s14, $0x3;
	s15 =	sshll.u32 @!p0 s0, $0x6;
	s6 =	smul.u32 $0x280, s1  }
0x9: {  	s1 =	rddreg [dreg:$0x2];
	_ =	strace $0x80000047;
	s7 =	sadd.s32 s7, s8  }
0xa: {  	s9 =	ssub.s32 s30, s9;
	s31 =	sshrl.u32 s10, $0x2;
	s10 =	simm.s32 $0x1400  }
0xb: {  	s15 =	sor.u32 @!p0 $0x1C01, s15;
	s7 =	sshll.u32 s7, $0x4;
	s9 =	smax.u32 s9, $0x1  }
0xc: {  	s6 =	sadd.s32 s6, s5;
	s11 =	sadd.s32 s7, s5;
	s5 =	simm.s32 $0x19  }
0xd: {  	s7 =	sadd.s32 s31, s2;
	s6 =	sadd.s32 $0x3A00, s6;
	s5 =	simm.s32 @!p0 $0x28  }
0xe: {  	v0 =	vimm.f32 $0.0e+00;
	s8 =	sadd.s32 $0x9200, s11;
	s11 =	simm.s32 $0x1;
	s16 =	sshrl.u32 @!p0 s7, $0x3  }
.LBB2_1:
0xf: {  	[tilespmem:s10], [sflag:$0x1] =	stream.linear.gather [hbm4b:s4+s3], $0x3E80, $0x38;
	[tilespmem:$0x19480] =	vst v63  }
0x10: {  	_ =	swait.ge [sflag:s11], $0x3E80  }
0x11: {  	[sflag:s11] =	ssyncset.done $0x0  }
0x12: {  	[sflag:s11] =	ssyncadd.s32 $0xFFFFC180  }
0x13: {  	[tilespmem:s3], [sflag:$0x1] =	stream.linear.gather [hbm4b:s6+s3], $0x1400, $0x38;
	[tilespmem:$0x19480] =	vst v63  }
0x14: {  	_ =	swait.ge [sflag:s11], $0x1400  }
0x15: {  	[sflag:s11] =	ssyncset.done $0x0  }
0x16: {  	[sflag:s11] =	ssyncadd.s32 $0xFFFFEC00  }
0x17: {  	[tilespmem:$0x5400] =	vst v0  }
0x18: {  	[tilespmem:$0x5410] =	vst v0  }
0x19: {  	[tilespmem:$0x5420] =	vst v0  }
0x1a: {  	[tilespmem:$0x5430] =	vst v0  }
0x1b: {  	[tilespmem:$0x5440] =	vst v0  }
0x1c: {  	[tilespmem:$0x5450] =	vst v0  }
0x1d: {  	[tilespmem:$0x5460] =	vst v0  }
0x1e: {  	[tilespmem:$0x5470] =	vst v0  }
0x1f: {  	[tilespmem:$0x5480] =	vst v0  }
0x20: {  	[tilespmem:$0x5490] =	vst v0  }
0x21: {  	[tilespmem:$0x54A0] =	vst v0  }
0x22: {  	[tilespmem:$0x54B0] =	vst v0  }
0x23: {  	[tilespmem:$0x54C0] =	vst v0  }
0x24: {  	[tilespmem:$0x54D0] =	vst v0  }
0x25: {  	[tilespmem:$0x54E0] =	vst v0  }
0x26: {  	[tilespmem:$0x54F0] =	vst v0  }
0x27: {  	[tilespmem:$0x5500] =	vst v0  }
0x28: {  	[tilespmem:$0x5510] =	vst v0  }
0x29: {  	[tilespmem:$0x5520] =	vst v0  }
0x2a: {  	[tilespmem:$0x5530] =	vst v0  }
0x2b: {  	[tilespmem:$0x5540] =	vst v0  }
0x2c: {  	[tilespmem:$0x5550] =	vst v0  }
0x2d: {  	[tilespmem:$0x5560] =	vst v0  }
0x2e: {  	[tilespmem:$0x5570] =	vst v0  }
0x2f: {  	[tilespmem:$0x5580] =	vst v0  }
0x30: {  	[tilespmem:$0x5590] =	vst v0  }
0x31: {  	[tilespmem:$0x55A0] =	vst v0  }
0x32: {  	[tilespmem:$0x55B0] =	vst v0  }
0x33: {  	[tilespmem:$0x55C0] =	vst v0  }
0x34: {  	[tilespmem:$0x55D0] =	vst v0  }
0x35: {  	[tilespmem:$0x55E0] =	vst v0  }
0x36: {  	[tilespmem:$0x55F0] =	vst v0  }
0x37: {  	[tilespmem:$0x5600] =	vst v0  }
0x38: {  	[tilespmem:$0x5610] =	vst v0  }
0x39: {  	[tilespmem:$0x5620] =	vst v0  }
0x3a: {  	[tilespmem:$0x5630] =	vst v0  }
0x3b: {  	[tilespmem:$0x5640] =	vst v0  }
0x3c: {  	[tilespmem:$0x5650] =	vst v0  }
0x3d: {  	[tilespmem:$0x5660] =	vst v0  }
0x3e: {  	[tilespmem:$0x5670] =	vst v0  }
0x3f: {  	[tilespmem:$0x5680] =	vst v0  }
0x40: {  	[tilespmem:$0x5690] =	vst v0  }
0x41: {  	[tilespmem:$0x56A0] =	vst v0  }
0x42: {  	[tilespmem:$0x56B0] =	vst v0  }
0x43: {  	[tilespmem:$0x56C0] =	vst v0  }
0x44: {  	[tilespmem:$0x56D0] =	vst v0  }
0x45: {  	[tilespmem:$0x56E0] =	vst v0  }
0x46: {  	[tilespmem:$0x56F0] =	vst v0  }
0x47: {  	[tilespmem:$0x5700] =	vst v0  }
0x48: {  	[tilespmem:$0x5710] =	vst v0  }
0x49: {  	[tilespmem:$0x5720] =	vst v0  }
0x4a: {  	[tilespmem:$0x5730] =	vst v0  }
0x4b: {  	[tilespmem:$0x5740] =	vst v0  }
0x4c: {  	[tilespmem:$0x5750] =	vst v0  }
0x4d: {  	[tilespmem:$0x5760] =	vst v0  }
0x4e: {  	[tilespmem:$0x5770] =	vst v0  }
0x4f: {  	[tilespmem:$0x5780] =	vst v0  }
0x50: {  	[tilespmem:$0x5790] =	vst v0  }
0x51: {  	[tilespmem:$0x57A0] =	vst v0  }
0x52: {  	[tilespmem:$0x57B0] =	vst v0  }
0x53: {  	[tilespmem:$0x57C0] =	vst v0  }
0x54: {  	[tilespmem:$0x57D0] =	vst v0  }
0x55: {  	[tilespmem:$0x57E0] =	vst v0  }
0x56: {  	[tilespmem:$0x57F0] =	vst v0  }
0x57: {  	[tilespmem:$0x5800] =	vst v0  }
0x58: {  	[tilespmem:$0x5810] =	vst v0  }
0x59: {  	[tilespmem:$0x5820] =	vst v0  }
0x5a: {  	[tilespmem:$0x5830] =	vst v0  }
0x5b: {  	[tilespmem:$0x5840] =	vst v0  }
0x5c: {  	[tilespmem:$0x5850] =	vst v0  }
0x5d: {  	[tilespmem:$0x5860] =	vst v0  }
0x5e: {  	[tilespmem:$0x5870] =	vst v0  }
0x5f: {  	[tilespmem:$0x5880] =	vst v0  }
0x60: {  	[tilespmem:$0x5890] =	vst v0  }
0x61: {  	[tilespmem:$0x58A0] =	vst v0  }
0x62: {  	[tilespmem:$0x58B0] =	vst v0  }
0x63: {  	[tilespmem:$0x58C0] =	vst v0  }
0x64: {  	[tilespmem:$0x58D0] =	vst v0  }
0x65: {  	[tilespmem:$0x58E0] =	vst v0  }
0x66: {  	[tilespmem:$0x58F0] =	vst v0  }
0x67: {  	[tilespmem:$0x5900] =	vst v0  }
0x68: {  	[tilespmem:$0x5910] =	vst v0  }
0x69: {  	[tilespmem:$0x5920] =	vst v0  }
0x6a: {  	[tilespmem:$0x5930] =	vst v0  }
0x6b: {  	[tilespmem:$0x5940] =	vst v0  }
0x6c: {  	[tilespmem:$0x5950] =	vst v0  }
0x6d: {  	[tilespmem:$0x5960] =	vst v0  }
0x6e: {  	[tilespmem:$0x5970] =	vst v0  }
0x6f: {  	[tilespmem:$0x5980] =	vst v0  }
0x70: {  	[tilespmem:$0x5990] =	vst v0  }
0x71: {  	[tilespmem:$0x59A0] =	vst v0  }
0x72: {  	[tilespmem:$0x59B0] =	vst v0  }
0x73: {  	[tilespmem:$0x59C0] =	vst v0  }
0x74: {  	[tilespmem:$0x59D0] =	vst v0  }
0x75: {  	[tilespmem:$0x59E0] =	vst v0  }
0x76: {  	[tilespmem:$0x59F0] =	vst v0  }
0x77: {  	[tilespmem:$0x5A00] =	vst v0  }
0x78: {  	[tilespmem:$0x5A10] =	vst v0  }
0x79: {  	[tilespmem:$0x5A20] =	vst v0  }
0x7a: {  	[tilespmem:$0x5A30] =	vst v0  }
0x7b: {  	[tilespmem:$0x5A40] =	vst v0  }
0x7c: {  	[tilespmem:$0x5A50] =	vst v0  }
0x7d: {  	[tilespmem:$0x5A60] =	vst v0  }
0x7e: {  	[tilespmem:$0x5A70] =	vst v0  }
0x7f: {  	[tilespmem:$0x5A80] =	vst v0  }
0x80: {  	[tilespmem:$0x5A90] =	vst v0  }
0x81: {  	[tilespmem:$0x5AA0] =	vst v0  }
0x82: {  	[tilespmem:$0x5AB0] =	vst v0  }
0x83: {  	[tilespmem:$0x5AC0] =	vst v0  }
0x84: {  	[tilespmem:$0x5AD0] =	vst v0  }
0x85: {  	[tilespmem:$0x5AE0] =	vst v0  }
0x86: {  	[tilespmem:$0x5AF0] =	vst v0  }
0x87: {  	[tilespmem:$0x5B00] =	vst v0  }
0x88: {  	[tilespmem:$0x5B10] =	vst v0  }
0x89: {  	[tilespmem:$0x5B20] =	vst v0  }
0x8a: {  	[tilespmem:$0x5B30] =	vst v0  }
0x8b: {  	[tilespmem:$0x5B40] =	vst v0  }
0x8c: {  	[tilespmem:$0x5B50] =	vst v0  }
0x8d: {  	[tilespmem:$0x5B60] =	vst v0  }
0x8e: {  	[tilespmem:$0x5B70] =	vst v0  }
0x8f: {  	[tilespmem:$0x5B80] =	vst v0  }
0x90: {  	[tilespmem:$0x5B90] =	vst v0  }
0x91: {  	[tilespmem:$0x5BA0] =	vst v0  }
0x92: {  	[tilespmem:$0x5BB0] =	vst v0  }
0x93: {  	[tilespmem:$0x5BC0] =	vst v0  }
0x94: {  	p1 =	sne.s32 s5, $0x1;
	[tilespmem:$0x5BD0] =	vst v0  }
.Ltmp0:
0x95: {  	[tilespmem:$0x5BE0] =	vst v0;
	(pc) =	sbr.rel @!p1 .LBB2_3-.Ltmp0, $4  }
0x96: {  	[tilespmem:$0x5BF0] =	vst v0  }
0x97: {  	[spmem:s7] =	stream.linear.scatter [tilespmem:s12], [sflag:$0x1], $0x800, $0x38;
	[tilespmem:$0x19480] =	vst v63  }
0x98: {  	_ =	swait.ge [sflag:s11], $0x800  }
0x99: {  	s18 =	sadd.s32 $0xFFFFFFFF, s5;
	s19 =	smov.u32 s7;
	[sflag:s11] =	ssyncset.done $0x0  }
.LBB2_2:
0x9a: {  	p1 =	sne.s32 s18, $0x1;
	[sflag:s11] =	ssyncadd.s32 $0xFFFFF800;
	s19 =	sadd.s32 $0x800, s19  }
.Ltmp1:
0x9b: {  	s18 =	sadd.s32 $0xFFFFFFFF, s18;
	(pc) =	sbr.rel @p1 .LBB2_2-.Ltmp1, $4  }
0x9c: {  	_ = 	snop  }
0x9d: {  	[spmem:s19] =	stream.linear.scatter [tilespmem:s12], [sflag:$0x1], $0x800, $0x38;
	[tilespmem:$0x19480] =	vst v63  }
0x9e: {  	_ =	swait.ge [sflag:s11], $0x800  }
0x9f: {  	[sflag:s11] =	ssyncset.done $0x0  }
.LBB2_3:
0xa0: {  	[sflag:s11] =	ssyncadd.s32 $0xFFFFF800  }
0xa1: {  	s18 =	simm.s32 $0x0;
	[bflag:$0x0] =	sbarrier.arrive $0xFFFF  }
0xa2: {  	[spmem:s2] =	stream.indirect.scatter.add.f32 [tilespmem:s10], [sflag:$0x1], $0x80, s18, s13, $0xb8;
	[tilespmem:$0x19480] =	vst v63  }
0xa3: {  	_ =	swait.ge [sflag:s11], $0x3E80  }
0xa4: {  	s18 =	simm.s32 $0x200;
	[sflag:s11] =	ssyncset.done $0x0  }
.LBB2_4:
0xa5: {  	s19 =	sshra.s32 s18, $0x2;
	[sflag:s11] =	ssyncadd.s32 $0xFFFFC180;
	p1 =	sne.s32 s18, $0x4E00  }
0xa6: {  	[spmem:s2] =	stream.indirect.scatter.add.f32 [tilespmem:s10], [sflag:$0x1], $0x80, s19, s13, $0xb8;
	[tilespmem:$0x19480] =	vst v63  }
.Ltmp2:
0xa7: {  	_ = 	snop;
	(pc) =	sbr.rel @p1 .LBB2_4-.Ltmp2, $4  }
0xa8: {  	_ = 	snop  }
0xa9: {  	s18 =	sadd.s32 $0x200, s18  }
0xaa: {  	_ =	swait.ge [sflag:s11], $0x3E80  }
0xab: {  	[sflag:s11] =	ssyncset.done $0x0  }
0xac: {  	[sflag:s11] =	ssyncadd.s32 $0xFFFFC180  }
0xad: {  	s18 =	simm.s32 @p0 $0x1FC1;
	[bflag:$0x0] =	sbarrier.arrive $0xFFFF  }
0xae: {  	[hbm:s8], [sflag:s18] =	dma.local @p0 [spmem:s14], $0x1900  }
0xaf: {  	s18 =	simm.s32 @p0 $0x1  }
0xb0: {  	s17 =	sadd.s32 $0x1, s17;
	_ =	swait.ge @p0 [sflag:s18], $0x1900  }
0xb1: {  	p1 =	sne.s32 s17, s9;
	[sflag:s18] =	ssyncset.done @p0 $0x0  }
.Ltmp3:
0xb2: {  	[sflag:s18] =	ssyncadd.s32 @p0 $0xFFFFE700;
	s18 =	simm.s32 @!p0 $0x1;
	(pc) =	sbr.rel @p1 .LBB2_1-.Ltmp3, $4  }
0xb3: {  	[hbm:s8], [sflag:s15] =	dma.local @!p0 [spmem:s16], $0x2800  }
0xb4: {  	_ =	swait.ge @!p0 [sflag:s18], $0x2800  }
0xb5: {  	[sflag:s18] =	ssyncset.done @!p0 $0x0  }
0xb6: {  	[sflag:s18] =	ssyncadd.s32 @!p0 $0xFFFFD800  }
0xb7: {  	_ =	sfence.sel $0x180000  }
0xb8: {  	[bflag:$0x0] =	sbarrier.arrive $0xFFFF  }
0xb9: {  	p0 =	sne.s32 s0, $0x0;
	_ =	strace $0x90000047  }
0xba: {  	s0 =	sadd.s32 @!p0 $0x100000, s1;
	[bflag:$0x2] =	sbarrier.arrive $0xFFFF  }
0xbb: {  	[sflag:s0] =	ssyncadd.tile.s32 @!p0 $0x1;
	_ =	shalt  }
.Lfunc_end2:
_tile_overlayer_lowered:
.L_overlay_start_2:
0xbc: {  	(tag) =	ssettag $0x2  }
0xbd: {  	s0 =	rddreg [dreg:$0x0];
	s2 =	stileid.u32  }
0xbe: {  	s1 =	rddreg [dreg:$0x1];
	p0 =	sne.s32 s2, $0x0  }
0xbf: {  	s3 =	rddreg [dreg:$0x2];
	[bflag:$0x3] =	sbarrier.arrive $0xFFFF;
	s2 =	simm.s32 @!p0 $0x1C01  }
0xc0: {  	[timem:s3], [sflag:s2] =	dma.local @!p0 [hbm:s0], s1  }
0xc1: {  	s0 =	simm.s32 @!p0 $0x1  }
0xc2: {  	_ =	swait.ge @!p0 [sflag:s0], s1  }
0xc3: {  	s1 =	ssub.s32 @!p0 $0x0, s1;
	[sflag:s0] =	ssyncset.done @!p0 $0x0  }
0xc4: {  	[sflag:s0] =	ssyncadd.s32 @!p0 s1  }
0xc5: {  	[bflag:$0x3] =	sbarrier.arrive $0xFFFF  }
0xc6: {  	_ =	shalt  }

</sc_bundles>
